<compile_context>
chip_gen: v7x
topology: tpu7x:2x2x1
jax: 0.10.2.dev20260603
libtpu: 0.0.44.dev20260713+nightly
codegen_flags: <defaults>
</compile_context>

<pallas_src>
import functools

import jax
import jax.numpy as jnp
from jax import lax
from jax.experimental import pallas as pl
from jax.experimental.pallas import tpu as pltpu
from jax.experimental.pallas import tpu_sc as plsc

N = 10000
E = 320000
D = 128
DEPTH = 10
TELEPORT = 0.5

NC, NS = 2, 16
NW = NC * NS
C = 128
NCH = 79
EPW = C * NCH
EPAD = EPW * NW
NPAD = 10240

_mesh = plsc.VectorSubcoreMesh(core_axis_name="c", subcore_axis_name="s")
_sc_params = pltpu.CompilerParams(use_tc_tiling_on_sc=False)


@functools.partial(
    pl.kernel,
    out_type=jax.ShapeDtypeStruct((NC, NPAD, D), jnp.float32),
    mesh=_mesh,
    scratch_types=[
        pltpu.VMEM((C,), jnp.int32),
        pltpu.VMEM((C,), jnp.int32),
        pltpu.VMEM((C, D), jnp.float32),
        pltpu.VMEM((C, D), jnp.float32),
        pltpu.VMEM_SHARED((NPAD, D), jnp.float32),
        pltpu.SemaphoreType.DMA,
    ],
    compiler_params=_sc_params,
)
def _edge_step(out_hbm, src_hbm, dst_hbm, zer_hbm, acc_hbm,
               src_c, dst_c, rows, buf, acc_sh, sem):
    cid = lax.axis_index("c")
    sid = lax.axis_index("s")
    wid = cid * NS + sid

    pltpu.sync_copy(zer_hbm, buf)

    rows_per_tile = NPAD // NS

    def _za(k, _):
        pltpu.sync_copy(buf, acc_sh.at[pl.ds(sid * rows_per_tile + k * C, C)])
        return 0
    lax.fori_loop(0, rows_per_tile // C, _za, 0)
    plsc.subcore_barrier()

    def _edge(j, _):
        base = wid * EPW + j * C
        d1 = pltpu.async_copy(src_hbm.at[pl.ds(base, C)], src_c, sem)
        d2 = pltpu.async_copy(dst_hbm.at[pl.ds(base, C)], dst_c, sem)
        d1.wait()
        d2.wait()
        pltpu.async_copy(out_hbm.at[src_c], rows, sem).wait()
        pltpu.sync_copy(rows, acc_sh.at[dst_c], add=True)
        return 0
    lax.fori_loop(0, NCH, _edge, 0)
    plsc.subcore_barrier()

    def _wb(k, _):
        r0 = sid * rows_per_tile + k * C
        pltpu.sync_copy(acc_sh.at[pl.ds(r0, C)], buf)
        pltpu.sync_copy(buf, acc_hbm.at[cid, pl.ds(r0, C)])
        return 0
    lax.fori_loop(0, rows_per_tile // C, _wb, 0)


@functools.partial(
    pl.kernel,
    out_type=jax.ShapeDtypeStruct((NC, NPAD, 16), jnp.float32),
    mesh=_mesh,
    scratch_types=[
        pltpu.VMEM((C,), jnp.int32),
        pltpu.VMEM((C, 16), jnp.float32),
        pltpu.VMEM((C, 16), jnp.float32),
        pltpu.VMEM((NPAD // NS, 16), jnp.float32),
        pltpu.VMEM_SHARED((NPAD, 16), jnp.float32),
    ],
    compiler_params=_sc_params,
)
def _deg_step(dst_hbm, deg_hbm, dst_c, ones_b, zero_b, dbuf, deg_sh):
    cid = lax.axis_index("c")
    sid = lax.axis_index("s")
    wid = cid * NS + sid

    one16 = jnp.ones((16,), jnp.float32)
    zero16 = jnp.zeros((16,), jnp.float32)

    def _fill(i, _):
        ones_b[i, :] = one16
        zero_b[i, :] = zero16
        return 0
    lax.fori_loop(0, C, _fill, 0)

    rows_per_tile = NPAD // NS

    def _za(k, _):
        pltpu.sync_copy(zero_b, deg_sh.at[pl.ds(sid * rows_per_tile + k * C, C)])
        return 0
    lax.fori_loop(0, rows_per_tile // C, _za, 0)
    plsc.subcore_barrier()

    def _edge(j, _):
        pltpu.sync_copy(dst_hbm.at[pl.ds(wid * EPW + j * C, C)], dst_c)
        pltpu.sync_copy(ones_b, deg_sh.at[dst_c], add=True)
        return 0
    lax.fori_loop(0, NCH, _edge, 0)
    plsc.subcore_barrier()

    r0 = sid * rows_per_tile
    pltpu.sync_copy(deg_sh.at[pl.ds(r0, rows_per_tile)], dbuf)
    pltpu.sync_copy(dbuf, deg_hbm.at[cid, pl.ds(r0, rows_per_tile)])


def _emb_body(x_ref, w_ref, b_ref, o_ref):
    x = x_ref[...]
    w = w_ref[...]
    o_ref[...] = lax.dot_general(
        x, w, (((1,), (1,)), ((), ())),
        preferred_element_type=jnp.float32) + b_ref[...]


_BLK = 1000


def _emb_call(data, W, b2):
    return pl.pallas_call(
        _emb_body,
        grid=(N // _BLK,),
        in_specs=[
            pl.BlockSpec((_BLK, D), lambda i: (i, 0)),
            pl.BlockSpec((D, D), lambda i: (0, 0)),
            pl.BlockSpec((1, D), lambda i: (0, 0)),
        ],
        out_specs=pl.BlockSpec((_BLK, D), lambda i: (i, 0)),
        out_shape=jax.ShapeDtypeStruct((N, D), jnp.float32),
    )(data, W, b2)


def _upd_body(relu, out_ref, a0_ref, a1_ref, emb_ref, d0_ref, d1_ref, o_ref):
    deg = d0_ref[:, 0:1] + d1_ref[:, 0:1]
    pos = deg > 0.5
    invd = jnp.where(pos, (1.0 - TELEPORT) / jnp.where(pos, deg, 1.0), 0.0)
    a = jnp.where(pos, 1.0 - TELEPORT, 0.0)
    acc = a0_ref[...] + a1_ref[...]
    newo = a * out_ref[...] - invd * acc + TELEPORT * emb_ref[...]
    o_ref[...] = jnp.maximum(newo, 0.0) if relu else newo


def _upd_call(relu, out, acc0, acc1, emb, d0, d1):
    return pl.pallas_call(
        functools.partial(_upd_body, relu),
        grid=(N // _BLK,),
        in_specs=[
            pl.BlockSpec((_BLK, D), lambda i: (i, 0)),
            pl.BlockSpec((_BLK, D), lambda i: (i, 0)),
            pl.BlockSpec((_BLK, D), lambda i: (i, 0)),
            pl.BlockSpec((_BLK, D), lambda i: (i, 0)),
            pl.BlockSpec((_BLK, 16), lambda i: (i, 0)),
            pl.BlockSpec((_BLK, 16), lambda i: (i, 0)),
        ],
        out_specs=pl.BlockSpec((_BLK, D), lambda i: (i, 0)),
        out_shape=jax.ShapeDtypeStruct((N, D), jnp.float32),
    )(out, acc0, acc1, emb, d0, d1)


def kernel(data, edge_index, W, b):
    src = edge_index[0].astype(jnp.int32)
    dst = edge_index[1].astype(jnp.int32)
    pad = EPAD - E
    srcp = jnp.concatenate([src, jnp.zeros((pad,), jnp.int32)])
    dstp = jnp.concatenate([dst, jnp.full((pad,), N, jnp.int32)])

    emb = _emb_call(data, W, b.reshape(1, D))
    deg2 = _deg_step(dstp)
    d0, d1 = deg2[0], deg2[1]

    zer = jnp.zeros((C, D), jnp.float32)
    out = emb
    for t in range(DEPTH):
        acc2 = _edge_step(out, srcp, dstp, zer)
        out = _upd_call(t == DEPTH - 1, out, acc2[0], acc2[1], emb, d0, d1)
    return out

# --- scband reference (transcript-rebuilt; emitter-appended) ---
"""Pipeline reference for scband-app-41360535061065 (READ-ONLY COPY).

The authoritative reference and input builder live on the scoring server;
editing this copy changes nothing except your own understanding.
"""

import jax, jax.numpy as jnp
import numpy as np

DEPTH = 10
TELEPORT = 0.5
N_NODES = 10000
N_EDGES = 320000
D_IN = 128
D_OUT = 128


def setup_inputs(seed: int = 0) -> dict:
    key = jax.random.key(seed)
    k1, k2, k3, k4 = jax.random.split(key, 4)
    data = jax.random.normal(k1, (N_NODES, D_IN), dtype=jnp.float32)
    edge_index = jax.random.randint(k2, (2, N_EDGES), 0, N_NODES, dtype=jnp.int64)
    # nn.Linear(in_size, out_size) parameters
    bound = 1.0 / np.sqrt(D_IN)
    W = jax.random.uniform(k3, (D_OUT, D_IN), minval=-bound, maxval=bound, dtype=jnp.float32)
    b = jax.random.uniform(k4, (D_OUT,), minval=-bound, maxval=bound, dtype=jnp.float32)
    return {"data": data, "edge_index": edge_index, "W": W, "b": b}


def _laplacian_action(out, src, dst, factor, n_nodes):
    # normalized Laplacian action: sum_j (x_i - x_j) / deg_i over edges j->i
    own = out[dst]
    msg = out[src]
    return jax.ops.segment_sum((own - msg) * factor[:, None], dst, num_segments=n_nodes)


def reference(data, edge_index, W, b):
    n_nodes = data.shape[0]
    src = edge_index[0]
    dst = edge_index[1]
    # counts per target node (indices.unique(return_counts=True) + repeat_interleave
    # == per-edge degree of the destination node)
    deg = jnp.bincount(dst, length=n_nodes)
    factor = 1.0 / deg[dst].astype(jnp.float32)  # normalized=True
    embedding = data @ W.T + b
    out = embedding
    for _ in range(DEPTH):
        lap = _laplacian_action(out, src, dst, factor, n_nodes)
        out = (1.0 - TELEPORT) * lap + TELEPORT * embedding
    return jax.nn.relu(out)

if __name__ == "__main__":
    import jax
    _d = setup_inputs()
    print(jax.jit(kernel)(*tuple(_d.values())))

</pallas_src>

<mosaic_0001>
#map = affine_map<(d0, d1) -> (0)>
#map1 = affine_map<(d0, d1) -> (0, 0, 0)>
module attributes {stable_mosaic.version = 14 : i64} {
  func.func @_deg_step(%arg0: i32, %arg1: i32, %arg2: memref<323584xi32, #tpu.memory_space<hbm>>, %arg3: memref<2x10240x16xf32, #tpu.memory_space<hbm>>, %arg4: memref<128xi32, #tpu.memory_space<vmem>>, %arg5: memref<128x16xf32, #tpu.memory_space<vmem>>, %arg6: memref<128x16xf32, #tpu.memory_space<vmem>>, %arg7: memref<640x16xf32, #tpu.memory_space<vmem>>, %arg8: memref<10240x16xf32, #tpu.memory_space<vmem_shared>>) attributes {dimension_semantics = [#tpu.dimension_semantics<core_parallel>, #tpu.dimension_semantics<subcore_parallel>], iteration_bounds = array<i64: 2, 16>, scalar_prefetch = 0 : i64, scratch_operands = 5 : i64, tpu.core_type = #tpu.core_type<sc_vector_subcore>, window_params = [{transform_indices = #map}, {transform_indices = #map1}]} {
    %mul3A = arith.constant 16 : i32
    %mul3A_0 = arith.muli %arg0, %mul3A : i32
    %add3A = arith.addi %mul3A_0, %arg1 : i32
    %broadcast_in_dim3A = arith.constant 1.000000e+00 : f32
    %broadcast_in_dim3A_1 = vector.broadcast %broadcast_in_dim3A : f32 to vector<16xf32>
    %broadcast_in_dim3A_2 = arith.constant 0.000000e+00 : f32
    %broadcast_in_dim3A_3 = vector.broadcast %broadcast_in_dim3A_2 : f32 to vector<16xf32>
    %scan3A = arith.constant 0 : i32
    %scan3A_4 = arith.constant 0 : i32
    %scan3A_5 = arith.constant 128 : i32
    %scan3A_6 = arith.addi %scan3A_4, %scan3A_5 : i32
    %scan3A_7 = arith.constant 1 : i32
    %scan3A_8 = scf.for %scan3A_27 = %scan3A_4 to %scan3A_6 step %scan3A_7 iter_args(%scan3A_28 = %scan3A) -> (i32)  : i32 {
      %swap3A = arith.index_cast %scan3A_27 : i32 to index
      %swap3A_29 = arith.constant 0 : index
      %swap3A_30 = tpu.vector_load %arg5[%swap3A, %swap3A_29] {strides = array<i32>} : memref<128x16xf32, #tpu.memory_space<vmem>>, vector<1x16xf32>,
      %swap3A_31 = vector.shape_cast %swap3A_30 : vector<1x16xf32> to vector<16xf32>
      %swap3A_32 = vector.shape_cast %broadcast_in_dim3A_1 : vector<16xf32> to vector<1x16xf32>
      tpu.vector_store %arg5[%swap3A, %swap3A_29], %swap3A_32 {strides = array<i32>} : memref<128x16xf32, #tpu.memory_space<vmem>>, vector<1x16xf32>,
      %swap3A_33 = arith.index_cast %scan3A_27 : i32 to index
      %swap3A_34 = arith.constant 0 : index
      %swap3A_35 = tpu.vector_load %arg6[%swap3A_33, %swap3A_34] {strides = array<i32>} : memref<128x16xf32, #tpu.memory_space<vmem>>, vector<1x16xf32>,
      %swap3A_36 = vector.shape_cast %swap3A_35 : vector<1x16xf32> to vector<16xf32>
      %swap3A_37 = vector.shape_cast %broadcast_in_dim3A_3 : vector<16xf32> to vector<1x16xf32>
      tpu.vector_store %arg6[%swap3A_33, %swap3A_34], %swap3A_37 {strides = array<i32>} : memref<128x16xf32, #tpu.memory_space<vmem>>, vector<1x16xf32>,
      %scan3A_38 = arith.constant 0 : i32
      scf.yield %scan3A_38 : i32
    }
    %scan3A_9 = arith.constant 128 : i32
    %scan3A_10 = arith.constant 0 : i32
    %scan3A_11 = arith.constant 0 : i32
    %scan3A_12 = arith.constant 5 : i32
    %scan3A_13 = arith.addi %scan3A_11, %scan3A_12 : i32
    %scan3A_14 = arith.constant 1 : i32
    %scan3A_15 = scf.for %scan3A_27 = %scan3A_11 to %scan3A_13 step %scan3A_14 iter_args(%scan3A_28 = %scan3A_10) -> (i32)  : i32 {
      %mul3A_29 = arith.constant 640 : i32
      %mul3A_30 = arith.muli %arg1, %mul3A_29 : i32
      %mul3A_31 = arith.constant 128 : i32
      %mul3A_32 = arith.muli %scan3A_27, %mul3A_31 : i32
      %add3A_33 = arith.addi %mul3A_30, %mul3A_32 : i32
      "tpu.region"() ({
        %run_scoped3A = tpu.sem_alloc : memref<!tpu.dma_semaphore, #tpu.memory_space<semaphore_mem>>
        %dma_start3A = arith.constant 0 : i32
        %dma_start3A_35 = tpu.memref_slice %arg8[%add3A_33, %dma_start3A] : memref<10240x16xf32, #tpu.memory_space<vmem_shared>> -> memref<128x16xf32, #tpu.memory_space<vmem_shared>>
        %dma_start3A_36 = arith.constant 0 : i32
        %dma_start3A_37 = tpu.memref_slice %arg8[%add3A_33, %dma_start3A_36] : memref<10240x16xf32, #tpu.memory_space<vmem_shared>> -> memref<128x16xf32, #tpu.memory_space<vmem_shared>>
        tpu.enqueue_dma source(%arg6 : memref<128x16xf32, #tpu.memory_space<vmem>>) target(%dma_start3A_37 : memref<128x16xf32, #tpu.memory_space<vmem_shared>>) target_semaphore(%run_scoped3A : memref<!tpu.dma_semaphore, #tpu.memory_space<semaphore_mem>>)
        %dma_wait3A = arith.constant 0 : i32
        %dma_wait3A_38 = tpu.memref_slice %arg8[%add3A_33, %dma_wait3A] : memref<10240x16xf32, #tpu.memory_space<vmem_shared>> -> memref<128x16xf32, #tpu.memory_space<vmem_shared>>
        %dma_wait3A_39 = arith.constant 0 : i32
        %dma_wait3A_40 = tpu.memref_slice %arg8[%add3A_33, %dma_wait3A_39] : memref<10240x16xf32, #tpu.memory_space<vmem_shared>> -> memref<128x16xf32, #tpu.memory_space<vmem_shared>>
        tpu.wait_dma2 semaphore(%run_scoped3A : memref<!tpu.dma_semaphore, #tpu.memory_space<semaphore_mem>>) src(%arg6 : memref<128x16xf32, #tpu.memory_space<vmem>>) dst(%dma_wait3A_40 : memref<128x16xf32, #tpu.memory_space<vmem_shared>>)
        tpu.yield
      }) : () -> ()
      %scan3A_34 = arith.constant 0 : i32
      scf.yield %scan3A_34 : i32
    }
    %scan3A_16 = arith.constant 5 : i32
    %barrier3A = arith.constant 0 : index
    tpu.barrier barrier_id(%barrier3A)
    %scan3A_17 = arith.constant 0 : i32
    %scan3A_18 = arith.constant 0 : i32
    %scan3A_19 = arith.constant 79 : i32
    %scan3A_20 = arith.addi %scan3A_18, %scan3A_19 : i32
    %scan3A_21 = arith.constant 1 : i32
    %scan3A_22 = scf.for %scan3A_27 = %scan3A_18 to %scan3A_20 step %scan3A_21 iter_args(%scan3A_28 = %scan3A_17) -> (i32)  : i32 {
      %mul3A_29 = arith.constant 10112 : i32
      %mul3A_30 = arith.muli %add3A, %mul3A_29 : i32
      %mul3A_31 = arith.constant 128 : i32
      %mul3A_32 = arith.muli %scan3A_27, %mul3A_31 : i32
      %add3A_33 = arith.addi %mul3A_30, %mul3A_32 : i32
      "tpu.region"() ({
        %run_scoped3A = tpu.sem_alloc : memref<!tpu.dma_semaphore, #tpu.memory_space<semaphore_mem>>
        %dma_start3A = tpu.memref_slice %arg2[%add3A_33] : memref<323584xi32, #tpu.memory_space<hbm>> -> memref<128xi32, #tpu.memory_space<hbm>>
        %dma_start3A_35 = tpu.memref_slice %arg2[%add3A_33] : memref<323584xi32, #tpu.memory_space<hbm>> -> memref<128xi32, #tpu.memory_space<hbm>>
        tpu.enqueue_dma source(%dma_start3A_35 : memref<128xi32, #tpu.memory_space<hbm>>) target(%arg4 : memref<128xi32, #tpu.memory_space<vmem>>) target_semaphore(%run_scoped3A : memref<!tpu.dma_semaphore, #tpu.memory_space<semaphore_mem>>)
        %dma_wait3A = tpu.memref_slice %arg2[%add3A_33] : memref<323584xi32, #tpu.memory_space<hbm>> -> memref<128xi32, #tpu.memory_space<hbm>>
        %dma_wait3A_36 = tpu.memref_slice %arg2[%add3A_33] : memref<323584xi32, #tpu.memory_space<hbm>> -> memref<128xi32, #tpu.memory_space<hbm>>
        tpu.wait_dma2 semaphore(%run_scoped3A : memref<!tpu.dma_semaphore, #tpu.memory_space<semaphore_mem>>) src(%dma_wait3A_36 : memref<128xi32, #tpu.memory_space<hbm>>) dst(%arg4 : memref<128xi32, #tpu.memory_space<vmem>>)
        tpu.yield
      }) : () -> ()
      "tpu.region"() ({
        %run_scoped3A = tpu.sem_alloc : memref<!tpu.dma_semaphore, #tpu.memory_space<semaphore_mem>>
        %dma_start3A = arith.constant 0 : i32
        %dma_start3A_35 = arith.constant 0 : i32
        %dma_start3A_36 = tpu.memref_slice %arg8[%dma_start3A, %dma_start3A_35] : memref<10240x16xf32, #tpu.memory_space<vmem_shared>> -> memref<10240x16xf32, #tpu.memory_space<vmem_shared>>
        tpu.enqueue_indirect_dma source(%arg5 : memref<128x16xf32, #tpu.memory_space<vmem>>) target(%dma_start3A_36 : memref<10240x16xf32, #tpu.memory_space<vmem_shared>>) offsets(%arg4 : memref<128xi32, #tpu.memory_space<vmem>>) semaphore(%run_scoped3A : memref<!tpu.dma_semaphore, #tpu.memory_space<semaphore_mem>>) {add = true}
        %dma_wait3A = arith.constant 0 : i32
        %dma_wait3A_37 = arith.constant 0 : i32
        %dma_wait3A_38 = tpu.memref_slice %arg8[%dma_wait3A, %dma_wait3A_37] : memref<10240x16xf32, #tpu.memory_space<vmem_shared>> -> memref<10240x16xf32, #tpu.memory_space<vmem_shared>>
        tpu.wait_indirect_dma semaphore(%run_scoped3A : memref<!tpu.dma_semaphore, #tpu.memory_space<semaphore_mem>>) src(%arg5 : memref<128x16xf32, #tpu.memory_space<vmem>>) dst(%dma_wait3A_38 : memref<10240x16xf32, #tpu.memory_space<vmem_shared>>)
        tpu.yield
      }) : () -> ()
      %scan3A_34 = arith.constant 0 : i32
      scf.yield %scan3A_34 : i32
    }
    %scan3A_23 = arith.constant 79 : i32
    %barrier3A_24 = arith.constant 0 : index
    tpu.barrier barrier_id(%barrier3A_24)
    %mul3A_25 = arith.constant 640 : i32
    %mul3A_26 = arith.muli %arg1, %mul3A_25 : i32
    "tpu.region"() ({
      %run_scoped3A = tpu.sem_alloc : memref<!tpu.dma_semaphore, #tpu.memory_space<semaphore_mem>>
      %dma_start3A = arith.constant 0 : i32
      %dma_start3A_27 = tpu.memref_slice %arg8[%mul3A_26, %dma_start3A] : memref<10240x16xf32, #tpu.memory_space<vmem_shared>> -> memref<640x16xf32, #tpu.memory_space<vmem_shared>>
      %dma_start3A_28 = arith.constant 0 : i32
      %dma_start3A_29 = tpu.memref_slice %arg8[%mul3A_26, %dma_start3A_28] : memref<10240x16xf32, #tpu.memory_space<vmem_shared>> -> memref<640x16xf32, #tpu.memory_space<vmem_shared>>
      tpu.enqueue_dma source(%dma_start3A_29 : memref<640x16xf32, #tpu.memory_space<vmem_shared>>) target(%arg7 : memref<640x16xf32, #tpu.memory_space<vmem>>) target_semaphore(%run_scoped3A : memref<!tpu.dma_semaphore, #tpu.memory_space<semaphore_mem>>)
      %dma_wait3A = arith.constant 0 : i32
      %dma_wait3A_30 = tpu.memref_slice %arg8[%mul3A_26, %dma_wait3A] : memref<10240x16xf32, #tpu.memory_space<vmem_shared>> -> memref<640x16xf32, #tpu.memory_space<vmem_shared>>
      %dma_wait3A_31 = arith.constant 0 : i32
      %dma_wait3A_32 = tpu.memref_slice %arg8[%mul3A_26, %dma_wait3A_31] : memref<10240x16xf32, #tpu.memory_space<vmem_shared>> -> memref<640x16xf32, #tpu.memory_space<vmem_shared>>
      tpu.wait_dma2 semaphore(%run_scoped3A : memref<!tpu.dma_semaphore, #tpu.memory_space<semaphore_mem>>) src(%dma_wait3A_32 : memref<640x16xf32, #tpu.memory_space<vmem_shared>>) dst(%arg7 : memref<640x16xf32, #tpu.memory_space<vmem>>)
      tpu.yield
    }) : () -> ()
    "tpu.region"() ({
      %run_scoped3A = tpu.sem_alloc : memref<!tpu.dma_semaphore, #tpu.memory_space<semaphore_mem>>
      %dma_start3A = arith.constant 0 : i32
      %dma_start3A_27 = tpu.memref_slice %arg3[%arg0, %mul3A_26, %dma_start3A] : memref<2x10240x16xf32, #tpu.memory_space<hbm>> -> memref<1x640x16xf32, #tpu.memory_space<hbm>>
      %dma_start3A_28 = tpu.memref_squeeze %dma_start3A_27 : memref<1x640x16xf32, #tpu.memory_space<hbm>> -> memref<640x16xf32, #tpu.memory_space<hbm>>
      %dma_start3A_29 = arith.constant 0 : i32
      %dma_start3A_30 = tpu.memref_slice %arg3[%arg0, %mul3A_26, %dma_start3A_29] : memref<2x10240x16xf32, #tpu.memory_space<hbm>> -> memref<1x640x16xf32, #tpu.memory_space<hbm>>
      %dma_start3A_31 = tpu.memref_squeeze %dma_start3A_30 : memref<1x640x16xf32, #tpu.memory_space<hbm>> -> memref<640x16xf32, #tpu.memory_space<hbm>>
      tpu.enqueue_dma source(%arg7 : memref<640x16xf32, #tpu.memory_space<vmem>>) target(%dma_start3A_31 : memref<640x16xf32, #tpu.memory_space<hbm>>) target_semaphore(%run_scoped3A : memref<!tpu.dma_semaphore, #tpu.memory_space<semaphore_mem>>)
      %dma_wait3A = arith.constant 0 : i32
      %dma_wait3A_32 = tpu.memref_slice %arg3[%arg0, %mul3A_26, %dma_wait3A] : memref<2x10240x16xf32, #tpu.memory_space<hbm>> -> memref<1x640x16xf32, #tpu.memory_space<hbm>>
      %dma_wait3A_33 = tpu.memref_squeeze %dma_wait3A_32 : memref<1x640x16xf32, #tpu.memory_space<hbm>> -> memref<640x16xf32, #tpu.memory_space<hbm>>
      %dma_wait3A_34 = arith.constant 0 : i32
      %dma_wait3A_35 = tpu.memref_slice %arg3[%arg0, %mul3A_26, %dma_wait3A_34] : memref<2x10240x16xf32, #tpu.memory_space<hbm>> -> memref<1x640x16xf32, #tpu.memory_space<hbm>>
      %dma_wait3A_36 = tpu.memref_squeeze %dma_wait3A_35 : memref<1x640x16xf32, #tpu.memory_space<hbm>> -> memref<640x16xf32, #tpu.memory_space<hbm>>
      tpu.wait_dma2 semaphore(%run_scoped3A : memref<!tpu.dma_semaphore, #tpu.memory_space<semaphore_mem>>) src(%arg7 : memref<640x16xf32, #tpu.memory_space<vmem>>) dst(%dma_wait3A_36 : memref<640x16xf32, #tpu.memory_space<hbm>>)
      tpu.yield
    }) : () -> ()
    return
  }
}

#map = affine_map<(d0, d1) -> (0, 0)>
#map1 = affine_map<(d0, d1) -> (0)>
#map2 = affine_map<(d0, d1) -> (0, 0, 0)>
module attributes {stable_mosaic.version = 14 : i64} {
  func.func @_edge_step(%arg0: i32, %arg1: i32, %arg2: memref<10000x128xf32, #tpu.memory_space<hbm>>, %arg3: memref<323584xi32, #tpu.memory_space<hbm>>, %arg4: memref<323584xi32, #tpu.memory_space<hbm>>, %arg5: memref<128x128xf32, #tpu.memory_space<hbm>>, %arg6: memref<2x10240x128xf32, #tpu.memory_space<hbm>>, %arg7: memref<128xi32, #tpu.memory_space<vmem>>, %arg8: memref<128xi32, #tpu.memory_space<vmem>>, %arg9: memref<128x128xf32, #tpu.memory_space<vmem>>, %arg10: memref<128x128xf32, #tpu.memory_space<vmem>>, %arg11: memref<10240x128xf32, #tpu.memory_space<vmem_shared>>, %arg12: memref<!tpu.dma_semaphore, #tpu.memory_space<semaphore_mem>>) attributes {dimension_semantics = [#tpu.dimension_semantics<core_parallel>, #tpu.dimension_semantics<subcore_parallel>], iteration_bounds = array<i64: 2, 16>, scalar_prefetch = 0 : i64, scratch_operands = 6 : i64, tpu.core_type = #tpu.core_type<sc_vector_subcore>, window_params = [{transform_indices = #map}, {transform_indices = #map1}, {transform_indices = #map1}, {transform_indices = #map}, {transform_indices = #map2}]} {
    %mul3A = arith.constant 16 : i32
    %mul3A_0 = arith.muli %arg0, %mul3A : i32
    %add3A = arith.addi %mul3A_0, %arg1 : i32
    "tpu.region"() ({
      %run_scoped3A = tpu.sem_alloc : memref<!tpu.dma_semaphore, #tpu.memory_space<semaphore_mem>>
      tpu.enqueue_dma source(%arg5 : memref<128x128xf32, #tpu.memory_space<hbm>>) target(%arg10 : memref<128x128xf32, #tpu.memory_space<vmem>>) target_semaphore(%run_scoped3A : memref<!tpu.dma_semaphore, #tpu.memory_space<semaphore_mem>>)
      tpu.wait_dma2 semaphore(%run_scoped3A : memref<!tpu.dma_semaphore, #tpu.memory_space<semaphore_mem>>) src(%arg5 : memref<128x128xf32, #tpu.memory_space<hbm>>) dst(%arg10 : memref<128x128xf32, #tpu.memory_space<vmem>>)
      tpu.yield
    }) : () -> ()
    %scan3A = arith.constant 0 : i32
    %scan3A_1 = arith.constant 0 : i32
    %scan3A_2 = arith.constant 5 : i32
    %scan3A_3 = arith.addi %scan3A_1, %scan3A_2 : i32
    %scan3A_4 = arith.constant 1 : i32
    %scan3A_5 = scf.for %scan3A_22 = %scan3A_1 to %scan3A_3 step %scan3A_4 iter_args(%scan3A_23 = %scan3A) -> (i32)  : i32 {
      %mul3A_24 = arith.constant 640 : i32
      %mul3A_25 = arith.muli %arg1, %mul3A_24 : i32
      %mul3A_26 = arith.constant 128 : i32
      %mul3A_27 = arith.muli %scan3A_22, %mul3A_26 : i32
      %add3A_28 = arith.addi %mul3A_25, %mul3A_27 : i32
      "tpu.region"() ({
        %run_scoped3A = tpu.sem_alloc : memref<!tpu.dma_semaphore, #tpu.memory_space<semaphore_mem>>
        %dma_start3A = arith.constant 0 : i32
        %dma_start3A_30 = tpu.memref_slice %arg11[%add3A_28, %dma_start3A] : memref<10240x128xf32, #tpu.memory_space<vmem_shared>> -> memref<128x128xf32, #tpu.memory_space<vmem_shared>>
        %dma_start3A_31 = arith.constant 0 : i32
        %dma_start3A_32 = tpu.memref_slice %arg11[%add3A_28, %dma_start3A_31] : memref<10240x128xf32, #tpu.memory_space<vmem_shared>> -> memref<128x128xf32, #tpu.memory_space<vmem_shared>>
        tpu.enqueue_dma source(%arg10 : memref<128x128xf32, #tpu.memory_space<vmem>>) target(%dma_start3A_32 : memref<128x128xf32, #tpu.memory_space<vmem_shared>>) target_semaphore(%run_scoped3A : memref<!tpu.dma_semaphore, #tpu.memory_space<semaphore_mem>>)
        %dma_wait3A = arith.constant 0 : i32
        %dma_wait3A_33 = tpu.memref_slice %arg11[%add3A_28, %dma_wait3A] : memref<10240x128xf32, #tpu.memory_space<vmem_shared>> -> memref<128x128xf32, #tpu.memory_space<vmem_shared>>
        %dma_wait3A_34 = arith.constant 0 : i32
        %dma_wait3A_35 = tpu.memref_slice %arg11[%add3A_28, %dma_wait3A_34] : memref<10240x128xf32, #tpu.memory_space<vmem_shared>> -> memref<128x128xf32, #tpu.memory_space<vmem_shared>>
        tpu.wait_dma2 semaphore(%run_scoped3A : memref<!tpu.dma_semaphore, #tpu.memory_space<semaphore_mem>>) src(%arg10 : memref<128x128xf32, #tpu.memory_space<vmem>>) dst(%dma_wait3A_35 : memref<128x128xf32, #tpu.memory_space<vmem_shared>>)
        tpu.yield
      }) : () -> ()
      %scan3A_29 = arith.constant 0 : i32
      scf.yield %scan3A_29 : i32
    }
    %scan3A_6 = arith.constant 5 : i32
    %barrier3A = arith.constant 0 : index
    tpu.barrier barrier_id(%barrier3A)
    %scan3A_7 = arith.constant 0 : i32
    %scan3A_8 = arith.constant 0 : i32
    %scan3A_9 = arith.constant 79 : i32
    %scan3A_10 = arith.addi %scan3A_8, %scan3A_9 : i32
    %scan3A_11 = arith.constant 1 : i32
    %scan3A_12 = scf.for %scan3A_22 = %scan3A_8 to %scan3A_10 step %scan3A_11 iter_args(%scan3A_23 = %scan3A_7) -> (i32)  : i32 {
      %mul3A_24 = arith.constant 10112 : i32
      %mul3A_25 = arith.muli %add3A, %mul3A_24 : i32
      %mul3A_26 = arith.constant 128 : i32
      %mul3A_27 = arith.muli %scan3A_22, %mul3A_26 : i32
      %add3A_28 = arith.addi %mul3A_25, %mul3A_27 : i32
      %dma_start3A = tpu.memref_slice %arg3[%add3A_28] : memref<323584xi32, #tpu.memory_space<hbm>> -> memref<128xi32, #tpu.memory_space<hbm>>
      %dma_start3A_29 = tpu.memref_slice %arg3[%add3A_28] : memref<323584xi32, #tpu.memory_space<hbm>> -> memref<128xi32, #tpu.memory_space<hbm>>
      tpu.enqueue_dma source(%dma_start3A_29 : memref<128xi32, #tpu.memory_space<hbm>>) target(%arg7 : memref<128xi32, #tpu.memory_space<vmem>>) target_semaphore(%arg12 : memref<!tpu.dma_semaphore, #tpu.memory_space<semaphore_mem>>)
      %dma_start3A_30 = tpu.memref_slice %arg4[%add3A_28] : memref<323584xi32, #tpu.memory_space<hbm>> -> memref<128xi32, #tpu.memory_space<hbm>>
      %dma_start3A_31 = tpu.memref_slice %arg4[%add3A_28] : memref<323584xi32, #tpu.memory_space<hbm>> -> memref<128xi32, #tpu.memory_space<hbm>>
      tpu.enqueue_dma source(%dma_start3A_31 : memref<128xi32, #tpu.memory_space<hbm>>) target(%arg8 : memref<128xi32, #tpu.memory_space<vmem>>) target_semaphore(%arg12 : memref<!tpu.dma_semaphore, #tpu.memory_space<semaphore_mem>>)
      %dma_wait3A = tpu.memref_slice %arg3[%add3A_28] : memref<323584xi32, #tpu.memory_space<hbm>> -> memref<128xi32, #tpu.memory_space<hbm>>
      %dma_wait3A_32 = tpu.memref_slice %arg3[%add3A_28] : memref<323584xi32, #tpu.memory_space<hbm>> -> memref<128xi32, #tpu.memory_space<hbm>>
      tpu.wait_dma2 semaphore(%arg12 : memref<!tpu.dma_semaphore, #tpu.memory_space<semaphore_mem>>) src(%dma_wait3A_32 : memref<128xi32, #tpu.memory_space<hbm>>) dst(%arg7 : memref<128xi32, #tpu.memory_space<vmem>>)
      %dma_wait3A_33 = tpu.memref_slice %arg4[%add3A_28] : memref<323584xi32, #tpu.memory_space<hbm>> -> memref<128xi32, #tpu.memory_space<hbm>>
      %dma_wait3A_34 = tpu.memref_slice %arg4[%add3A_28] : memref<323584xi32, #tpu.memory_space<hbm>> -> memref<128xi32, #tpu.memory_space<hbm>>
      tpu.wait_dma2 semaphore(%arg12 : memref<!tpu.dma_semaphore, #tpu.memory_space<semaphore_mem>>) src(%dma_wait3A_34 : memref<128xi32, #tpu.memory_space<hbm>>) dst(%arg8 : memref<128xi32, #tpu.memory_space<vmem>>)
      %dma_start3A_35 = arith.constant 0 : i32
      %dma_start3A_36 = arith.constant 0 : i32
      %dma_start3A_37 = tpu.memref_slice %arg2[%dma_start3A_35, %dma_start3A_36] : memref<10000x128xf32, #tpu.memory_space<hbm>> -> memref<10000x128xf32, #tpu.memory_space<hbm>>
      tpu.enqueue_indirect_dma source(%dma_start3A_37 : memref<10000x128xf32, #tpu.memory_space<hbm>>) target(%arg9 : memref<128x128xf32, #tpu.memory_space<vmem>>) offsets(%arg7 : memref<128xi32, #tpu.memory_space<vmem>>) semaphore(%arg12 : memref<!tpu.dma_semaphore, #tpu.memory_space<semaphore_mem>>)
      %dma_wait3A_38 = arith.constant 0 : i32
      %dma_wait3A_39 = arith.constant 0 : i32
      %dma_wait3A_40 = tpu.memref_slice %arg2[%dma_wait3A_38, %dma_wait3A_39] : memref<10000x128xf32, #tpu.memory_space<hbm>> -> memref<10000x128xf32, #tpu.memory_space<hbm>>
      tpu.wait_indirect_dma semaphore(%arg12 : memref<!tpu.dma_semaphore, #tpu.memory_space<semaphore_mem>>) src(%dma_wait3A_40 : memref<10000x128xf32, #tpu.memory_space<hbm>>) dst(%arg9 : memref<128x128xf32, #tpu.memory_space<vmem>>)
      "tpu.region"() ({
        %run_scoped3A = tpu.sem_alloc : memref<!tpu.dma_semaphore, #tpu.memory_space<semaphore_mem>>
        %dma_start3A_42 = arith.constant 0 : i32
        %dma_start3A_43 = arith.constant 0 : i32
        %dma_start3A_44 = tpu.memref_slice %arg11[%dma_start3A_42, %dma_start3A_43] : memref<10240x128xf32, #tpu.memory_space<vmem_shared>> -> memref<10240x128xf32, #tpu.memory_space<vmem_shared>>
        tpu.enqueue_indirect_dma source(%arg9 : memref<128x128xf32, #tpu.memory_space<vmem>>) target(%dma_start3A_44 : memref<10240x128xf32, #tpu.memory_space<vmem_shared>>) offsets(%arg8 : memref<128xi32, #tpu.memory_space<vmem>>) semaphore(%run_scoped3A : memref<!tpu.dma_semaphore, #tpu.memory_space<semaphore_mem>>) {add = true}
        %dma_wait3A_45 = arith.constant 0 : i32
        %dma_wait3A_46 = arith.constant 0 : i32
        %dma_wait3A_47 = tpu.memref_slice %arg11[%dma_wait3A_45, %dma_wait3A_46] : memref<10240x128xf32, #tpu.memory_space<vmem_shared>> -> memref<10240x128xf32, #tpu.memory_space<vmem_shared>>
        tpu.wait_indirect_dma semaphore(%run_scoped3A : memref<!tpu.dma_semaphore, #tpu.memory_space<semaphore_mem>>) src(%arg9 : memref<128x128xf32, #tpu.memory_space<vmem>>) dst(%dma_wait3A_47 : memref<10240x128xf32, #tpu.memory_space<vmem_shared>>)
        tpu.yield
      }) : () -> ()
      %scan3A_41 = arith.constant 0 : i32
      scf.yield %scan3A_41 : i32
    }
    %scan3A_13 = arith.constant 79 : i32
    %barrier3A_14 = arith.constant 0 : index
    tpu.barrier barrier_id(%barrier3A_14)
    %scan3A_15 = arith.constant 0 : i32
    %scan3A_16 = arith.constant 0 : i32
    %scan3A_17 = arith.constant 5 : i32
    %scan3A_18 = arith.addi %scan3A_16, %scan3A_17 : i32
    %scan3A_19 = arith.constant 1 : i32
    %scan3A_20 = scf.for %scan3A_22 = %scan3A_16 to %scan3A_18 step %scan3A_19 iter_args(%scan3A_23 = %scan3A_15) -> (i32)  : i32 {
      %mul3A_24 = arith.constant 640 : i32
      %mul3A_25 = arith.muli %arg1, %mul3A_24 : i32
      %mul3A_26 = arith.constant 128 : i32
      %mul3A_27 = arith.muli %scan3A_22, %mul3A_26 : i32
      %add3A_28 = arith.addi %mul3A_25, %mul3A_27 : i32
      "tpu.region"() ({
        %run_scoped3A = tpu.sem_alloc : memref<!tpu.dma_semaphore, #tpu.memory_space<semaphore_mem>>
        %dma_start3A = arith.constant 0 : i32
        %dma_start3A_30 = tpu.memref_slice %arg11[%add3A_28, %dma_start3A] : memref<10240x128xf32, #tpu.memory_space<vmem_shared>> -> memref<128x128xf32, #tpu.memory_space<vmem_shared>>
        %dma_start3A_31 = arith.constant 0 : i32
        %dma_start3A_32 = tpu.memref_slice %arg11[%add3A_28, %dma_start3A_31] : memref<10240x128xf32, #tpu.memory_space<vmem_shared>> -> memref<128x128xf32, #tpu.memory_space<vmem_shared>>
        tpu.enqueue_dma source(%dma_start3A_32 : memref<128x128xf32, #tpu.memory_space<vmem_shared>>) target(%arg10 : memref<128x128xf32, #tpu.memory_space<vmem>>) target_semaphore(%run_scoped3A : memref<!tpu.dma_semaphore, #tpu.memory_space<semaphore_mem>>)
        %dma_wait3A = arith.constant 0 : i32
        %dma_wait3A_33 = tpu.memref_slice %arg11[%add3A_28, %dma_wait3A] : memref<10240x128xf32, #tpu.memory_space<vmem_shared>> -> memref<128x128xf32, #tpu.memory_space<vmem_shared>>
        %dma_wait3A_34 = arith.constant 0 : i32
        %dma_wait3A_35 = tpu.memref_slice %arg11[%add3A_28, %dma_wait3A_34] : memref<10240x128xf32, #tpu.memory_space<vmem_shared>> -> memref<128x128xf32, #tpu.memory_space<vmem_shared>>
        tpu.wait_dma2 semaphore(%run_scoped3A : memref<!tpu.dma_semaphore, #tpu.memory_space<semaphore_mem>>) src(%dma_wait3A_35 : memref<128x128xf32, #tpu.memory_space<vmem_shared>>) dst(%arg10 : memref<128x128xf32, #tpu.memory_space<vmem>>)
        tpu.yield
      }) : () -> ()
      "tpu.region"() ({
        %run_scoped3A = tpu.sem_alloc : memref<!tpu.dma_semaphore, #tpu.memory_space<semaphore_mem>>
        %dma_start3A = arith.constant 0 : i32
        %dma_start3A_30 = tpu.memref_slice %arg6[%arg0, %add3A_28, %dma_start3A] : memref<2x10240x128xf32, #tpu.memory_space<hbm>> -> memref<1x128x128xf32, #tpu.memory_space<hbm>>
        %dma_start3A_31 = tpu.memref_squeeze %dma_start3A_30 : memref<1x128x128xf32, #tpu.memory_space<hbm>> -> memref<128x128xf32, #tpu.memory_space<hbm>>
        %dma_start3A_32 = arith.constant 0 : i32
        %dma_start3A_33 = tpu.memref_slice %arg6[%arg0, %add3A_28, %dma_start3A_32] : memref<2x10240x128xf32, #tpu.memory_space<hbm>> -> memref<1x128x128xf32, #tpu.memory_space<hbm>>
        %dma_start3A_34 = tpu.memref_squeeze %dma_start3A_33 : memref<1x128x128xf32, #tpu.memory_space<hbm>> -> memref<128x128xf32, #tpu.memory_space<hbm>>
        tpu.enqueue_dma source(%arg10 : memref<128x128xf32, #tpu.memory_space<vmem>>) target(%dma_start3A_34 : memref<128x128xf32, #tpu.memory_space<hbm>>) target_semaphore(%run_scoped3A : memref<!tpu.dma_semaphore, #tpu.memory_space<semaphore_mem>>)
        %dma_wait3A = arith.constant 0 : i32
        %dma_wait3A_35 = tpu.memref_slice %arg6[%arg0, %add3A_28, %dma_wait3A] : memref<2x10240x128xf32, #tpu.memory_space<hbm>> -> memref<1x128x128xf32, #tpu.memory_space<hbm>>
        %dma_wait3A_36 = tpu.memref_squeeze %dma_wait3A_35 : memref<1x128x128xf32, #tpu.memory_space<hbm>> -> memref<128x128xf32, #tpu.memory_space<hbm>>
        %dma_wait3A_37 = arith.constant 0 : i32
        %dma_wait3A_38 = tpu.memref_slice %arg6[%arg0, %add3A_28, %dma_wait3A_37] : memref<2x10240x128xf32, #tpu.memory_space<hbm>> -> memref<1x128x128xf32, #tpu.memory_space<hbm>>
        %dma_wait3A_39 = tpu.memref_squeeze %dma_wait3A_38 : memref<1x128x128xf32, #tpu.memory_space<hbm>> -> memref<128x128xf32, #tpu.memory_space<hbm>>
        tpu.wait_dma2 semaphore(%run_scoped3A : memref<!tpu.dma_semaphore, #tpu.memory_space<semaphore_mem>>) src(%arg10 : memref<128x128xf32, #tpu.memory_space<vmem>>) dst(%dma_wait3A_39 : memref<128x128xf32, #tpu.memory_space<hbm>>)
        tpu.yield
      }) : () -> ()
      %scan3A_29 = arith.constant 0 : i32
      scf.yield %scan3A_29 : i32
    }
    %scan3A_21 = arith.constant 5 : i32
    return
  }
}

#map = affine_map<(d0, d1) -> (0, 0)>
#map1 = affine_map<(d0, d1) -> (0)>
#map2 = affine_map<(d0, d1) -> (0, 0, 0)>
module attributes {stable_mosaic.version = 14 : i64} {
  func.func @_edge_step(%arg0: i32, %arg1: i32, %arg2: memref<10000x128xf32, #tpu.memory_space<hbm>>, %arg3: memref<323584xi32, #tpu.memory_space<hbm>>, %arg4: memref<323584xi32, #tpu.memory_space<hbm>>, %arg5: memref<128x128xf32, #tpu.memory_space<hbm>>, %arg6: memref<2x10240x128xf32, #tpu.memory_space<hbm>>, %arg7: memref<128xi32, #tpu.memory_space<vmem>>, %arg8: memref<128xi32, #tpu.memory_space<vmem>>, %arg9: memref<128x128xf32, #tpu.memory_space<vmem>>, %arg10: memref<128x128xf32, #tpu.memory_space<vmem>>, %arg11: memref<10240x128xf32, #tpu.memory_space<vmem_shared>>, %arg12: memref<!tpu.dma_semaphore, #tpu.memory_space<semaphore_mem>>) attributes {dimension_semantics = [#tpu.dimension_semantics<core_parallel>, #tpu.dimension_semantics<subcore_parallel>], iteration_bounds = array<i64: 2, 16>, scalar_prefetch = 0 : i64, scratch_operands = 6 : i64, tpu.core_type = #tpu.core_type<sc_vector_subcore>, window_params = [{transform_indices = #map}, {transform_indices = #map1}, {transform_indices = #map1}, {transform_indices = #map}, {transform_indices = #map2}]} {
    %mul3A = arith.constant 16 : i32
    %mul3A_0 = arith.muli %arg0, %mul3A : i32
    %add3A = arith.addi %mul3A_0, %arg1 : i32
    "tpu.region"() ({
      %run_scoped3A = tpu.sem_alloc : memref<!tpu.dma_semaphore, #tpu.memory_space<semaphore_mem>>
      tpu.enqueue_dma source(%arg5 : memref<128x128xf32, #tpu.memory_space<hbm>>) target(%arg10 : memref<128x128xf32, #tpu.memory_space<vmem>>) target_semaphore(%run_scoped3A : memref<!tpu.dma_semaphore, #tpu.memory_space<semaphore_mem>>)
      tpu.wait_dma2 semaphore(%run_scoped3A : memref<!tpu.dma_semaphore, #tpu.memory_space<semaphore_mem>>) src(%arg5 : memref<128x128xf32, #tpu.memory_space<hbm>>) dst(%arg10 : memref<128x128xf32, #tpu.memory_space<vmem>>)
      tpu.yield
    }) : () -> ()
    %scan3A = arith.constant 0 : i32
    %scan3A_1 = arith.constant 0 : i32
    %scan3A_2 = arith.constant 5 : i32
    %scan3A_3 = arith.addi %scan3A_1, %scan3A_2 : i32
    %scan3A_4 = arith.constant 1 : i32
    %scan3A_5 = scf.for %scan3A_22 = %scan3A_1 to %scan3A_3 step %scan3A_4 iter_args(%scan3A_23 = %scan3A) -> (i32)  : i32 {
      %mul3A_24 = arith.constant 640 : i32
      %mul3A_25 = arith.muli %arg1, %mul3A_24 : i32
      %mul3A_26 = arith.constant 128 : i32
      %mul3A_27 = arith.muli %scan3A_22, %mul3A_26 : i32
      %add3A_28 = arith.addi %mul3A_25, %mul3A_27 : i32
      "tpu.region"() ({
        %run_scoped3A = tpu.sem_alloc : memref<!tpu.dma_semaphore, #tpu.memory_space<semaphore_mem>>
        %dma_start3A = arith.constant 0 : i32
        %dma_start3A_30 = tpu.memref_slice %arg11[%add3A_28, %dma_start3A] : memref<10240x128xf32, #tpu.memory_space<vmem_shared>> -> memref<128x128xf32, #tpu.memory_space<vmem_shared>>
        %dma_start3A_31 = arith.constant 0 : i32
        %dma_start3A_32 = tpu.memref_slice %arg11[%add3A_28, %dma_start3A_31] : memref<10240x128xf32, #tpu.memory_space<vmem_shared>> -> memref<128x128xf32, #tpu.memory_space<vmem_shared>>
        tpu.enqueue_dma source(%arg10 : memref<128x128xf32, #tpu.memory_space<vmem>>) target(%dma_start3A_32 : memref<128x128xf32, #tpu.memory_space<vmem_shared>>) target_semaphore(%run_scoped3A : memref<!tpu.dma_semaphore, #tpu.memory_space<semaphore_mem>>)
        %dma_wait3A = arith.constant 0 : i32
        %dma_wait3A_33 = tpu.memref_slice %arg11[%add3A_28, %dma_wait3A] : memref<10240x128xf32, #tpu.memory_space<vmem_shared>> -> memref<128x128xf32, #tpu.memory_space<vmem_shared>>
        %dma_wait3A_34 = arith.constant 0 : i32
        %dma_wait3A_35 = tpu.memref_slice %arg11[%add3A_28, %dma_wait3A_34] : memref<10240x128xf32, #tpu.memory_space<vmem_shared>> -> memref<128x128xf32, #tpu.memory_space<vmem_shared>>
        tpu.wait_dma2 semaphore(%run_scoped3A : memref<!tpu.dma_semaphore, #tpu.memory_space<semaphore_mem>>) src(%arg10 : memref<128x128xf32, #tpu.memory_space<vmem>>) dst(%dma_wait3A_35 : memref<128x128xf32, #tpu.memory_space<vmem_shared>>)
        tpu.yield
      }) : () -> ()
      %scan3A_29 = arith.constant 0 : i32
      scf.yield %scan3A_29 : i32
    }
    %scan3A_6 = arith.constant 5 : i32
    %barrier3A = arith.constant 0 : index
    tpu.barrier barrier_id(%barrier3A)
    %scan3A_7 = arith.constant 0 : i32
    %scan3A_8 = arith.constant 0 : i32
    %scan3A_9 = arith.constant 79 : i32
    %scan3A_10 = arith.addi %scan3A_8, %scan3A_9 : i32
    %scan3A_11 = arith.constant 1 : i32
    %scan3A_12 = scf.for %scan3A_22 = %scan3A_8 to %scan3A_10 step %scan3A_11 iter_args(%scan3A_23 = %scan3A_7) -> (i32)  : i32 {
      %mul3A_24 = arith.constant 10112 : i32
      %mul3A_25 = arith.muli %add3A, %mul3A_24 : i32
      %mul3A_26 = arith.constant 128 : i32
      %mul3A_27 = arith.muli %scan3A_22, %mul3A_26 : i32
      %add3A_28 = arith.addi %mul3A_25, %mul3A_27 : i32
      %dma_start3A = tpu.memref_slice %arg3[%add3A_28] : memref<323584xi32, #tpu.memory_space<hbm>> -> memref<128xi32, #tpu.memory_space<hbm>>
      %dma_start3A_29 = tpu.memref_slice %arg3[%add3A_28] : memref<323584xi32, #tpu.memory_space<hbm>> -> memref<128xi32, #tpu.memory_space<hbm>>
      tpu.enqueue_dma source(%dma_start3A_29 : memref<128xi32, #tpu.memory_space<hbm>>) target(%arg7 : memref<128xi32, #tpu.memory_space<vmem>>) target_semaphore(%arg12 : memref<!tpu.dma_semaphore, #tpu.memory_space<semaphore_mem>>)
      %dma_start3A_30 = tpu.memref_slice %arg4[%add3A_28] : memref<323584xi32, #tpu.memory_space<hbm>> -> memref<128xi32, #tpu.memory_space<hbm>>
      %dma_start3A_31 = tpu.memref_slice %arg4[%add3A_28] : memref<323584xi32, #tpu.memory_space<hbm>> -> memref<128xi32, #tpu.memory_space<hbm>>
      tpu.enqueue_dma source(%dma_start3A_31 : memref<128xi32, #tpu.memory_space<hbm>>) target(%arg8 : memref<128xi32, #tpu.memory_space<vmem>>) target_semaphore(%arg12 : memref<!tpu.dma_semaphore, #tpu.memory_space<semaphore_mem>>)
      %dma_wait3A = tpu.memref_slice %arg3[%add3A_28] : memref<323584xi32, #tpu.memory_space<hbm>> -> memref<128xi32, #tpu.memory_space<hbm>>
      %dma_wait3A_32 = tpu.memref_slice %arg3[%add3A_28] : memref<323584xi32, #tpu.memory_space<hbm>> -> memref<128xi32, #tpu.memory_space<hbm>>
      tpu.wait_dma2 semaphore(%arg12 : memref<!tpu.dma_semaphore, #tpu.memory_space<semaphore_mem>>) src(%dma_wait3A_32 : memref<128xi32, #tpu.memory_space<hbm>>) dst(%arg7 : memref<128xi32, #tpu.memory_space<vmem>>)
      %dma_wait3A_33 = tpu.memref_slice %arg4[%add3A_28] : memref<323584xi32, #tpu.memory_space<hbm>> -> memref<128xi32, #tpu.memory_space<hbm>>
      %dma_wait3A_34 = tpu.memref_slice %arg4[%add3A_28] : memref<323584xi32, #tpu.memory_space<hbm>> -> memref<128xi32, #tpu.memory_space<hbm>>
      tpu.wait_dma2 semaphore(%arg12 : memref<!tpu.dma_semaphore, #tpu.memory_space<semaphore_mem>>) src(%dma_wait3A_34 : memref<128xi32, #tpu.memory_space<hbm>>) dst(%arg8 : memref<128xi32, #tpu.memory_space<vmem>>)
      %dma_start3A_35 = arith.constant 0 : i32
      %dma_start3A_36 = arith.constant 0 : i32
      %dma_start3A_37 = tpu.memref_slice %arg2[%dma_start3A_35, %dma_start3A_36] : memref<10000x128xf32, #tpu.memory_space<hbm>> -> memref<10000x128xf32, #tpu.memory_space<hbm>>
      tpu.enqueue_indirect_dma source(%dma_start3A_37 : memref<10000x128xf32, #tpu.memory_space<hbm>>) target(%arg9 : memref<128x128xf32, #tpu.memory_space<vmem>>) offsets(%arg7 : memref<128xi32, #tpu.memory_space<vmem>>) semaphore(%arg12 : memref<!tpu.dma_semaphore, #tpu.memory_space<semaphore_mem>>)
      %dma_wait3A_38 = arith.constant 0 : i32
      %dma_wait3A_39 = arith.constant 0 : i32
      %dma_wait3A_40 = tpu.memref_slice %arg2[%dma_wait3A_38, %dma_wait3A_39] : memref<10000x128xf32, #tpu.memory_space<hbm>> -> memref<10000x128xf32, #tpu.memory_space<hbm>>
      tpu.wait_indirect_dma semaphore(%arg12 : memref<!tpu.dma_semaphore, #tpu.memory_space<semaphore_mem>>) src(%dma_wait3A_40 : memref<10000x128xf32, #tpu.memory_space<hbm>>) dst(%arg9 : memref<128x128xf32, #tpu.memory_space<vmem>>)
      "tpu.region"() ({
        %run_scoped3A = tpu.sem_alloc : memref<!tpu.dma_semaphore, #tpu.memory_space<semaphore_mem>>
        %dma_start3A_42 = arith.constant 0 : i32
        %dma_start3A_43 = arith.constant 0 : i32
        %dma_start3A_44 = tpu.memref_slice %arg11[%dma_start3A_42, %dma_start3A_43] : memref<10240x128xf32, #tpu.memory_space<vmem_shared>> -> memref<10240x128xf32, #tpu.memory_space<vmem_shared>>
        tpu.enqueue_indirect_dma source(%arg9 : memref<128x128xf32, #tpu.memory_space<vmem>>) target(%dma_start3A_44 : memref<10240x128xf32, #tpu.memory_space<vmem_shared>>) offsets(%arg8 : memref<128xi32, #tpu.memory_space<vmem>>) semaphore(%run_scoped3A : memref<!tpu.dma_semaphore, #tpu.memory_space<semaphore_mem>>) {add = true}
        %dma_wait3A_45 = arith.constant 0 : i32
        %dma_wait3A_46 = arith.constant 0 : i32
        %dma_wait3A_47 = tpu.memref_slice %arg11[%dma_wait3A_45, %dma_wait3A_46] : memref<10240x128xf32, #tpu.memory_space<vmem_shared>> -> memref<10240x128xf32, #tpu.memory_space<vmem_shared>>
        tpu.wait_indirect_dma semaphore(%run_scoped3A : memref<!tpu.dma_semaphore, #tpu.memory_space<semaphore_mem>>) src(%arg9 : memref<128x128xf32, #tpu.memory_space<vmem>>) dst(%dma_wait3A_47 : memref<10240x128xf32, #tpu.memory_space<vmem_shared>>)
        tpu.yield
      }) : () -> ()
      %scan3A_41 = arith.constant 0 : i32
      scf.yield %scan3A_41 : i32
    }
    %scan3A_13 = arith.constant 79 : i32
    %barrier3A_14 = arith.constant 0 : index
    tpu.barrier barrier_id(%barrier3A_14)
    %scan3A_15 = arith.constant 0 : i32
    %scan3A_16 = arith.constant 0 : i32
    %scan3A_17 = arith.constant 5 : i32
    %scan3A_18 = arith.addi %scan3A_16, %scan3A_17 : i32
    %scan3A_19 = arith.constant 1 : i32
    %scan3A_20 = scf.for %scan3A_22 = %scan3A_16 to %scan3A_18 step %scan3A_19 iter_args(%scan3A_23 = %scan3A_15) -> (i32)  : i32 {
      %mul3A_24 = arith.constant 640 : i32
      %mul3A_25 = arith.muli %arg1, %mul3A_24 : i32
      %mul3A_26 = arith.constant 128 : i32
      %mul3A_27 = arith.muli %scan3A_22, %mul3A_26 : i32
      %add3A_28 = arith.addi %mul3A_25, %mul3A_27 : i32
      "tpu.region"() ({
        %run_scoped3A = tpu.sem_alloc : memref<!tpu.dma_semaphore, #tpu.memory_space<semaphore_mem>>
        %dma_start3A = arith.constant 0 : i32
        %dma_start3A_30 = tpu.memref_slice %arg11[%add3A_28, %dma_start3A] : memref<10240x128xf32, #tpu.memory_space<vmem_shared>> -> memref<128x128xf32, #tpu.memory_space<vmem_shared>>
        %dma_start3A_31 = arith.constant 0 : i32
        %dma_start3A_32 = tpu.memref_slice %arg11[%add3A_28, %dma_start3A_31] : memref<10240x128xf32, #tpu.memory_space<vmem_shared>> -> memref<128x128xf32, #tpu.memory_space<vmem_shared>>
        tpu.enqueue_dma source(%dma_start3A_32 : memref<128x128xf32, #tpu.memory_space<vmem_shared>>) target(%arg10 : memref<128x128xf32, #tpu.memory_space<vmem>>) target_semaphore(%run_scoped3A : memref<!tpu.dma_semaphore, #tpu.memory_space<semaphore_mem>>)
        %dma_wait3A = arith.constant 0 : i32
        %dma_wait3A_33 = tpu.memref_slice %arg11[%add3A_28, %dma_wait3A] : memref<10240x128xf32, #tpu.memory_space<vmem_shared>> -> memref<128x128xf32, #tpu.memory_space<vmem_shared>>
        %dma_wait3A_34 = arith.constant 0 : i32
        %dma_wait3A_35 = tpu.memref_slice %arg11[%add3A_28, %dma_wait3A_34] : memref<10240x128xf32, #tpu.memory_space<vmem_shared>> -> memref<128x128xf32, #tpu.memory_space<vmem_shared>>
        tpu.wait_dma2 semaphore(%run_scoped3A : memref<!tpu.dma_semaphore, #tpu.memory_space<semaphore_mem>>) src(%dma_wait3A_35 : memref<128x128xf32, #tpu.memory_space<vmem_shared>>) dst(%arg10 : memref<128x128xf32, #tpu.memory_space<vmem>>)
        tpu.yield
      }) : () -> ()
      "tpu.region"() ({
        %run_scoped3A = tpu.sem_alloc : memref<!tpu.dma_semaphore, #tpu.memory_space<semaphore_mem>>
        %dma_start3A = arith.constant 0 : i32
        %dma_start3A_30 = tpu.memref_slice %arg6[%arg0, %add3A_28, %dma_start3A] : memref<2x10240x128xf32, #tpu.memory_space<hbm>> -> memref<1x128x128xf32, #tpu.memory_space<hbm>>
        %dma_start3A_31 = tpu.memref_squeeze %dma_start3A_30 : memref<1x128x128xf32, #tpu.memory_space<hbm>> -> memref<128x128xf32, #tpu.memory_space<hbm>>
        %dma_start3A_32 = arith.constant 0 : i32
        %dma_start3A_33 = tpu.memref_slice %arg6[%arg0, %add3A_28, %dma_start3A_32] : memref<2x10240x128xf32, #tpu.memory_space<hbm>> -> memref<1x128x128xf32, #tpu.memory_space<hbm>>
        %dma_start3A_34 = tpu.memref_squeeze %dma_start3A_33 : memref<1x128x128xf32, #tpu.memory_space<hbm>> -> memref<128x128xf32, #tpu.memory_space<hbm>>
        tpu.enqueue_dma source(%arg10 : memref<128x128xf32, #tpu.memory_space<vmem>>) target(%dma_start3A_34 : memref<128x128xf32, #tpu.memory_space<hbm>>) target_semaphore(%run_scoped3A : memref<!tpu.dma_semaphore, #tpu.memory_space<semaphore_mem>>)
        %dma_wait3A = arith.constant 0 : i32
        %dma_wait3A_35 = tpu.memref_slice %arg6[%arg0, %add3A_28, %dma_wait3A] : memref<2x10240x128xf32, #tpu.memory_space<hbm>> -> memref<1x128x128xf32, #tpu.memory_space<hbm>>
        %dma_wait3A_36 = tpu.memref_squeeze %dma_wait3A_35 : memref<1x128x128xf32, #tpu.memory_space<hbm>> -> memref<128x128xf32, #tpu.memory_space<hbm>>
        %dma_wait3A_37 = arith.constant 0 : i32
        %dma_wait3A_38 = tpu.memref_slice %arg6[%arg0, %add3A_28, %dma_wait3A_37] : memref<2x10240x128xf32, #tpu.memory_space<hbm>> -> memref<1x128x128xf32, #tpu.memory_space<hbm>>
        %dma_wait3A_39 = tpu.memref_squeeze %dma_wait3A_38 : memref<1x128x128xf32, #tpu.memory_space<hbm>> -> memref<128x128xf32, #tpu.memory_space<hbm>>
        tpu.wait_dma2 semaphore(%run_scoped3A : memref<!tpu.dma_semaphore, #tpu.memory_space<semaphore_mem>>) src(%arg10 : memref<128x128xf32, #tpu.memory_space<vmem>>) dst(%dma_wait3A_39 : memref<128x128xf32, #tpu.memory_space<hbm>>)
        tpu.yield
      }) : () -> ()
      %scan3A_29 = arith.constant 0 : i32
      scf.yield %scan3A_29 : i32
    }
    %scan3A_21 = arith.constant 5 : i32
    return
  }
}

#map = affine_map<(d0, d1) -> (0, 0)>
#map1 = affine_map<(d0, d1) -> (0)>
#map2 = affine_map<(d0, d1) -> (0, 0, 0)>
module attributes {stable_mosaic.version = 14 : i64} {
  func.func @_edge_step(%arg0: i32, %arg1: i32, %arg2: memref<10000x128xf32, #tpu.memory_space<hbm>>, %arg3: memref<323584xi32, #tpu.memory_space<hbm>>, %arg4: memref<323584xi32, #tpu.memory_space<hbm>>, %arg5: memref<128x128xf32, #tpu.memory_space<hbm>>, %arg6: memref<2x10240x128xf32, #tpu.memory_space<hbm>>, %arg7: memref<128xi32, #tpu.memory_space<vmem>>, %arg8: memref<128xi32, #tpu.memory_space<vmem>>, %arg9: memref<128x128xf32, #tpu.memory_space<vmem>>, %arg10: memref<128x128xf32, #tpu.memory_space<vmem>>, %arg11: memref<10240x128xf32, #tpu.memory_space<vmem_shared>>, %arg12: memref<!tpu.dma_semaphore, #tpu.memory_space<semaphore_mem>>) attributes {dimension_semantics = [#tpu.dimension_semantics<core_parallel>, #tpu.dimension_semantics<subcore_parallel>], iteration_bounds = array<i64: 2, 16>, scalar_prefetch = 0 : i64, scratch_operands = 6 : i64, tpu.core_type = #tpu.core_type<sc_vector_subcore>, window_params = [{transform_indices = #map}, {transform_indices = #map1}, {transform_indices = #map1}, {transform_indices = #map}, {transform_indices = #map2}]} {
    %mul3A = arith.constant 16 : i32
    %mul3A_0 = arith.muli %arg0, %mul3A : i32
    %add3A = arith.addi %mul3A_0, %arg1 : i32
    "tpu.region"() ({
      %run_scoped3A = tpu.sem_alloc : memref<!tpu.dma_semaphore, #tpu.memory_space<semaphore_mem>>
      tpu.enqueue_dma source(%arg5 : memref<128x128xf32, #tpu.memory_space<hbm>>) target(%arg10 : memref<128x128xf32, #tpu.memory_space<vmem>>) target_semaphore(%run_scoped3A : memref<!tpu.dma_semaphore, #tpu.memory_space<semaphore_mem>>)
      tpu.wait_dma2 semaphore(%run_scoped3A : memref<!tpu.dma_semaphore, #tpu.memory_space<semaphore_mem>>) src(%arg5 : memref<128x128xf32, #tpu.memory_space<hbm>>) dst(%arg10 : memref<128x128xf32, #tpu.memory_space<vmem>>)
      tpu.yield
    }) : () -> ()
    %scan3A = arith.constant 0 : i32
    %scan3A_1 = arith.constant 0 : i32
    %scan3A_2 = arith.constant 5 : i32
    %scan3A_3 = arith.addi %scan3A_1, %scan3A_2 : i32
    %scan3A_4 = arith.constant 1 : i32
    %scan3A_5 = scf.for %scan3A_22 = %scan3A_1 to %scan3A_3 step %scan3A_4 iter_args(%scan3A_23 = %scan3A) -> (i32)  : i32 {
      %mul3A_24 = arith.constant 640 : i32
      %mul3A_25 = arith.muli %arg1, %mul3A_24 : i32
      %mul3A_26 = arith.constant 128 : i32
      %mul3A_27 = arith.muli %scan3A_22, %mul3A_26 : i32
      %add3A_28 = arith.addi %mul3A_25, %mul3A_27 : i32
      "tpu.region"() ({
        %run_scoped3A = tpu.sem_alloc : memref<!tpu.dma_semaphore, #tpu.memory_space<semaphore_mem>>
        %dma_start3A = arith.constant 0 : i32
        %dma_start3A_30 = tpu.memref_slice %arg11[%add3A_28, %dma_start3A] : memref<10240x128xf32, #tpu.memory_space<vmem_shared>> -> memref<128x128xf32, #tpu.memory_space<vmem_shared>>
        %dma_start3A_31 = arith.constant 0 : i32
        %dma_start3A_32 = tpu.memref_slice %arg11[%add3A_28, %dma_start3A_31] : memref<10240x128xf32, #tpu.memory_space<vmem_shared>> -> memref<128x128xf32, #tpu.memory_space<vmem_shared>>
        tpu.enqueue_dma source(%arg10 : memref<128x128xf32, #tpu.memory_space<vmem>>) target(%dma_start3A_32 : memref<128x128xf32, #tpu.memory_space<vmem_shared>>) target_semaphore(%run_scoped3A : memref<!tpu.dma_semaphore, #tpu.memory_space<semaphore_mem>>)
        %dma_wait3A = arith.constant 0 : i32
        %dma_wait3A_33 = tpu.memref_slice %arg11[%add3A_28, %dma_wait3A] : memref<10240x128xf32, #tpu.memory_space<vmem_shared>> -> memref<128x128xf32, #tpu.memory_space<vmem_shared>>
        %dma_wait3A_34 = arith.constant 0 : i32
        %dma_wait3A_35 = tpu.memref_slice %arg11[%add3A_28, %dma_wait3A_34] : memref<10240x128xf32, #tpu.memory_space<vmem_shared>> -> memref<128x128xf32, #tpu.memory_space<vmem_shared>>
        tpu.wait_dma2 semaphore(%run_scoped3A : memref<!tpu.dma_semaphore, #tpu.memory_space<semaphore_mem>>) src(%arg10 : memref<128x128xf32, #tpu.memory_space<vmem>>) dst(%dma_wait3A_35 : memref<128x128xf32, #tpu.memory_space<vmem_shared>>)
        tpu.yield
      }) : () -> ()
      %scan3A_29 = arith.constant 0 : i32
      scf.yield %scan3A_29 : i32
    }
    %scan3A_6 = arith.constant 5 : i32
    %barrier3A = arith.constant 0 : index
    tpu.barrier barrier_id(%barrier3A)
    %scan3A_7 = arith.constant 0 : i32
    %scan3A_8 = arith.constant 0 : i32
    %scan3A_9 = arith.constant 79 : i32
    %scan3A_10 = arith.addi %scan3A_8, %scan3A_9 : i32
    %scan3A_11 = arith.constant 1 : i32
    %scan3A_12 = scf.for %scan3A_22 = %scan3A_8 to %scan3A_10 step %scan3A_11 iter_args(%scan3A_23 = %scan3A_7) -> (i32)  : i32 {
      %mul3A_24 = arith.constant 10112 : i32
      %mul3A_25 = arith.muli %add3A, %mul3A_24 : i32
      %mul3A_26 = arith.constant 128 : i32
      %mul3A_27 = arith.muli %scan3A_22, %mul3A_26 : i32
      %add3A_28 = arith.addi %mul3A_25, %mul3A_27 : i32
      %dma_start3A = tpu.memref_slice %arg3[%add3A_28] : memref<323584xi32, #tpu.memory_space<hbm>> -> memref<128xi32, #tpu.memory_space<hbm>>
      %dma_start3A_29 = tpu.memref_slice %arg3[%add3A_28] : memref<323584xi32, #tpu.memory_space<hbm>> -> memref<128xi32, #tpu.memory_space<hbm>>
      tpu.enqueue_dma source(%dma_start3A_29 : memref<128xi32, #tpu.memory_space<hbm>>) target(%arg7 : memref<128xi32, #tpu.memory_space<vmem>>) target_semaphore(%arg12 : memref<!tpu.dma_semaphore, #tpu.memory_space<semaphore_mem>>)
      %dma_start3A_30 = tpu.memref_slice %arg4[%add3A_28] : memref<323584xi32, #tpu.memory_space<hbm>> -> memref<128xi32, #tpu.memory_space<hbm>>
      %dma_start3A_31 = tpu.memref_slice %arg4[%add3A_28] : memref<323584xi32, #tpu.memory_space<hbm>> -> memref<128xi32, #tpu.memory_space<hbm>>
      tpu.enqueue_dma source(%dma_start3A_31 : memref<128xi32, #tpu.memory_space<hbm>>) target(%arg8 : memref<128xi32, #tpu.memory_space<vmem>>) target_semaphore(%arg12 : memref<!tpu.dma_semaphore, #tpu.memory_space<semaphore_mem>>)
      %dma_wait3A = tpu.memref_slice %arg3[%add3A_28] : memref<323584xi32, #tpu.memory_space<hbm>> -> memref<128xi32, #tpu.memory_space<hbm>>
      %dma_wait3A_32 = tpu.memref_slice %arg3[%add3A_28] : memref<323584xi32, #tpu.memory_space<hbm>> -> memref<128xi32, #tpu.memory_space<hbm>>
      tpu.wait_dma2 semaphore(%arg12 : memref<!tpu.dma_semaphore, #tpu.memory_space<semaphore_mem>>) src(%dma_wait3A_32 : memref<128xi32, #tpu.memory_space<hbm>>) dst(%arg7 : memref<128xi32, #tpu.memory_space<vmem>>)
      %dma_wait3A_33 = tpu.memref_slice %arg4[%add3A_28] : memref<323584xi32, #tpu.memory_space<hbm>> -> memref<128xi32, #tpu.memory_space<hbm>>
      %dma_wait3A_34 = tpu.memref_slice %arg4[%add3A_28] : memref<323584xi32, #tpu.memory_space<hbm>> -> memref<128xi32, #tpu.memory_space<hbm>>
      tpu.wait_dma2 semaphore(%arg12 : memref<!tpu.dma_semaphore, #tpu.memory_space<semaphore_mem>>) src(%dma_wait3A_34 : memref<128xi32, #tpu.memory_space<hbm>>) dst(%arg8 : memref<128xi32, #tpu.memory_space<vmem>>)
      %dma_start3A_35 = arith.constant 0 : i32
      %dma_start3A_36 = arith.constant 0 : i32
      %dma_start3A_37 = tpu.memref_slice %arg2[%dma_start3A_35, %dma_start3A_36] : memref<10000x128xf32, #tpu.memory_space<hbm>> -> memref<10000x128xf32, #tpu.memory_space<hbm>>
      tpu.enqueue_indirect_dma source(%dma_start3A_37 : memref<10000x128xf32, #tpu.memory_space<hbm>>) target(%arg9 : memref<128x128xf32, #tpu.memory_space<vmem>>) offsets(%arg7 : memref<128xi32, #tpu.memory_space<vmem>>) semaphore(%arg12 : memref<!tpu.dma_semaphore, #tpu.memory_space<semaphore_mem>>)
      %dma_wait3A_38 = arith.constant 0 : i32
      %dma_wait3A_39 = arith.constant 0 : i32
      %dma_wait3A_40 = tpu.memref_slice %arg2[%dma_wait3A_38, %dma_wait3A_39] : memref<10000x128xf32, #tpu.memory_space<hbm>> -> memref<10000x128xf32, #tpu.memory_space<hbm>>
      tpu.wait_indirect_dma semaphore(%arg12 : memref<!tpu.dma_semaphore, #tpu.memory_space<semaphore_mem>>) src(%dma_wait3A_40 : memref<10000x128xf32, #tpu.memory_space<hbm>>) dst(%arg9 : memref<128x128xf32, #tpu.memory_space<vmem>>)
      "tpu.region"() ({
        %run_scoped3A = tpu.sem_alloc : memref<!tpu.dma_semaphore, #tpu.memory_space<semaphore_mem>>
        %dma_start3A_42 = arith.constant 0 : i32
        %dma_start3A_43 = arith.constant 0 : i32
        %dma_start3A_44 = tpu.memref_slice %arg11[%dma_start3A_42, %dma_start3A_43] : memref<10240x128xf32, #tpu.memory_space<vmem_shared>> -> memref<10240x128xf32, #tpu.memory_space<vmem_shared>>
        tpu.enqueue_indirect_dma source(%arg9 : memref<128x128xf32, #tpu.memory_space<vmem>>) target(%dma_start3A_44 : memref<10240x128xf32, #tpu.memory_space<vmem_shared>>) offsets(%arg8 : memref<128xi32, #tpu.memory_space<vmem>>) semaphore(%run_scoped3A : memref<!tpu.dma_semaphore, #tpu.memory_space<semaphore_mem>>) {add = true}
        %dma_wait3A_45 = arith.constant 0 : i32
        %dma_wait3A_46 = arith.constant 0 : i32
        %dma_wait3A_47 = tpu.memref_slice %arg11[%dma_wait3A_45, %dma_wait3A_46] : memref<10240x128xf32, #tpu.memory_space<vmem_shared>> -> memref<10240x128xf32, #tpu.memory_space<vmem_shared>>
        tpu.wait_indirect_dma semaphore(%run_scoped3A : memref<!tpu.dma_semaphore, #tpu.memory_space<semaphore_mem>>) src(%arg9 : memref<128x128xf32, #tpu.memory_space<vmem>>) dst(%dma_wait3A_47 : memref<10240x128xf32, #tpu.memory_space<vmem_shared>>)
        tpu.yield
      }) : () -> ()
      %scan3A_41 = arith.constant 0 : i32
      scf.yield %scan3A_41 : i32
    }
    %scan3A_13 = arith.constant 79 : i32
    %barrier3A_14 = arith.constant 0 : index
    tpu.barrier barrier_id(%barrier3A_14)
    %scan3A_15 = arith.constant 0 : i32
    %scan3A_16 = arith.constant 0 : i32
    %scan3A_17 = arith.constant 5 : i32
    %scan3A_18 = arith.addi %scan3A_16, %scan3A_17 : i32
    %scan3A_19 = arith.constant 1 : i32
    %scan3A_20 = scf.for %scan3A_22 = %scan3A_16 to %scan3A_18 step %scan3A_19 iter_args(%scan3A_23 = %scan3A_15) -> (i32)  : i32 {
      %mul3A_24 = arith.constant 640 : i32
      %mul3A_25 = arith.muli %arg1, %mul3A_24 : i32
      %mul3A_26 = arith.constant 128 : i32
      %mul3A_27 = arith.muli %scan3A_22, %mul3A_26 : i32
      %add3A_28 = arith.addi %mul3A_25, %mul3A_27 : i32
      "tpu.region"() ({
        %run_scoped3A = tpu.sem_alloc : memref<!tpu.dma_semaphore, #tpu.memory_space<semaphore_mem>>
        %dma_start3A = arith.constant 0 : i32
        %dma_start3A_30 = tpu.memref_slice %arg11[%add3A_28, %dma_start3A] : memref<10240x128xf32, #tpu.memory_space<vmem_shared>> -> memref<128x128xf32, #tpu.memory_space<vmem_shared>>
        %dma_start3A_31 = arith.constant 0 : i32
        %dma_start3A_32 = tpu.memref_slice %arg11[%add3A_28, %dma_start3A_31] : memref<10240x128xf32, #tpu.memory_space<vmem_shared>> -> memref<128x128xf32, #tpu.memory_space<vmem_shared>>
        tpu.enqueue_dma source(%dma_start3A_32 : memref<128x128xf32, #tpu.memory_space<vmem_shared>>) target(%arg10 : memref<128x128xf32, #tpu.memory_space<vmem>>) target_semaphore(%run_scoped3A : memref<!tpu.dma_semaphore, #tpu.memory_space<semaphore_mem>>)
        %dma_wait3A = arith.constant 0 : i32
        %dma_wait3A_33 = tpu.memref_slice %arg11[%add3A_28, %dma_wait3A] : memref<10240x128xf32, #tpu.memory_space<vmem_shared>> -> memref<128x128xf32, #tpu.memory_space<vmem_shared>>
        %dma_wait3A_34 = arith.constant 0 : i32
        %dma_wait3A_35 = tpu.memref_slice %arg11[%add3A_28, %dma_wait3A_34] : memref<10240x128xf32, #tpu.memory_space<vmem_shared>> -> memref<128x128xf32, #tpu.memory_space<vmem_shared>>
        tpu.wait_dma2 semaphore(%run_scoped3A : memref<!tpu.dma_semaphore, #tpu.memory_space<semaphore_mem>>) src(%dma_wait3A_35 : memref<128x128xf32, #tpu.memory_space<vmem_shared>>) dst(%arg10 : memref<128x128xf32, #tpu.memory_space<vmem>>)
        tpu.yield
      }) : () -> ()
      "tpu.region"() ({
        %run_scoped3A = tpu.sem_alloc : memref<!tpu.dma_semaphore, #tpu.memory_space<semaphore_mem>>
        %dma_start3A = arith.constant 0 : i32
        %dma_start3A_30 = tpu.memref_slice %arg6[%arg0, %add3A_28, %dma_start3A] : memref<2x10240x128xf32, #tpu.memory_space<hbm>> -> memref<1x128x128xf32, #tpu.memory_space<hbm>>
        %dma_start3A_31 = tpu.memref_squeeze %dma_start3A_30 : memref<1x128x128xf32, #tpu.memory_space<hbm>> -> memref<128x128xf32, #tpu.memory_space<hbm>>
        %dma_start3A_32 = arith.constant 0 : i32
        %dma_start3A_33 = tpu.memref_slice %arg6[%arg0, %add3A_28, %dma_start3A_32] : memref<2x10240x128xf32, #tpu.memory_space<hbm>> -> memref<1x128x128xf32, #tpu.memory_space<hbm>>
        %dma_start3A_34 = tpu.memref_squeeze %dma_start3A_33 : memref<1x128x128xf32, #tpu.memory_space<hbm>> -> memref<128x128xf32, #tpu.memory_space<hbm>>
        tpu.enqueue_dma source(%arg10 : memref<128x128xf32, #tpu.memory_space<vmem>>) target(%dma_start3A_34 : memref<128x128xf32, #tpu.memory_space<hbm>>) target_semaphore(%run_scoped3A : memref<!tpu.dma_semaphore, #tpu.memory_space<semaphore_mem>>)
        %dma_wait3A = arith.constant 0 : i32
        %dma_wait3A_35 = tpu.memref_slice %arg6[%arg0, %add3A_28, %dma_wait3A] : memref<2x10240x128xf32, #tpu.memory_space<hbm>> -> memref<1x128x128xf32, #tpu.memory_space<hbm>>
        %dma_wait3A_36 = tpu.memref_squeeze %dma_wait3A_35 : memref<1x128x128xf32, #tpu.memory_space<hbm>> -> memref<128x128xf32, #tpu.memory_space<hbm>>
        %dma_wait3A_37 = arith.constant 0 : i32
        %dma_wait3A_38 = tpu.memref_slice %arg6[%arg0, %add3A_28, %dma_wait3A_37] : memref<2x10240x128xf32, #tpu.memory_space<hbm>> -> memref<1x128x128xf32, #tpu.memory_space<hbm>>
        %dma_wait3A_39 = tpu.memref_squeeze %dma_wait3A_38 : memref<1x128x128xf32, #tpu.memory_space<hbm>> -> memref<128x128xf32, #tpu.memory_space<hbm>>
        tpu.wait_dma2 semaphore(%run_scoped3A : memref<!tpu.dma_semaphore, #tpu.memory_space<semaphore_mem>>) src(%arg10 : memref<128x128xf32, #tpu.memory_space<vmem>>) dst(%dma_wait3A_39 : memref<128x128xf32, #tpu.memory_space<hbm>>)
        tpu.yield
      }) : () -> ()
      %scan3A_29 = arith.constant 0 : i32
      scf.yield %scan3A_29 : i32
    }
    %scan3A_21 = arith.constant 5 : i32
    return
  }
}

#map = affine_map<(d0, d1) -> (0, 0)>
#map1 = affine_map<(d0, d1) -> (0)>
#map2 = affine_map<(d0, d1) -> (0, 0, 0)>
module attributes {stable_mosaic.version = 14 : i64} {
  func.func @_edge_step(%arg0: i32, %arg1: i32, %arg2: memref<10000x128xf32, #tpu.memory_space<hbm>>, %arg3: memref<323584xi32, #tpu.memory_space<hbm>>, %arg4: memref<323584xi32, #tpu.memory_space<hbm>>, %arg5: memref<128x128xf32, #tpu.memory_space<hbm>>, %arg6: memref<2x10240x128xf32, #tpu.memory_space<hbm>>, %arg7: memref<128xi32, #tpu.memory_space<vmem>>, %arg8: memref<128xi32, #tpu.memory_space<vmem>>, %arg9: memref<128x128xf32, #tpu.memory_space<vmem>>, %arg10: memref<128x128xf32, #tpu.memory_space<vmem>>, %arg11: memref<10240x128xf32, #tpu.memory_space<vmem_shared>>, %arg12: memref<!tpu.dma_semaphore, #tpu.memory_space<semaphore_mem>>) attributes {dimension_semantics = [#tpu.dimension_semantics<core_parallel>, #tpu.dimension_semantics<subcore_parallel>], iteration_bounds = array<i64: 2, 16>, scalar_prefetch = 0 : i64, scratch_operands = 6 : i64, tpu.core_type = #tpu.core_type<sc_vector_subcore>, window_params = [{transform_indices = #map}, {transform_indices = #map1}, {transform_indices = #map1}, {transform_indices = #map}, {transform_indices = #map2}]} {
    %mul3A = arith.constant 16 : i32
    %mul3A_0 = arith.muli %arg0, %mul3A : i32
    %add3A = arith.addi %mul3A_0, %arg1 : i32
    "tpu.region"() ({
      %run_scoped3A = tpu.sem_alloc : memref<!tpu.dma_semaphore, #tpu.memory_space<semaphore_mem>>
      tpu.enqueue_dma source(%arg5 : memref<128x128xf32, #tpu.memory_space<hbm>>) target(%arg10 : memref<128x128xf32, #tpu.memory_space<vmem>>) target_semaphore(%run_scoped3A : memref<!tpu.dma_semaphore, #tpu.memory_space<semaphore_mem>>)
      tpu.wait_dma2 semaphore(%run_scoped3A : memref<!tpu.dma_semaphore, #tpu.memory_space<semaphore_mem>>) src(%arg5 : memref<128x128xf32, #tpu.memory_space<hbm>>) dst(%arg10 : memref<128x128xf32, #tpu.memory_space<vmem>>)
      tpu.yield
    }) : () -> ()
    %scan3A = arith.constant 0 : i32
    %scan3A_1 = arith.constant 0 : i32
    %scan3A_2 = arith.constant 5 : i32
    %scan3A_3 = arith.addi %scan3A_1, %scan3A_2 : i32
    %scan3A_4 = arith.constant 1 : i32
    %scan3A_5 = scf.for %scan3A_22 = %scan3A_1 to %scan3A_3 step %scan3A_4 iter_args(%scan3A_23 = %scan3A) -> (i32)  : i32 {
      %mul3A_24 = arith.constant 640 : i32
      %mul3A_25 = arith.muli %arg1, %mul3A_24 : i32
      %mul3A_26 = arith.constant 128 : i32
      %mul3A_27 = arith.muli %scan3A_22, %mul3A_26 : i32
      %add3A_28 = arith.addi %mul3A_25, %mul3A_27 : i32
      "tpu.region"() ({
        %run_scoped3A = tpu.sem_alloc : memref<!tpu.dma_semaphore, #tpu.memory_space<semaphore_mem>>
        %dma_start3A = arith.constant 0 : i32
        %dma_start3A_30 = tpu.memref_slice %arg11[%add3A_28, %dma_start3A] : memref<10240x128xf32, #tpu.memory_space<vmem_shared>> -> memref<128x128xf32, #tpu.memory_space<vmem_shared>>
        %dma_start3A_31 = arith.constant 0 : i32
        %dma_start3A_32 = tpu.memref_slice %arg11[%add3A_28, %dma_start3A_31] : memref<10240x128xf32, #tpu.memory_space<vmem_shared>> -> memref<128x128xf32, #tpu.memory_space<vmem_shared>>
        tpu.enqueue_dma source(%arg10 : memref<128x128xf32, #tpu.memory_space<vmem>>) target(%dma_start3A_32 : memref<128x128xf32, #tpu.memory_space<vmem_shared>>) target_semaphore(%run_scoped3A : memref<!tpu.dma_semaphore, #tpu.memory_space<semaphore_mem>>)
        %dma_wait3A = arith.constant 0 : i32
        %dma_wait3A_33 = tpu.memref_slice %arg11[%add3A_28, %dma_wait3A] : memref<10240x128xf32, #tpu.memory_space<vmem_shared>> -> memref<128x128xf32, #tpu.memory_space<vmem_shared>>
        %dma_wait3A_34 = arith.constant 0 : i32
        %dma_wait3A_35 = tpu.memref_slice %arg11[%add3A_28, %dma_wait3A_34] : memref<10240x128xf32, #tpu.memory_space<vmem_shared>> -> memref<128x128xf32, #tpu.memory_space<vmem_shared>>
        tpu.wait_dma2 semaphore(%run_scoped3A : memref<!tpu.dma_semaphore, #tpu.memory_space<semaphore_mem>>) src(%arg10 : memref<128x128xf32, #tpu.memory_space<vmem>>) dst(%dma_wait3A_35 : memref<128x128xf32, #tpu.memory_space<vmem_shared>>)
        tpu.yield
      }) : () -> ()
      %scan3A_29 = arith.constant 0 : i32
      scf.yield %scan3A_29 : i32
    }
    %scan3A_6 = arith.constant 5 : i32
    %barrier3A = arith.constant 0 : index
    tpu.barrier barrier_id(%barrier3A)
    %scan3A_7 = arith.constant 0 : i32
    %scan3A_8 = arith.constant 0 : i32
    %scan3A_9 = arith.constant 79 : i32
    %scan3A_10 = arith.addi %scan3A_8, %scan3A_9 : i32
    %scan3A_11 = arith.constant 1 : i32
    %scan3A_12 = scf.for %scan3A_22 = %scan3A_8 to %scan3A_10 step %scan3A_11 iter_args(%scan3A_23 = %scan3A_7) -> (i32)  : i32 {
      %mul3A_24 = arith.constant 10112 : i32
      %mul3A_25 = arith.muli %add3A, %mul3A_24 : i32
      %mul3A_26 = arith.constant 128 : i32
      %mul3A_27 = arith.muli %scan3A_22, %mul3A_26 : i32
      %add3A_28 = arith.addi %mul3A_25, %mul3A_27 : i32
      %dma_start3A = tpu.memref_slice %arg3[%add3A_28] : memref<323584xi32, #tpu.memory_space<hbm>> -> memref<128xi32, #tpu.memory_space<hbm>>
      %dma_start3A_29 = tpu.memref_slice %arg3[%add3A_28] : memref<323584xi32, #tpu.memory_space<hbm>> -> memref<128xi32, #tpu.memory_space<hbm>>
      tpu.enqueue_dma source(%dma_start3A_29 : memref<128xi32, #tpu.memory_space<hbm>>) target(%arg7 : memref<128xi32, #tpu.memory_space<vmem>>) target_semaphore(%arg12 : memref<!tpu.dma_semaphore, #tpu.memory_space<semaphore_mem>>)
      %dma_start3A_30 = tpu.memref_slice %arg4[%add3A_28] : memref<323584xi32, #tpu.memory_space<hbm>> -> memref<128xi32, #tpu.memory_space<hbm>>
      %dma_start3A_31 = tpu.memref_slice %arg4[%add3A_28] : memref<323584xi32, #tpu.memory_space<hbm>> -> memref<128xi32, #tpu.memory_space<hbm>>
      tpu.enqueue_dma source(%dma_start3A_31 : memref<128xi32, #tpu.memory_space<hbm>>) target(%arg8 : memref<128xi32, #tpu.memory_space<vmem>>) target_semaphore(%arg12 : memref<!tpu.dma_semaphore, #tpu.memory_space<semaphore_mem>>)
      %dma_wait3A = tpu.memref_slice %arg3[%add3A_28] : memref<323584xi32, #tpu.memory_space<hbm>> -> memref<128xi32, #tpu.memory_space<hbm>>
      %dma_wait3A_32 = tpu.memref_slice %arg3[%add3A_28] : memref<323584xi32, #tpu.memory_space<hbm>> -> memref<128xi32, #tpu.memory_space<hbm>>
      tpu.wait_dma2 semaphore(%arg12 : memref<!tpu.dma_semaphore, #tpu.memory_space<semaphore_mem>>) src(%dma_wait3A_32 : memref<128xi32, #tpu.memory_space<hbm>>) dst(%arg7 : memref<128xi32, #tpu.memory_space<vmem>>)
      %dma_wait3A_33 = tpu.memref_slice %arg4[%add3A_28] : memref<323584xi32, #tpu.memory_space<hbm>> -> memref<128xi32, #tpu.memory_space<hbm>>
      %dma_wait3A_34 = tpu.memref_slice %arg4[%add3A_28] : memref<323584xi32, #tpu.memory_space<hbm>> -> memref<128xi32, #tpu.memory_space<hbm>>
      tpu.wait_dma2 semaphore(%arg12 : memref<!tpu.dma_semaphore, #tpu.memory_space<semaphore_mem>>) src(%dma_wait3A_34 : memref<128xi32, #tpu.memory_space<hbm>>) dst(%arg8 : memref<128xi32, #tpu.memory_space<vmem>>)
      %dma_start3A_35 = arith.constant 0 : i32
      %dma_start3A_36 = arith.constant 0 : i32
      %dma_start3A_37 = tpu.memref_slice %arg2[%dma_start3A_35, %dma_start3A_36] : memref<10000x128xf32, #tpu.memory_space<hbm>> -> memref<10000x128xf32, #tpu.memory_space<hbm>>
      tpu.enqueue_indirect_dma source(%dma_start3A_37 : memref<10000x128xf32, #tpu.memory_space<hbm>>) target(%arg9 : memref<128x128xf32, #tpu.memory_space<vmem>>) offsets(%arg7 : memref<128xi32, #tpu.memory_space<vmem>>) semaphore(%arg12 : memref<!tpu.dma_semaphore, #tpu.memory_space<semaphore_mem>>)
      %dma_wait3A_38 = arith.constant 0 : i32
      %dma_wait3A_39 = arith.constant 0 : i32
      %dma_wait3A_40 = tpu.memref_slice %arg2[%dma_wait3A_38, %dma_wait3A_39] : memref<10000x128xf32, #tpu.memory_space<hbm>> -> memref<10000x128xf32, #tpu.memory_space<hbm>>
      tpu.wait_indirect_dma semaphore(%arg12 : memref<!tpu.dma_semaphore, #tpu.memory_space<semaphore_mem>>) src(%dma_wait3A_40 : memref<10000x128xf32, #tpu.memory_space<hbm>>) dst(%arg9 : memref<128x128xf32, #tpu.memory_space<vmem>>)
      "tpu.region"() ({
        %run_scoped3A = tpu.sem_alloc : memref<!tpu.dma_semaphore, #tpu.memory_space<semaphore_mem>>
        %dma_start3A_42 = arith.constant 0 : i32
        %dma_start3A_43 = arith.constant 0 : i32
        %dma_start3A_44 = tpu.memref_slice %arg11[%dma_start3A_42, %dma_start3A_43] : memref<10240x128xf32, #tpu.memory_space<vmem_shared>> -> memref<10240x128xf32, #tpu.memory_space<vmem_shared>>
        tpu.enqueue_indirect_dma source(%arg9 : memref<128x128xf32, #tpu.memory_space<vmem>>) target(%dma_start3A_44 : memref<10240x128xf32, #tpu.memory_space<vmem_shared>>) offsets(%arg8 : memref<128xi32, #tpu.memory_space<vmem>>) semaphore(%run_scoped3A : memref<!tpu.dma_semaphore, #tpu.memory_space<semaphore_mem>>) {add = true}
        %dma_wait3A_45 = arith.constant 0 : i32
        %dma_wait3A_46 = arith.constant 0 : i32
        %dma_wait3A_47 = tpu.memref_slice %arg11[%dma_wait3A_45, %dma_wait3A_46] : memref<10240x128xf32, #tpu.memory_space<vmem_shared>> -> memref<10240x128xf32, #tpu.memory_space<vmem_shared>>
        tpu.wait_indirect_dma semaphore(%run_scoped3A : memref<!tpu.dma_semaphore, #tpu.memory_space<semaphore_mem>>) src(%arg9 : memref<128x128xf32, #tpu.memory_space<vmem>>) dst(%dma_wait3A_47 : memref<10240x128xf32, #tpu.memory_space<vmem_shared>>)
        tpu.yield
      }) : () -> ()
      %scan3A_41 = arith.constant 0 : i32
      scf.yield %scan3A_41 : i32
    }
    %scan3A_13 = arith.constant 79 : i32
    %barrier3A_14 = arith.constant 0 : index
    tpu.barrier barrier_id(%barrier3A_14)
    %scan3A_15 = arith.constant 0 : i32
    %scan3A_16 = arith.constant 0 : i32
    %scan3A_17 = arith.constant 5 : i32
    %scan3A_18 = arith.addi %scan3A_16, %scan3A_17 : i32
    %scan3A_19 = arith.constant 1 : i32
    %scan3A_20 = scf.for %scan3A_22 = %scan3A_16 to %scan3A_18 step %scan3A_19 iter_args(%scan3A_23 = %scan3A_15) -> (i32)  : i32 {
      %mul3A_24 = arith.constant 640 : i32
      %mul3A_25 = arith.muli %arg1, %mul3A_24 : i32
      %mul3A_26 = arith.constant 128 : i32
      %mul3A_27 = arith.muli %scan3A_22, %mul3A_26 : i32
      %add3A_28 = arith.addi %mul3A_25, %mul3A_27 : i32
      "tpu.region"() ({
        %run_scoped3A = tpu.sem_alloc : memref<!tpu.dma_semaphore, #tpu.memory_space<semaphore_mem>>
        %dma_start3A = arith.constant 0 : i32
        %dma_start3A_30 = tpu.memref_slice %arg11[%add3A_28, %dma_start3A] : memref<10240x128xf32, #tpu.memory_space<vmem_shared>> -> memref<128x128xf32, #tpu.memory_space<vmem_shared>>
        %dma_start3A_31 = arith.constant 0 : i32
        %dma_start3A_32 = tpu.memref_slice %arg11[%add3A_28, %dma_start3A_31] : memref<10240x128xf32, #tpu.memory_space<vmem_shared>> -> memref<128x128xf32, #tpu.memory_space<vmem_shared>>
        tpu.enqueue_dma source(%dma_start3A_32 : memref<128x128xf32, #tpu.memory_space<vmem_shared>>) target(%arg10 : memref<128x128xf32, #tpu.memory_space<vmem>>) target_semaphore(%run_scoped3A : memref<!tpu.dma_semaphore, #tpu.memory_space<semaphore_mem>>)
        %dma_wait3A = arith.constant 0 : i32
        %dma_wait3A_33 = tpu.memref_slice %arg11[%add3A_28, %dma_wait3A] : memref<10240x128xf32, #tpu.memory_space<vmem_shared>> -> memref<128x128xf32, #tpu.memory_space<vmem_shared>>
        %dma_wait3A_34 = arith.constant 0 : i32
        %dma_wait3A_35 = tpu.memref_slice %arg11[%add3A_28, %dma_wait3A_34] : memref<10240x128xf32, #tpu.memory_space<vmem_shared>> -> memref<128x128xf32, #tpu.memory_space<vmem_shared>>
        tpu.wait_dma2 semaphore(%run_scoped3A : memref<!tpu.dma_semaphore, #tpu.memory_space<semaphore_mem>>) src(%dma_wait3A_35 : memref<128x128xf32, #tpu.memory_space<vmem_shared>>) dst(%arg10 : memref<128x128xf32, #tpu.memory_space<vmem>>)
        tpu.yield
      }) : () -> ()
      "tpu.region"() ({
        %run_scoped3A = tpu.sem_alloc : memref<!tpu.dma_semaphore, #tpu.memory_space<semaphore_mem>>
        %dma_start3A = arith.constant 0 : i32
        %dma_start3A_30 = tpu.memref_slice %arg6[%arg0, %add3A_28, %dma_start3A] : memref<2x10240x128xf32, #tpu.memory_space<hbm>> -> memref<1x128x128xf32, #tpu.memory_space<hbm>>
        %dma_start3A_31 = tpu.memref_squeeze %dma_start3A_30 : memref<1x128x128xf32, #tpu.memory_space<hbm>> -> memref<128x128xf32, #tpu.memory_space<hbm>>
        %dma_start3A_32 = arith.constant 0 : i32
        %dma_start3A_33 = tpu.memref_slice %arg6[%arg0, %add3A_28, %dma_start3A_32] : memref<2x10240x128xf32, #tpu.memory_space<hbm>> -> memref<1x128x128xf32, #tpu.memory_space<hbm>>
        %dma_start3A_34 = tpu.memref_squeeze %dma_start3A_33 : memref<1x128x128xf32, #tpu.memory_space<hbm>> -> memref<128x128xf32, #tpu.memory_space<hbm>>
        tpu.enqueue_dma source(%arg10 : memref<128x128xf32, #tpu.memory_space<vmem>>) target(%dma_start3A_34 : memref<128x128xf32, #tpu.memory_space<hbm>>) target_semaphore(%run_scoped3A : memref<!tpu.dma_semaphore, #tpu.memory_space<semaphore_mem>>)
        %dma_wait3A = arith.constant 0 : i32
        %dma_wait3A_35 = tpu.memref_slice %arg6[%arg0, %add3A_28, %dma_wait3A] : memref<2x10240x128xf32, #tpu.memory_space<hbm>> -> memref<1x128x128xf32, #tpu.memory_space<hbm>>
        %dma_wait3A_36 = tpu.memref_squeeze %dma_wait3A_35 : memref<1x128x128xf32, #tpu.memory_space<hbm>> -> memref<128x128xf32, #tpu.memory_space<hbm>>
        %dma_wait3A_37 = arith.constant 0 : i32
        %dma_wait3A_38 = tpu.memref_slice %arg6[%arg0, %add3A_28, %dma_wait3A_37] : memref<2x10240x128xf32, #tpu.memory_space<hbm>> -> memref<1x128x128xf32, #tpu.memory_space<hbm>>
        %dma_wait3A_39 = tpu.memref_squeeze %dma_wait3A_38 : memref<1x128x128xf32, #tpu.memory_space<hbm>> -> memref<128x128xf32, #tpu.memory_space<hbm>>
        tpu.wait_dma2 semaphore(%run_scoped3A : memref<!tpu.dma_semaphore, #tpu.memory_space<semaphore_mem>>) src(%arg10 : memref<128x128xf32, #tpu.memory_space<vmem>>) dst(%dma_wait3A_39 : memref<128x128xf32, #tpu.memory_space<hbm>>)
        tpu.yield
      }) : () -> ()
      %scan3A_29 = arith.constant 0 : i32
      scf.yield %scan3A_29 : i32
    }
    %scan3A_21 = arith.constant 5 : i32
    return
  }
}

#map = affine_map<(d0, d1) -> (0, 0)>
#map1 = affine_map<(d0, d1) -> (0)>
#map2 = affine_map<(d0, d1) -> (0, 0, 0)>
module attributes {stable_mosaic.version = 14 : i64} {
  func.func @_edge_step(%arg0: i32, %arg1: i32, %arg2: memref<10000x128xf32, #tpu.memory_space<hbm>>, %arg3: memref<323584xi32, #tpu.memory_space<hbm>>, %arg4: memref<323584xi32, #tpu.memory_space<hbm>>, %arg5: memref<128x128xf32, #tpu.memory_space<hbm>>, %arg6: memref<2x10240x128xf32, #tpu.memory_space<hbm>>, %arg7: memref<128xi32, #tpu.memory_space<vmem>>, %arg8: memref<128xi32, #tpu.memory_space<vmem>>, %arg9: memref<128x128xf32, #tpu.memory_space<vmem>>, %arg10: memref<128x128xf32, #tpu.memory_space<vmem>>, %arg11: memref<10240x128xf32, #tpu.memory_space<vmem_shared>>, %arg12: memref<!tpu.dma_semaphore, #tpu.memory_space<semaphore_mem>>) attributes {dimension_semantics = [#tpu.dimension_semantics<core_parallel>, #tpu.dimension_semantics<subcore_parallel>], iteration_bounds = array<i64: 2, 16>, scalar_prefetch = 0 : i64, scratch_operands = 6 : i64, tpu.core_type = #tpu.core_type<sc_vector_subcore>, window_params = [{transform_indices = #map}, {transform_indices = #map1}, {transform_indices = #map1}, {transform_indices = #map}, {transform_indices = #map2}]} {
    %mul3A = arith.constant 16 : i32
    %mul3A_0 = arith.muli %arg0, %mul3A : i32
    %add3A = arith.addi %mul3A_0, %arg1 : i32
    "tpu.region"() ({
      %run_scoped3A = tpu.sem_alloc : memref<!tpu.dma_semaphore, #tpu.memory_space<semaphore_mem>>
      tpu.enqueue_dma source(%arg5 : memref<128x128xf32, #tpu.memory_space<hbm>>) target(%arg10 : memref<128x128xf32, #tpu.memory_space<vmem>>) target_semaphore(%run_scoped3A : memref<!tpu.dma_semaphore, #tpu.memory_space<semaphore_mem>>)
      tpu.wait_dma2 semaphore(%run_scoped3A : memref<!tpu.dma_semaphore, #tpu.memory_space<semaphore_mem>>) src(%arg5 : memref<128x128xf32, #tpu.memory_space<hbm>>) dst(%arg10 : memref<128x128xf32, #tpu.memory_space<vmem>>)
      tpu.yield
    }) : () -> ()
    %scan3A = arith.constant 0 : i32
    %scan3A_1 = arith.constant 0 : i32
    %scan3A_2 = arith.constant 5 : i32
    %scan3A_3 = arith.addi %scan3A_1, %scan3A_2 : i32
    %scan3A_4 = arith.constant 1 : i32
    %scan3A_5 = scf.for %scan3A_22 = %scan3A_1 to %scan3A_3 step %scan3A_4 iter_args(%scan3A_23 = %scan3A) -> (i32)  : i32 {
      %mul3A_24 = arith.constant 640 : i32
      %mul3A_25 = arith.muli %arg1, %mul3A_24 : i32
      %mul3A_26 = arith.constant 128 : i32
      %mul3A_27 = arith.muli %scan3A_22, %mul3A_26 : i32
      %add3A_28 = arith.addi %mul3A_25, %mul3A_27 : i32
      "tpu.region"() ({
        %run_scoped3A = tpu.sem_alloc : memref<!tpu.dma_semaphore, #tpu.memory_space<semaphore_mem>>
        %dma_start3A = arith.constant 0 : i32
        %dma_start3A_30 = tpu.memref_slice %arg11[%add3A_28, %dma_start3A] : memref<10240x128xf32, #tpu.memory_space<vmem_shared>> -> memref<128x128xf32, #tpu.memory_space<vmem_shared>>
        %dma_start3A_31 = arith.constant 0 : i32
        %dma_start3A_32 = tpu.memref_slice %arg11[%add3A_28, %dma_start3A_31] : memref<10240x128xf32, #tpu.memory_space<vmem_shared>> -> memref<128x128xf32, #tpu.memory_space<vmem_shared>>
        tpu.enqueue_dma source(%arg10 : memref<128x128xf32, #tpu.memory_space<vmem>>) target(%dma_start3A_32 : memref<128x128xf32, #tpu.memory_space<vmem_shared>>) target_semaphore(%run_scoped3A : memref<!tpu.dma_semaphore, #tpu.memory_space<semaphore_mem>>)
        %dma_wait3A = arith.constant 0 : i32
        %dma_wait3A_33 = tpu.memref_slice %arg11[%add3A_28, %dma_wait3A] : memref<10240x128xf32, #tpu.memory_space<vmem_shared>> -> memref<128x128xf32, #tpu.memory_space<vmem_shared>>
        %dma_wait3A_34 = arith.constant 0 : i32
        %dma_wait3A_35 = tpu.memref_slice %arg11[%add3A_28, %dma_wait3A_34] : memref<10240x128xf32, #tpu.memory_space<vmem_shared>> -> memref<128x128xf32, #tpu.memory_space<vmem_shared>>
        tpu.wait_dma2 semaphore(%run_scoped3A : memref<!tpu.dma_semaphore, #tpu.memory_space<semaphore_mem>>) src(%arg10 : memref<128x128xf32, #tpu.memory_space<vmem>>) dst(%dma_wait3A_35 : memref<128x128xf32, #tpu.memory_space<vmem_shared>>)
        tpu.yield
      }) : () -> ()
      %scan3A_29 = arith.constant 0 : i32
      scf.yield %scan3A_29 : i32
    }
    %scan3A_6 = arith.constant 5 : i32
    %barrier3A = arith.constant 0 : index
    tpu.barrier barrier_id(%barrier3A)
    %scan3A_7 = arith.constant 0 : i32
    %scan3A_8 = arith.constant 0 : i32
    %scan3A_9 = arith.constant 79 : i32
    %scan3A_10 = arith.addi %scan3A_8, %scan3A_9 : i32
    %scan3A_11 = arith.constant 1 : i32
    %scan3A_12 = scf.for %scan3A_22 = %scan3A_8 to %scan3A_10 step %scan3A_11 iter_args(%scan3A_23 = %scan3A_7) -> (i32)  : i32 {
      %mul3A_24 = arith.constant 10112 : i32
      %mul3A_25 = arith.muli %add3A, %mul3A_24 : i32
      %mul3A_26 = arith.constant 128 : i32
      %mul3A_27 = arith.muli %scan3A_22, %mul3A_26 : i32
      %add3A_28 = arith.addi %mul3A_25, %mul3A_27 : i32
      %dma_start3A = tpu.memref_slice %arg3[%add3A_28] : memref<323584xi32, #tpu.memory_space<hbm>> -> memref<128xi32, #tpu.memory_space<hbm>>
      %dma_start3A_29 = tpu.memref_slice %arg3[%add3A_28] : memref<323584xi32, #tpu.memory_space<hbm>> -> memref<128xi32, #tpu.memory_space<hbm>>
      tpu.enqueue_dma source(%dma_start3A_29 : memref<128xi32, #tpu.memory_space<hbm>>) target(%arg7 : memref<128xi32, #tpu.memory_space<vmem>>) target_semaphore(%arg12 : memref<!tpu.dma_semaphore, #tpu.memory_space<semaphore_mem>>)
      %dma_start3A_30 = tpu.memref_slice %arg4[%add3A_28] : memref<323584xi32, #tpu.memory_space<hbm>> -> memref<128xi32, #tpu.memory_space<hbm>>
      %dma_start3A_31 = tpu.memref_slice %arg4[%add3A_28] : memref<323584xi32, #tpu.memory_space<hbm>> -> memref<128xi32, #tpu.memory_space<hbm>>
      tpu.enqueue_dma source(%dma_start3A_31 : memref<128xi32, #tpu.memory_space<hbm>>) target(%arg8 : memref<128xi32, #tpu.memory_space<vmem>>) target_semaphore(%arg12 : memref<!tpu.dma_semaphore, #tpu.memory_space<semaphore_mem>>)
      %dma_wait3A = tpu.memref_slice %arg3[%add3A_28] : memref<323584xi32, #tpu.memory_space<hbm>> -> memref<128xi32, #tpu.memory_space<hbm>>
      %dma_wait3A_32 = tpu.memref_slice %arg3[%add3A_28] : memref<323584xi32, #tpu.memory_space<hbm>> -> memref<128xi32, #tpu.memory_space<hbm>>
      tpu.wait_dma2 semaphore(%arg12 : memref<!tpu.dma_semaphore, #tpu.memory_space<semaphore_mem>>) src(%dma_wait3A_32 : memref<128xi32, #tpu.memory_space<hbm>>) dst(%arg7 : memref<128xi32, #tpu.memory_space<vmem>>)
      %dma_wait3A_33 = tpu.memref_slice %arg4[%add3A_28] : memref<323584xi32, #tpu.memory_space<hbm>> -> memref<128xi32, #tpu.memory_space<hbm>>
      %dma_wait3A_34 = tpu.memref_slice %arg4[%add3A_28] : memref<323584xi32, #tpu.memory_space<hbm>> -> memref<128xi32, #tpu.memory_space<hbm>>
      tpu.wait_dma2 semaphore(%arg12 : memref<!tpu.dma_semaphore, #tpu.memory_space<semaphore_mem>>) src(%dma_wait3A_34 : memref<128xi32, #tpu.memory_space<hbm>>) dst(%arg8 : memref<128xi32, #tpu.memory_space<vmem>>)
      %dma_start3A_35 = arith.constant 0 : i32
      %dma_start3A_36 = arith.constant 0 : i32
      %dma_start3A_37 = tpu.memref_slice %arg2[%dma_start3A_35, %dma_start3A_36] : memref<10000x128xf32, #tpu.memory_space<hbm>> -> memref<10000x128xf32, #tpu.memory_space<hbm>>
      tpu.enqueue_indirect_dma source(%dma_start3A_37 : memref<10000x128xf32, #tpu.memory_space<hbm>>) target(%arg9 : memref<128x128xf32, #tpu.memory_space<vmem>>) offsets(%arg7 : memref<128xi32, #tpu.memory_space<vmem>>) semaphore(%arg12 : memref<!tpu.dma_semaphore, #tpu.memory_space<semaphore_mem>>)
      %dma_wait3A_38 = arith.constant 0 : i32
      %dma_wait3A_39 = arith.constant 0 : i32
      %dma_wait3A_40 = tpu.memref_slice %arg2[%dma_wait3A_38, %dma_wait3A_39] : memref<10000x128xf32, #tpu.memory_space<hbm>> -> memref<10000x128xf32, #tpu.memory_space<hbm>>
      tpu.wait_indirect_dma semaphore(%arg12 : memref<!tpu.dma_semaphore, #tpu.memory_space<semaphore_mem>>) src(%dma_wait3A_40 : memref<10000x128xf32, #tpu.memory_space<hbm>>) dst(%arg9 : memref<128x128xf32, #tpu.memory_space<vmem>>)
      "tpu.region"() ({
        %run_scoped3A = tpu.sem_alloc : memref<!tpu.dma_semaphore, #tpu.memory_space<semaphore_mem>>
        %dma_start3A_42 = arith.constant 0 : i32
        %dma_start3A_43 = arith.constant 0 : i32
        %dma_start3A_44 = tpu.memref_slice %arg11[%dma_start3A_42, %dma_start3A_43] : memref<10240x128xf32, #tpu.memory_space<vmem_shared>> -> memref<10240x128xf32, #tpu.memory_space<vmem_shared>>
        tpu.enqueue_indirect_dma source(%arg9 : memref<128x128xf32, #tpu.memory_space<vmem>>) target(%dma_start3A_44 : memref<10240x128xf32, #tpu.memory_space<vmem_shared>>) offsets(%arg8 : memref<128xi32, #tpu.memory_space<vmem>>) semaphore(%run_scoped3A : memref<!tpu.dma_semaphore, #tpu.memory_space<semaphore_mem>>) {add = true}
        %dma_wait3A_45 = arith.constant 0 : i32
        %dma_wait3A_46 = arith.constant 0 : i32
        %dma_wait3A_47 = tpu.memref_slice %arg11[%dma_wait3A_45, %dma_wait3A_46] : memref<10240x128xf32, #tpu.memory_space<vmem_shared>> -> memref<10240x128xf32, #tpu.memory_space<vmem_shared>>
        tpu.wait_indirect_dma semaphore(%run_scoped3A : memref<!tpu.dma_semaphore, #tpu.memory_space<semaphore_mem>>) src(%arg9 : memref<128x128xf32, #tpu.memory_space<vmem>>) dst(%dma_wait3A_47 : memref<10240x128xf32, #tpu.memory_space<vmem_shared>>)
        tpu.yield
      }) : () -> ()
      %scan3A_41 = arith.constant 0 : i32
      scf.yield %scan3A_41 : i32
    }
    %scan3A_13 = arith.constant 79 : i32
    %barrier3A_14 = arith.constant 0 : index
    tpu.barrier barrier_id(%barrier3A_14)
    %scan3A_15 = arith.constant 0 : i32
    %scan3A_16 = arith.constant 0 : i32
    %scan3A_17 = arith.constant 5 : i32
    %scan3A_18 = arith.addi %scan3A_16, %scan3A_17 : i32
    %scan3A_19 = arith.constant 1 : i32
    %scan3A_20 = scf.for %scan3A_22 = %scan3A_16 to %scan3A_18 step %scan3A_19 iter_args(%scan3A_23 = %scan3A_15) -> (i32)  : i32 {
      %mul3A_24 = arith.constant 640 : i32
      %mul3A_25 = arith.muli %arg1, %mul3A_24 : i32
      %mul3A_26 = arith.constant 128 : i32
      %mul3A_27 = arith.muli %scan3A_22, %mul3A_26 : i32
      %add3A_28 = arith.addi %mul3A_25, %mul3A_27 : i32
      "tpu.region"() ({
        %run_scoped3A = tpu.sem_alloc : memref<!tpu.dma_semaphore, #tpu.memory_space<semaphore_mem>>
        %dma_start3A = arith.constant 0 : i32
        %dma_start3A_30 = tpu.memref_slice %arg11[%add3A_28, %dma_start3A] : memref<10240x128xf32, #tpu.memory_space<vmem_shared>> -> memref<128x128xf32, #tpu.memory_space<vmem_shared>>
        %dma_start3A_31 = arith.constant 0 : i32
        %dma_start3A_32 = tpu.memref_slice %arg11[%add3A_28, %dma_start3A_31] : memref<10240x128xf32, #tpu.memory_space<vmem_shared>> -> memref<128x128xf32, #tpu.memory_space<vmem_shared>>
        tpu.enqueue_dma source(%dma_start3A_32 : memref<128x128xf32, #tpu.memory_space<vmem_shared>>) target(%arg10 : memref<128x128xf32, #tpu.memory_space<vmem>>) target_semaphore(%run_scoped3A : memref<!tpu.dma_semaphore, #tpu.memory_space<semaphore_mem>>)
        %dma_wait3A = arith.constant 0 : i32
        %dma_wait3A_33 = tpu.memref_slice %arg11[%add3A_28, %dma_wait3A] : memref<10240x128xf32, #tpu.memory_space<vmem_shared>> -> memref<128x128xf32, #tpu.memory_space<vmem_shared>>
        %dma_wait3A_34 = arith.constant 0 : i32
        %dma_wait3A_35 = tpu.memref_slice %arg11[%add3A_28, %dma_wait3A_34] : memref<10240x128xf32, #tpu.memory_space<vmem_shared>> -> memref<128x128xf32, #tpu.memory_space<vmem_shared>>
        tpu.wait_dma2 semaphore(%run_scoped3A : memref<!tpu.dma_semaphore, #tpu.memory_space<semaphore_mem>>) src(%dma_wait3A_35 : memref<128x128xf32, #tpu.memory_space<vmem_shared>>) dst(%arg10 : memref<128x128xf32, #tpu.memory_space<vmem>>)
        tpu.yield
      }) : () -> ()
      "tpu.region"() ({
        %run_scoped3A = tpu.sem_alloc : memref<!tpu.dma_semaphore, #tpu.memory_space<semaphore_mem>>
        %dma_start3A = arith.constant 0 : i32
        %dma_start3A_30 = tpu.memref_slice %arg6[%arg0, %add3A_28, %dma_start3A] : memref<2x10240x128xf32, #tpu.memory_space<hbm>> -> memref<1x128x128xf32, #tpu.memory_space<hbm>>
        %dma_start3A_31 = tpu.memref_squeeze %dma_start3A_30 : memref<1x128x128xf32, #tpu.memory_space<hbm>> -> memref<128x128xf32, #tpu.memory_space<hbm>>
        %dma_start3A_32 = arith.constant 0 : i32
        %dma_start3A_33 = tpu.memref_slice %arg6[%arg0, %add3A_28, %dma_start3A_32] : memref<2x10240x128xf32, #tpu.memory_space<hbm>> -> memref<1x128x128xf32, #tpu.memory_space<hbm>>
        %dma_start3A_34 = tpu.memref_squeeze %dma_start3A_33 : memref<1x128x128xf32, #tpu.memory_space<hbm>> -> memref<128x128xf32, #tpu.memory_space<hbm>>
        tpu.enqueue_dma source(%arg10 : memref<128x128xf32, #tpu.memory_space<vmem>>) target(%dma_start3A_34 : memref<128x128xf32, #tpu.memory_space<hbm>>) target_semaphore(%run_scoped3A : memref<!tpu.dma_semaphore, #tpu.memory_space<semaphore_mem>>)
        %dma_wait3A = arith.constant 0 : i32
        %dma_wait3A_35 = tpu.memref_slice %arg6[%arg0, %add3A_28, %dma_wait3A] : memref<2x10240x128xf32, #tpu.memory_space<hbm>> -> memref<1x128x128xf32, #tpu.memory_space<hbm>>
        %dma_wait3A_36 = tpu.memref_squeeze %dma_wait3A_35 : memref<1x128x128xf32, #tpu.memory_space<hbm>> -> memref<128x128xf32, #tpu.memory_space<hbm>>
        %dma_wait3A_37 = arith.constant 0 : i32
        %dma_wait3A_38 = tpu.memref_slice %arg6[%arg0, %add3A_28, %dma_wait3A_37] : memref<2x10240x128xf32, #tpu.memory_space<hbm>> -> memref<1x128x128xf32, #tpu.memory_space<hbm>>
        %dma_wait3A_39 = tpu.memref_squeeze %dma_wait3A_38 : memref<1x128x128xf32, #tpu.memory_space<hbm>> -> memref<128x128xf32, #tpu.memory_space<hbm>>
        tpu.wait_dma2 semaphore(%run_scoped3A : memref<!tpu.dma_semaphore, #tpu.memory_space<semaphore_mem>>) src(%arg10 : memref<128x128xf32, #tpu.memory_space<vmem>>) dst(%dma_wait3A_39 : memref<128x128xf32, #tpu.memory_space<hbm>>)
        tpu.yield
      }) : () -> ()
      %scan3A_29 = arith.constant 0 : i32
      scf.yield %scan3A_29 : i32
    }
    %scan3A_21 = arith.constant 5 : i32
    return
  }
}

#map = affine_map<(d0, d1) -> (0, 0)>
#map1 = affine_map<(d0, d1) -> (0)>
#map2 = affine_map<(d0, d1) -> (0, 0, 0)>
module attributes {stable_mosaic.version = 14 : i64} {
  func.func @_edge_step(%arg0: i32, %arg1: i32, %arg2: memref<10000x128xf32, #tpu.memory_space<hbm>>, %arg3: memref<323584xi32, #tpu.memory_space<hbm>>, %arg4: memref<323584xi32, #tpu.memory_space<hbm>>, %arg5: memref<128x128xf32, #tpu.memory_space<hbm>>, %arg6: memref<2x10240x128xf32, #tpu.memory_space<hbm>>, %arg7: memref<128xi32, #tpu.memory_space<vmem>>, %arg8: memref<128xi32, #tpu.memory_space<vmem>>, %arg9: memref<128x128xf32, #tpu.memory_space<vmem>>, %arg10: memref<128x128xf32, #tpu.memory_space<vmem>>, %arg11: memref<10240x128xf32, #tpu.memory_space<vmem_shared>>, %arg12: memref<!tpu.dma_semaphore, #tpu.memory_space<semaphore_mem>>) attributes {dimension_semantics = [#tpu.dimension_semantics<core_parallel>, #tpu.dimension_semantics<subcore_parallel>], iteration_bounds = array<i64: 2, 16>, scalar_prefetch = 0 : i64, scratch_operands = 6 : i64, tpu.core_type = #tpu.core_type<sc_vector_subcore>, window_params = [{transform_indices = #map}, {transform_indices = #map1}, {transform_indices = #map1}, {transform_indices = #map}, {transform_indices = #map2}]} {
    %mul3A = arith.constant 16 : i32
    %mul3A_0 = arith.muli %arg0, %mul3A : i32
    %add3A = arith.addi %mul3A_0, %arg1 : i32
    "tpu.region"() ({
      %run_scoped3A = tpu.sem_alloc : memref<!tpu.dma_semaphore, #tpu.memory_space<semaphore_mem>>
      tpu.enqueue_dma source(%arg5 : memref<128x128xf32, #tpu.memory_space<hbm>>) target(%arg10 : memref<128x128xf32, #tpu.memory_space<vmem>>) target_semaphore(%run_scoped3A : memref<!tpu.dma_semaphore, #tpu.memory_space<semaphore_mem>>)
      tpu.wait_dma2 semaphore(%run_scoped3A : memref<!tpu.dma_semaphore, #tpu.memory_space<semaphore_mem>>) src(%arg5 : memref<128x128xf32, #tpu.memory_space<hbm>>) dst(%arg10 : memref<128x128xf32, #tpu.memory_space<vmem>>)
      tpu.yield
    }) : () -> ()
    %scan3A = arith.constant 0 : i32
    %scan3A_1 = arith.constant 0 : i32
    %scan3A_2 = arith.constant 5 : i32
    %scan3A_3 = arith.addi %scan3A_1, %scan3A_2 : i32
    %scan3A_4 = arith.constant 1 : i32
    %scan3A_5 = scf.for %scan3A_22 = %scan3A_1 to %scan3A_3 step %scan3A_4 iter_args(%scan3A_23 = %scan3A) -> (i32)  : i32 {
      %mul3A_24 = arith.constant 640 : i32
      %mul3A_25 = arith.muli %arg1, %mul3A_24 : i32
      %mul3A_26 = arith.constant 128 : i32
      %mul3A_27 = arith.muli %scan3A_22, %mul3A_26 : i32
      %add3A_28 = arith.addi %mul3A_25, %mul3A_27 : i32
      "tpu.region"() ({
        %run_scoped3A = tpu.sem_alloc : memref<!tpu.dma_semaphore, #tpu.memory_space<semaphore_mem>>
        %dma_start3A = arith.constant 0 : i32
        %dma_start3A_30 = tpu.memref_slice %arg11[%add3A_28, %dma_start3A] : memref<10240x128xf32, #tpu.memory_space<vmem_shared>> -> memref<128x128xf32, #tpu.memory_space<vmem_shared>>
        %dma_start3A_31 = arith.constant 0 : i32
        %dma_start3A_32 = tpu.memref_slice %arg11[%add3A_28, %dma_start3A_31] : memref<10240x128xf32, #tpu.memory_space<vmem_shared>> -> memref<128x128xf32, #tpu.memory_space<vmem_shared>>
        tpu.enqueue_dma source(%arg10 : memref<128x128xf32, #tpu.memory_space<vmem>>) target(%dma_start3A_32 : memref<128x128xf32, #tpu.memory_space<vmem_shared>>) target_semaphore(%run_scoped3A : memref<!tpu.dma_semaphore, #tpu.memory_space<semaphore_mem>>)
        %dma_wait3A = arith.constant 0 : i32
        %dma_wait3A_33 = tpu.memref_slice %arg11[%add3A_28, %dma_wait3A] : memref<10240x128xf32, #tpu.memory_space<vmem_shared>> -> memref<128x128xf32, #tpu.memory_space<vmem_shared>>
        %dma_wait3A_34 = arith.constant 0 : i32
        %dma_wait3A_35 = tpu.memref_slice %arg11[%add3A_28, %dma_wait3A_34] : memref<10240x128xf32, #tpu.memory_space<vmem_shared>> -> memref<128x128xf32, #tpu.memory_space<vmem_shared>>
        tpu.wait_dma2 semaphore(%run_scoped3A : memref<!tpu.dma_semaphore, #tpu.memory_space<semaphore_mem>>) src(%arg10 : memref<128x128xf32, #tpu.memory_space<vmem>>) dst(%dma_wait3A_35 : memref<128x128xf32, #tpu.memory_space<vmem_shared>>)
        tpu.yield
      }) : () -> ()
      %scan3A_29 = arith.constant 0 : i32
      scf.yield %scan3A_29 : i32
    }
    %scan3A_6 = arith.constant 5 : i32
    %barrier3A = arith.constant 0 : index
    tpu.barrier barrier_id(%barrier3A)
    %scan3A_7 = arith.constant 0 : i32
    %scan3A_8 = arith.constant 0 : i32
    %scan3A_9 = arith.constant 79 : i32
    %scan3A_10 = arith.addi %scan3A_8, %scan3A_9 : i32
    %scan3A_11 = arith.constant 1 : i32
    %scan3A_12 = scf.for %scan3A_22 = %scan3A_8 to %scan3A_10 step %scan3A_11 iter_args(%scan3A_23 = %scan3A_7) -> (i32)  : i32 {
      %mul3A_24 = arith.constant 10112 : i32
      %mul3A_25 = arith.muli %add3A, %mul3A_24 : i32
      %mul3A_26 = arith.constant 128 : i32
      %mul3A_27 = arith.muli %scan3A_22, %mul3A_26 : i32
      %add3A_28 = arith.addi %mul3A_25, %mul3A_27 : i32
      %dma_start3A = tpu.memref_slice %arg3[%add3A_28] : memref<323584xi32, #tpu.memory_space<hbm>> -> memref<128xi32, #tpu.memory_space<hbm>>
      %dma_start3A_29 = tpu.memref_slice %arg3[%add3A_28] : memref<323584xi32, #tpu.memory_space<hbm>> -> memref<128xi32, #tpu.memory_space<hbm>>
      tpu.enqueue_dma source(%dma_start3A_29 : memref<128xi32, #tpu.memory_space<hbm>>) target(%arg7 : memref<128xi32, #tpu.memory_space<vmem>>) target_semaphore(%arg12 : memref<!tpu.dma_semaphore, #tpu.memory_space<semaphore_mem>>)
      %dma_start3A_30 = tpu.memref_slice %arg4[%add3A_28] : memref<323584xi32, #tpu.memory_space<hbm>> -> memref<128xi32, #tpu.memory_space<hbm>>
      %dma_start3A_31 = tpu.memref_slice %arg4[%add3A_28] : memref<323584xi32, #tpu.memory_space<hbm>> -> memref<128xi32, #tpu.memory_space<hbm>>
      tpu.enqueue_dma source(%dma_start3A_31 : memref<128xi32, #tpu.memory_space<hbm>>) target(%arg8 : memref<128xi32, #tpu.memory_space<vmem>>) target_semaphore(%arg12 : memref<!tpu.dma_semaphore, #tpu.memory_space<semaphore_mem>>)
      %dma_wait3A = tpu.memref_slice %arg3[%add3A_28] : memref<323584xi32, #tpu.memory_space<hbm>> -> memref<128xi32, #tpu.memory_space<hbm>>
      %dma_wait3A_32 = tpu.memref_slice %arg3[%add3A_28] : memref<323584xi32, #tpu.memory_space<hbm>> -> memref<128xi32, #tpu.memory_space<hbm>>
      tpu.wait_dma2 semaphore(%arg12 : memref<!tpu.dma_semaphore, #tpu.memory_space<semaphore_mem>>) src(%dma_wait3A_32 : memref<128xi32, #tpu.memory_space<hbm>>) dst(%arg7 : memref<128xi32, #tpu.memory_space<vmem>>)
      %dma_wait3A_33 = tpu.memref_slice %arg4[%add3A_28] : memref<323584xi32, #tpu.memory_space<hbm>> -> memref<128xi32, #tpu.memory_space<hbm>>
      %dma_wait3A_34 = tpu.memref_slice %arg4[%add3A_28] : memref<323584xi32, #tpu.memory_space<hbm>> -> memref<128xi32, #tpu.memory_space<hbm>>
      tpu.wait_dma2 semaphore(%arg12 : memref<!tpu.dma_semaphore, #tpu.memory_space<semaphore_mem>>) src(%dma_wait3A_34 : memref<128xi32, #tpu.memory_space<hbm>>) dst(%arg8 : memref<128xi32, #tpu.memory_space<vmem>>)
      %dma_start3A_35 = arith.constant 0 : i32
      %dma_start3A_36 = arith.constant 0 : i32
      %dma_start3A_37 = tpu.memref_slice %arg2[%dma_start3A_35, %dma_start3A_36] : memref<10000x128xf32, #tpu.memory_space<hbm>> -> memref<10000x128xf32, #tpu.memory_space<hbm>>
      tpu.enqueue_indirect_dma source(%dma_start3A_37 : memref<10000x128xf32, #tpu.memory_space<hbm>>) target(%arg9 : memref<128x128xf32, #tpu.memory_space<vmem>>) offsets(%arg7 : memref<128xi32, #tpu.memory_space<vmem>>) semaphore(%arg12 : memref<!tpu.dma_semaphore, #tpu.memory_space<semaphore_mem>>)
      %dma_wait3A_38 = arith.constant 0 : i32
      %dma_wait3A_39 = arith.constant 0 : i32
      %dma_wait3A_40 = tpu.memref_slice %arg2[%dma_wait3A_38, %dma_wait3A_39] : memref<10000x128xf32, #tpu.memory_space<hbm>> -> memref<10000x128xf32, #tpu.memory_space<hbm>>
      tpu.wait_indirect_dma semaphore(%arg12 : memref<!tpu.dma_semaphore, #tpu.memory_space<semaphore_mem>>) src(%dma_wait3A_40 : memref<10000x128xf32, #tpu.memory_space<hbm>>) dst(%arg9 : memref<128x128xf32, #tpu.memory_space<vmem>>)
      "tpu.region"() ({
        %run_scoped3A = tpu.sem_alloc : memref<!tpu.dma_semaphore, #tpu.memory_space<semaphore_mem>>
        %dma_start3A_42 = arith.constant 0 : i32
        %dma_start3A_43 = arith.constant 0 : i32
        %dma_start3A_44 = tpu.memref_slice %arg11[%dma_start3A_42, %dma_start3A_43] : memref<10240x128xf32, #tpu.memory_space<vmem_shared>> -> memref<10240x128xf32, #tpu.memory_space<vmem_shared>>
        tpu.enqueue_indirect_dma source(%arg9 : memref<128x128xf32, #tpu.memory_space<vmem>>) target(%dma_start3A_44 : memref<10240x128xf32, #tpu.memory_space<vmem_shared>>) offsets(%arg8 : memref<128xi32, #tpu.memory_space<vmem>>) semaphore(%run_scoped3A : memref<!tpu.dma_semaphore, #tpu.memory_space<semaphore_mem>>) {add = true}
        %dma_wait3A_45 = arith.constant 0 : i32
        %dma_wait3A_46 = arith.constant 0 : i32
        %dma_wait3A_47 = tpu.memref_slice %arg11[%dma_wait3A_45, %dma_wait3A_46] : memref<10240x128xf32, #tpu.memory_space<vmem_shared>> -> memref<10240x128xf32, #tpu.memory_space<vmem_shared>>
        tpu.wait_indirect_dma semaphore(%run_scoped3A : memref<!tpu.dma_semaphore, #tpu.memory_space<semaphore_mem>>) src(%arg9 : memref<128x128xf32, #tpu.memory_space<vmem>>) dst(%dma_wait3A_47 : memref<10240x128xf32, #tpu.memory_space<vmem_shared>>)
        tpu.yield
      }) : () -> ()
      %scan3A_41 = arith.constant 0 : i32
      scf.yield %scan3A_41 : i32
    }
    %scan3A_13 = arith.constant 79 : i32
    %barrier3A_14 = arith.constant 0 : index
    tpu.barrier barrier_id(%barrier3A_14)
    %scan3A_15 = arith.constant 0 : i32
    %scan3A_16 = arith.constant 0 : i32
    %scan3A_17 = arith.constant 5 : i32
    %scan3A_18 = arith.addi %scan3A_16, %scan3A_17 : i32
    %scan3A_19 = arith.constant 1 : i32
    %scan3A_20 = scf.for %scan3A_22 = %scan3A_16 to %scan3A_18 step %scan3A_19 iter_args(%scan3A_23 = %scan3A_15) -> (i32)  : i32 {
      %mul3A_24 = arith.constant 640 : i32
      %mul3A_25 = arith.muli %arg1, %mul3A_24 : i32
      %mul3A_26 = arith.constant 128 : i32
      %mul3A_27 = arith.muli %scan3A_22, %mul3A_26 : i32
      %add3A_28 = arith.addi %mul3A_25, %mul3A_27 : i32
      "tpu.region"() ({
        %run_scoped3A = tpu.sem_alloc : memref<!tpu.dma_semaphore, #tpu.memory_space<semaphore_mem>>
        %dma_start3A = arith.constant 0 : i32
        %dma_start3A_30 = tpu.memref_slice %arg11[%add3A_28, %dma_start3A] : memref<10240x128xf32, #tpu.memory_space<vmem_shared>> -> memref<128x128xf32, #tpu.memory_space<vmem_shared>>
        %dma_start3A_31 = arith.constant 0 : i32
        %dma_start3A_32 = tpu.memref_slice %arg11[%add3A_28, %dma_start3A_31] : memref<10240x128xf32, #tpu.memory_space<vmem_shared>> -> memref<128x128xf32, #tpu.memory_space<vmem_shared>>
        tpu.enqueue_dma source(%dma_start3A_32 : memref<128x128xf32, #tpu.memory_space<vmem_shared>>) target(%arg10 : memref<128x128xf32, #tpu.memory_space<vmem>>) target_semaphore(%run_scoped3A : memref<!tpu.dma_semaphore, #tpu.memory_space<semaphore_mem>>)
        %dma_wait3A = arith.constant 0 : i32
        %dma_wait3A_33 = tpu.memref_slice %arg11[%add3A_28, %dma_wait3A] : memref<10240x128xf32, #tpu.memory_space<vmem_shared>> -> memref<128x128xf32, #tpu.memory_space<vmem_shared>>
        %dma_wait3A_34 = arith.constant 0 : i32
        %dma_wait3A_35 = tpu.memref_slice %arg11[%add3A_28, %dma_wait3A_34] : memref<10240x128xf32, #tpu.memory_space<vmem_shared>> -> memref<128x128xf32, #tpu.memory_space<vmem_shared>>
        tpu.wait_dma2 semaphore(%run_scoped3A : memref<!tpu.dma_semaphore, #tpu.memory_space<semaphore_mem>>) src(%dma_wait3A_35 : memref<128x128xf32, #tpu.memory_space<vmem_shared>>) dst(%arg10 : memref<128x128xf32, #tpu.memory_space<vmem>>)
        tpu.yield
      }) : () -> ()
      "tpu.region"() ({
        %run_scoped3A = tpu.sem_alloc : memref<!tpu.dma_semaphore, #tpu.memory_space<semaphore_mem>>
        %dma_start3A = arith.constant 0 : i32
        %dma_start3A_30 = tpu.memref_slice %arg6[%arg0, %add3A_28, %dma_start3A] : memref<2x10240x128xf32, #tpu.memory_space<hbm>> -> memref<1x128x128xf32, #tpu.memory_space<hbm>>
        %dma_start3A_31 = tpu.memref_squeeze %dma_start3A_30 : memref<1x128x128xf32, #tpu.memory_space<hbm>> -> memref<128x128xf32, #tpu.memory_space<hbm>>
        %dma_start3A_32 = arith.constant 0 : i32
        %dma_start3A_33 = tpu.memref_slice %arg6[%arg0, %add3A_28, %dma_start3A_32] : memref<2x10240x128xf32, #tpu.memory_space<hbm>> -> memref<1x128x128xf32, #tpu.memory_space<hbm>>
        %dma_start3A_34 = tpu.memref_squeeze %dma_start3A_33 : memref<1x128x128xf32, #tpu.memory_space<hbm>> -> memref<128x128xf32, #tpu.memory_space<hbm>>
        tpu.enqueue_dma source(%arg10 : memref<128x128xf32, #tpu.memory_space<vmem>>) target(%dma_start3A_34 : memref<128x128xf32, #tpu.memory_space<hbm>>) target_semaphore(%run_scoped3A : memref<!tpu.dma_semaphore, #tpu.memory_space<semaphore_mem>>)
        %dma_wait3A = arith.constant 0 : i32
        %dma_wait3A_35 = tpu.memref_slice %arg6[%arg0, %add3A_28, %dma_wait3A] : memref<2x10240x128xf32, #tpu.memory_space<hbm>> -> memref<1x128x128xf32, #tpu.memory_space<hbm>>
        %dma_wait3A_36 = tpu.memref_squeeze %dma_wait3A_35 : memref<1x128x128xf32, #tpu.memory_space<hbm>> -> memref<128x128xf32, #tpu.memory_space<hbm>>
        %dma_wait3A_37 = arith.constant 0 : i32
        %dma_wait3A_38 = tpu.memref_slice %arg6[%arg0, %add3A_28, %dma_wait3A_37] : memref<2x10240x128xf32, #tpu.memory_space<hbm>> -> memref<1x128x128xf32, #tpu.memory_space<hbm>>
        %dma_wait3A_39 = tpu.memref_squeeze %dma_wait3A_38 : memref<1x128x128xf32, #tpu.memory_space<hbm>> -> memref<128x128xf32, #tpu.memory_space<hbm>>
        tpu.wait_dma2 semaphore(%run_scoped3A : memref<!tpu.dma_semaphore, #tpu.memory_space<semaphore_mem>>) src(%arg10 : memref<128x128xf32, #tpu.memory_space<vmem>>) dst(%dma_wait3A_39 : memref<128x128xf32, #tpu.memory_space<hbm>>)
        tpu.yield
      }) : () -> ()
      %scan3A_29 = arith.constant 0 : i32
      scf.yield %scan3A_29 : i32
    }
    %scan3A_21 = arith.constant 5 : i32
    return
  }
}

#map = affine_map<(d0, d1) -> (0, 0)>
#map1 = affine_map<(d0, d1) -> (0)>
#map2 = affine_map<(d0, d1) -> (0, 0, 0)>
module attributes {stable_mosaic.version = 14 : i64} {
  func.func @_edge_step(%arg0: i32, %arg1: i32, %arg2: memref<10000x128xf32, #tpu.memory_space<hbm>>, %arg3: memref<323584xi32, #tpu.memory_space<hbm>>, %arg4: memref<323584xi32, #tpu.memory_space<hbm>>, %arg5: memref<128x128xf32, #tpu.memory_space<hbm>>, %arg6: memref<2x10240x128xf32, #tpu.memory_space<hbm>>, %arg7: memref<128xi32, #tpu.memory_space<vmem>>, %arg8: memref<128xi32, #tpu.memory_space<vmem>>, %arg9: memref<128x128xf32, #tpu.memory_space<vmem>>, %arg10: memref<128x128xf32, #tpu.memory_space<vmem>>, %arg11: memref<10240x128xf32, #tpu.memory_space<vmem_shared>>, %arg12: memref<!tpu.dma_semaphore, #tpu.memory_space<semaphore_mem>>) attributes {dimension_semantics = [#tpu.dimension_semantics<core_parallel>, #tpu.dimension_semantics<subcore_parallel>], iteration_bounds = array<i64: 2, 16>, scalar_prefetch = 0 : i64, scratch_operands = 6 : i64, tpu.core_type = #tpu.core_type<sc_vector_subcore>, window_params = [{transform_indices = #map}, {transform_indices = #map1}, {transform_indices = #map1}, {transform_indices = #map}, {transform_indices = #map2}]} {
    %mul3A = arith.constant 16 : i32
    %mul3A_0 = arith.muli %arg0, %mul3A : i32
    %add3A = arith.addi %mul3A_0, %arg1 : i32
    "tpu.region"() ({
      %run_scoped3A = tpu.sem_alloc : memref<!tpu.dma_semaphore, #tpu.memory_space<semaphore_mem>>
      tpu.enqueue_dma source(%arg5 : memref<128x128xf32, #tpu.memory_space<hbm>>) target(%arg10 : memref<128x128xf32, #tpu.memory_space<vmem>>) target_semaphore(%run_scoped3A : memref<!tpu.dma_semaphore, #tpu.memory_space<semaphore_mem>>)
      tpu.wait_dma2 semaphore(%run_scoped3A : memref<!tpu.dma_semaphore, #tpu.memory_space<semaphore_mem>>) src(%arg5 : memref<128x128xf32, #tpu.memory_space<hbm>>) dst(%arg10 : memref<128x128xf32, #tpu.memory_space<vmem>>)
      tpu.yield
    }) : () -> ()
    %scan3A = arith.constant 0 : i32
    %scan3A_1 = arith.constant 0 : i32
    %scan3A_2 = arith.constant 5 : i32
    %scan3A_3 = arith.addi %scan3A_1, %scan3A_2 : i32
    %scan3A_4 = arith.constant 1 : i32
    %scan3A_5 = scf.for %scan3A_22 = %scan3A_1 to %scan3A_3 step %scan3A_4 iter_args(%scan3A_23 = %scan3A) -> (i32)  : i32 {
      %mul3A_24 = arith.constant 640 : i32
      %mul3A_25 = arith.muli %arg1, %mul3A_24 : i32
      %mul3A_26 = arith.constant 128 : i32
      %mul3A_27 = arith.muli %scan3A_22, %mul3A_26 : i32
      %add3A_28 = arith.addi %mul3A_25, %mul3A_27 : i32
      "tpu.region"() ({
        %run_scoped3A = tpu.sem_alloc : memref<!tpu.dma_semaphore, #tpu.memory_space<semaphore_mem>>
        %dma_start3A = arith.constant 0 : i32
        %dma_start3A_30 = tpu.memref_slice %arg11[%add3A_28, %dma_start3A] : memref<10240x128xf32, #tpu.memory_space<vmem_shared>> -> memref<128x128xf32, #tpu.memory_space<vmem_shared>>
        %dma_start3A_31 = arith.constant 0 : i32
        %dma_start3A_32 = tpu.memref_slice %arg11[%add3A_28, %dma_start3A_31] : memref<10240x128xf32, #tpu.memory_space<vmem_shared>> -> memref<128x128xf32, #tpu.memory_space<vmem_shared>>
        tpu.enqueue_dma source(%arg10 : memref<128x128xf32, #tpu.memory_space<vmem>>) target(%dma_start3A_32 : memref<128x128xf32, #tpu.memory_space<vmem_shared>>) target_semaphore(%run_scoped3A : memref<!tpu.dma_semaphore, #tpu.memory_space<semaphore_mem>>)
        %dma_wait3A = arith.constant 0 : i32
        %dma_wait3A_33 = tpu.memref_slice %arg11[%add3A_28, %dma_wait3A] : memref<10240x128xf32, #tpu.memory_space<vmem_shared>> -> memref<128x128xf32, #tpu.memory_space<vmem_shared>>
        %dma_wait3A_34 = arith.constant 0 : i32
        %dma_wait3A_35 = tpu.memref_slice %arg11[%add3A_28, %dma_wait3A_34] : memref<10240x128xf32, #tpu.memory_space<vmem_shared>> -> memref<128x128xf32, #tpu.memory_space<vmem_shared>>
        tpu.wait_dma2 semaphore(%run_scoped3A : memref<!tpu.dma_semaphore, #tpu.memory_space<semaphore_mem>>) src(%arg10 : memref<128x128xf32, #tpu.memory_space<vmem>>) dst(%dma_wait3A_35 : memref<128x128xf32, #tpu.memory_space<vmem_shared>>)
        tpu.yield
      }) : () -> ()
      %scan3A_29 = arith.constant 0 : i32
      scf.yield %scan3A_29 : i32
    }
    %scan3A_6 = arith.constant 5 : i32
    %barrier3A = arith.constant 0 : index
    tpu.barrier barrier_id(%barrier3A)
    %scan3A_7 = arith.constant 0 : i32
    %scan3A_8 = arith.constant 0 : i32
    %scan3A_9 = arith.constant 79 : i32
    %scan3A_10 = arith.addi %scan3A_8, %scan3A_9 : i32
    %scan3A_11 = arith.constant 1 : i32
    %scan3A_12 = scf.for %scan3A_22 = %scan3A_8 to %scan3A_10 step %scan3A_11 iter_args(%scan3A_23 = %scan3A_7) -> (i32)  : i32 {
      %mul3A_24 = arith.constant 10112 : i32
      %mul3A_25 = arith.muli %add3A, %mul3A_24 : i32
      %mul3A_26 = arith.constant 128 : i32
      %mul3A_27 = arith.muli %scan3A_22, %mul3A_26 : i32
      %add3A_28 = arith.addi %mul3A_25, %mul3A_27 : i32
      %dma_start3A = tpu.memref_slice %arg3[%add3A_28] : memref<323584xi32, #tpu.memory_space<hbm>> -> memref<128xi32, #tpu.memory_space<hbm>>
      %dma_start3A_29 = tpu.memref_slice %arg3[%add3A_28] : memref<323584xi32, #tpu.memory_space<hbm>> -> memref<128xi32, #tpu.memory_space<hbm>>
      tpu.enqueue_dma source(%dma_start3A_29 : memref<128xi32, #tpu.memory_space<hbm>>) target(%arg7 : memref<128xi32, #tpu.memory_space<vmem>>) target_semaphore(%arg12 : memref<!tpu.dma_semaphore, #tpu.memory_space<semaphore_mem>>)
      %dma_start3A_30 = tpu.memref_slice %arg4[%add3A_28] : memref<323584xi32, #tpu.memory_space<hbm>> -> memref<128xi32, #tpu.memory_space<hbm>>
      %dma_start3A_31 = tpu.memref_slice %arg4[%add3A_28] : memref<323584xi32, #tpu.memory_space<hbm>> -> memref<128xi32, #tpu.memory_space<hbm>>
      tpu.enqueue_dma source(%dma_start3A_31 : memref<128xi32, #tpu.memory_space<hbm>>) target(%arg8 : memref<128xi32, #tpu.memory_space<vmem>>) target_semaphore(%arg12 : memref<!tpu.dma_semaphore, #tpu.memory_space<semaphore_mem>>)
      %dma_wait3A = tpu.memref_slice %arg3[%add3A_28] : memref<323584xi32, #tpu.memory_space<hbm>> -> memref<128xi32, #tpu.memory_space<hbm>>
      %dma_wait3A_32 = tpu.memref_slice %arg3[%add3A_28] : memref<323584xi32, #tpu.memory_space<hbm>> -> memref<128xi32, #tpu.memory_space<hbm>>
      tpu.wait_dma2 semaphore(%arg12 : memref<!tpu.dma_semaphore, #tpu.memory_space<semaphore_mem>>) src(%dma_wait3A_32 : memref<128xi32, #tpu.memory_space<hbm>>) dst(%arg7 : memref<128xi32, #tpu.memory_space<vmem>>)
      %dma_wait3A_33 = tpu.memref_slice %arg4[%add3A_28] : memref<323584xi32, #tpu.memory_space<hbm>> -> memref<128xi32, #tpu.memory_space<hbm>>
      %dma_wait3A_34 = tpu.memref_slice %arg4[%add3A_28] : memref<323584xi32, #tpu.memory_space<hbm>> -> memref<128xi32, #tpu.memory_space<hbm>>
      tpu.wait_dma2 semaphore(%arg12 : memref<!tpu.dma_semaphore, #tpu.memory_space<semaphore_mem>>) src(%dma_wait3A_34 : memref<128xi32, #tpu.memory_space<hbm>>) dst(%arg8 : memref<128xi32, #tpu.memory_space<vmem>>)
      %dma_start3A_35 = arith.constant 0 : i32
      %dma_start3A_36 = arith.constant 0 : i32
      %dma_start3A_37 = tpu.memref_slice %arg2[%dma_start3A_35, %dma_start3A_36] : memref<10000x128xf32, #tpu.memory_space<hbm>> -> memref<10000x128xf32, #tpu.memory_space<hbm>>
      tpu.enqueue_indirect_dma source(%dma_start3A_37 : memref<10000x128xf32, #tpu.memory_space<hbm>>) target(%arg9 : memref<128x128xf32, #tpu.memory_space<vmem>>) offsets(%arg7 : memref<128xi32, #tpu.memory_space<vmem>>) semaphore(%arg12 : memref<!tpu.dma_semaphore, #tpu.memory_space<semaphore_mem>>)
      %dma_wait3A_38 = arith.constant 0 : i32
      %dma_wait3A_39 = arith.constant 0 : i32
      %dma_wait3A_40 = tpu.memref_slice %arg2[%dma_wait3A_38, %dma_wait3A_39] : memref<10000x128xf32, #tpu.memory_space<hbm>> -> memref<10000x128xf32, #tpu.memory_space<hbm>>
      tpu.wait_indirect_dma semaphore(%arg12 : memref<!tpu.dma_semaphore, #tpu.memory_space<semaphore_mem>>) src(%dma_wait3A_40 : memref<10000x128xf32, #tpu.memory_space<hbm>>) dst(%arg9 : memref<128x128xf32, #tpu.memory_space<vmem>>)
      "tpu.region"() ({
        %run_scoped3A = tpu.sem_alloc : memref<!tpu.dma_semaphore, #tpu.memory_space<semaphore_mem>>
        %dma_start3A_42 = arith.constant 0 : i32
        %dma_start3A_43 = arith.constant 0 : i32
        %dma_start3A_44 = tpu.memref_slice %arg11[%dma_start3A_42, %dma_start3A_43] : memref<10240x128xf32, #tpu.memory_space<vmem_shared>> -> memref<10240x128xf32, #tpu.memory_space<vmem_shared>>
        tpu.enqueue_indirect_dma source(%arg9 : memref<128x128xf32, #tpu.memory_space<vmem>>) target(%dma_start3A_44 : memref<10240x128xf32, #tpu.memory_space<vmem_shared>>) offsets(%arg8 : memref<128xi32, #tpu.memory_space<vmem>>) semaphore(%run_scoped3A : memref<!tpu.dma_semaphore, #tpu.memory_space<semaphore_mem>>) {add = true}
        %dma_wait3A_45 = arith.constant 0 : i32
        %dma_wait3A_46 = arith.constant 0 : i32
        %dma_wait3A_47 = tpu.memref_slice %arg11[%dma_wait3A_45, %dma_wait3A_46] : memref<10240x128xf32, #tpu.memory_space<vmem_shared>> -> memref<10240x128xf32, #tpu.memory_space<vmem_shared>>
        tpu.wait_indirect_dma semaphore(%run_scoped3A : memref<!tpu.dma_semaphore, #tpu.memory_space<semaphore_mem>>) src(%arg9 : memref<128x128xf32, #tpu.memory_space<vmem>>) dst(%dma_wait3A_47 : memref<10240x128xf32, #tpu.memory_space<vmem_shared>>)
        tpu.yield
      }) : () -> ()
      %scan3A_41 = arith.constant 0 : i32
      scf.yield %scan3A_41 : i32
    }
    %scan3A_13 = arith.constant 79 : i32
    %barrier3A_14 = arith.constant 0 : index
    tpu.barrier barrier_id(%barrier3A_14)
    %scan3A_15 = arith.constant 0 : i32
    %scan3A_16 = arith.constant 0 : i32
    %scan3A_17 = arith.constant 5 : i32
    %scan3A_18 = arith.addi %scan3A_16, %scan3A_17 : i32
    %scan3A_19 = arith.constant 1 : i32
    %scan3A_20 = scf.for %scan3A_22 = %scan3A_16 to %scan3A_18 step %scan3A_19 iter_args(%scan3A_23 = %scan3A_15) -> (i32)  : i32 {
      %mul3A_24 = arith.constant 640 : i32
      %mul3A_25 = arith.muli %arg1, %mul3A_24 : i32
      %mul3A_26 = arith.constant 128 : i32
      %mul3A_27 = arith.muli %scan3A_22, %mul3A_26 : i32
      %add3A_28 = arith.addi %mul3A_25, %mul3A_27 : i32
      "tpu.region"() ({
        %run_scoped3A = tpu.sem_alloc : memref<!tpu.dma_semaphore, #tpu.memory_space<semaphore_mem>>
        %dma_start3A = arith.constant 0 : i32
        %dma_start3A_30 = tpu.memref_slice %arg11[%add3A_28, %dma_start3A] : memref<10240x128xf32, #tpu.memory_space<vmem_shared>> -> memref<128x128xf32, #tpu.memory_space<vmem_shared>>
        %dma_start3A_31 = arith.constant 0 : i32
        %dma_start3A_32 = tpu.memref_slice %arg11[%add3A_28, %dma_start3A_31] : memref<10240x128xf32, #tpu.memory_space<vmem_shared>> -> memref<128x128xf32, #tpu.memory_space<vmem_shared>>
        tpu.enqueue_dma source(%dma_start3A_32 : memref<128x128xf32, #tpu.memory_space<vmem_shared>>) target(%arg10 : memref<128x128xf32, #tpu.memory_space<vmem>>) target_semaphore(%run_scoped3A : memref<!tpu.dma_semaphore, #tpu.memory_space<semaphore_mem>>)
        %dma_wait3A = arith.constant 0 : i32
        %dma_wait3A_33 = tpu.memref_slice %arg11[%add3A_28, %dma_wait3A] : memref<10240x128xf32, #tpu.memory_space<vmem_shared>> -> memref<128x128xf32, #tpu.memory_space<vmem_shared>>
        %dma_wait3A_34 = arith.constant 0 : i32
        %dma_wait3A_35 = tpu.memref_slice %arg11[%add3A_28, %dma_wait3A_34] : memref<10240x128xf32, #tpu.memory_space<vmem_shared>> -> memref<128x128xf32, #tpu.memory_space<vmem_shared>>
        tpu.wait_dma2 semaphore(%run_scoped3A : memref<!tpu.dma_semaphore, #tpu.memory_space<semaphore_mem>>) src(%dma_wait3A_35 : memref<128x128xf32, #tpu.memory_space<vmem_shared>>) dst(%arg10 : memref<128x128xf32, #tpu.memory_space<vmem>>)
        tpu.yield
      }) : () -> ()
      "tpu.region"() ({
        %run_scoped3A = tpu.sem_alloc : memref<!tpu.dma_semaphore, #tpu.memory_space<semaphore_mem>>
        %dma_start3A = arith.constant 0 : i32
        %dma_start3A_30 = tpu.memref_slice %arg6[%arg0, %add3A_28, %dma_start3A] : memref<2x10240x128xf32, #tpu.memory_space<hbm>> -> memref<1x128x128xf32, #tpu.memory_space<hbm>>
        %dma_start3A_31 = tpu.memref_squeeze %dma_start3A_30 : memref<1x128x128xf32, #tpu.memory_space<hbm>> -> memref<128x128xf32, #tpu.memory_space<hbm>>
        %dma_start3A_32 = arith.constant 0 : i32
        %dma_start3A_33 = tpu.memref_slice %arg6[%arg0, %add3A_28, %dma_start3A_32] : memref<2x10240x128xf32, #tpu.memory_space<hbm>> -> memref<1x128x128xf32, #tpu.memory_space<hbm>>
        %dma_start3A_34 = tpu.memref_squeeze %dma_start3A_33 : memref<1x128x128xf32, #tpu.memory_space<hbm>> -> memref<128x128xf32, #tpu.memory_space<hbm>>
        tpu.enqueue_dma source(%arg10 : memref<128x128xf32, #tpu.memory_space<vmem>>) target(%dma_start3A_34 : memref<128x128xf32, #tpu.memory_space<hbm>>) target_semaphore(%run_scoped3A : memref<!tpu.dma_semaphore, #tpu.memory_space<semaphore_mem>>)
        %dma_wait3A = arith.constant 0 : i32
        %dma_wait3A_35 = tpu.memref_slice %arg6[%arg0, %add3A_28, %dma_wait3A] : memref<2x10240x128xf32, #tpu.memory_space<hbm>> -> memref<1x128x128xf32, #tpu.memory_space<hbm>>
        %dma_wait3A_36 = tpu.memref_squeeze %dma_wait3A_35 : memref<1x128x128xf32, #tpu.memory_space<hbm>> -> memref<128x128xf32, #tpu.memory_space<hbm>>
        %dma_wait3A_37 = arith.constant 0 : i32
        %dma_wait3A_38 = tpu.memref_slice %arg6[%arg0, %add3A_28, %dma_wait3A_37] : memref<2x10240x128xf32, #tpu.memory_space<hbm>> -> memref<1x128x128xf32, #tpu.memory_space<hbm>>
        %dma_wait3A_39 = tpu.memref_squeeze %dma_wait3A_38 : memref<1x128x128xf32, #tpu.memory_space<hbm>> -> memref<128x128xf32, #tpu.memory_space<hbm>>
        tpu.wait_dma2 semaphore(%run_scoped3A : memref<!tpu.dma_semaphore, #tpu.memory_space<semaphore_mem>>) src(%arg10 : memref<128x128xf32, #tpu.memory_space<vmem>>) dst(%dma_wait3A_39 : memref<128x128xf32, #tpu.memory_space<hbm>>)
        tpu.yield
      }) : () -> ()
      %scan3A_29 = arith.constant 0 : i32
      scf.yield %scan3A_29 : i32
    }
    %scan3A_21 = arith.constant 5 : i32
    return
  }
}

#map = affine_map<(d0, d1) -> (0, 0)>
#map1 = affine_map<(d0, d1) -> (0)>
#map2 = affine_map<(d0, d1) -> (0, 0, 0)>
module attributes {stable_mosaic.version = 14 : i64} {
  func.func @_edge_step(%arg0: i32, %arg1: i32, %arg2: memref<10000x128xf32, #tpu.memory_space<hbm>>, %arg3: memref<323584xi32, #tpu.memory_space<hbm>>, %arg4: memref<323584xi32, #tpu.memory_space<hbm>>, %arg5: memref<128x128xf32, #tpu.memory_space<hbm>>, %arg6: memref<2x10240x128xf32, #tpu.memory_space<hbm>>, %arg7: memref<128xi32, #tpu.memory_space<vmem>>, %arg8: memref<128xi32, #tpu.memory_space<vmem>>, %arg9: memref<128x128xf32, #tpu.memory_space<vmem>>, %arg10: memref<128x128xf32, #tpu.memory_space<vmem>>, %arg11: memref<10240x128xf32, #tpu.memory_space<vmem_shared>>, %arg12: memref<!tpu.dma_semaphore, #tpu.memory_space<semaphore_mem>>) attributes {dimension_semantics = [#tpu.dimension_semantics<core_parallel>, #tpu.dimension_semantics<subcore_parallel>], iteration_bounds = array<i64: 2, 16>, scalar_prefetch = 0 : i64, scratch_operands = 6 : i64, tpu.core_type = #tpu.core_type<sc_vector_subcore>, window_params = [{transform_indices = #map}, {transform_indices = #map1}, {transform_indices = #map1}, {transform_indices = #map}, {transform_indices = #map2}]} {
    %mul3A = arith.constant 16 : i32
    %mul3A_0 = arith.muli %arg0, %mul3A : i32
    %add3A = arith.addi %mul3A_0, %arg1 : i32
    "tpu.region"() ({
      %run_scoped3A = tpu.sem_alloc : memref<!tpu.dma_semaphore, #tpu.memory_space<semaphore_mem>>
      tpu.enqueue_dma source(%arg5 : memref<128x128xf32, #tpu.memory_space<hbm>>) target(%arg10 : memref<128x128xf32, #tpu.memory_space<vmem>>) target_semaphore(%run_scoped3A : memref<!tpu.dma_semaphore, #tpu.memory_space<semaphore_mem>>)
      tpu.wait_dma2 semaphore(%run_scoped3A : memref<!tpu.dma_semaphore, #tpu.memory_space<semaphore_mem>>) src(%arg5 : memref<128x128xf32, #tpu.memory_space<hbm>>) dst(%arg10 : memref<128x128xf32, #tpu.memory_space<vmem>>)
      tpu.yield
    }) : () -> ()
    %scan3A = arith.constant 0 : i32
    %scan3A_1 = arith.constant 0 : i32
    %scan3A_2 = arith.constant 5 : i32
    %scan3A_3 = arith.addi %scan3A_1, %scan3A_2 : i32
    %scan3A_4 = arith.constant 1 : i32
    %scan3A_5 = scf.for %scan3A_22 = %scan3A_1 to %scan3A_3 step %scan3A_4 iter_args(%scan3A_23 = %scan3A) -> (i32)  : i32 {
      %mul3A_24 = arith.constant 640 : i32
      %mul3A_25 = arith.muli %arg1, %mul3A_24 : i32
      %mul3A_26 = arith.constant 128 : i32
      %mul3A_27 = arith.muli %scan3A_22, %mul3A_26 : i32
      %add3A_28 = arith.addi %mul3A_25, %mul3A_27 : i32
      "tpu.region"() ({
        %run_scoped3A = tpu.sem_alloc : memref<!tpu.dma_semaphore, #tpu.memory_space<semaphore_mem>>
        %dma_start3A = arith.constant 0 : i32
        %dma_start3A_30 = tpu.memref_slice %arg11[%add3A_28, %dma_start3A] : memref<10240x128xf32, #tpu.memory_space<vmem_shared>> -> memref<128x128xf32, #tpu.memory_space<vmem_shared>>
        %dma_start3A_31 = arith.constant 0 : i32
        %dma_start3A_32 = tpu.memref_slice %arg11[%add3A_28, %dma_start3A_31] : memref<10240x128xf32, #tpu.memory_space<vmem_shared>> -> memref<128x128xf32, #tpu.memory_space<vmem_shared>>
        tpu.enqueue_dma source(%arg10 : memref<128x128xf32, #tpu.memory_space<vmem>>) target(%dma_start3A_32 : memref<128x128xf32, #tpu.memory_space<vmem_shared>>) target_semaphore(%run_scoped3A : memref<!tpu.dma_semaphore, #tpu.memory_space<semaphore_mem>>)
        %dma_wait3A = arith.constant 0 : i32
        %dma_wait3A_33 = tpu.memref_slice %arg11[%add3A_28, %dma_wait3A] : memref<10240x128xf32, #tpu.memory_space<vmem_shared>> -> memref<128x128xf32, #tpu.memory_space<vmem_shared>>
        %dma_wait3A_34 = arith.constant 0 : i32
        %dma_wait3A_35 = tpu.memref_slice %arg11[%add3A_28, %dma_wait3A_34] : memref<10240x128xf32, #tpu.memory_space<vmem_shared>> -> memref<128x128xf32, #tpu.memory_space<vmem_shared>>
        tpu.wait_dma2 semaphore(%run_scoped3A : memref<!tpu.dma_semaphore, #tpu.memory_space<semaphore_mem>>) src(%arg10 : memref<128x128xf32, #tpu.memory_space<vmem>>) dst(%dma_wait3A_35 : memref<128x128xf32, #tpu.memory_space<vmem_shared>>)
        tpu.yield
      }) : () -> ()
      %scan3A_29 = arith.constant 0 : i32
      scf.yield %scan3A_29 : i32
    }
    %scan3A_6 = arith.constant 5 : i32
    %barrier3A = arith.constant 0 : index
    tpu.barrier barrier_id(%barrier3A)
    %scan3A_7 = arith.constant 0 : i32
    %scan3A_8 = arith.constant 0 : i32
    %scan3A_9 = arith.constant 79 : i32
    %scan3A_10 = arith.addi %scan3A_8, %scan3A_9 : i32
    %scan3A_11 = arith.constant 1 : i32
    %scan3A_12 = scf.for %scan3A_22 = %scan3A_8 to %scan3A_10 step %scan3A_11 iter_args(%scan3A_23 = %scan3A_7) -> (i32)  : i32 {
      %mul3A_24 = arith.constant 10112 : i32
      %mul3A_25 = arith.muli %add3A, %mul3A_24 : i32
      %mul3A_26 = arith.constant 128 : i32
      %mul3A_27 = arith.muli %scan3A_22, %mul3A_26 : i32
      %add3A_28 = arith.addi %mul3A_25, %mul3A_27 : i32
      %dma_start3A = tpu.memref_slice %arg3[%add3A_28] : memref<323584xi32, #tpu.memory_space<hbm>> -> memref<128xi32, #tpu.memory_space<hbm>>
      %dma_start3A_29 = tpu.memref_slice %arg3[%add3A_28] : memref<323584xi32, #tpu.memory_space<hbm>> -> memref<128xi32, #tpu.memory_space<hbm>>
      tpu.enqueue_dma source(%dma_start3A_29 : memref<128xi32, #tpu.memory_space<hbm>>) target(%arg7 : memref<128xi32, #tpu.memory_space<vmem>>) target_semaphore(%arg12 : memref<!tpu.dma_semaphore, #tpu.memory_space<semaphore_mem>>)
      %dma_start3A_30 = tpu.memref_slice %arg4[%add3A_28] : memref<323584xi32, #tpu.memory_space<hbm>> -> memref<128xi32, #tpu.memory_space<hbm>>
      %dma_start3A_31 = tpu.memref_slice %arg4[%add3A_28] : memref<323584xi32, #tpu.memory_space<hbm>> -> memref<128xi32, #tpu.memory_space<hbm>>
      tpu.enqueue_dma source(%dma_start3A_31 : memref<128xi32, #tpu.memory_space<hbm>>) target(%arg8 : memref<128xi32, #tpu.memory_space<vmem>>) target_semaphore(%arg12 : memref<!tpu.dma_semaphore, #tpu.memory_space<semaphore_mem>>)
      %dma_wait3A = tpu.memref_slice %arg3[%add3A_28] : memref<323584xi32, #tpu.memory_space<hbm>> -> memref<128xi32, #tpu.memory_space<hbm>>
      %dma_wait3A_32 = tpu.memref_slice %arg3[%add3A_28] : memref<323584xi32, #tpu.memory_space<hbm>> -> memref<128xi32, #tpu.memory_space<hbm>>
      tpu.wait_dma2 semaphore(%arg12 : memref<!tpu.dma_semaphore, #tpu.memory_space<semaphore_mem>>) src(%dma_wait3A_32 : memref<128xi32, #tpu.memory_space<hbm>>) dst(%arg7 : memref<128xi32, #tpu.memory_space<vmem>>)
      %dma_wait3A_33 = tpu.memref_slice %arg4[%add3A_28] : memref<323584xi32, #tpu.memory_space<hbm>> -> memref<128xi32, #tpu.memory_space<hbm>>
      %dma_wait3A_34 = tpu.memref_slice %arg4[%add3A_28] : memref<323584xi32, #tpu.memory_space<hbm>> -> memref<128xi32, #tpu.memory_space<hbm>>
      tpu.wait_dma2 semaphore(%arg12 : memref<!tpu.dma_semaphore, #tpu.memory_space<semaphore_mem>>) src(%dma_wait3A_34 : memref<128xi32, #tpu.memory_space<hbm>>) dst(%arg8 : memref<128xi32, #tpu.memory_space<vmem>>)
      %dma_start3A_35 = arith.constant 0 : i32
      %dma_start3A_36 = arith.constant 0 : i32
      %dma_start3A_37 = tpu.memref_slice %arg2[%dma_start3A_35, %dma_start3A_36] : memref<10000x128xf32, #tpu.memory_space<hbm>> -> memref<10000x128xf32, #tpu.memory_space<hbm>>
      tpu.enqueue_indirect_dma source(%dma_start3A_37 : memref<10000x128xf32, #tpu.memory_space<hbm>>) target(%arg9 : memref<128x128xf32, #tpu.memory_space<vmem>>) offsets(%arg7 : memref<128xi32, #tpu.memory_space<vmem>>) semaphore(%arg12 : memref<!tpu.dma_semaphore, #tpu.memory_space<semaphore_mem>>)
      %dma_wait3A_38 = arith.constant 0 : i32
      %dma_wait3A_39 = arith.constant 0 : i32
      %dma_wait3A_40 = tpu.memref_slice %arg2[%dma_wait3A_38, %dma_wait3A_39] : memref<10000x128xf32, #tpu.memory_space<hbm>> -> memref<10000x128xf32, #tpu.memory_space<hbm>>
      tpu.wait_indirect_dma semaphore(%arg12 : memref<!tpu.dma_semaphore, #tpu.memory_space<semaphore_mem>>) src(%dma_wait3A_40 : memref<10000x128xf32, #tpu.memory_space<hbm>>) dst(%arg9 : memref<128x128xf32, #tpu.memory_space<vmem>>)
      "tpu.region"() ({
        %run_scoped3A = tpu.sem_alloc : memref<!tpu.dma_semaphore, #tpu.memory_space<semaphore_mem>>
        %dma_start3A_42 = arith.constant 0 : i32
        %dma_start3A_43 = arith.constant 0 : i32
        %dma_start3A_44 = tpu.memref_slice %arg11[%dma_start3A_42, %dma_start3A_43] : memref<10240x128xf32, #tpu.memory_space<vmem_shared>> -> memref<10240x128xf32, #tpu.memory_space<vmem_shared>>
        tpu.enqueue_indirect_dma source(%arg9 : memref<128x128xf32, #tpu.memory_space<vmem>>) target(%dma_start3A_44 : memref<10240x128xf32, #tpu.memory_space<vmem_shared>>) offsets(%arg8 : memref<128xi32, #tpu.memory_space<vmem>>) semaphore(%run_scoped3A : memref<!tpu.dma_semaphore, #tpu.memory_space<semaphore_mem>>) {add = true}
        %dma_wait3A_45 = arith.constant 0 : i32
        %dma_wait3A_46 = arith.constant 0 : i32
        %dma_wait3A_47 = tpu.memref_slice %arg11[%dma_wait3A_45, %dma_wait3A_46] : memref<10240x128xf32, #tpu.memory_space<vmem_shared>> -> memref<10240x128xf32, #tpu.memory_space<vmem_shared>>
        tpu.wait_indirect_dma semaphore(%run_scoped3A : memref<!tpu.dma_semaphore, #tpu.memory_space<semaphore_mem>>) src(%arg9 : memref<128x128xf32, #tpu.memory_space<vmem>>) dst(%dma_wait3A_47 : memref<10240x128xf32, #tpu.memory_space<vmem_shared>>)
        tpu.yield
      }) : () -> ()
      %scan3A_41 = arith.constant 0 : i32
      scf.yield %scan3A_41 : i32
    }
    %scan3A_13 = arith.constant 79 : i32
    %barrier3A_14 = arith.constant 0 : index
    tpu.barrier barrier_id(%barrier3A_14)
    %scan3A_15 = arith.constant 0 : i32
    %scan3A_16 = arith.constant 0 : i32
    %scan3A_17 = arith.constant 5 : i32
    %scan3A_18 = arith.addi %scan3A_16, %scan3A_17 : i32
    %scan3A_19 = arith.constant 1 : i32
    %scan3A_20 = scf.for %scan3A_22 = %scan3A_16 to %scan3A_18 step %scan3A_19 iter_args(%scan3A_23 = %scan3A_15) -> (i32)  : i32 {
      %mul3A_24 = arith.constant 640 : i32
      %mul3A_25 = arith.muli %arg1, %mul3A_24 : i32
      %mul3A_26 = arith.constant 128 : i32
      %mul3A_27 = arith.muli %scan3A_22, %mul3A_26 : i32
      %add3A_28 = arith.addi %mul3A_25, %mul3A_27 : i32
      "tpu.region"() ({
        %run_scoped3A = tpu.sem_alloc : memref<!tpu.dma_semaphore, #tpu.memory_space<semaphore_mem>>
        %dma_start3A = arith.constant 0 : i32
        %dma_start3A_30 = tpu.memref_slice %arg11[%add3A_28, %dma_start3A] : memref<10240x128xf32, #tpu.memory_space<vmem_shared>> -> memref<128x128xf32, #tpu.memory_space<vmem_shared>>
        %dma_start3A_31 = arith.constant 0 : i32
        %dma_start3A_32 = tpu.memref_slice %arg11[%add3A_28, %dma_start3A_31] : memref<10240x128xf32, #tpu.memory_space<vmem_shared>> -> memref<128x128xf32, #tpu.memory_space<vmem_shared>>
        tpu.enqueue_dma source(%dma_start3A_32 : memref<128x128xf32, #tpu.memory_space<vmem_shared>>) target(%arg10 : memref<128x128xf32, #tpu.memory_space<vmem>>) target_semaphore(%run_scoped3A : memref<!tpu.dma_semaphore, #tpu.memory_space<semaphore_mem>>)
        %dma_wait3A = arith.constant 0 : i32
        %dma_wait3A_33 = tpu.memref_slice %arg11[%add3A_28, %dma_wait3A] : memref<10240x128xf32, #tpu.memory_space<vmem_shared>> -> memref<128x128xf32, #tpu.memory_space<vmem_shared>>
        %dma_wait3A_34 = arith.constant 0 : i32
        %dma_wait3A_35 = tpu.memref_slice %arg11[%add3A_28, %dma_wait3A_34] : memref<10240x128xf32, #tpu.memory_space<vmem_shared>> -> memref<128x128xf32, #tpu.memory_space<vmem_shared>>
        tpu.wait_dma2 semaphore(%run_scoped3A : memref<!tpu.dma_semaphore, #tpu.memory_space<semaphore_mem>>) src(%dma_wait3A_35 : memref<128x128xf32, #tpu.memory_space<vmem_shared>>) dst(%arg10 : memref<128x128xf32, #tpu.memory_space<vmem>>)
        tpu.yield
      }) : () -> ()
      "tpu.region"() ({
        %run_scoped3A = tpu.sem_alloc : memref<!tpu.dma_semaphore, #tpu.memory_space<semaphore_mem>>
        %dma_start3A = arith.constant 0 : i32
        %dma_start3A_30 = tpu.memref_slice %arg6[%arg0, %add3A_28, %dma_start3A] : memref<2x10240x128xf32, #tpu.memory_space<hbm>> -> memref<1x128x128xf32, #tpu.memory_space<hbm>>
        %dma_start3A_31 = tpu.memref_squeeze %dma_start3A_30 : memref<1x128x128xf32, #tpu.memory_space<hbm>> -> memref<128x128xf32, #tpu.memory_space<hbm>>
        %dma_start3A_32 = arith.constant 0 : i32
        %dma_start3A_33 = tpu.memref_slice %arg6[%arg0, %add3A_28, %dma_start3A_32] : memref<2x10240x128xf32, #tpu.memory_space<hbm>> -> memref<1x128x128xf32, #tpu.memory_space<hbm>>
        %dma_start3A_34 = tpu.memref_squeeze %dma_start3A_33 : memref<1x128x128xf32, #tpu.memory_space<hbm>> -> memref<128x128xf32, #tpu.memory_space<hbm>>
        tpu.enqueue_dma source(%arg10 : memref<128x128xf32, #tpu.memory_space<vmem>>) target(%dma_start3A_34 : memref<128x128xf32, #tpu.memory_space<hbm>>) target_semaphore(%run_scoped3A : memref<!tpu.dma_semaphore, #tpu.memory_space<semaphore_mem>>)
        %dma_wait3A = arith.constant 0 : i32
        %dma_wait3A_35 = tpu.memref_slice %arg6[%arg0, %add3A_28, %dma_wait3A] : memref<2x10240x128xf32, #tpu.memory_space<hbm>> -> memref<1x128x128xf32, #tpu.memory_space<hbm>>
        %dma_wait3A_36 = tpu.memref_squeeze %dma_wait3A_35 : memref<1x128x128xf32, #tpu.memory_space<hbm>> -> memref<128x128xf32, #tpu.memory_space<hbm>>
        %dma_wait3A_37 = arith.constant 0 : i32
        %dma_wait3A_38 = tpu.memref_slice %arg6[%arg0, %add3A_28, %dma_wait3A_37] : memref<2x10240x128xf32, #tpu.memory_space<hbm>> -> memref<1x128x128xf32, #tpu.memory_space<hbm>>
        %dma_wait3A_39 = tpu.memref_squeeze %dma_wait3A_38 : memref<1x128x128xf32, #tpu.memory_space<hbm>> -> memref<128x128xf32, #tpu.memory_space<hbm>>
        tpu.wait_dma2 semaphore(%run_scoped3A : memref<!tpu.dma_semaphore, #tpu.memory_space<semaphore_mem>>) src(%arg10 : memref<128x128xf32, #tpu.memory_space<vmem>>) dst(%dma_wait3A_39 : memref<128x128xf32, #tpu.memory_space<hbm>>)
        tpu.yield
      }) : () -> ()
      %scan3A_29 = arith.constant 0 : i32
      scf.yield %scan3A_29 : i32
    }
    %scan3A_21 = arith.constant 5 : i32
    return
  }
}

#map = affine_map<(d0, d1) -> (0, 0)>
#map1 = affine_map<(d0, d1) -> (0)>
#map2 = affine_map<(d0, d1) -> (0, 0, 0)>
module attributes {stable_mosaic.version = 14 : i64} {
  func.func @_edge_step(%arg0: i32, %arg1: i32, %arg2: memref<10000x128xf32, #tpu.memory_space<hbm>>, %arg3: memref<323584xi32, #tpu.memory_space<hbm>>, %arg4: memref<323584xi32, #tpu.memory_space<hbm>>, %arg5: memref<128x128xf32, #tpu.memory_space<hbm>>, %arg6: memref<2x10240x128xf32, #tpu.memory_space<hbm>>, %arg7: memref<128xi32, #tpu.memory_space<vmem>>, %arg8: memref<128xi32, #tpu.memory_space<vmem>>, %arg9: memref<128x128xf32, #tpu.memory_space<vmem>>, %arg10: memref<128x128xf32, #tpu.memory_space<vmem>>, %arg11: memref<10240x128xf32, #tpu.memory_space<vmem_shared>>, %arg12: memref<!tpu.dma_semaphore, #tpu.memory_space<semaphore_mem>>) attributes {dimension_semantics = [#tpu.dimension_semantics<core_parallel>, #tpu.dimension_semantics<subcore_parallel>], iteration_bounds = array<i64: 2, 16>, scalar_prefetch = 0 : i64, scratch_operands = 6 : i64, tpu.core_type = #tpu.core_type<sc_vector_subcore>, window_params = [{transform_indices = #map}, {transform_indices = #map1}, {transform_indices = #map1}, {transform_indices = #map}, {transform_indices = #map2}]} {
    %mul3A = arith.constant 16 : i32
    %mul3A_0 = arith.muli %arg0, %mul3A : i32
    %add3A = arith.addi %mul3A_0, %arg1 : i32
    "tpu.region"() ({
      %run_scoped3A = tpu.sem_alloc : memref<!tpu.dma_semaphore, #tpu.memory_space<semaphore_mem>>
      tpu.enqueue_dma source(%arg5 : memref<128x128xf32, #tpu.memory_space<hbm>>) target(%arg10 : memref<128x128xf32, #tpu.memory_space<vmem>>) target_semaphore(%run_scoped3A : memref<!tpu.dma_semaphore, #tpu.memory_space<semaphore_mem>>)
      tpu.wait_dma2 semaphore(%run_scoped3A : memref<!tpu.dma_semaphore, #tpu.memory_space<semaphore_mem>>) src(%arg5 : memref<128x128xf32, #tpu.memory_space<hbm>>) dst(%arg10 : memref<128x128xf32, #tpu.memory_space<vmem>>)
      tpu.yield
    }) : () -> ()
    %scan3A = arith.constant 0 : i32
    %scan3A_1 = arith.constant 0 : i32
    %scan3A_2 = arith.constant 5 : i32
    %scan3A_3 = arith.addi %scan3A_1, %scan3A_2 : i32
    %scan3A_4 = arith.constant 1 : i32
    %scan3A_5 = scf.for %scan3A_22 = %scan3A_1 to %scan3A_3 step %scan3A_4 iter_args(%scan3A_23 = %scan3A) -> (i32)  : i32 {
      %mul3A_24 = arith.constant 640 : i32
      %mul3A_25 = arith.muli %arg1, %mul3A_24 : i32
      %mul3A_26 = arith.constant 128 : i32
      %mul3A_27 = arith.muli %scan3A_22, %mul3A_26 : i32
      %add3A_28 = arith.addi %mul3A_25, %mul3A_27 : i32
      "tpu.region"() ({
        %run_scoped3A = tpu.sem_alloc : memref<!tpu.dma_semaphore, #tpu.memory_space<semaphore_mem>>
        %dma_start3A = arith.constant 0 : i32
        %dma_start3A_30 = tpu.memref_slice %arg11[%add3A_28, %dma_start3A] : memref<10240x128xf32, #tpu.memory_space<vmem_shared>> -> memref<128x128xf32, #tpu.memory_space<vmem_shared>>
        %dma_start3A_31 = arith.constant 0 : i32
        %dma_start3A_32 = tpu.memref_slice %arg11[%add3A_28, %dma_start3A_31] : memref<10240x128xf32, #tpu.memory_space<vmem_shared>> -> memref<128x128xf32, #tpu.memory_space<vmem_shared>>
        tpu.enqueue_dma source(%arg10 : memref<128x128xf32, #tpu.memory_space<vmem>>) target(%dma_start3A_32 : memref<128x128xf32, #tpu.memory_space<vmem_shared>>) target_semaphore(%run_scoped3A : memref<!tpu.dma_semaphore, #tpu.memory_space<semaphore_mem>>)
        %dma_wait3A = arith.constant 0 : i32
        %dma_wait3A_33 = tpu.memref_slice %arg11[%add3A_28, %dma_wait3A] : memref<10240x128xf32, #tpu.memory_space<vmem_shared>> -> memref<128x128xf32, #tpu.memory_space<vmem_shared>>
        %dma_wait3A_34 = arith.constant 0 : i32
        %dma_wait3A_35 = tpu.memref_slice %arg11[%add3A_28, %dma_wait3A_34] : memref<10240x128xf32, #tpu.memory_space<vmem_shared>> -> memref<128x128xf32, #tpu.memory_space<vmem_shared>>
        tpu.wait_dma2 semaphore(%run_scoped3A : memref<!tpu.dma_semaphore, #tpu.memory_space<semaphore_mem>>) src(%arg10 : memref<128x128xf32, #tpu.memory_space<vmem>>) dst(%dma_wait3A_35 : memref<128x128xf32, #tpu.memory_space<vmem_shared>>)
        tpu.yield
      }) : () -> ()
      %scan3A_29 = arith.constant 0 : i32
      scf.yield %scan3A_29 : i32
    }
    %scan3A_6 = arith.constant 5 : i32
    %barrier3A = arith.constant 0 : index
    tpu.barrier barrier_id(%barrier3A)
    %scan3A_7 = arith.constant 0 : i32
    %scan3A_8 = arith.constant 0 : i32
    %scan3A_9 = arith.constant 79 : i32
    %scan3A_10 = arith.addi %scan3A_8, %scan3A_9 : i32
    %scan3A_11 = arith.constant 1 : i32
    %scan3A_12 = scf.for %scan3A_22 = %scan3A_8 to %scan3A_10 step %scan3A_11 iter_args(%scan3A_23 = %scan3A_7) -> (i32)  : i32 {
      %mul3A_24 = arith.constant 10112 : i32
      %mul3A_25 = arith.muli %add3A, %mul3A_24 : i32
      %mul3A_26 = arith.constant 128 : i32
      %mul3A_27 = arith.muli %scan3A_22, %mul3A_26 : i32
      %add3A_28 = arith.addi %mul3A_25, %mul3A_27 : i32
      %dma_start3A = tpu.memref_slice %arg3[%add3A_28] : memref<323584xi32, #tpu.memory_space<hbm>> -> memref<128xi32, #tpu.memory_space<hbm>>
      %dma_start3A_29 = tpu.memref_slice %arg3[%add3A_28] : memref<323584xi32, #tpu.memory_space<hbm>> -> memref<128xi32, #tpu.memory_space<hbm>>
      tpu.enqueue_dma source(%dma_start3A_29 : memref<128xi32, #tpu.memory_space<hbm>>) target(%arg7 : memref<128xi32, #tpu.memory_space<vmem>>) target_semaphore(%arg12 : memref<!tpu.dma_semaphore, #tpu.memory_space<semaphore_mem>>)
      %dma_start3A_30 = tpu.memref_slice %arg4[%add3A_28] : memref<323584xi32, #tpu.memory_space<hbm>> -> memref<128xi32, #tpu.memory_space<hbm>>
      %dma_start3A_31 = tpu.memref_slice %arg4[%add3A_28] : memref<323584xi32, #tpu.memory_space<hbm>> -> memref<128xi32, #tpu.memory_space<hbm>>
      tpu.enqueue_dma source(%dma_start3A_31 : memref<128xi32, #tpu.memory_space<hbm>>) target(%arg8 : memref<128xi32, #tpu.memory_space<vmem>>) target_semaphore(%arg12 : memref<!tpu.dma_semaphore, #tpu.memory_space<semaphore_mem>>)
      %dma_wait3A = tpu.memref_slice %arg3[%add3A_28] : memref<323584xi32, #tpu.memory_space<hbm>> -> memref<128xi32, #tpu.memory_space<hbm>>
      %dma_wait3A_32 = tpu.memref_slice %arg3[%add3A_28] : memref<323584xi32, #tpu.memory_space<hbm>> -> memref<128xi32, #tpu.memory_space<hbm>>
      tpu.wait_dma2 semaphore(%arg12 : memref<!tpu.dma_semaphore, #tpu.memory_space<semaphore_mem>>) src(%dma_wait3A_32 : memref<128xi32, #tpu.memory_space<hbm>>) dst(%arg7 : memref<128xi32, #tpu.memory_space<vmem>>)
      %dma_wait3A_33 = tpu.memref_slice %arg4[%add3A_28] : memref<323584xi32, #tpu.memory_space<hbm>> -> memref<128xi32, #tpu.memory_space<hbm>>
      %dma_wait3A_34 = tpu.memref_slice %arg4[%add3A_28] : memref<323584xi32, #tpu.memory_space<hbm>> -> memref<128xi32, #tpu.memory_space<hbm>>
      tpu.wait_dma2 semaphore(%arg12 : memref<!tpu.dma_semaphore, #tpu.memory_space<semaphore_mem>>) src(%dma_wait3A_34 : memref<128xi32, #tpu.memory_space<hbm>>) dst(%arg8 : memref<128xi32, #tpu.memory_space<vmem>>)
      %dma_start3A_35 = arith.constant 0 : i32
      %dma_start3A_36 = arith.constant 0 : i32
      %dma_start3A_37 = tpu.memref_slice %arg2[%dma_start3A_35, %dma_start3A_36] : memref<10000x128xf32, #tpu.memory_space<hbm>> -> memref<10000x128xf32, #tpu.memory_space<hbm>>
      tpu.enqueue_indirect_dma source(%dma_start3A_37 : memref<10000x128xf32, #tpu.memory_space<hbm>>) target(%arg9 : memref<128x128xf32, #tpu.memory_space<vmem>>) offsets(%arg7 : memref<128xi32, #tpu.memory_space<vmem>>) semaphore(%arg12 : memref<!tpu.dma_semaphore, #tpu.memory_space<semaphore_mem>>)
      %dma_wait3A_38 = arith.constant 0 : i32
      %dma_wait3A_39 = arith.constant 0 : i32
      %dma_wait3A_40 = tpu.memref_slice %arg2[%dma_wait3A_38, %dma_wait3A_39] : memref<10000x128xf32, #tpu.memory_space<hbm>> -> memref<10000x128xf32, #tpu.memory_space<hbm>>
      tpu.wait_indirect_dma semaphore(%arg12 : memref<!tpu.dma_semaphore, #tpu.memory_space<semaphore_mem>>) src(%dma_wait3A_40 : memref<10000x128xf32, #tpu.memory_space<hbm>>) dst(%arg9 : memref<128x128xf32, #tpu.memory_space<vmem>>)
      "tpu.region"() ({
        %run_scoped3A = tpu.sem_alloc : memref<!tpu.dma_semaphore, #tpu.memory_space<semaphore_mem>>
        %dma_start3A_42 = arith.constant 0 : i32
        %dma_start3A_43 = arith.constant 0 : i32
        %dma_start3A_44 = tpu.memref_slice %arg11[%dma_start3A_42, %dma_start3A_43] : memref<10240x128xf32, #tpu.memory_space<vmem_shared>> -> memref<10240x128xf32, #tpu.memory_space<vmem_shared>>
        tpu.enqueue_indirect_dma source(%arg9 : memref<128x128xf32, #tpu.memory_space<vmem>>) target(%dma_start3A_44 : memref<10240x128xf32, #tpu.memory_space<vmem_shared>>) offsets(%arg8 : memref<128xi32, #tpu.memory_space<vmem>>) semaphore(%run_scoped3A : memref<!tpu.dma_semaphore, #tpu.memory_space<semaphore_mem>>) {add = true}
        %dma_wait3A_45 = arith.constant 0 : i32
        %dma_wait3A_46 = arith.constant 0 : i32
        %dma_wait3A_47 = tpu.memref_slice %arg11[%dma_wait3A_45, %dma_wait3A_46] : memref<10240x128xf32, #tpu.memory_space<vmem_shared>> -> memref<10240x128xf32, #tpu.memory_space<vmem_shared>>
        tpu.wait_indirect_dma semaphore(%run_scoped3A : memref<!tpu.dma_semaphore, #tpu.memory_space<semaphore_mem>>) src(%arg9 : memref<128x128xf32, #tpu.memory_space<vmem>>) dst(%dma_wait3A_47 : memref<10240x128xf32, #tpu.memory_space<vmem_shared>>)
        tpu.yield
      }) : () -> ()
      %scan3A_41 = arith.constant 0 : i32
      scf.yield %scan3A_41 : i32
    }
    %scan3A_13 = arith.constant 79 : i32
    %barrier3A_14 = arith.constant 0 : index
    tpu.barrier barrier_id(%barrier3A_14)
    %scan3A_15 = arith.constant 0 : i32
    %scan3A_16 = arith.constant 0 : i32
    %scan3A_17 = arith.constant 5 : i32
    %scan3A_18 = arith.addi %scan3A_16, %scan3A_17 : i32
    %scan3A_19 = arith.constant 1 : i32
    %scan3A_20 = scf.for %scan3A_22 = %scan3A_16 to %scan3A_18 step %scan3A_19 iter_args(%scan3A_23 = %scan3A_15) -> (i32)  : i32 {
      %mul3A_24 = arith.constant 640 : i32
      %mul3A_25 = arith.muli %arg1, %mul3A_24 : i32
      %mul3A_26 = arith.constant 128 : i32
      %mul3A_27 = arith.muli %scan3A_22, %mul3A_26 : i32
      %add3A_28 = arith.addi %mul3A_25, %mul3A_27 : i32
      "tpu.region"() ({
        %run_scoped3A = tpu.sem_alloc : memref<!tpu.dma_semaphore, #tpu.memory_space<semaphore_mem>>
        %dma_start3A = arith.constant 0 : i32
        %dma_start3A_30 = tpu.memref_slice %arg11[%add3A_28, %dma_start3A] : memref<10240x128xf32, #tpu.memory_space<vmem_shared>> -> memref<128x128xf32, #tpu.memory_space<vmem_shared>>
        %dma_start3A_31 = arith.constant 0 : i32
        %dma_start3A_32 = tpu.memref_slice %arg11[%add3A_28, %dma_start3A_31] : memref<10240x128xf32, #tpu.memory_space<vmem_shared>> -> memref<128x128xf32, #tpu.memory_space<vmem_shared>>
        tpu.enqueue_dma source(%dma_start3A_32 : memref<128x128xf32, #tpu.memory_space<vmem_shared>>) target(%arg10 : memref<128x128xf32, #tpu.memory_space<vmem>>) target_semaphore(%run_scoped3A : memref<!tpu.dma_semaphore, #tpu.memory_space<semaphore_mem>>)
        %dma_wait3A = arith.constant 0 : i32
        %dma_wait3A_33 = tpu.memref_slice %arg11[%add3A_28, %dma_wait3A] : memref<10240x128xf32, #tpu.memory_space<vmem_shared>> -> memref<128x128xf32, #tpu.memory_space<vmem_shared>>
        %dma_wait3A_34 = arith.constant 0 : i32
        %dma_wait3A_35 = tpu.memref_slice %arg11[%add3A_28, %dma_wait3A_34] : memref<10240x128xf32, #tpu.memory_space<vmem_shared>> -> memref<128x128xf32, #tpu.memory_space<vmem_shared>>
        tpu.wait_dma2 semaphore(%run_scoped3A : memref<!tpu.dma_semaphore, #tpu.memory_space<semaphore_mem>>) src(%dma_wait3A_35 : memref<128x128xf32, #tpu.memory_space<vmem_shared>>) dst(%arg10 : memref<128x128xf32, #tpu.memory_space<vmem>>)
        tpu.yield
      }) : () -> ()
      "tpu.region"() ({
        %run_scoped3A = tpu.sem_alloc : memref<!tpu.dma_semaphore, #tpu.memory_space<semaphore_mem>>
        %dma_start3A = arith.constant 0 : i32
        %dma_start3A_30 = tpu.memref_slice %arg6[%arg0, %add3A_28, %dma_start3A] : memref<2x10240x128xf32, #tpu.memory_space<hbm>> -> memref<1x128x128xf32, #tpu.memory_space<hbm>>
        %dma_start3A_31 = tpu.memref_squeeze %dma_start3A_30 : memref<1x128x128xf32, #tpu.memory_space<hbm>> -> memref<128x128xf32, #tpu.memory_space<hbm>>
        %dma_start3A_32 = arith.constant 0 : i32
        %dma_start3A_33 = tpu.memref_slice %arg6[%arg0, %add3A_28, %dma_start3A_32] : memref<2x10240x128xf32, #tpu.memory_space<hbm>> -> memref<1x128x128xf32, #tpu.memory_space<hbm>>
        %dma_start3A_34 = tpu.memref_squeeze %dma_start3A_33 : memref<1x128x128xf32, #tpu.memory_space<hbm>> -> memref<128x128xf32, #tpu.memory_space<hbm>>
        tpu.enqueue_dma source(%arg10 : memref<128x128xf32, #tpu.memory_space<vmem>>) target(%dma_start3A_34 : memref<128x128xf32, #tpu.memory_space<hbm>>) target_semaphore(%run_scoped3A : memref<!tpu.dma_semaphore, #tpu.memory_space<semaphore_mem>>)
        %dma_wait3A = arith.constant 0 : i32
        %dma_wait3A_35 = tpu.memref_slice %arg6[%arg0, %add3A_28, %dma_wait3A] : memref<2x10240x128xf32, #tpu.memory_space<hbm>> -> memref<1x128x128xf32, #tpu.memory_space<hbm>>
        %dma_wait3A_36 = tpu.memref_squeeze %dma_wait3A_35 : memref<1x128x128xf32, #tpu.memory_space<hbm>> -> memref<128x128xf32, #tpu.memory_space<hbm>>
        %dma_wait3A_37 = arith.constant 0 : i32
        %dma_wait3A_38 = tpu.memref_slice %arg6[%arg0, %add3A_28, %dma_wait3A_37] : memref<2x10240x128xf32, #tpu.memory_space<hbm>> -> memref<1x128x128xf32, #tpu.memory_space<hbm>>
        %dma_wait3A_39 = tpu.memref_squeeze %dma_wait3A_38 : memref<1x128x128xf32, #tpu.memory_space<hbm>> -> memref<128x128xf32, #tpu.memory_space<hbm>>
        tpu.wait_dma2 semaphore(%run_scoped3A : memref<!tpu.dma_semaphore, #tpu.memory_space<semaphore_mem>>) src(%arg10 : memref<128x128xf32, #tpu.memory_space<vmem>>) dst(%dma_wait3A_39 : memref<128x128xf32, #tpu.memory_space<hbm>>)
        tpu.yield
      }) : () -> ()
      %scan3A_29 = arith.constant 0 : i32
      scf.yield %scan3A_29 : i32
    }
    %scan3A_21 = arith.constant 5 : i32
    return
  }
}

#map = affine_map<(d0, d1) -> (0, 0)>
#map1 = affine_map<(d0, d1) -> (0)>
#map2 = affine_map<(d0, d1) -> (0, 0, 0)>
module attributes {stable_mosaic.version = 14 : i64} {
  func.func @_edge_step(%arg0: i32, %arg1: i32, %arg2: memref<10000x128xf32, #tpu.memory_space<hbm>>, %arg3: memref<323584xi32, #tpu.memory_space<hbm>>, %arg4: memref<323584xi32, #tpu.memory_space<hbm>>, %arg5: memref<128x128xf32, #tpu.memory_space<hbm>>, %arg6: memref<2x10240x128xf32, #tpu.memory_space<hbm>>, %arg7: memref<128xi32, #tpu.memory_space<vmem>>, %arg8: memref<128xi32, #tpu.memory_space<vmem>>, %arg9: memref<128x128xf32, #tpu.memory_space<vmem>>, %arg10: memref<128x128xf32, #tpu.memory_space<vmem>>, %arg11: memref<10240x128xf32, #tpu.memory_space<vmem_shared>>, %arg12: memref<!tpu.dma_semaphore, #tpu.memory_space<semaphore_mem>>) attributes {dimension_semantics = [#tpu.dimension_semantics<core_parallel>, #tpu.dimension_semantics<subcore_parallel>], iteration_bounds = array<i64: 2, 16>, scalar_prefetch = 0 : i64, scratch_operands = 6 : i64, tpu.core_type = #tpu.core_type<sc_vector_subcore>, window_params = [{transform_indices = #map}, {transform_indices = #map1}, {transform_indices = #map1}, {transform_indices = #map}, {transform_indices = #map2}]} {
    %mul3A = arith.constant 16 : i32
    %mul3A_0 = arith.muli %arg0, %mul3A : i32
    %add3A = arith.addi %mul3A_0, %arg1 : i32
    "tpu.region"() ({
      %run_scoped3A = tpu.sem_alloc : memref<!tpu.dma_semaphore, #tpu.memory_space<semaphore_mem>>
      tpu.enqueue_dma source(%arg5 : memref<128x128xf32, #tpu.memory_space<hbm>>) target(%arg10 : memref<128x128xf32, #tpu.memory_space<vmem>>) target_semaphore(%run_scoped3A : memref<!tpu.dma_semaphore, #tpu.memory_space<semaphore_mem>>)
      tpu.wait_dma2 semaphore(%run_scoped3A : memref<!tpu.dma_semaphore, #tpu.memory_space<semaphore_mem>>) src(%arg5 : memref<128x128xf32, #tpu.memory_space<hbm>>) dst(%arg10 : memref<128x128xf32, #tpu.memory_space<vmem>>)
      tpu.yield
    }) : () -> ()
    %scan3A = arith.constant 0 : i32
    %scan3A_1 = arith.constant 0 : i32
    %scan3A_2 = arith.constant 5 : i32
    %scan3A_3 = arith.addi %scan3A_1, %scan3A_2 : i32
    %scan3A_4 = arith.constant 1 : i32
    %scan3A_5 = scf.for %scan3A_22 = %scan3A_1 to %scan3A_3 step %scan3A_4 iter_args(%scan3A_23 = %scan3A) -> (i32)  : i32 {
      %mul3A_24 = arith.constant 640 : i32
      %mul3A_25 = arith.muli %arg1, %mul3A_24 : i32
      %mul3A_26 = arith.constant 128 : i32
      %mul3A_27 = arith.muli %scan3A_22, %mul3A_26 : i32
      %add3A_28 = arith.addi %mul3A_25, %mul3A_27 : i32
      "tpu.region"() ({
        %run_scoped3A = tpu.sem_alloc : memref<!tpu.dma_semaphore, #tpu.memory_space<semaphore_mem>>
        %dma_start3A = arith.constant 0 : i32
        %dma_start3A_30 = tpu.memref_slice %arg11[%add3A_28, %dma_start3A] : memref<10240x128xf32, #tpu.memory_space<vmem_shared>> -> memref<128x128xf32, #tpu.memory_space<vmem_shared>>
        %dma_start3A_31 = arith.constant 0 : i32
        %dma_start3A_32 = tpu.memref_slice %arg11[%add3A_28, %dma_start3A_31] : memref<10240x128xf32, #tpu.memory_space<vmem_shared>> -> memref<128x128xf32, #tpu.memory_space<vmem_shared>>
        tpu.enqueue_dma source(%arg10 : memref<128x128xf32, #tpu.memory_space<vmem>>) target(%dma_start3A_32 : memref<128x128xf32, #tpu.memory_space<vmem_shared>>) target_semaphore(%run_scoped3A : memref<!tpu.dma_semaphore, #tpu.memory_space<semaphore_mem>>)
        %dma_wait3A = arith.constant 0 : i32
        %dma_wait3A_33 = tpu.memref_slice %arg11[%add3A_28, %dma_wait3A] : memref<10240x128xf32, #tpu.memory_space<vmem_shared>> -> memref<128x128xf32, #tpu.memory_space<vmem_shared>>
        %dma_wait3A_34 = arith.constant 0 : i32
        %dma_wait3A_35 = tpu.memref_slice %arg11[%add3A_28, %dma_wait3A_34] : memref<10240x128xf32, #tpu.memory_space<vmem_shared>> -> memref<128x128xf32, #tpu.memory_space<vmem_shared>>
        tpu.wait_dma2 semaphore(%run_scoped3A : memref<!tpu.dma_semaphore, #tpu.memory_space<semaphore_mem>>) src(%arg10 : memref<128x128xf32, #tpu.memory_space<vmem>>) dst(%dma_wait3A_35 : memref<128x128xf32, #tpu.memory_space<vmem_shared>>)
        tpu.yield
      }) : () -> ()
      %scan3A_29 = arith.constant 0 : i32
      scf.yield %scan3A_29 : i32
    }
    %scan3A_6 = arith.constant 5 : i32
    %barrier3A = arith.constant 0 : index
    tpu.barrier barrier_id(%barrier3A)
    %scan3A_7 = arith.constant 0 : i32
    %scan3A_8 = arith.constant 0 : i32
    %scan3A_9 = arith.constant 79 : i32
    %scan3A_10 = arith.addi %scan3A_8, %scan3A_9 : i32
    %scan3A_11 = arith.constant 1 : i32
    %scan3A_12 = scf.for %scan3A_22 = %scan3A_8 to %scan3A_10 step %scan3A_11 iter_args(%scan3A_23 = %scan3A_7) -> (i32)  : i32 {
      %mul3A_24 = arith.constant 10112 : i32
      %mul3A_25 = arith.muli %add3A, %mul3A_24 : i32
      %mul3A_26 = arith.constant 128 : i32
      %mul3A_27 = arith.muli %scan3A_22, %mul3A_26 : i32
      %add3A_28 = arith.addi %mul3A_25, %mul3A_27 : i32
      %dma_start3A = tpu.memref_slice %arg3[%add3A_28] : memref<323584xi32, #tpu.memory_space<hbm>> -> memref<128xi32, #tpu.memory_space<hbm>>
      %dma_start3A_29 = tpu.memref_slice %arg3[%add3A_28] : memref<323584xi32, #tpu.memory_space<hbm>> -> memref<128xi32, #tpu.memory_space<hbm>>
      tpu.enqueue_dma source(%dma_start3A_29 : memref<128xi32, #tpu.memory_space<hbm>>) target(%arg7 : memref<128xi32, #tpu.memory_space<vmem>>) target_semaphore(%arg12 : memref<!tpu.dma_semaphore, #tpu.memory_space<semaphore_mem>>)
      %dma_start3A_30 = tpu.memref_slice %arg4[%add3A_28] : memref<323584xi32, #tpu.memory_space<hbm>> -> memref<128xi32, #tpu.memory_space<hbm>>
      %dma_start3A_31 = tpu.memref_slice %arg4[%add3A_28] : memref<323584xi32, #tpu.memory_space<hbm>> -> memref<128xi32, #tpu.memory_space<hbm>>
      tpu.enqueue_dma source(%dma_start3A_31 : memref<128xi32, #tpu.memory_space<hbm>>) target(%arg8 : memref<128xi32, #tpu.memory_space<vmem>>) target_semaphore(%arg12 : memref<!tpu.dma_semaphore, #tpu.memory_space<semaphore_mem>>)
      %dma_wait3A = tpu.memref_slice %arg3[%add3A_28] : memref<323584xi32, #tpu.memory_space<hbm>> -> memref<128xi32, #tpu.memory_space<hbm>>
      %dma_wait3A_32 = tpu.memref_slice %arg3[%add3A_28] : memref<323584xi32, #tpu.memory_space<hbm>> -> memref<128xi32, #tpu.memory_space<hbm>>
      tpu.wait_dma2 semaphore(%arg12 : memref<!tpu.dma_semaphore, #tpu.memory_space<semaphore_mem>>) src(%dma_wait3A_32 : memref<128xi32, #tpu.memory_space<hbm>>) dst(%arg7 : memref<128xi32, #tpu.memory_space<vmem>>)
      %dma_wait3A_33 = tpu.memref_slice %arg4[%add3A_28] : memref<323584xi32, #tpu.memory_space<hbm>> -> memref<128xi32, #tpu.memory_space<hbm>>
      %dma_wait3A_34 = tpu.memref_slice %arg4[%add3A_28] : memref<323584xi32, #tpu.memory_space<hbm>> -> memref<128xi32, #tpu.memory_space<hbm>>
      tpu.wait_dma2 semaphore(%arg12 : memref<!tpu.dma_semaphore, #tpu.memory_space<semaphore_mem>>) src(%dma_wait3A_34 : memref<128xi32, #tpu.memory_space<hbm>>) dst(%arg8 : memref<128xi32, #tpu.memory_space<vmem>>)
      %dma_start3A_35 = arith.constant 0 : i32
      %dma_start3A_36 = arith.constant 0 : i32
      %dma_start3A_37 = tpu.memref_slice %arg2[%dma_start3A_35, %dma_start3A_36] : memref<10000x128xf32, #tpu.memory_space<hbm>> -> memref<10000x128xf32, #tpu.memory_space<hbm>>
      tpu.enqueue_indirect_dma source(%dma_start3A_37 : memref<10000x128xf32, #tpu.memory_space<hbm>>) target(%arg9 : memref<128x128xf32, #tpu.memory_space<vmem>>) offsets(%arg7 : memref<128xi32, #tpu.memory_space<vmem>>) semaphore(%arg12 : memref<!tpu.dma_semaphore, #tpu.memory_space<semaphore_mem>>)
      %dma_wait3A_38 = arith.constant 0 : i32
      %dma_wait3A_39 = arith.constant 0 : i32
      %dma_wait3A_40 = tpu.memref_slice %arg2[%dma_wait3A_38, %dma_wait3A_39] : memref<10000x128xf32, #tpu.memory_space<hbm>> -> memref<10000x128xf32, #tpu.memory_space<hbm>>
      tpu.wait_indirect_dma semaphore(%arg12 : memref<!tpu.dma_semaphore, #tpu.memory_space<semaphore_mem>>) src(%dma_wait3A_40 : memref<10000x128xf32, #tpu.memory_space<hbm>>) dst(%arg9 : memref<128x128xf32, #tpu.memory_space<vmem>>)
      "tpu.region"() ({
        %run_scoped3A = tpu.sem_alloc : memref<!tpu.dma_semaphore, #tpu.memory_space<semaphore_mem>>
        %dma_start3A_42 = arith.constant 0 : i32
        %dma_start3A_43 = arith.constant 0 : i32
        %dma_start3A_44 = tpu.memref_slice %arg11[%dma_start3A_42, %dma_start3A_43] : memref<10240x128xf32, #tpu.memory_space<vmem_shared>> -> memref<10240x128xf32, #tpu.memory_space<vmem_shared>>
        tpu.enqueue_indirect_dma source(%arg9 : memref<128x128xf32, #tpu.memory_space<vmem>>) target(%dma_start3A_44 : memref<10240x128xf32, #tpu.memory_space<vmem_shared>>) offsets(%arg8 : memref<128xi32, #tpu.memory_space<vmem>>) semaphore(%run_scoped3A : memref<!tpu.dma_semaphore, #tpu.memory_space<semaphore_mem>>) {add = true}
        %dma_wait3A_45 = arith.constant 0 : i32
        %dma_wait3A_46 = arith.constant 0 : i32
        %dma_wait3A_47 = tpu.memref_slice %arg11[%dma_wait3A_45, %dma_wait3A_46] : memref<10240x128xf32, #tpu.memory_space<vmem_shared>> -> memref<10240x128xf32, #tpu.memory_space<vmem_shared>>
        tpu.wait_indirect_dma semaphore(%run_scoped3A : memref<!tpu.dma_semaphore, #tpu.memory_space<semaphore_mem>>) src(%arg9 : memref<128x128xf32, #tpu.memory_space<vmem>>) dst(%dma_wait3A_47 : memref<10240x128xf32, #tpu.memory_space<vmem_shared>>)
        tpu.yield
      }) : () -> ()
      %scan3A_41 = arith.constant 0 : i32
      scf.yield %scan3A_41 : i32
    }
    %scan3A_13 = arith.constant 79 : i32
    %barrier3A_14 = arith.constant 0 : index
    tpu.barrier barrier_id(%barrier3A_14)
    %scan3A_15 = arith.constant 0 : i32
    %scan3A_16 = arith.constant 0 : i32
    %scan3A_17 = arith.constant 5 : i32
    %scan3A_18 = arith.addi %scan3A_16, %scan3A_17 : i32
    %scan3A_19 = arith.constant 1 : i32
    %scan3A_20 = scf.for %scan3A_22 = %scan3A_16 to %scan3A_18 step %scan3A_19 iter_args(%scan3A_23 = %scan3A_15) -> (i32)  : i32 {
      %mul3A_24 = arith.constant 640 : i32
      %mul3A_25 = arith.muli %arg1, %mul3A_24 : i32
      %mul3A_26 = arith.constant 128 : i32
      %mul3A_27 = arith.muli %scan3A_22, %mul3A_26 : i32
      %add3A_28 = arith.addi %mul3A_25, %mul3A_27 : i32
      "tpu.region"() ({
        %run_scoped3A = tpu.sem_alloc : memref<!tpu.dma_semaphore, #tpu.memory_space<semaphore_mem>>
        %dma_start3A = arith.constant 0 : i32
        %dma_start3A_30 = tpu.memref_slice %arg11[%add3A_28, %dma_start3A] : memref<10240x128xf32, #tpu.memory_space<vmem_shared>> -> memref<128x128xf32, #tpu.memory_space<vmem_shared>>
        %dma_start3A_31 = arith.constant 0 : i32
        %dma_start3A_32 = tpu.memref_slice %arg11[%add3A_28, %dma_start3A_31] : memref<10240x128xf32, #tpu.memory_space<vmem_shared>> -> memref<128x128xf32, #tpu.memory_space<vmem_shared>>
        tpu.enqueue_dma source(%dma_start3A_32 : memref<128x128xf32, #tpu.memory_space<vmem_shared>>) target(%arg10 : memref<128x128xf32, #tpu.memory_space<vmem>>) target_semaphore(%run_scoped3A : memref<!tpu.dma_semaphore, #tpu.memory_space<semaphore_mem>>)
        %dma_wait3A = arith.constant 0 : i32
        %dma_wait3A_33 = tpu.memref_slice %arg11[%add3A_28, %dma_wait3A] : memref<10240x128xf32, #tpu.memory_space<vmem_shared>> -> memref<128x128xf32, #tpu.memory_space<vmem_shared>>
        %dma_wait3A_34 = arith.constant 0 : i32
        %dma_wait3A_35 = tpu.memref_slice %arg11[%add3A_28, %dma_wait3A_34] : memref<10240x128xf32, #tpu.memory_space<vmem_shared>> -> memref<128x128xf32, #tpu.memory_space<vmem_shared>>
        tpu.wait_dma2 semaphore(%run_scoped3A : memref<!tpu.dma_semaphore, #tpu.memory_space<semaphore_mem>>) src(%dma_wait3A_35 : memref<128x128xf32, #tpu.memory_space<vmem_shared>>) dst(%arg10 : memref<128x128xf32, #tpu.memory_space<vmem>>)
        tpu.yield
      }) : () -> ()
      "tpu.region"() ({
        %run_scoped3A = tpu.sem_alloc : memref<!tpu.dma_semaphore, #tpu.memory_space<semaphore_mem>>
        %dma_start3A = arith.constant 0 : i32
        %dma_start3A_30 = tpu.memref_slice %arg6[%arg0, %add3A_28, %dma_start3A] : memref<2x10240x128xf32, #tpu.memory_space<hbm>> -> memref<1x128x128xf32, #tpu.memory_space<hbm>>
        %dma_start3A_31 = tpu.memref_squeeze %dma_start3A_30 : memref<1x128x128xf32, #tpu.memory_space<hbm>> -> memref<128x128xf32, #tpu.memory_space<hbm>>
        %dma_start3A_32 = arith.constant 0 : i32
        %dma_start3A_33 = tpu.memref_slice %arg6[%arg0, %add3A_28, %dma_start3A_32] : memref<2x10240x128xf32, #tpu.memory_space<hbm>> -> memref<1x128x128xf32, #tpu.memory_space<hbm>>
        %dma_start3A_34 = tpu.memref_squeeze %dma_start3A_33 : memref<1x128x128xf32, #tpu.memory_space<hbm>> -> memref<128x128xf32, #tpu.memory_space<hbm>>
        tpu.enqueue_dma source(%arg10 : memref<128x128xf32, #tpu.memory_space<vmem>>) target(%dma_start3A_34 : memref<128x128xf32, #tpu.memory_space<hbm>>) target_semaphore(%run_scoped3A : memref<!tpu.dma_semaphore, #tpu.memory_space<semaphore_mem>>)
        %dma_wait3A = arith.constant 0 : i32
        %dma_wait3A_35 = tpu.memref_slice %arg6[%arg0, %add3A_28, %dma_wait3A] : memref<2x10240x128xf32, #tpu.memory_space<hbm>> -> memref<1x128x128xf32, #tpu.memory_space<hbm>>
        %dma_wait3A_36 = tpu.memref_squeeze %dma_wait3A_35 : memref<1x128x128xf32, #tpu.memory_space<hbm>> -> memref<128x128xf32, #tpu.memory_space<hbm>>
        %dma_wait3A_37 = arith.constant 0 : i32
        %dma_wait3A_38 = tpu.memref_slice %arg6[%arg0, %add3A_28, %dma_wait3A_37] : memref<2x10240x128xf32, #tpu.memory_space<hbm>> -> memref<1x128x128xf32, #tpu.memory_space<hbm>>
        %dma_wait3A_39 = tpu.memref_squeeze %dma_wait3A_38 : memref<1x128x128xf32, #tpu.memory_space<hbm>> -> memref<128x128xf32, #tpu.memory_space<hbm>>
        tpu.wait_dma2 semaphore(%run_scoped3A : memref<!tpu.dma_semaphore, #tpu.memory_space<semaphore_mem>>) src(%arg10 : memref<128x128xf32, #tpu.memory_space<vmem>>) dst(%dma_wait3A_39 : memref<128x128xf32, #tpu.memory_space<hbm>>)
        tpu.yield
      }) : () -> ()
      %scan3A_29 = arith.constant 0 : i32
      scf.yield %scan3A_29 : i32
    }
    %scan3A_21 = arith.constant 5 : i32
    return
  }
}

module attributes {stable_mosaic.version = 14 : i64} {
  func.func @_emb_body(%arg0: i32, %arg1: memref<1000x128xf32, #tpu.memory_space<vmem>>, %arg2: memref<128x128xf32, #tpu.memory_space<vmem>>, %arg3: memref<1x128xf32, #tpu.memory_space<vmem>>, %arg4: memref<1000x128xf32, #tpu.memory_space<vmem>>) attributes {dimension_semantics = [#tpu.dimension_semantics<arbitrary>], iteration_bounds = array<i64: 10>, scalar_prefetch = 0 : i64, scratch_operands = 0 : i64, tpu.core_type = #tpu.core_type<tc>, window_params = [{transform_indices = @transform_0, window_bounds = array<i64: 1000, 128>}, {pipeline_mode = #tpu.pipeline_mode<synchronous>, transform_indices = @transform_1, window_bounds = array<i64: 128, 128>}, {pipeline_mode = #tpu.pipeline_mode<synchronous>, transform_indices = @transform_2, window_bounds = array<i64: 1, 128>}, {transform_indices = @transform_3, window_bounds = array<i64: 1000, 128>}]} {
    %get3A = arith.constant 0 : index
    %get3A_0 = arith.constant 0 : index
    %get3A_1 = vector.load %arg1[%get3A, %get3A_0] : memref<1000x128xf32, #tpu.memory_space<vmem>>, vector<1000x128xf32>
    %get3A_2 = arith.constant 0 : index
    %get3A_3 = arith.constant 0 : index
    %get3A_4 = vector.load %arg2[%get3A_2, %get3A_3] : memref<128x128xf32, #tpu.memory_space<vmem>>, vector<128x128xf32>
    %dot_general3A = arith.constant dense<0.000000e+00> : vector<1000x128xf32>
    %dot_general3A_5 = tpu.matmul %get3A_1, %get3A_4, %dot_general3A {dimension_numbers = #tpu.dot_dimension_numbers<[1], [1], [0], [0], [0, 0, 1, 0], [], []>, transpose_lhs_hint = false} : vector<1000x128xf32>, vector<128x128xf32>, vector<1000x128xf32> -> vector<1000x128xf32>
    %get3A_6 = arith.constant 0 : index
    %get3A_7 = arith.constant 0 : index
    %get3A_8 = vector.load %arg3[%get3A_6, %get3A_7] : memref<1x128xf32, #tpu.memory_space<vmem>>, vector<1x128xf32>
    %add3A = vector.broadcast %get3A_8 : vector<1x128xf32> to vector<1000x128xf32>
    %add3A_9 = arith.addf %dot_general3A_5, %add3A : vector<1000x128xf32>
    %swap3A = arith.constant 0 : index
    %swap3A_10 = arith.constant 0 : index
    %swap3A_11 = vector.load %arg4[%swap3A, %swap3A_10] : memref<1000x128xf32, #tpu.memory_space<vmem>>, vector<1000x128xf32>
    tpu.vector_store %arg4[%swap3A, %swap3A_10], %add3A_9 {strides = array<i32>} : memref<1000x128xf32, #tpu.memory_space<vmem>>, vector<1000x128xf32>,
    return
  }
  func.func @transform_0(%arg0: i32) -> (i32, i32) {
    %c0_i32 = arith.constant 0 : i32
    %c0_i32_0 = arith.constant 0 : i32
    return %arg0, %c0_i32 : i32, i32
  }
  func.func @transform_1(%arg0: i32) -> (i32, i32) {
    %c0_i32 = arith.constant 0 : i32
    %c0_i32_0 = arith.constant 0 : i32
    %c0_i32_1 = arith.constant 0 : i32
    return %c0_i32, %c0_i32_0 : i32, i32
  }
  func.func @transform_2(%arg0: i32) -> (i32, i32) {
    %c0_i32 = arith.constant 0 : i32
    %c0_i32_0 = arith.constant 0 : i32
    %c0_i32_1 = arith.constant 0 : i32
    return %c0_i32, %c0_i32_0 : i32, i32
  }
  func.func @transform_3(%arg0: i32) -> (i32, i32) {
    %c0_i32 = arith.constant 0 : i32
    %c0_i32_0 = arith.constant 0 : i32
    return %arg0, %c0_i32 : i32, i32
  }
}

module attributes {stable_mosaic.version = 14 : i64} {
  func.func @_upd_body(%arg0: i32, %arg1: memref<1000x128xf32, #tpu.memory_space<vmem>>, %arg2: memref<1000x128xf32, #tpu.memory_space<vmem>>, %arg3: memref<1000x128xf32, #tpu.memory_space<vmem>>, %arg4: memref<1000x128xf32, #tpu.memory_space<vmem>>, %arg5: memref<1000x16xf32, #tpu.memory_space<vmem>>, %arg6: memref<1000x16xf32, #tpu.memory_space<vmem>>, %arg7: memref<1000x128xf32, #tpu.memory_space<vmem>>) attributes {dimension_semantics = [#tpu.dimension_semantics<arbitrary>], iteration_bounds = array<i64: 10>, scalar_prefetch = 0 : i64, scratch_operands = 0 : i64, tpu.core_type = #tpu.core_type<tc>, window_params = [{transform_indices = @transform_0, window_bounds = array<i64: 1000, 128>}, {transform_indices = @transform_1, window_bounds = array<i64: 1000, 128>}, {transform_indices = @transform_2, window_bounds = array<i64: 1000, 128>}, {transform_indices = @transform_3, window_bounds = array<i64: 1000, 128>}, {transform_indices = @transform_4, window_bounds = array<i64: 1000, 16>}, {transform_indices = @transform_5, window_bounds = array<i64: 1000, 16>}, {transform_indices = @transform_6, window_bounds = array<i64: 1000, 128>}]} {
    %get3A = arith.constant 0 : index
    %get3A_0 = arith.constant 0 : index
    %get3A_1 = vector.load %arg5[%get3A, %get3A_0] : memref<1000x16xf32, #tpu.memory_space<vmem>>, vector<1000x1xf32>
    %get3A_2 = arith.constant 0 : index
    %get3A_3 = arith.constant 0 : index
    %get3A_4 = vector.load %arg6[%get3A_2, %get3A_3] : memref<1000x16xf32, #tpu.memory_space<vmem>>, vector<1000x1xf32>
    %add3A = arith.addf %get3A_1, %get3A_4 : vector<1000x1xf32>
    %gt3A = arith.constant 5.000000e-01 : f32
    %gt3A_5 = vector.broadcast %gt3A : f32 to vector<1000x1xf32>
    %gt3A_6 = arith.cmpf ogt, %add3A, %gt3A_5 : vector<1000x1xf32>
    %jit3A = arith.constant 1.000000e+00 : f32
    %broadcast_in_dim3A = vector.broadcast %jit3A : f32 to vector<1000x1xf32>
    %select_n3A = arith.select %gt3A_6, %add3A, %broadcast_in_dim3A : vector<1000x1xi1>, vector<1000x1xf32>
    %div3A = arith.constant 5.000000e-01 : f32
    %div3A_7 = vector.broadcast %div3A : f32 to vector<1000x1xf32>
    %div3A_8 = arith.divf %div3A_7, %select_n3A : vector<1000x1xf32>
    %jit3A_9 = arith.constant 0.000000e+00 : f32
    %broadcast_in_dim3A_10 = vector.broadcast %jit3A_9 : f32 to vector<1000x1xf32>
    %select_n3A_11 = arith.select %gt3A_6, %div3A_8, %broadcast_in_dim3A_10 : vector<1000x1xi1>, vector<1000x1xf32>
    %jit3A_12 = arith.constant 5.000000e-01 : f32
    %jit3A_13 = arith.constant 0.000000e+00 : f32
    %broadcast_in_dim3A_14 = vector.broadcast %jit3A_12 : f32 to vector<1000x1xf32>
    %broadcast_in_dim3A_15 = vector.broadcast %jit3A_13 : f32 to vector<1000x1xf32>
    %select_n3A_16 = arith.select %gt3A_6, %broadcast_in_dim3A_14, %broadcast_in_dim3A_15 : vector<1000x1xi1>, vector<1000x1xf32>
    %get3A_17 = arith.constant 0 : index
    %get3A_18 = arith.constant 0 : index
    %get3A_19 = vector.load %arg2[%get3A_17, %get3A_18] : memref<1000x128xf32, #tpu.memory_space<vmem>>, vector<1000x128xf32>
    %get3A_20 = arith.constant 0 : index
    %get3A_21 = arith.constant 0 : index
    %get3A_22 = vector.load %arg3[%get3A_20, %get3A_21] : memref<1000x128xf32, #tpu.memory_space<vmem>>, vector<1000x128xf32>
    %add3A_23 = arith.addf %get3A_19, %get3A_22 : vector<1000x128xf32>
    %get3A_24 = arith.constant 0 : index
    %get3A_25 = arith.constant 0 : index
    %get3A_26 = vector.load %arg1[%get3A_24, %get3A_25] : memref<1000x128xf32, #tpu.memory_space<vmem>>, vector<1000x128xf32>
    %mul3A = vector.broadcast %select_n3A_16 : vector<1000x1xf32> to vector<1000x128xf32>
    %mul3A_27 = arith.mulf %mul3A, %get3A_26 : vector<1000x128xf32>
    %mul3A_28 = vector.broadcast %select_n3A_11 : vector<1000x1xf32> to vector<1000x128xf32>
    %mul3A_29 = arith.mulf %mul3A_28, %add3A_23 : vector<1000x128xf32>
    %sub3A = arith.subf %mul3A_27, %mul3A_29 : vector<1000x128xf32>
    %get3A_30 = arith.constant 0 : index
    %get3A_31 = arith.constant 0 : index
    %get3A_32 = vector.load %arg4[%get3A_30, %get3A_31] : memref<1000x128xf32, #tpu.memory_space<vmem>>, vector<1000x128xf32>
    %mul3A_33 = arith.constant 5.000000e-01 : f32
    %mul3A_34 = vector.broadcast %mul3A_33 : f32 to vector<1000x128xf32>
    %mul3A_35 = arith.mulf %mul3A_34, %get3A_32 : vector<1000x128xf32>
    %add3A_36 = arith.addf %sub3A, %mul3A_35 : vector<1000x128xf32>
    %swap3A = arith.constant 0 : index
    %swap3A_37 = arith.constant 0 : index
    %swap3A_38 = vector.load %arg7[%swap3A, %swap3A_37] : memref<1000x128xf32, #tpu.memory_space<vmem>>, vector<1000x128xf32>
    tpu.vector_store %arg7[%swap3A, %swap3A_37], %add3A_36 {strides = array<i32>} : memref<1000x128xf32, #tpu.memory_space<vmem>>, vector<1000x128xf32>,
    return
  }
  func.func @transform_0(%arg0: i32) -> (i32, i32) {
    %c0_i32 = arith.constant 0 : i32
    %c0_i32_0 = arith.constant 0 : i32
    return %arg0, %c0_i32 : i32, i32
  }
  func.func @transform_1(%arg0: i32) -> (i32, i32) {
    %c0_i32 = arith.constant 0 : i32
    %c0_i32_0 = arith.constant 0 : i32
    return %arg0, %c0_i32 : i32, i32
  }
  func.func @transform_2(%arg0: i32) -> (i32, i32) {
    %c0_i32 = arith.constant 0 : i32
    %c0_i32_0 = arith.constant 0 : i32
    return %arg0, %c0_i32 : i32, i32
  }
  func.func @transform_3(%arg0: i32) -> (i32, i32) {
    %c0_i32 = arith.constant 0 : i32
    %c0_i32_0 = arith.constant 0 : i32
    return %arg0, %c0_i32 : i32, i32
  }
  func.func @transform_4(%arg0: i32) -> (i32, i32) {
    %c0_i32 = arith.constant 0 : i32
    %c0_i32_0 = arith.constant 0 : i32
    return %arg0, %c0_i32 : i32, i32
  }
  func.func @transform_5(%arg0: i32) -> (i32, i32) {
    %c0_i32 = arith.constant 0 : i32
    %c0_i32_0 = arith.constant 0 : i32
    return %arg0, %c0_i32 : i32, i32
  }
  func.func @transform_6(%arg0: i32) -> (i32, i32) {
    %c0_i32 = arith.constant 0 : i32
    %c0_i32_0 = arith.constant 0 : i32
    return %arg0, %c0_i32 : i32, i32
  }
}

module attributes {stable_mosaic.version = 14 : i64} {
  func.func @_upd_body(%arg0: i32, %arg1: memref<1000x128xf32, #tpu.memory_space<vmem>>, %arg2: memref<1000x128xf32, #tpu.memory_space<vmem>>, %arg3: memref<1000x128xf32, #tpu.memory_space<vmem>>, %arg4: memref<1000x128xf32, #tpu.memory_space<vmem>>, %arg5: memref<1000x16xf32, #tpu.memory_space<vmem>>, %arg6: memref<1000x16xf32, #tpu.memory_space<vmem>>, %arg7: memref<1000x128xf32, #tpu.memory_space<vmem>>) attributes {dimension_semantics = [#tpu.dimension_semantics<arbitrary>], iteration_bounds = array<i64: 10>, scalar_prefetch = 0 : i64, scratch_operands = 0 : i64, tpu.core_type = #tpu.core_type<tc>, window_params = [{transform_indices = @transform_0, window_bounds = array<i64: 1000, 128>}, {transform_indices = @transform_1, window_bounds = array<i64: 1000, 128>}, {transform_indices = @transform_2, window_bounds = array<i64: 1000, 128>}, {transform_indices = @transform_3, window_bounds = array<i64: 1000, 128>}, {transform_indices = @transform_4, window_bounds = array<i64: 1000, 16>}, {transform_indices = @transform_5, window_bounds = array<i64: 1000, 16>}, {transform_indices = @transform_6, window_bounds = array<i64: 1000, 128>}]} {
    %get3A = arith.constant 0 : index
    %get3A_0 = arith.constant 0 : index
    %get3A_1 = vector.load %arg5[%get3A, %get3A_0] : memref<1000x16xf32, #tpu.memory_space<vmem>>, vector<1000x1xf32>
    %get3A_2 = arith.constant 0 : index
    %get3A_3 = arith.constant 0 : index
    %get3A_4 = vector.load %arg6[%get3A_2, %get3A_3] : memref<1000x16xf32, #tpu.memory_space<vmem>>, vector<1000x1xf32>
    %add3A = arith.addf %get3A_1, %get3A_4 : vector<1000x1xf32>
    %gt3A = arith.constant 5.000000e-01 : f32
    %gt3A_5 = vector.broadcast %gt3A : f32 to vector<1000x1xf32>
    %gt3A_6 = arith.cmpf ogt, %add3A, %gt3A_5 : vector<1000x1xf32>
    %jit3A = arith.constant 1.000000e+00 : f32
    %broadcast_in_dim3A = vector.broadcast %jit3A : f32 to vector<1000x1xf32>
    %select_n3A = arith.select %gt3A_6, %add3A, %broadcast_in_dim3A : vector<1000x1xi1>, vector<1000x1xf32>
    %div3A = arith.constant 5.000000e-01 : f32
    %div3A_7 = vector.broadcast %div3A : f32 to vector<1000x1xf32>
    %div3A_8 = arith.divf %div3A_7, %select_n3A : vector<1000x1xf32>
    %jit3A_9 = arith.constant 0.000000e+00 : f32
    %broadcast_in_dim3A_10 = vector.broadcast %jit3A_9 : f32 to vector<1000x1xf32>
    %select_n3A_11 = arith.select %gt3A_6, %div3A_8, %broadcast_in_dim3A_10 : vector<1000x1xi1>, vector<1000x1xf32>
    %jit3A_12 = arith.constant 5.000000e-01 : f32
    %jit3A_13 = arith.constant 0.000000e+00 : f32
    %broadcast_in_dim3A_14 = vector.broadcast %jit3A_12 : f32 to vector<1000x1xf32>
    %broadcast_in_dim3A_15 = vector.broadcast %jit3A_13 : f32 to vector<1000x1xf32>
    %select_n3A_16 = arith.select %gt3A_6, %broadcast_in_dim3A_14, %broadcast_in_dim3A_15 : vector<1000x1xi1>, vector<1000x1xf32>
    %get3A_17 = arith.constant 0 : index
    %get3A_18 = arith.constant 0 : index
    %get3A_19 = vector.load %arg2[%get3A_17, %get3A_18] : memref<1000x128xf32, #tpu.memory_space<vmem>>, vector<1000x128xf32>
    %get3A_20 = arith.constant 0 : index
    %get3A_21 = arith.constant 0 : index
    %get3A_22 = vector.load %arg3[%get3A_20, %get3A_21] : memref<1000x128xf32, #tpu.memory_space<vmem>>, vector<1000x128xf32>
    %add3A_23 = arith.addf %get3A_19, %get3A_22 : vector<1000x128xf32>
    %get3A_24 = arith.constant 0 : index
    %get3A_25 = arith.constant 0 : index
    %get3A_26 = vector.load %arg1[%get3A_24, %get3A_25] : memref<1000x128xf32, #tpu.memory_space<vmem>>, vector<1000x128xf32>
    %mul3A = vector.broadcast %select_n3A_16 : vector<1000x1xf32> to vector<1000x128xf32>
    %mul3A_27 = arith.mulf %mul3A, %get3A_26 : vector<1000x128xf32>
    %mul3A_28 = vector.broadcast %select_n3A_11 : vector<1000x1xf32> to vector<1000x128xf32>
    %mul3A_29 = arith.mulf %mul3A_28, %add3A_23 : vector<1000x128xf32>
    %sub3A = arith.subf %mul3A_27, %mul3A_29 : vector<1000x128xf32>
    %get3A_30 = arith.constant 0 : index
    %get3A_31 = arith.constant 0 : index
    %get3A_32 = vector.load %arg4[%get3A_30, %get3A_31] : memref<1000x128xf32, #tpu.memory_space<vmem>>, vector<1000x128xf32>
    %mul3A_33 = arith.constant 5.000000e-01 : f32
    %mul3A_34 = vector.broadcast %mul3A_33 : f32 to vector<1000x128xf32>
    %mul3A_35 = arith.mulf %mul3A_34, %get3A_32 : vector<1000x128xf32>
    %add3A_36 = arith.addf %sub3A, %mul3A_35 : vector<1000x128xf32>
    %swap3A = arith.constant 0 : index
    %swap3A_37 = arith.constant 0 : index
    %swap3A_38 = vector.load %arg7[%swap3A, %swap3A_37] : memref<1000x128xf32, #tpu.memory_space<vmem>>, vector<1000x128xf32>
    tpu.vector_store %arg7[%swap3A, %swap3A_37], %add3A_36 {strides = array<i32>} : memref<1000x128xf32, #tpu.memory_space<vmem>>, vector<1000x128xf32>,
    return
  }
  func.func @transform_0(%arg0: i32) -> (i32, i32) {
    %c0_i32 = arith.constant 0 : i32
    %c0_i32_0 = arith.constant 0 : i32
    return %arg0, %c0_i32 : i32, i32
  }
  func.func @transform_1(%arg0: i32) -> (i32, i32) {
    %c0_i32 = arith.constant 0 : i32
    %c0_i32_0 = arith.constant 0 : i32
    return %arg0, %c0_i32 : i32, i32
  }
  func.func @transform_2(%arg0: i32) -> (i32, i32) {
    %c0_i32 = arith.constant 0 : i32
    %c0_i32_0 = arith.constant 0 : i32
    return %arg0, %c0_i32 : i32, i32
  }
  func.func @transform_3(%arg0: i32) -> (i32, i32) {
    %c0_i32 = arith.constant 0 : i32
    %c0_i32_0 = arith.constant 0 : i32
    return %arg0, %c0_i32 : i32, i32
  }
  func.func @transform_4(%arg0: i32) -> (i32, i32) {
    %c0_i32 = arith.constant 0 : i32
    %c0_i32_0 = arith.constant 0 : i32
    return %arg0, %c0_i32 : i32, i32
  }
  func.func @transform_5(%arg0: i32) -> (i32, i32) {
    %c0_i32 = arith.constant 0 : i32
    %c0_i32_0 = arith.constant 0 : i32
    return %arg0, %c0_i32 : i32, i32
  }
  func.func @transform_6(%arg0: i32) -> (i32, i32) {
    %c0_i32 = arith.constant 0 : i32
    %c0_i32_0 = arith.constant 0 : i32
    return %arg0, %c0_i32 : i32, i32
  }
}

module attributes {stable_mosaic.version = 14 : i64} {
  func.func @_upd_body(%arg0: i32, %arg1: memref<1000x128xf32, #tpu.memory_space<vmem>>, %arg2: memref<1000x128xf32, #tpu.memory_space<vmem>>, %arg3: memref<1000x128xf32, #tpu.memory_space<vmem>>, %arg4: memref<1000x128xf32, #tpu.memory_space<vmem>>, %arg5: memref<1000x16xf32, #tpu.memory_space<vmem>>, %arg6: memref<1000x16xf32, #tpu.memory_space<vmem>>, %arg7: memref<1000x128xf32, #tpu.memory_space<vmem>>) attributes {dimension_semantics = [#tpu.dimension_semantics<arbitrary>], iteration_bounds = array<i64: 10>, scalar_prefetch = 0 : i64, scratch_operands = 0 : i64, tpu.core_type = #tpu.core_type<tc>, window_params = [{transform_indices = @transform_0, window_bounds = array<i64: 1000, 128>}, {transform_indices = @transform_1, window_bounds = array<i64: 1000, 128>}, {transform_indices = @transform_2, window_bounds = array<i64: 1000, 128>}, {transform_indices = @transform_3, window_bounds = array<i64: 1000, 128>}, {transform_indices = @transform_4, window_bounds = array<i64: 1000, 16>}, {transform_indices = @transform_5, window_bounds = array<i64: 1000, 16>}, {transform_indices = @transform_6, window_bounds = array<i64: 1000, 128>}]} {
    %get3A = arith.constant 0 : index
    %get3A_0 = arith.constant 0 : index
    %get3A_1 = vector.load %arg5[%get3A, %get3A_0] : memref<1000x16xf32, #tpu.memory_space<vmem>>, vector<1000x1xf32>
    %get3A_2 = arith.constant 0 : index
    %get3A_3 = arith.constant 0 : index
    %get3A_4 = vector.load %arg6[%get3A_2, %get3A_3] : memref<1000x16xf32, #tpu.memory_space<vmem>>, vector<1000x1xf32>
    %add3A = arith.addf %get3A_1, %get3A_4 : vector<1000x1xf32>
    %gt3A = arith.constant 5.000000e-01 : f32
    %gt3A_5 = vector.broadcast %gt3A : f32 to vector<1000x1xf32>
    %gt3A_6 = arith.cmpf ogt, %add3A, %gt3A_5 : vector<1000x1xf32>
    %jit3A = arith.constant 1.000000e+00 : f32
    %broadcast_in_dim3A = vector.broadcast %jit3A : f32 to vector<1000x1xf32>
    %select_n3A = arith.select %gt3A_6, %add3A, %broadcast_in_dim3A : vector<1000x1xi1>, vector<1000x1xf32>
    %div3A = arith.constant 5.000000e-01 : f32
    %div3A_7 = vector.broadcast %div3A : f32 to vector<1000x1xf32>
    %div3A_8 = arith.divf %div3A_7, %select_n3A : vector<1000x1xf32>
    %jit3A_9 = arith.constant 0.000000e+00 : f32
    %broadcast_in_dim3A_10 = vector.broadcast %jit3A_9 : f32 to vector<1000x1xf32>
    %select_n3A_11 = arith.select %gt3A_6, %div3A_8, %broadcast_in_dim3A_10 : vector<1000x1xi1>, vector<1000x1xf32>
    %jit3A_12 = arith.constant 5.000000e-01 : f32
    %jit3A_13 = arith.constant 0.000000e+00 : f32
    %broadcast_in_dim3A_14 = vector.broadcast %jit3A_12 : f32 to vector<1000x1xf32>
    %broadcast_in_dim3A_15 = vector.broadcast %jit3A_13 : f32 to vector<1000x1xf32>
    %select_n3A_16 = arith.select %gt3A_6, %broadcast_in_dim3A_14, %broadcast_in_dim3A_15 : vector<1000x1xi1>, vector<1000x1xf32>
    %get3A_17 = arith.constant 0 : index
    %get3A_18 = arith.constant 0 : index
    %get3A_19 = vector.load %arg2[%get3A_17, %get3A_18] : memref<1000x128xf32, #tpu.memory_space<vmem>>, vector<1000x128xf32>
    %get3A_20 = arith.constant 0 : index
    %get3A_21 = arith.constant 0 : index
    %get3A_22 = vector.load %arg3[%get3A_20, %get3A_21] : memref<1000x128xf32, #tpu.memory_space<vmem>>, vector<1000x128xf32>
    %add3A_23 = arith.addf %get3A_19, %get3A_22 : vector<1000x128xf32>
    %get3A_24 = arith.constant 0 : index
    %get3A_25 = arith.constant 0 : index
    %get3A_26 = vector.load %arg1[%get3A_24, %get3A_25] : memref<1000x128xf32, #tpu.memory_space<vmem>>, vector<1000x128xf32>
    %mul3A = vector.broadcast %select_n3A_16 : vector<1000x1xf32> to vector<1000x128xf32>
    %mul3A_27 = arith.mulf %mul3A, %get3A_26 : vector<1000x128xf32>
    %mul3A_28 = vector.broadcast %select_n3A_11 : vector<1000x1xf32> to vector<1000x128xf32>
    %mul3A_29 = arith.mulf %mul3A_28, %add3A_23 : vector<1000x128xf32>
    %sub3A = arith.subf %mul3A_27, %mul3A_29 : vector<1000x128xf32>
    %get3A_30 = arith.constant 0 : index
    %get3A_31 = arith.constant 0 : index
    %get3A_32 = vector.load %arg4[%get3A_30, %get3A_31] : memref<1000x128xf32, #tpu.memory_space<vmem>>, vector<1000x128xf32>
    %mul3A_33 = arith.constant 5.000000e-01 : f32
    %mul3A_34 = vector.broadcast %mul3A_33 : f32 to vector<1000x128xf32>
    %mul3A_35 = arith.mulf %mul3A_34, %get3A_32 : vector<1000x128xf32>
    %add3A_36 = arith.addf %sub3A, %mul3A_35 : vector<1000x128xf32>
    %max3A = arith.constant 0.000000e+00 : f32
    %max3A_37 = vector.broadcast %max3A : f32 to vector<1000x128xf32>
    %max3A_38 = arith.maximumf %add3A_36, %max3A_37 : vector<1000x128xf32>
    %swap3A = arith.constant 0 : index
    %swap3A_39 = arith.constant 0 : index
    %swap3A_40 = vector.load %arg7[%swap3A, %swap3A_39] : memref<1000x128xf32, #tpu.memory_space<vmem>>, vector<1000x128xf32>
    tpu.vector_store %arg7[%swap3A, %swap3A_39], %max3A_38 {strides = array<i32>} : memref<1000x128xf32, #tpu.memory_space<vmem>>, vector<1000x128xf32>,
    return
  }
  func.func @transform_0(%arg0: i32) -> (i32, i32) {
    %c0_i32 = arith.constant 0 : i32
    %c0_i32_0 = arith.constant 0 : i32
    return %arg0, %c0_i32 : i32, i32
  }
  func.func @transform_1(%arg0: i32) -> (i32, i32) {
    %c0_i32 = arith.constant 0 : i32
    %c0_i32_0 = arith.constant 0 : i32
    return %arg0, %c0_i32 : i32, i32
  }
  func.func @transform_2(%arg0: i32) -> (i32, i32) {
    %c0_i32 = arith.constant 0 : i32
    %c0_i32_0 = arith.constant 0 : i32
    return %arg0, %c0_i32 : i32, i32
  }
  func.func @transform_3(%arg0: i32) -> (i32, i32) {
    %c0_i32 = arith.constant 0 : i32
    %c0_i32_0 = arith.constant 0 : i32
    return %arg0, %c0_i32 : i32, i32
  }
  func.func @transform_4(%arg0: i32) -> (i32, i32) {
    %c0_i32 = arith.constant 0 : i32
    %c0_i32_0 = arith.constant 0 : i32
    return %arg0, %c0_i32 : i32, i32
  }
  func.func @transform_5(%arg0: i32) -> (i32, i32) {
    %c0_i32 = arith.constant 0 : i32
    %c0_i32_0 = arith.constant 0 : i32
    return %arg0, %c0_i32 : i32, i32
  }
  func.func @transform_6(%arg0: i32) -> (i32, i32) {
    %c0_i32 = arith.constant 0 : i32
    %c0_i32_0 = arith.constant 0 : i32
    return %arg0, %c0_i32 : i32, i32
  }
}

</mosaic_0001>

<sc_bundles>
// kernel: kernel.24.cloned.1.call-start
scs
__scs_entry_jumppad:
0x0: {  	(pc) =	sbr.rel $0x88, $3  }
0x1: {  	(tag) =	ssettag $0x0;
	lr =	simm.s32 $0x1  }
0x2: {  	[smem:$0x3F9D] =	sst lr;
	_ =	strace $0xD0000000  }
0x3: {  	_ = 	snop  }
0x4: {  	_ = 	snop  }
0x5: {  	_ = 	snop  }
0x6: {  	_ = 	snop  }
0x7: {  	_ = 	snop  }
__scs_overlays_trampoline_lowered:
0x8: {  	[smem:$0x3FAC] =	sst s0  }
0x9: {  	[smem:$0x3FAD] =	sst s1  }
0xa: {  	[smem:$0x3FAE] =	sst s2  }
0xb: {  	[smem:$0x3FAF] =	sst s3  }
0xc: {  	[smem:$0x3FB0] =	sst s4  }
0xd: {  	[smem:$0x3FB1] =	sst s5  }
0xe: {  	[smem:$0x3FB2] =	sst s6  }
0xf: {  	[smem:$0x3FB3] =	sst s7  }
0x10: {  	[smem:$0x3FB4] =	sst s8  }
0x11: {  	[smem:$0x3FB5] =	sst s9;
	s0 =	simm.s32 @!p0 $0x0  }
0x12: {  	s1 =	sld [smem:$0x3F9B];
	s0 =	simm.s32 @p0 $0x1  }
0x13: {  	[smem:$0x3FB6] =	sst s0;
	s0 =	simm.s32 @!p1 $0x0  }
0x14: {  	s2 =	sld [smem:$0x3F9A];
	s0 =	simm.s32 @p1 $0x1  }
0x15: {  	[smem:$0x3FB7] =	sst s0;
	s0 =	simm.s32 @!p2 $0x0  }
0x16: {  	s3 =	sld [smem:$0x3FDB];
	s0 =	simm.s32 @p2 $0x1  }
0x17: {  	s4 =	simm.s32 $0x1BF5;
	[smem:$0x3FB9] =	sst s0  }
0x18: {  	s0 =	sld [smem:$0x3F9C];
	_ =	swait.ge [sflag:s4], $0x0  }
0x19: {  	s7 =	sld [smem:$0x3F9D]  }
0x1a: {  	s8 =	sadd.s32 $0xFFFFE003, lr  }
0x1b: {  	s9 =	sadd.s32 $0xFFFFFEF7, lr;
	s5 =	simm.s32 $0xFFFFFFFF;
	p2 =	slt.u32 s8, $0xFFFFF086  }
0x1c: {  	p1 =	slt.u32 s9, $0xF7A;
	s5 =	simm.s32 @!p2 $0x0  }
0x1d: {  	s5 =	simm.s32 @p1 $0x1;
	p0 =	seq.s32 s7, s2  }
0x1e: {  	s7 =	smul.u32 @!p0 $0xF7A, s2;
	p2 =	seq.s32 @!p0 s5, $0x0  }
0x1f: {  	s9 =	smul.u32 $0xF7A, s1;
	s8 =	simm.s32 @!p0 $0x1BF5;
	p2 =	por !p2, p0  }
0x20: {  	[sflag:s8] =	ssyncset.s32 @!p0 $0xFFFFF086;
	s6 =	sadd.s32 @!p0 s3, s7;
	s7 =	simm.s32 @!p0 $0x108  }
0x21: {  	s3 =	sadd.s32 s3, s9;
	s6 =	sadd.s32 @!p0 $0x88, s6;
	s7 =	simm.s32 @p2 $0x1082  }
0x22: {  	[simem:s7], [sflag:s8] =	dma.local @!p0 [hbm:s6], $0xF7A  }
0x23: {  	s9 =	sor.u32 $0xD0000000, s2;
	s6 =	simm.s32 $0x108;
	_ =	swait.ge @!p0 [sflag:s8], $0x0  }
0x24: {  	s3 =	sadd.s32 $0x88, s3;
	s6 =	simm.s32 @!p1 $0x1082;
	[sflag:s4] =	ssyncset.s32 $0xFFFFF086  }
0x25: {  	[simem:s6], [sflag:s4] =	dma.local [hbm:s3], $0xF7A  }
0x26: {  	[smem:$0x3F9D] =	sst s1;
	(tag) =	ssettag s2;
	_ =	strace s9  }
0x27: {  	s1 =	sld [smem:$0x3FAD]  }
0x28: {  	s2 =	sld [smem:$0x3FAE]  }
0x29: {  	s4 =	sld [smem:$0x3FB0]  }
0x2a: {  	p0 =	seq.s32 s5, $0x0;
	s5 =	sld [smem:$0x3FB1]  }
0x2b: {  	s6 =	sld [smem:$0x3FB2]  }
0x2c: {  	s7 =	sld [smem:$0x3FB3]  }
0x2d: {  	s3 =	simm.s32 $0x108;
	s8 =	sld [smem:$0x3FB4]  }
0x2e: {  	s3 =	simm.s32 @!p0 $0x1082;
	s9 =	sld [smem:$0x3FB5]  }
0x2f: {  	lr =	sadd.s32 s0, s3;
	s0 =	sld [smem:$0x3FAC]  }
0x30: {  	s3 =	sld [smem:$0x3FAF]  }
0x31: {  	[smem:$0x3FB8] =	sst s10  }
0x32: {  	s10 =	sld [smem:$0x3FB6];
	_ =	sdelay $0x3  }
0x33: {  	p0 =	seq.s32 s10, $0x1;
	s10 =	sld [smem:$0x3FB8];
	_ =	sdelay $0x3  }
0x34: {  	[smem:$0x3FB8] =	sst s10  }
0x35: {  	s10 =	sld [smem:$0x3FB7];
	_ =	sdelay $0x3  }
0x36: {  	p1 =	seq.s32 s10, $0x1;
	s10 =	sld [smem:$0x3FB8];
	_ =	sdelay $0x3  }
0x37: {  	[smem:$0x3FB8] =	sst s10  }
0x38: {  	s10 =	sld [smem:$0x3FB9]  }
0x39: {  	_ = 	snop;
	(pc) =	sbr.ind lr, $3  }
0x3a: {  	_ = 	snop  }
0x3b: {  	_ = 	snop  }
0x3c: {  	p2 =	seq.s32 s10, $0x1;
	s10 =	sld [smem:$0x3FB8]  }
0x3d: {  	_ =	shalt  }
0x3e: {  	_ =	shalt  }
0x3f: {  	_ =	shalt  }
0x40: {  	_ =	shalt  }
0x41: {  	_ =	shalt  }
0x42: {  	_ =	shalt  }
0x43: {  	_ =	shalt  }
0x44: {  	_ =	shalt  }
0x45: {  	_ =	shalt  }
0x46: {  	_ =	shalt  }
0x47: {  	_ =	shalt  }
0x48: {  	_ =	shalt  }
0x49: {  	_ =	shalt  }
0x4a: {  	_ =	shalt  }
0x4b: {  	_ =	shalt  }
0x4c: {  	_ =	shalt  }
0x4d: {  	_ =	shalt  }
0x4e: {  	_ =	shalt  }
0x4f: {  	_ =	shalt  }
0x50: {  	_ =	shalt  }
0x51: {  	_ =	shalt  }
0x52: {  	_ =	shalt  }
0x53: {  	_ =	shalt  }
0x54: {  	_ =	shalt  }
0x55: {  	_ =	shalt  }
0x56: {  	_ =	shalt  }
0x57: {  	_ =	shalt  }
0x58: {  	_ =	shalt  }
0x59: {  	_ =	shalt  }
0x5a: {  	_ =	shalt  }
0x5b: {  	_ =	shalt  }
0x5c: {  	_ =	shalt  }
0x5d: {  	_ =	shalt  }
0x5e: {  	_ =	shalt  }
0x5f: {  	_ =	shalt  }
0x60: {  	_ =	shalt  }
0x61: {  	_ =	shalt  }
0x62: {  	_ =	shalt  }
0x63: {  	_ =	shalt  }
0x64: {  	_ =	shalt  }
0x65: {  	_ =	shalt  }
0x66: {  	_ =	shalt  }
0x67: {  	_ =	shalt  }
0x68: {  	_ =	shalt  }
0x69: {  	_ =	shalt  }
0x6a: {  	_ =	shalt  }
0x6b: {  	_ =	shalt  }
0x6c: {  	_ =	shalt  }
0x6d: {  	_ =	shalt  }
0x6e: {  	_ =	shalt  }
0x6f: {  	_ =	shalt  }
0x70: {  	_ =	shalt  }
0x71: {  	_ =	shalt  }
0x72: {  	_ =	shalt  }
0x73: {  	_ =	shalt  }
0x74: {  	_ =	shalt  }
0x75: {  	_ =	shalt  }
0x76: {  	_ =	shalt  }
0x77: {  	_ =	shalt  }
0x78: {  	_ =	shalt  }
0x79: {  	_ =	shalt  }
0x7a: {  	_ =	shalt  }
0x7b: {  	_ =	shalt  }
0x7c: {  	_ =	shalt  }
0x7d: {  	_ =	shalt  }
0x7e: {  	_ =	shalt  }
0x7f: {  	_ =	shalt  }
0x80: {  	_ =	shalt  }
0x81: {  	_ =	shalt  }
0x82: {  	_ =	shalt  }
0x83: {  	_ =	shalt  }
0x84: {  	_ =	shalt  }
0x85: {  	_ =	shalt  }
0x86: {  	_ =	shalt  }
0x87: {  	_ =	shalt  }
.Lfunc_end0:
.L_simem_size_0:
called_computation_lowered:
.L_overlay_start_0:
0x88: {  	s2 =	sld [smem:$0x3FD9]  }
0x89: {  	s3 =	sld [smem:$0x3FFE];
	_ =	sdelay $0x1  }
0x8a: {  	s1 =	srdreg.scid  }
0x8b: {  	s0 =	sand.u32 $0x1, s1  }
0x8c: {  	s16 =	sshll.u32 s0, $0xA;
	s2 =	sadd.s32 s3, s2  }
0x8d: {  	s2 =	sadd.s32 s2, s16  }
0x8e: {  	[smem:$0x3FC4] =	sst s2  }
0x8f: {  	_ = 	snop  }
0x90: {  	(tm) =	ssettm $0x1  }
0x91: {  	s17 =	sld [smem:$0x3FFB];
	_ =	sdelay $0x3  }
0x92: {  	_ =	strace s17  }
0x93: {  	s2 =	sld [smem:$0x3FFC];
	_ =	sdelay $0x3  }
0x94: {  	_ =	strace s2  }
0x95: {  	s2 =	sld [smem:$0x3FFD];
	_ =	sdelay $0x3  }
0x96: {  	_ =	strace s2  }
0x97: {  	_ =	strace $0x8FFFFFFF  }
0x98: {  	s18 =	sld [smem:$0x3FDB];
	_ =	sdelay $0x1  }
0x99: {  	s19 =	simm.s32 $_scs_section_size  }
0x9a: {  	s4 =	simm.s32 $_size__tile_overlayer_lowered;
	s5 =	simm.s32 $_tile_overlayer_lowered  }
0x9b: {  	s22 =	simm.s32 $0x1BFF;
	s21 =	sshll.u32 s5, $0x1;
	s2 =	sadd.s32 s19, s18  }
0x9c: {  	s6 =	simm.s32 $0x0;
	s20 =	sshll.u32 s4, $0x1;
	s4 =	sadd.s32 s21, s2  }
0x9d: {  	[timem:s6], [sflag:s22] =	dma.local [hbm:s4], s20  }
0x9e: {  	_ =	swait.ge [sflag:s22], s20  }
0x9f: {  	s3 =	ssub.s32 $0x0, s20;
	[sflag:s22] =	ssyncset.done $0x0  }
0xa0: {  	[sflag:s22] =	ssyncadd.s32 s3;
	_ =	sdelay $0x1  }
0xa1: {  	s23 =	simm.s32 $0x1B8B  }
0xa2: {  	_ =	swait.ge [sflag:s23], $0x1  }
0xa3: {  	[sflag:s23] =	ssyncset.done $0x0  }
0xa4: {  	s25 =	simm.s32 $0x1B8E;
	s24 =	sld [smem:$0x3FFE];
	[sflag:s23] =	ssyncadd.s32 $0xFFFFFFFF  }
0xa5: {  	s26 =	simm.s32 $execute0_lowered;
	[smem:$0x3FD2] =	sst s25  }
0xa6: {  	s4 =	sshll.u32 s26, $0x1;
	_ =	strace $0x80000046;
	[dreg:$0x1] =	wrdreg $0xFFFFFFFF  }
0xa7: {  	s28 =	simm.s32 $_size_execute0_lowered;
	s2 =	sadd.s32 s2, s4;
	[dreg:$0x0] =	wrdreg $0x0  }
0xa8: {  	s4 =	sshll.u32 s28, $0x1;
	[dreg:$0x2] =	wrdreg s2  }
0xa9: {  	[dreg:$0x3] =	wrdreg s4  }
0xaa: {  	[dreg:$0x4] =	wrdreg $0xC0  }
0xab: {  	_ =	task [dreg:s6], $0x5FFFF  }
0xac: {  	[dreg:$0x1] =	wrdreg $0xFFFFFFFF  }
0xad: {  	[dreg:$0x0] =	wrdreg $0x60  }
0xae: {  	[dreg:$0x2] =	wrdreg s24  }
0xaf: {  	[dreg:$0x3] =	wrdreg $0x38800  }
0xb0: {  	[dreg:$0x4] =	wrdreg $0x9  }
0xb1: {  	_ =	task.clear_ibuf [dreg:s6], $0x5FFFF;
	_ =	strace $0x90000046  }
0xb2: {  	s29 =	simm.s32 $0x9;
	_ =	strace $0x80000048  }
0xb3: {  	_ =	swait.ge [sflag:s29], $0x1  }
0xb4: {  	[sflag:s29] =	ssyncadd.s32 $0xFFFFFFFF  }
0xb5: {  	_ =	strace $0x90000048  }
0xb6: {  	_ =	sfence  }
0xb7: {  	s30 =	sld [smem:$0x0];
	_ =	sdelay $0x2  }
0xb8: {  	s31 =	sshll.u32 s1, $0xD;
	s1 =	sshrl.u32 s1, $0x2  }
0xb9: {  	s3 =	sand.u32 $0x4000, s31;
	s1 =	sadd.s32 s1, s30  }
0xba: {  	s0 =	sor.u32 s3, s0;
	s1 =	sshll.u32 s1, $0x11  }
0xbb: {  	s0 =	sor.u32 s1, s0  }
0xbc: {  	s0 =	sadd.s32 $0x8F2B, s0  }
0xbd: {  	[sflag:s0] =	ssyncadd.remote.s32 $0x1  }
0xbe: {  	_ =	sfence.sel $0xFFFF  }
0xbf: {  	[dreg:$0x0] =	wrdreg $0xFFFFFFFF;
	(pc) =	sbr.abs _section_cstart, $3  }
0xc0: {  	[dreg:$0x1] =	wrdreg $0xFFFFFFFF  }
0xc1: {  	_ =	task.clear_ibuf [dreg:s6], $0x2FFFF;
	_ =	strace $0x9FFFFFFF  }
0xc2: {  	(tm) =	ssettm $0x7FFFFFFF  }
0xc3: {  	_ =	shalt  }
tec
execute0_lowered:
.L_overlay_start_1:
0x0: {  	(tag) =	ssettag $0x1  }
0x1: {  	s4 =	rddreg [dreg:$0x0]  }
0x2: {  	s0 =	srdreg.scid;
	s2 =	rddreg [dreg:$0x1]  }
0x3: {  	s1 =	rddreg [dreg:$0x2];
	s5 =	sand.u32 $0x1, s0  }
0x4: {  	s3 =	simm.s32 $0x0;
	s0 =	stileid.u32;
	s6 =	smul.u32 $0x27800, s5  }
0x5: {  	s13 =	simm.s32 $0x880;
	s14 =	simm.s32 $0x1;
	s7 =	smul.u32 $0x2780, s0  }
0x6: {  	s15 =	simm.s32 $0x80;
	s16 =	simm.s32 $0x1080;
	s8 =	smul.u32 $0x2800, s0  }
0x7: {  	s17 =	simm.s32 $0x0;
	[smem:$0x7FF] =	sst s3;
	s9 =	smul.u32 $0x28000, s5  }
0x8: {  	_ =	strace $0x80000047;
	s26 =	smul.u32 $0xA000, s0;
	s5 =	ssub.s32 $0x2, s5  }
0x9: {  	s29 =	sshrl.u32 s5, $0x1;
	s6 =	sadd.s32 s7, s6;
	s25 =	sadd.s32 s8, s9  }
0xa: {  	s30 =	sshrl.u32 s26, $0x2;
	s31 =	ssub.s32 s5, s29;
	s5 =	sadd.s32 s8, s2  }
0xb: {  	s6 =	sshrl.u32 s6, $0x3;
	s28 =	sshrl.u32 s25, $0x3;
	s7 =	smax.u32 s31, $0x1  }
0xc: {  	s12 =	sadd.s32 s6, s4;
	s6 =	sadd.s32 s28, s4;
	s4 =	sadd.s32 s30, s2  }
0xd: {  	s6 =	sadd.s32 $0x11200, s6;
	s8 =	sadd.s32 $0x800, s4;
	s9 =	sadd.s32 $0x1000, s4  }
0xe: {  	v0 =	vimm.f32 $1.000000000e+00;
	v1 =	vimm.f32 $0.0e+00;
	s10 =	sadd.s32 $0x1800, s4;
	s11 =	sadd.s32 $0x2000, s4;
	s12 =	sadd.s32 $0x7400, s12  }
.LBB2_1:
0xf: {  	s18 =	simm.s32 $0x40;
	s19 =	simm.s32 $0x0  }
.LBB2_2:
0x10: {  	p0 =	sne.s32 s18, $0x1FC0;
	[tilespmem:s19+$0x80] =	vst v0;
	s20 =	smov.u32 s18;
	s18 =	sadd.s32 $0x40, s18  }
.Ltmp0:
0x11: {  	[tilespmem:s19+$0x880] =	vst v1;
	(pc) =	sbr.rel @p0 .LBB2_2-.Ltmp0, $2  }
0x12: {  	_ =	sdelay $0x2  }
0x13: {  	s19 =	sshra.s32 s20, $0x2  }
0x14: {  	[tilespmem:s19+$0x80] =	vst v0  }
0x15: {  	[tilespmem:s19+$0x880] =	vst v1  }
0x16: {  	[spmem:s4] =	stream.linear.scatter [tilespmem:s13], [sflag:$0x1], $0x800, $0x38;
	[tilespmem:$0x6080] =	vst v63  }
0x17: {  	_ =	swait.ge [sflag:s14], $0x800  }
0x18: {  	[sflag:s14] =	ssyncset.done $0x0  }
0x19: {  	[sflag:s14] =	ssyncadd.s32 $0xFFFFF800  }
0x1a: {  	[spmem:s8] =	stream.linear.scatter [tilespmem:s13], [sflag:$0x1], $0x800, $0x38;
	[tilespmem:$0x6080] =	vst v63  }
0x1b: {  	_ =	swait.ge [sflag:s14], $0x800  }
0x1c: {  	[sflag:s14] =	ssyncset.done $0x0  }
0x1d: {  	[sflag:s14] =	ssyncadd.s32 $0xFFFFF800  }
0x1e: {  	[spmem:s9] =	stream.linear.scatter [tilespmem:s13], [sflag:$0x1], $0x800, $0x38;
	[tilespmem:$0x6080] =	vst v63  }
0x1f: {  	_ =	swait.ge [sflag:s14], $0x800  }
0x20: {  	[sflag:s14] =	ssyncset.done $0x0  }
0x21: {  	[sflag:s14] =	ssyncadd.s32 $0xFFFFF800  }
0x22: {  	[spmem:s10] =	stream.linear.scatter [tilespmem:s13], [sflag:$0x1], $0x800, $0x38;
	[tilespmem:$0x6080] =	vst v63  }
0x23: {  	_ =	swait.ge [sflag:s14], $0x800  }
0x24: {  	[sflag:s14] =	ssyncset.done $0x0  }
0x25: {  	[sflag:s14] =	ssyncadd.s32 $0xFFFFF800  }
0x26: {  	[spmem:s11] =	stream.linear.scatter [tilespmem:s13], [sflag:$0x1], $0x800, $0x38;
	[tilespmem:$0x6080] =	vst v63  }
0x27: {  	_ =	swait.ge [sflag:s14], $0x800  }
0x28: {  	[sflag:s14] =	ssyncset.done $0x0  }
0x29: {  	[sflag:s14] =	ssyncadd.s32 $0xFFFFF800  }
0x2a: {  	s18 =	sadd.s32 $0x0, s12;
	[bflag:$0x0] =	sbarrier.arrive $0xFFFF  }
0x2b: {  	[tilespmem:s3], [sflag:$0x1] =	stream.linear.gather [hbm4b:s18+s3], $0x80, $0x38;
	[tilespmem:$0x6080] =	vst v63  }
0x2c: {  	_ =	swait.ge [sflag:s14], $0x80  }
0x2d: {  	[sflag:s14] =	ssyncset.done $0x0  }
0x2e: {  	[sflag:s14] =	ssyncadd.s32 $0xFFFFFF80  }
0x2f: {  	[spmem:s2] =	stream.indirect.scatter.add.f32 [tilespmem:s15], [sflag:$0x1], $0x10, s3, s15, $0xb8;
	[tilespmem:$0x6080] =	vst v63  }
0x30: {  	_ =	swait.ge [sflag:s14], $0x800  }
0x31: {  	s19 =	simm.s32 $0x20;
	s18 =	simm.s32 $0x10;
	[sflag:s14] =	ssyncset.done $0x0  }
.LBB2_4:
0x32: {  	s20 =	sadd.s32 s18, s12  }
0x33: {  	[sflag:s14] =	ssyncadd.s32 $0xFFFFF800;
	s18 =	smov.u32 s19;
	s21 =	sadd.s32 $0x10, s19  }
0x34: {  	[tilespmem:s3], [sflag:$0x1] =	stream.linear.gather [hbm4b:s20+s3], $0x80, $0x38;
	[tilespmem:$0x6080] =	vst v63  }
0x35: {  	p0 =	sne.s32 s19, $0x4E0;
	_ =	swait.ge [sflag:s14], $0x80  }
.Ltmp1:
0x36: {  	[sflag:s14] =	ssyncset.done $0x0;
	(pc) =	sbr.rel @p0 .LBB2_4-.Ltmp1, $4  }
0x37: {  	[sflag:s14] =	ssyncadd.s32 $0xFFFFFF80  }
0x38: {  	[spmem:s2] =	stream.indirect.scatter.add.f32 [tilespmem:s15], [sflag:$0x1], $0x10, s3, s15, $0xb8;
	[tilespmem:$0x6080] =	vst v63  }
0x39: {  	_ =	swait.ge [sflag:s14], $0x800  }
0x3a: {  	s19 =	smov.u32 s21;
	[sflag:s14] =	ssyncset.done $0x0  }
0x3b: {  	s18 =	sadd.s32 s18, s12;
	[sflag:s14] =	ssyncadd.s32 $0xFFFFF800  }
0x3c: {  	[tilespmem:s3], [sflag:$0x1] =	stream.linear.gather [hbm4b:s18+s3], $0x80, $0x38;
	[tilespmem:$0x6080] =	vst v63  }
0x3d: {  	_ =	swait.ge [sflag:s14], $0x80  }
0x3e: {  	[sflag:s14] =	ssyncset.done $0x0  }
0x3f: {  	[sflag:s14] =	ssyncadd.s32 $0xFFFFFF80  }
0x40: {  	[spmem:s2] =	stream.indirect.scatter.add.f32 [tilespmem:s15], [sflag:$0x1], $0x10, s3, s15, $0xb8;
	[tilespmem:$0x6080] =	vst v63  }
0x41: {  	_ =	swait.ge [sflag:s14], $0x800  }
0x42: {  	[sflag:s14] =	ssyncset.done $0x0  }
0x43: {  	[sflag:s14] =	ssyncadd.s32 $0xFFFFF800  }
0x44: {  	[bflag:$0x0] =	sbarrier.arrive $0xFFFF  }
0x45: {  	[tilespmem:s16], [sflag:$0x1] =	stream.linear.gather [spmem:s5], $0x2800, $0x38;
	[tilespmem:$0x6080] =	vst v63  }
0x46: {  	s17 =	sadd.s32 $0x1, s17;
	_ =	swait.ge [sflag:s14], $0x2800  }
0x47: {  	p0 =	sne.s32 s17, s7;
	[sflag:s14] =	ssyncset.done $0x0  }
.Ltmp2:
0x48: {  	[sflag:s14] =	ssyncadd.s32 $0xFFFFD800;
	(pc) =	sbr.rel @p0 .LBB2_1-.Ltmp2, $4  }
0x49: {  	[hbm4b:s6+s3] =	stream.linear.scatter [tilespmem:s16], [sflag:$0x1], $0x2800, $0x38;
	[tilespmem:$0x6080] =	vst v63  }
0x4a: {  	_ =	swait.ge [sflag:s14], $0x2800  }
0x4b: {  	[sflag:s14] =	ssyncset.done $0x0  }
0x4c: {  	[sflag:s14] =	ssyncadd.s32 $0xFFFFD800  }
0x4d: {  	_ =	sfence.sel $0x180000  }
0x4e: {  	[bflag:$0x0] =	sbarrier.arrive $0xFFFF  }
0x4f: {  	p0 =	sne.s32 s0, $0x0;
	_ =	strace $0x90000047  }
0x50: {  	s0 =	sadd.s32 @!p0 $0x100000, s1;
	[bflag:$0x2] =	sbarrier.arrive $0xFFFF  }
0x51: {  	[sflag:s0] =	ssyncadd.tile.s32 @!p0 $0x1;
	_ =	shalt  }
.Lfunc_end2:
_tile_overlayer_lowered:
.L_overlay_start_2:
0x52: {  	(tag) =	ssettag $0x2  }
0x53: {  	s0 =	rddreg [dreg:$0x0];
	s2 =	stileid.u32  }
0x54: {  	s1 =	rddreg [dreg:$0x1];
	p0 =	sne.s32 s2, $0x0  }
0x55: {  	s3 =	rddreg [dreg:$0x2];
	[bflag:$0x3] =	sbarrier.arrive $0xFFFF;
	s2 =	simm.s32 @!p0 $0x1C01  }
0x56: {  	[timem:s3], [sflag:s2] =	dma.local @!p0 [hbm:s0], s1  }
0x57: {  	s0 =	simm.s32 @!p0 $0x1  }
0x58: {  	_ =	swait.ge @!p0 [sflag:s0], s1  }
0x59: {  	s1 =	ssub.s32 @!p0 $0x0, s1;
	[sflag:s0] =	ssyncset.done @!p0 $0x0  }
0x5a: {  	[sflag:s0] =	ssyncadd.s32 @!p0 s1  }
0x5b: {  	[bflag:$0x3] =	sbarrier.arrive $0xFFFF  }
0x5c: {  	_ =	shalt  }

// kernel: kernel.27.cloned.1.call-start
scs
__scs_entry_jumppad:
0x0: {  	(pc) =	sbr.rel $0x88, $3  }
0x1: {  	(tag) =	ssettag $0x0;
	lr =	simm.s32 $0x1  }
0x2: {  	[smem:$0x3F9D] =	sst lr;
	_ =	strace $0xD0000000  }
0x3: {  	_ = 	snop  }
0x4: {  	_ = 	snop  }
0x5: {  	_ = 	snop  }
0x6: {  	_ = 	snop  }
0x7: {  	_ = 	snop  }
__scs_overlays_trampoline_lowered:
0x8: {  	[smem:$0x3FAC] =	sst s0  }
0x9: {  	[smem:$0x3FAD] =	sst s1  }
0xa: {  	[smem:$0x3FAE] =	sst s2  }
0xb: {  	[smem:$0x3FAF] =	sst s3  }
0xc: {  	[smem:$0x3FB0] =	sst s4  }
0xd: {  	[smem:$0x3FB1] =	sst s5  }
0xe: {  	[smem:$0x3FB2] =	sst s6  }
0xf: {  	[smem:$0x3FB3] =	sst s7  }
0x10: {  	[smem:$0x3FB4] =	sst s8  }
0x11: {  	[smem:$0x3FB5] =	sst s9;
	s0 =	simm.s32 @!p0 $0x0  }
0x12: {  	s1 =	sld [smem:$0x3F9B];
	s0 =	simm.s32 @p0 $0x1  }
0x13: {  	[smem:$0x3FB6] =	sst s0;
	s0 =	simm.s32 @!p1 $0x0  }
0x14: {  	s2 =	sld [smem:$0x3F9A];
	s0 =	simm.s32 @p1 $0x1  }
0x15: {  	[smem:$0x3FB7] =	sst s0;
	s0 =	simm.s32 @!p2 $0x0  }
0x16: {  	s3 =	sld [smem:$0x3FDB];
	s0 =	simm.s32 @p2 $0x1  }
0x17: {  	s4 =	simm.s32 $0x1BF5;
	[smem:$0x3FB9] =	sst s0  }
0x18: {  	s0 =	sld [smem:$0x3F9C];
	_ =	swait.ge [sflag:s4], $0x0  }
0x19: {  	s7 =	sld [smem:$0x3F9D]  }
0x1a: {  	s8 =	sadd.s32 $0xFFFFE003, lr  }
0x1b: {  	s9 =	sadd.s32 $0xFFFFFEF7, lr;
	s5 =	simm.s32 $0xFFFFFFFF;
	p2 =	slt.u32 s8, $0xFFFFF086  }
0x1c: {  	p1 =	slt.u32 s9, $0xF7A;
	s5 =	simm.s32 @!p2 $0x0  }
0x1d: {  	s5 =	simm.s32 @p1 $0x1;
	p0 =	seq.s32 s7, s2  }
0x1e: {  	s7 =	smul.u32 @!p0 $0xF7A, s2;
	p2 =	seq.s32 @!p0 s5, $0x0  }
0x1f: {  	s9 =	smul.u32 $0xF7A, s1;
	s8 =	simm.s32 @!p0 $0x1BF5;
	p2 =	por !p2, p0  }
0x20: {  	[sflag:s8] =	ssyncset.s32 @!p0 $0xFFFFF086;
	s6 =	sadd.s32 @!p0 s3, s7;
	s7 =	simm.s32 @!p0 $0x108  }
0x21: {  	s3 =	sadd.s32 s3, s9;
	s6 =	sadd.s32 @!p0 $0x88, s6;
	s7 =	simm.s32 @p2 $0x1082  }
0x22: {  	[simem:s7], [sflag:s8] =	dma.local @!p0 [hbm:s6], $0xF7A  }
0x23: {  	s9 =	sor.u32 $0xD0000000, s2;
	s6 =	simm.s32 $0x108;
	_ =	swait.ge @!p0 [sflag:s8], $0x0  }
0x24: {  	s3 =	sadd.s32 $0x88, s3;
	s6 =	simm.s32 @!p1 $0x1082;
	[sflag:s4] =	ssyncset.s32 $0xFFFFF086  }
0x25: {  	[simem:s6], [sflag:s4] =	dma.local [hbm:s3], $0xF7A  }
0x26: {  	[smem:$0x3F9D] =	sst s1;
	(tag) =	ssettag s2;
	_ =	strace s9  }
0x27: {  	s1 =	sld [smem:$0x3FAD]  }
0x28: {  	s2 =	sld [smem:$0x3FAE]  }
0x29: {  	s4 =	sld [smem:$0x3FB0]  }
0x2a: {  	p0 =	seq.s32 s5, $0x0;
	s5 =	sld [smem:$0x3FB1]  }
0x2b: {  	s6 =	sld [smem:$0x3FB2]  }
0x2c: {  	s7 =	sld [smem:$0x3FB3]  }
0x2d: {  	s3 =	simm.s32 $0x108;
	s8 =	sld [smem:$0x3FB4]  }
0x2e: {  	s3 =	simm.s32 @!p0 $0x1082;
	s9 =	sld [smem:$0x3FB5]  }
0x2f: {  	lr =	sadd.s32 s0, s3;
	s0 =	sld [smem:$0x3FAC]  }
0x30: {  	s3 =	sld [smem:$0x3FAF]  }
0x31: {  	[smem:$0x3FB8] =	sst s10  }
0x32: {  	s10 =	sld [smem:$0x3FB6];
	_ =	sdelay $0x3  }
0x33: {  	p0 =	seq.s32 s10, $0x1;
	s10 =	sld [smem:$0x3FB8];
	_ =	sdelay $0x3  }
0x34: {  	[smem:$0x3FB8] =	sst s10  }
0x35: {  	s10 =	sld [smem:$0x3FB7];
	_ =	sdelay $0x3  }
0x36: {  	p1 =	seq.s32 s10, $0x1;
	s10 =	sld [smem:$0x3FB8];
	_ =	sdelay $0x3  }
0x37: {  	[smem:$0x3FB8] =	sst s10  }
0x38: {  	s10 =	sld [smem:$0x3FB9]  }
0x39: {  	_ = 	snop;
	(pc) =	sbr.ind lr, $3  }
0x3a: {  	_ = 	snop  }
0x3b: {  	_ = 	snop  }
0x3c: {  	p2 =	seq.s32 s10, $0x1;
	s10 =	sld [smem:$0x3FB8]  }
0x3d: {  	_ =	shalt  }
0x3e: {  	_ =	shalt  }
0x3f: {  	_ =	shalt  }
0x40: {  	_ =	shalt  }
0x41: {  	_ =	shalt  }
0x42: {  	_ =	shalt  }
0x43: {  	_ =	shalt  }
0x44: {  	_ =	shalt  }
0x45: {  	_ =	shalt  }
0x46: {  	_ =	shalt  }
0x47: {  	_ =	shalt  }
0x48: {  	_ =	shalt  }
0x49: {  	_ =	shalt  }
0x4a: {  	_ =	shalt  }
0x4b: {  	_ =	shalt  }
0x4c: {  	_ =	shalt  }
0x4d: {  	_ =	shalt  }
0x4e: {  	_ =	shalt  }
0x4f: {  	_ =	shalt  }
0x50: {  	_ =	shalt  }
0x51: {  	_ =	shalt  }
0x52: {  	_ =	shalt  }
0x53: {  	_ =	shalt  }
0x54: {  	_ =	shalt  }
0x55: {  	_ =	shalt  }
0x56: {  	_ =	shalt  }
0x57: {  	_ =	shalt  }
0x58: {  	_ =	shalt  }
0x59: {  	_ =	shalt  }
0x5a: {  	_ =	shalt  }
0x5b: {  	_ =	shalt  }
0x5c: {  	_ =	shalt  }
0x5d: {  	_ =	shalt  }
0x5e: {  	_ =	shalt  }
0x5f: {  	_ =	shalt  }
0x60: {  	_ =	shalt  }
0x61: {  	_ =	shalt  }
0x62: {  	_ =	shalt  }
0x63: {  	_ =	shalt  }
0x64: {  	_ =	shalt  }
0x65: {  	_ =	shalt  }
0x66: {  	_ =	shalt  }
0x67: {  	_ =	shalt  }
0x68: {  	_ =	shalt  }
0x69: {  	_ =	shalt  }
0x6a: {  	_ =	shalt  }
0x6b: {  	_ =	shalt  }
0x6c: {  	_ =	shalt  }
0x6d: {  	_ =	shalt  }
0x6e: {  	_ =	shalt  }
0x6f: {  	_ =	shalt  }
0x70: {  	_ =	shalt  }
0x71: {  	_ =	shalt  }
0x72: {  	_ =	shalt  }
0x73: {  	_ =	shalt  }
0x74: {  	_ =	shalt  }
0x75: {  	_ =	shalt  }
0x76: {  	_ =	shalt  }
0x77: {  	_ =	shalt  }
0x78: {  	_ =	shalt  }
0x79: {  	_ =	shalt  }
0x7a: {  	_ =	shalt  }
0x7b: {  	_ =	shalt  }
0x7c: {  	_ =	shalt  }
0x7d: {  	_ =	shalt  }
0x7e: {  	_ =	shalt  }
0x7f: {  	_ =	shalt  }
0x80: {  	_ =	shalt  }
0x81: {  	_ =	shalt  }
0x82: {  	_ =	shalt  }
0x83: {  	_ =	shalt  }
0x84: {  	_ =	shalt  }
0x85: {  	_ =	shalt  }
0x86: {  	_ =	shalt  }
0x87: {  	_ =	shalt  }
.Lfunc_end0:
.L_simem_size_0:
called_computation.1_lowered:
.L_overlay_start_0:
0x88: {  	s2 =	sld [smem:$0x3FD9]  }
0x89: {  	s3 =	sld [smem:$0x3FFE];
	_ =	sdelay $0x1  }
0x8a: {  	s1 =	srdreg.scid  }
0x8b: {  	s0 =	sand.u32 $0x1, s1  }
0x8c: {  	s17 =	sshll.u32 s0, $0xA;
	s2 =	sadd.s32 s3, s2  }
0x8d: {  	s2 =	sadd.s32 s2, s17  }
0x8e: {  	[smem:$0x3FC4] =	sst s2  }
0x8f: {  	_ = 	snop  }
0x90: {  	s18 =	sld [smem:$0x3FD0];
	(tm) =	ssettm $0x1  }
0x91: {  	s19 =	sld [smem:$0x3FFB];
	_ =	sdelay $0x3  }
0x92: {  	_ =	strace s19  }
0x93: {  	s2 =	sld [smem:$0x3FFC];
	_ =	sdelay $0x3  }
0x94: {  	_ =	strace s2  }
0x95: {  	s2 =	sld [smem:$0x3FFD];
	_ =	sdelay $0x3  }
0x96: {  	_ =	strace s2  }
0x97: {  	_ =	strace $0x8FFFFFFF  }
0x98: {  	s20 =	sld [smem:$0x3FDB];
	_ =	sdelay $0x1  }
0x99: {  	s4 =	simm.s32 $_scs_section_size  }
0x9a: {  	s5 =	simm.s32 $_size__tile_overlayer_lowered;
	s6 =	simm.s32 $_tile_overlayer_lowered  }
0x9b: {  	s7 =	simm.s32 $0x1BFF;
	s21 =	sshll.u32 s6, $0x1;
	s4 =	sadd.s32 s4, s20  }
0x9c: {  	s22 =	simm.s32 $0x0;
	s5 =	sshll.u32 s5, $0x1;
	s6 =	sadd.s32 s21, s4  }
0x9d: {  	[timem:s22], [sflag:s7] =	dma.local [hbm:s6], s5  }
0x9e: {  	_ =	swait.ge [sflag:s7], s5  }
0x9f: {  	s5 =	ssub.s32 $0x0, s5;
	[sflag:s7] =	ssyncset.done $0x0  }
0xa0: {  	[sflag:s7] =	ssyncadd.s32 s5;
	_ =	sdelay $0x1  }
0xa1: {  	s23 =	simm.s32 $0x1B8B  }
0xa2: {  	_ =	swait.ge [sflag:s23], $0x1  }
0xa3: {  	[sflag:s23] =	ssyncset.done $0x0  }
0xa4: {  	[sflag:s23] =	ssyncadd.s32 $0xFFFFFFFF  }
0xa5: {  	s5 =	sld [smem:$0x0]  }
0xa6: {  	s6 =	sand.u32 $0xFFFFFFFE, s1  }
0xa7: {  	p0 =	sne.s32 s1, s6  }
0xa8: {  	s6 =	sshll.u32 @p0 s6, $0xE  }
0xa9: {  	s6 =	sadd.s32 @p0 $0x11B8D, s6;
	s7 =	sshll.u32 @p0 s5, $0x11  }
0xaa: {  	s6 =	sor.u32 @p0 s7, s6  }
0xab: {  	[sflag:s6] =	ssyncadd.remote.s32 @p0 $0x1;
	_ =	sdelay $0x1  }
0xac: {  	s6 =	simm.s32 @p0 $0x1B8D  }
0xad: {  	_ =	swait.eq @p0 [sflag:s6], $0x1  }
0xae: {  	[sflag:s6] =	ssyncadd.s32 @p0 $0xFFFFFFFF  }
0xaf: {  	s7 =	sshll.u32 @!p0 s1, $0xE  }
0xb0: {  	s7 =	sor.u32 @!p0 $0x4000, s7;
	s6 =	simm.s32 @!p0 $0x1B8D  }
0xb1: {  	s5 =	sshll.u32 @!p0 s5, $0x11;
	s7 =	sadd.s32 @!p0 $0x11B8D, s7;
	_ =	swait.eq @!p0 [sflag:s6], $0x1  }
0xb2: {  	s5 =	sor.u32 @!p0 s5, s7;
	[sflag:s6] =	ssyncadd.s32 @!p0 $0xFFFFFFFF  }
0xb3: {  	s25 =	simm.s32 $0x1B8E;
	s24 =	sld [smem:$0x3FFE];
	[sflag:s5] =	ssyncadd.remote.s32 @!p0 $0x1  }
0xb4: {  	s26 =	simm.s32 $execute0_lowered;
	[smem:$0x3FD2] =	sst s25  }
0xb5: {  	s6 =	sshll.u32 s26, $0x1;
	_ =	strace $0x80000049;
	[dreg:$0x1] =	wrdreg $0xFFFFFFFF  }
0xb6: {  	s28 =	simm.s32 $_size_execute0_lowered;
	s4 =	sadd.s32 s4, s6;
	[dreg:$0x0] =	wrdreg $0x0  }
0xb7: {  	s6 =	sshll.u32 s28, $0x1;
	[dreg:$0x2] =	wrdreg s4  }
0xb8: {  	[dreg:$0x3] =	wrdreg s6  }
0xb9: {  	[dreg:$0x4] =	wrdreg $0xC0  }
0xba: {  	_ =	task [dreg:s22], $0x5FFFF  }
0xbb: {  	[dreg:$0x1] =	wrdreg $0xFFFFFFFF  }
0xbc: {  	[dreg:$0x0] =	wrdreg $0x60  }
0xbd: {  	[dreg:$0x2] =	wrdreg s18  }
0xbe: {  	[dreg:$0x3] =	wrdreg s24  }
0xbf: {  	[dreg:$0x4] =	wrdreg $0x81000  }
0xc0: {  	[dreg:$0x5] =	wrdreg $0xA  }
0xc1: {  	_ =	task.clear_ibuf [dreg:s22], $0x6FFFF;
	_ =	strace $0x90000049  }
0xc2: {  	s29 =	simm.s32 $0xA;
	_ =	strace $0x8000004B  }
0xc3: {  	_ =	swait.ge [sflag:s29], $0x1  }
0xc4: {  	[sflag:s29] =	ssyncadd.s32 $0xFFFFFFFF  }
0xc5: {  	_ =	strace $0x9000004B  }
0xc6: {  	_ =	sfence  }
0xc7: {  	s30 =	sld [smem:$0x0];
	_ =	sdelay $0x2  }
0xc8: {  	s31 =	sshll.u32 s1, $0xD;
	s1 =	sshrl.u32 s1, $0x2  }
0xc9: {  	s4 =	sand.u32 $0x4000, s31;
	s1 =	sadd.s32 s1, s30  }
0xca: {  	s0 =	sor.u32 s4, s0;
	s1 =	sshll.u32 s1, $0x11  }
0xcb: {  	s0 =	sor.u32 s1, s0  }
0xcc: {  	s0 =	sadd.s32 $0x8F2B, s0  }
0xcd: {  	[sflag:s0] =	ssyncadd.remote.s32 $0x1  }
0xce: {  	_ =	sfence.sel $0xFFFF  }
0xcf: {  	[dreg:$0x0] =	wrdreg $0xFFFFFFFF;
	(pc) =	sbr.abs _section_cstart, $3  }
0xd0: {  	[dreg:$0x1] =	wrdreg $0xFFFFFFFF  }
0xd1: {  	_ =	task.clear_ibuf [dreg:s22], $0x2FFFF;
	_ =	strace $0x9FFFFFFF  }
0xd2: {  	(tm) =	ssettm $0x7FFFFFFF  }
0xd3: {  	_ =	shalt  }
tec
execute0_lowered:
.L_overlay_start_1:
0x0: {  	(tag) =	ssettag $0x1  }
0x1: {  	s1 =	rddreg [dreg:$0x0]  }
0x2: {  	s0 =	srdreg.scid;
	s2 =	rddreg [dreg:$0x1]  }
0x3: {  	s21 =	stileid.u32;
	s3 =	rddreg [dreg:$0x2];
	s4 =	simm.s32 $0x0  }
0x4: {  	s28 =	simm.s32 $0x1;
	s29 =	simm.s32 $0x100;
	s6 =	smul.u32 $0x2780, s21  }
0x5: {  	s30 =	simm.s32 $0x0;
	s7 =	sand.u32 $0x1, s0;
	s8 =	smul.u32 $0x50000, s21  }
0x6: {  	[smem:$0x7FF] =	sst s4;
	s24 =	sadd.s32 $0x25000, s2;
	s18 =	smul.u32 $0x14000, s21  }
0x7: {  	s5 =	smul.u32 $0x27800, s7;
	_ =	strace $0x8000004A;
	s22 =	ssub.s32 $0x2, s7  }
0x8: {  	[dreg:$0x4] =	wrdreg s24;
	s19 =	smul.u32 $0x140000, s7;
	s24 =	simm.s32 $0x4100  }
0x9: {  	s9 =	sshrl.u32 s22, $0x1;
	s25 =	sshrl.u32 s8, $0x2;
	s0 =	sadd.s32 s18, s3  }
0xa: {  	s14 =	sadd.s32 $0x4000, s18;
	s16 =	sadd.s32 $0x8000, s18;
	s20 =	sadd.s32 $0xC000, s18  }
0xb: {  	s5 =	sadd.s32 s6, s5;
	s9 =	ssub.s32 s22, s9;
	s6 =	sadd.s32 s25, s3  }
0xc: {  	[dreg:$0x5] =	wrdreg s0;
	s13 =	sadd.s32 s19, s18;
	s15 =	sadd.s32 s19, s14  }
0xd: {  	s14 =	sadd.s32 s14, s3;
	s17 =	sadd.s32 s19, s16;
	s16 =	sadd.s32 s16, s3  }
0xe: {  	s21 =	sadd.s32 s19, s20;
	s22 =	sadd.s32 $0x10000, s18;
	s18 =	sadd.s32 s20, s3  }
0xf: {  	s25 =	simm.s32 $0x2;
	s5 =	sshrl.u32 s5, $0x3;
	s8 =	smax.u32 s9, $0x1  }
0x10: {  	s9 =	sadd.s32 $0x4000, s6;
	s10 =	sadd.s32 $0x8000, s6;
	s11 =	sadd.s32 $0xC000, s6  }
0x11: {  	s12 =	sadd.s32 $0x10000, s6;
	s13 =	sshrl.u32 s13, $0x3;
	s15 =	sshrl.u32 s15, $0x3  }
0x12: {  	s17 =	sshrl.u32 s17, $0x3;
	s26 =	sshrl.u32 s21, $0x3;
	s31 =	sadd.s32 s19, s22  }
0x13: {  	s20 =	sadd.s32 s22, s3;
	s23 =	sadd.s32 s5, s2;
	s2 =	sadd.s32 $0x25800, s2  }
0x14: {  	s21 =	sshrl.u32 s31, $0x3;
	s13 =	sadd.s32 s2, s13;
	s15 =	sadd.s32 s2, s15  }
0x15: {  	s17 =	sadd.s32 s2, s17;
	s19 =	sadd.s32 s2, s26;
	s21 =	sadd.s32 s2, s21  }
0x16: {  	s22 =	sadd.s32 $0x7400, s23;
	s23 =	sadd.s32 $0x1B200, s23;
	s26 =	simm.s32 $0x80  }
.LBB2_1:
0x17: {  	s0 =	rddreg [dreg:$0x4]  }
0x18: {  	[tilespmem:s24], [sflag:$0x2] =	stream.linear.gather [hbm4b:s0+s4], $0x4000, $0x38;
	[tilespmem:$0x1C100] =	vst v63  }
0x19: {  	_ =	swait.ge [sflag:s25], $0x4000  }
0x1a: {  	[sflag:s25] =	ssyncset.done $0x0  }
0x1b: {  	[sflag:s25] =	ssyncadd.s32 $0xFFFFC000  }
0x1c: {  	[spmem:s6] =	stream.linear.scatter [tilespmem:s24], [sflag:$0x2], $0x4000, $0x38;
	[tilespmem:$0x1C100] =	vst v63  }
0x1d: {  	_ =	swait.ge [sflag:s25], $0x4000  }
0x1e: {  	[sflag:s25] =	ssyncset.done $0x0  }
0x1f: {  	[sflag:s25] =	ssyncadd.s32 $0xFFFFC000  }
0x20: {  	[spmem:s9] =	stream.linear.scatter [tilespmem:s24], [sflag:$0x2], $0x4000, $0x38;
	[tilespmem:$0x1C100] =	vst v63  }
0x21: {  	_ =	swait.ge [sflag:s25], $0x4000  }
0x22: {  	[sflag:s25] =	ssyncset.done $0x0  }
0x23: {  	[sflag:s25] =	ssyncadd.s32 $0xFFFFC000  }
0x24: {  	[spmem:s10] =	stream.linear.scatter [tilespmem:s24], [sflag:$0x2], $0x4000, $0x38;
	[tilespmem:$0x1C100] =	vst v63  }
0x25: {  	_ =	swait.ge [sflag:s25], $0x4000  }
0x26: {  	[sflag:s25] =	ssyncset.done $0x0  }
0x27: {  	[sflag:s25] =	ssyncadd.s32 $0xFFFFC000  }
0x28: {  	[spmem:s11] =	stream.linear.scatter [tilespmem:s24], [sflag:$0x2], $0x4000, $0x38;
	[tilespmem:$0x1C100] =	vst v63  }
0x29: {  	_ =	swait.ge [sflag:s25], $0x4000  }
0x2a: {  	[sflag:s25] =	ssyncset.done $0x0  }
0x2b: {  	[sflag:s25] =	ssyncadd.s32 $0xFFFFC000  }
0x2c: {  	[spmem:s12] =	stream.linear.scatter [tilespmem:s24], [sflag:$0x2], $0x4000, $0x38;
	[tilespmem:$0x1C100] =	vst v63  }
0x2d: {  	_ =	swait.ge [sflag:s25], $0x4000  }
0x2e: {  	[sflag:s25] =	ssyncset.done $0x0  }
0x2f: {  	[sflag:s25] =	ssyncadd.s32 $0xFFFFC000  }
0x30: {  	s2 =	sadd.s32 $0x0, s23;
	[bflag:$0x0] =	sbarrier.arrive $0xFFFF  }
0x31: {  	[tilespmem:s4], [sflag:$0x1] =	stream.linear.gather [hbm4b:s2+s4], $0x80, $0x38;
	[tilespmem:$0x1C100] =	vst v63  }
0x32: {  	s7 =	sadd.s32 $0x0, s22  }
0x33: {  	[tilespmem:s26], [sflag:$0x1] =	stream.linear.gather [hbm4b:s7+s4], $0x80, $0x38;
	[tilespmem:$0x1C100] =	vst v63  }
0x34: {  	_ =	swait.ge [sflag:s28], $0x80  }
0x35: {  	[sflag:s28] =	ssyncset.done $0x0  }
0x36: {  	[sflag:s28] =	ssyncadd.s32 $0xFFFFFF80  }
0x37: {  	_ =	swait.ge [sflag:s28], $0x80  }
0x38: {  	[sflag:s28] =	ssyncset.done $0x0  }
0x39: {  	[sflag:s28] =	ssyncadd.s32 $0xFFFFFF80  }
0x3a: {  	[tilespmem:s29], [sflag:$0x1] =	stream.indirect.gather [hbm4b:s1+s26], $0x80, s4, s26, $0xb8;
	[tilespmem:$0x1C100] =	vst v63  }
0x3b: {  	_ =	swait.ge [sflag:s28], $0x4000  }
0x3c: {  	[sflag:s28] =	ssyncset.done $0x0  }
0x3d: {  	[sflag:s28] =	ssyncadd.s32 $0xFFFFC000  }
0x3e: {  	[spmem:s3] =	stream.indirect.scatter.add.f32 [tilespmem:s29], [sflag:$0x2], $0x80, s26, s26, $0xb8;
	[tilespmem:$0x1C100] =	vst v63  }
0x3f: {  	_ =	swait.ge [sflag:s25], $0x4000  }
0x40: {  	s31 =	simm.s32 $0x10;
	s2 =	simm.s32 $0x20;
	[sflag:s25] =	ssyncset.done $0x0  }
.LBB2_2:
0x41: {  	s0 =	sadd.s32 s31, s23  }
0x42: {  	[sflag:s25] =	ssyncadd.s32 $0xFFFFC000;
	s5 =	smov.u32 s2;
	s7 =	sadd.s32 $0x10, s2  }
0x43: {  	[tilespmem:s4], [sflag:$0x1] =	stream.linear.gather [hbm4b:s0+s4], $0x80, $0x38;
	[tilespmem:$0x1C100] =	vst v63  }
0x44: {  	p0 =	sne.s32 s2, $0x4E0;
	s0 =	sadd.s32 s31, s22;
	s31 =	smov.u32 s5  }
0x45: {  	[tilespmem:s26], [sflag:$0x1] =	stream.linear.gather [hbm4b:s0+s4], $0x80, $0x38;
	[tilespmem:$0x1C100] =	vst v63  }
0x46: {  	_ =	swait.ge [sflag:s28], $0x80  }
0x47: {  	[sflag:s28] =	ssyncset.done $0x0  }
0x48: {  	[sflag:s28] =	ssyncadd.s32 $0xFFFFFF80  }
0x49: {  	_ =	swait.ge [sflag:s28], $0x80  }
0x4a: {  	[sflag:s28] =	ssyncset.done $0x0  }
0x4b: {  	[sflag:s28] =	ssyncadd.s32 $0xFFFFFF80  }
0x4c: {  	[tilespmem:s29], [sflag:$0x1] =	stream.indirect.gather [hbm4b:s1+s26], $0x80, s4, s26, $0xb8;
	[tilespmem:$0x1C100] =	vst v63  }
0x4d: {  	_ =	swait.ge [sflag:s28], $0x4000  }
.Ltmp0:
0x4e: {  	[sflag:s28] =	ssyncset.done $0x0;
	(pc) =	sbr.rel @p0 .LBB2_2-.Ltmp0, $4  }
0x4f: {  	[sflag:s28] =	ssyncadd.s32 $0xFFFFC000  }
0x50: {  	[spmem:s3] =	stream.indirect.scatter.add.f32 [tilespmem:s29], [sflag:$0x2], $0x80, s26, s26, $0xb8;
	[tilespmem:$0x1C100] =	vst v63  }
0x51: {  	_ =	swait.ge [sflag:s25], $0x4000  }
0x52: {  	s2 =	smov.u32 s7;
	[sflag:s25] =	ssyncset.done $0x0  }
0x53: {  	s0 =	sadd.s32 s31, s23;
	[sflag:s25] =	ssyncadd.s32 $0xFFFFC000  }
0x54: {  	[tilespmem:s4], [sflag:$0x1] =	stream.linear.gather [hbm4b:s0+s4], $0x80, $0x38;
	[tilespmem:$0x1C100] =	vst v63  }
0x55: {  	s7 =	sadd.s32 s31, s22  }
0x56: {  	[tilespmem:s26], [sflag:$0x1] =	stream.linear.gather [hbm4b:s7+s4], $0x80, $0x38;
	[tilespmem:$0x1C100] =	vst v63  }
0x57: {  	_ =	swait.ge [sflag:s28], $0x80  }
0x58: {  	[sflag:s28] =	ssyncset.done $0x0  }
0x59: {  	[sflag:s28] =	ssyncadd.s32 $0xFFFFFF80  }
0x5a: {  	_ =	swait.ge [sflag:s28], $0x80  }
0x5b: {  	[sflag:s28] =	ssyncset.done $0x0  }
0x5c: {  	[sflag:s28] =	ssyncadd.s32 $0xFFFFFF80  }
0x5d: {  	[tilespmem:s29], [sflag:$0x1] =	stream.indirect.gather [hbm4b:s1+s26], $0x80, s4, s26, $0xb8;
	[tilespmem:$0x1C100] =	vst v63  }
0x5e: {  	_ =	swait.ge [sflag:s28], $0x4000  }
0x5f: {  	[sflag:s28] =	ssyncset.done $0x0  }
0x60: {  	[sflag:s28] =	ssyncadd.s32 $0xFFFFC000  }
0x61: {  	[spmem:s3] =	stream.indirect.scatter.add.f32 [tilespmem:s29], [sflag:$0x2], $0x80, s26, s26, $0xb8;
	[tilespmem:$0x1C100] =	vst v63  }
0x62: {  	_ =	swait.ge [sflag:s25], $0x4000  }
0x63: {  	[sflag:s25] =	ssyncset.done $0x0  }
0x64: {  	[sflag:s25] =	ssyncadd.s32 $0xFFFFC000  }
0x65: {  	[bflag:$0x0] =	sbarrier.arrive $0xFFFF  }
0x66: {  	s31 =	rddreg [dreg:$0x5]  }
0x67: {  	[tilespmem:s24], [sflag:$0x2] =	stream.linear.gather [spmem:s31], $0x4000, $0x38;
	[tilespmem:$0x1C100] =	vst v63  }
0x68: {  	_ =	swait.ge [sflag:s25], $0x4000  }
0x69: {  	[sflag:s25] =	ssyncset.done $0x0  }
0x6a: {  	[sflag:s25] =	ssyncadd.s32 $0xFFFFC000  }
0x6b: {  	[hbm4b:s13+s4] =	stream.linear.scatter [tilespmem:s24], [sflag:$0x2], $0x4000, $0x38;
	[tilespmem:$0x1C100] =	vst v63  }
0x6c: {  	_ =	swait.ge [sflag:s25], $0x4000  }
0x6d: {  	[sflag:s25] =	ssyncset.done $0x0  }
0x6e: {  	[sflag:s25] =	ssyncadd.s32 $0xFFFFC000  }
0x6f: {  	[tilespmem:s24], [sflag:$0x2] =	stream.linear.gather [spmem:s14], $0x4000, $0x38;
	[tilespmem:$0x1C100] =	vst v63  }
0x70: {  	_ =	swait.ge [sflag:s25], $0x4000  }
0x71: {  	[sflag:s25] =	ssyncset.done $0x0  }
0x72: {  	[sflag:s25] =	ssyncadd.s32 $0xFFFFC000  }
0x73: {  	[hbm4b:s15+s4] =	stream.linear.scatter [tilespmem:s24], [sflag:$0x2], $0x4000, $0x38;
	[tilespmem:$0x1C100] =	vst v63  }
0x74: {  	_ =	swait.ge [sflag:s25], $0x4000  }
0x75: {  	[sflag:s25] =	ssyncset.done $0x0  }
0x76: {  	[sflag:s25] =	ssyncadd.s32 $0xFFFFC000  }
0x77: {  	[tilespmem:s24], [sflag:$0x2] =	stream.linear.gather [spmem:s16], $0x4000, $0x38;
	[tilespmem:$0x1C100] =	vst v63  }
0x78: {  	_ =	swait.ge [sflag:s25], $0x4000  }
0x79: {  	[sflag:s25] =	ssyncset.done $0x0  }
0x7a: {  	[sflag:s25] =	ssyncadd.s32 $0xFFFFC000  }
0x7b: {  	[hbm4b:s17+s4] =	stream.linear.scatter [tilespmem:s24], [sflag:$0x2], $0x4000, $0x38;
	[tilespmem:$0x1C100] =	vst v63  }
0x7c: {  	_ =	swait.ge [sflag:s25], $0x4000  }
0x7d: {  	[sflag:s25] =	ssyncset.done $0x0  }
0x7e: {  	[sflag:s25] =	ssyncadd.s32 $0xFFFFC000  }
0x7f: {  	[tilespmem:s24], [sflag:$0x2] =	stream.linear.gather [spmem:s18], $0x4000, $0x38;
	[tilespmem:$0x1C100] =	vst v63  }
0x80: {  	_ =	swait.ge [sflag:s25], $0x4000  }
0x81: {  	[sflag:s25] =	ssyncset.done $0x0  }
0x82: {  	[sflag:s25] =	ssyncadd.s32 $0xFFFFC000  }
0x83: {  	[hbm4b:s19+s4] =	stream.linear.scatter [tilespmem:s24], [sflag:$0x2], $0x4000, $0x38;
	[tilespmem:$0x1C100] =	vst v63  }
0x84: {  	_ =	swait.ge [sflag:s25], $0x4000  }
0x85: {  	[sflag:s25] =	ssyncset.done $0x0  }
0x86: {  	[sflag:s25] =	ssyncadd.s32 $0xFFFFC000  }
0x87: {  	[tilespmem:s24], [sflag:$0x2] =	stream.linear.gather [spmem:s20], $0x4000, $0x38;
	[tilespmem:$0x1C100] =	vst v63  }
0x88: {  	s30 =	sadd.s32 $0x1, s30;
	_ =	swait.ge [sflag:s25], $0x4000  }
0x89: {  	p0 =	sne.s32 s30, s8;
	[sflag:s25] =	ssyncset.done $0x0  }
.Ltmp1:
0x8a: {  	[sflag:s25] =	ssyncadd.s32 $0xFFFFC000;
	(pc) =	sbr.rel @p0 .LBB2_1-.Ltmp1, $4  }
0x8b: {  	[hbm4b:s21+s4] =	stream.linear.scatter [tilespmem:s24], [sflag:$0x2], $0x4000, $0x38;
	[tilespmem:$0x1C100] =	vst v63  }
0x8c: {  	_ =	swait.ge [sflag:s25], $0x4000  }
0x8d: {  	[sflag:s25] =	ssyncset.done $0x0  }
0x8e: {  	[sflag:s25] =	ssyncadd.s32 $0xFFFFC000  }
0x8f: {  	_ =	sfence.sel $0x180000  }
0x90: {  	[bflag:$0x0] =	sbarrier.arrive $0xFFFF  }
0x91: {  	_ =	strace $0x9000004A  }
0x92: {  	s0 =	stileid.u32;
	[bflag:$0x2] =	sbarrier.arrive $0xFFFF  }
0x93: {  	p0 =	sne.s32 s0, $0x0;
	s0 =	rddreg [dreg:$0x3]  }
0x94: {  	s0 =	sadd.s32 @!p0 $0x100000, s0  }
0x95: {  	[sflag:s0] =	ssyncadd.tile.s32 @!p0 $0x1;
	_ =	shalt  }
.Lfunc_end2:
_tile_overlayer_lowered:
.L_overlay_start_2:
0x96: {  	(tag) =	ssettag $0x2  }
0x97: {  	s0 =	rddreg [dreg:$0x0];
	s2 =	stileid.u32  }
0x98: {  	s1 =	rddreg [dreg:$0x1];
	p0 =	sne.s32 s2, $0x0  }
0x99: {  	s3 =	rddreg [dreg:$0x2];
	[bflag:$0x3] =	sbarrier.arrive $0xFFFF;
	s2 =	simm.s32 @!p0 $0x1C02  }
0x9a: {  	[timem:s3], [sflag:s2] =	dma.local @!p0 [hbm:s0], s1  }
0x9b: {  	s0 =	simm.s32 @!p0 $0x2  }
0x9c: {  	_ =	swait.ge @!p0 [sflag:s0], s1  }
0x9d: {  	s1 =	ssub.s32 @!p0 $0x0, s1;
	[sflag:s0] =	ssyncset.done @!p0 $0x0  }
0x9e: {  	[sflag:s0] =	ssyncadd.s32 @!p0 s1  }
0x9f: {  	[bflag:$0x3] =	sbarrier.arrive $0xFFFF  }
0xa0: {  	_ =	shalt  }

// kernel: kernel.30.cloned.1.call-start
scs
__scs_entry_jumppad:
0x0: {  	(pc) =	sbr.rel $0x88, $3  }
0x1: {  	(tag) =	ssettag $0x0;
	lr =	simm.s32 $0x1  }
0x2: {  	[smem:$0x3F9D] =	sst lr;
	_ =	strace $0xD0000000  }
0x3: {  	_ = 	snop  }
0x4: {  	_ = 	snop  }
0x5: {  	_ = 	snop  }
0x6: {  	_ = 	snop  }
0x7: {  	_ = 	snop  }
__scs_overlays_trampoline_lowered:
0x8: {  	[smem:$0x3FAC] =	sst s0  }
0x9: {  	[smem:$0x3FAD] =	sst s1  }
0xa: {  	[smem:$0x3FAE] =	sst s2  }
0xb: {  	[smem:$0x3FAF] =	sst s3  }
0xc: {  	[smem:$0x3FB0] =	sst s4  }
0xd: {  	[smem:$0x3FB1] =	sst s5  }
0xe: {  	[smem:$0x3FB2] =	sst s6  }
0xf: {  	[smem:$0x3FB3] =	sst s7  }
0x10: {  	[smem:$0x3FB4] =	sst s8  }
0x11: {  	[smem:$0x3FB5] =	sst s9;
	s0 =	simm.s32 @!p0 $0x0  }
0x12: {  	s1 =	sld [smem:$0x3F9B];
	s0 =	simm.s32 @p0 $0x1  }
0x13: {  	[smem:$0x3FB6] =	sst s0;
	s0 =	simm.s32 @!p1 $0x0  }
0x14: {  	s2 =	sld [smem:$0x3F9A];
	s0 =	simm.s32 @p1 $0x1  }
0x15: {  	[smem:$0x3FB7] =	sst s0;
	s0 =	simm.s32 @!p2 $0x0  }
0x16: {  	s3 =	sld [smem:$0x3FDB];
	s0 =	simm.s32 @p2 $0x1  }
0x17: {  	s4 =	simm.s32 $0x1BF5;
	[smem:$0x3FB9] =	sst s0  }
0x18: {  	s0 =	sld [smem:$0x3F9C];
	_ =	swait.ge [sflag:s4], $0x0  }
0x19: {  	s7 =	sld [smem:$0x3F9D]  }
0x1a: {  	s8 =	sadd.s32 $0xFFFFE003, lr  }
0x1b: {  	s9 =	sadd.s32 $0xFFFFFEF7, lr;
	s5 =	simm.s32 $0xFFFFFFFF;
	p2 =	slt.u32 s8, $0xFFFFF086  }
0x1c: {  	p1 =	slt.u32 s9, $0xF7A;
	s5 =	simm.s32 @!p2 $0x0  }
0x1d: {  	s5 =	simm.s32 @p1 $0x1;
	p0 =	seq.s32 s7, s2  }
0x1e: {  	s7 =	smul.u32 @!p0 $0xF7A, s2;
	p2 =	seq.s32 @!p0 s5, $0x0  }
0x1f: {  	s9 =	smul.u32 $0xF7A, s1;
	s8 =	simm.s32 @!p0 $0x1BF5;
	p2 =	por !p2, p0  }
0x20: {  	[sflag:s8] =	ssyncset.s32 @!p0 $0xFFFFF086;
	s6 =	sadd.s32 @!p0 s3, s7;
	s7 =	simm.s32 @!p0 $0x108  }
0x21: {  	s3 =	sadd.s32 s3, s9;
	s6 =	sadd.s32 @!p0 $0x88, s6;
	s7 =	simm.s32 @p2 $0x1082  }
0x22: {  	[simem:s7], [sflag:s8] =	dma.local @!p0 [hbm:s6], $0xF7A  }
0x23: {  	s9 =	sor.u32 $0xD0000000, s2;
	s6 =	simm.s32 $0x108;
	_ =	swait.ge @!p0 [sflag:s8], $0x0  }
0x24: {  	s3 =	sadd.s32 $0x88, s3;
	s6 =	simm.s32 @!p1 $0x1082;
	[sflag:s4] =	ssyncset.s32 $0xFFFFF086  }
0x25: {  	[simem:s6], [sflag:s4] =	dma.local [hbm:s3], $0xF7A  }
0x26: {  	[smem:$0x3F9D] =	sst s1;
	(tag) =	ssettag s2;
	_ =	strace s9  }
0x27: {  	s1 =	sld [smem:$0x3FAD]  }
0x28: {  	s2 =	sld [smem:$0x3FAE]  }
0x29: {  	s4 =	sld [smem:$0x3FB0]  }
0x2a: {  	p0 =	seq.s32 s5, $0x0;
	s5 =	sld [smem:$0x3FB1]  }
0x2b: {  	s6 =	sld [smem:$0x3FB2]  }
0x2c: {  	s7 =	sld [smem:$0x3FB3]  }
0x2d: {  	s3 =	simm.s32 $0x108;
	s8 =	sld [smem:$0x3FB4]  }
0x2e: {  	s3 =	simm.s32 @!p0 $0x1082;
	s9 =	sld [smem:$0x3FB5]  }
0x2f: {  	lr =	sadd.s32 s0, s3;
	s0 =	sld [smem:$0x3FAC]  }
0x30: {  	s3 =	sld [smem:$0x3FAF]  }
0x31: {  	[smem:$0x3FB8] =	sst s10  }
0x32: {  	s10 =	sld [smem:$0x3FB6];
	_ =	sdelay $0x3  }
0x33: {  	p0 =	seq.s32 s10, $0x1;
	s10 =	sld [smem:$0x3FB8];
	_ =	sdelay $0x3  }
0x34: {  	[smem:$0x3FB8] =	sst s10  }
0x35: {  	s10 =	sld [smem:$0x3FB7];
	_ =	sdelay $0x3  }
0x36: {  	p1 =	seq.s32 s10, $0x1;
	s10 =	sld [smem:$0x3FB8];
	_ =	sdelay $0x3  }
0x37: {  	[smem:$0x3FB8] =	sst s10  }
0x38: {  	s10 =	sld [smem:$0x3FB9]  }
0x39: {  	_ = 	snop;
	(pc) =	sbr.ind lr, $3  }
0x3a: {  	_ = 	snop  }
0x3b: {  	_ = 	snop  }
0x3c: {  	p2 =	seq.s32 s10, $0x1;
	s10 =	sld [smem:$0x3FB8]  }
0x3d: {  	_ =	shalt  }
0x3e: {  	_ =	shalt  }
0x3f: {  	_ =	shalt  }
0x40: {  	_ =	shalt  }
0x41: {  	_ =	shalt  }
0x42: {  	_ =	shalt  }
0x43: {  	_ =	shalt  }
0x44: {  	_ =	shalt  }
0x45: {  	_ =	shalt  }
0x46: {  	_ =	shalt  }
0x47: {  	_ =	shalt  }
0x48: {  	_ =	shalt  }
0x49: {  	_ =	shalt  }
0x4a: {  	_ =	shalt  }
0x4b: {  	_ =	shalt  }
0x4c: {  	_ =	shalt  }
0x4d: {  	_ =	shalt  }
0x4e: {  	_ =	shalt  }
0x4f: {  	_ =	shalt  }
0x50: {  	_ =	shalt  }
0x51: {  	_ =	shalt  }
0x52: {  	_ =	shalt  }
0x53: {  	_ =	shalt  }
0x54: {  	_ =	shalt  }
0x55: {  	_ =	shalt  }
0x56: {  	_ =	shalt  }
0x57: {  	_ =	shalt  }
0x58: {  	_ =	shalt  }
0x59: {  	_ =	shalt  }
0x5a: {  	_ =	shalt  }
0x5b: {  	_ =	shalt  }
0x5c: {  	_ =	shalt  }
0x5d: {  	_ =	shalt  }
0x5e: {  	_ =	shalt  }
0x5f: {  	_ =	shalt  }
0x60: {  	_ =	shalt  }
0x61: {  	_ =	shalt  }
0x62: {  	_ =	shalt  }
0x63: {  	_ =	shalt  }
0x64: {  	_ =	shalt  }
0x65: {  	_ =	shalt  }
0x66: {  	_ =	shalt  }
0x67: {  	_ =	shalt  }
0x68: {  	_ =	shalt  }
0x69: {  	_ =	shalt  }
0x6a: {  	_ =	shalt  }
0x6b: {  	_ =	shalt  }
0x6c: {  	_ =	shalt  }
0x6d: {  	_ =	shalt  }
0x6e: {  	_ =	shalt  }
0x6f: {  	_ =	shalt  }
0x70: {  	_ =	shalt  }
0x71: {  	_ =	shalt  }
0x72: {  	_ =	shalt  }
0x73: {  	_ =	shalt  }
0x74: {  	_ =	shalt  }
0x75: {  	_ =	shalt  }
0x76: {  	_ =	shalt  }
0x77: {  	_ =	shalt  }
0x78: {  	_ =	shalt  }
0x79: {  	_ =	shalt  }
0x7a: {  	_ =	shalt  }
0x7b: {  	_ =	shalt  }
0x7c: {  	_ =	shalt  }
0x7d: {  	_ =	shalt  }
0x7e: {  	_ =	shalt  }
0x7f: {  	_ =	shalt  }
0x80: {  	_ =	shalt  }
0x81: {  	_ =	shalt  }
0x82: {  	_ =	shalt  }
0x83: {  	_ =	shalt  }
0x84: {  	_ =	shalt  }
0x85: {  	_ =	shalt  }
0x86: {  	_ =	shalt  }
0x87: {  	_ =	shalt  }
.Lfunc_end0:
.L_simem_size_0:
called_computation.2_lowered:
.L_overlay_start_0:
0x88: {  	s2 =	sld [smem:$0x3FD9]  }
0x89: {  	s3 =	sld [smem:$0x3FFE];
	_ =	sdelay $0x1  }
0x8a: {  	s1 =	srdreg.scid  }
0x8b: {  	s0 =	sand.u32 $0x1, s1  }
0x8c: {  	s17 =	sshll.u32 s0, $0xA;
	s2 =	sadd.s32 s3, s2  }
0x8d: {  	s2 =	sadd.s32 s2, s17  }
0x8e: {  	[smem:$0x3FC4] =	sst s2  }
0x8f: {  	_ = 	snop  }
0x90: {  	s2 =	sld [smem:$0x3FD0];
	(tm) =	ssettm $0x1  }
0x91: {  	s18 =	sld [smem:$0x3FFB];
	_ =	sdelay $0x3  }
0x92: {  	_ =	strace s18  }
0x93: {  	s3 =	sld [smem:$0x3FFC];
	_ =	sdelay $0x3  }
0x94: {  	_ =	strace s3  }
0x95: {  	s3 =	sld [smem:$0x3FFD];
	_ =	sdelay $0x3  }
0x96: {  	_ =	strace s3  }
0x97: {  	_ =	strace $0x8FFFFFFF  }
0x98: {  	s19 =	sld [smem:$0x3FDB];
	_ =	sdelay $0x1  }
0x99: {  	s4 =	simm.s32 $_scs_section_size  }
0x9a: {  	s5 =	simm.s32 $_size__tile_overlayer_lowered;
	s6 =	simm.s32 $_tile_overlayer_lowered  }
0x9b: {  	s22 =	simm.s32 $0x1BFF;
	s21 =	sshll.u32 s6, $0x1;
	s3 =	sadd.s32 s4, s19  }
0x9c: {  	s7 =	simm.s32 $0x0;
	s20 =	sshll.u32 s5, $0x1;
	s5 =	sadd.s32 s21, s3  }
0x9d: {  	[timem:s7], [sflag:s22] =	dma.local [hbm:s5], s20  }
0x9e: {  	_ =	swait.ge [sflag:s22], s20  }
0x9f: {  	s4 =	ssub.s32 $0x0, s20;
	[sflag:s22] =	ssyncset.done $0x0  }
0xa0: {  	[sflag:s22] =	ssyncadd.s32 s4;
	_ =	sdelay $0x1  }
0xa1: {  	s23 =	simm.s32 $0x1B8B  }
0xa2: {  	_ =	swait.ge [sflag:s23], $0x1  }
0xa3: {  	[sflag:s23] =	ssyncset.done $0x0  }
0xa4: {  	s25 =	simm.s32 $0x1B8E;
	s24 =	sld [smem:$0x3FFE];
	[sflag:s23] =	ssyncadd.s32 $0xFFFFFFFF  }
0xa5: {  	s26 =	simm.s32 $execute0_lowered;
	[smem:$0x3FD2] =	sst s25  }
0xa6: {  	s5 =	sshll.u32 s26, $0x1;
	_ =	strace $0x8000004C;
	[dreg:$0x1] =	wrdreg $0xFFFFFFFF  }
0xa7: {  	s28 =	simm.s32 $_size_execute0_lowered;
	s3 =	sadd.s32 s3, s5;
	[dreg:$0x0] =	wrdreg $0x0  }
0xa8: {  	s5 =	sshll.u32 s28, $0x1;
	[dreg:$0x2] =	wrdreg s3  }
0xa9: {  	[dreg:$0x3] =	wrdreg s5  }
0xaa: {  	[dreg:$0x4] =	wrdreg $0xC0  }
0xab: {  	_ =	task [dreg:s7], $0x5FFFF  }
0xac: {  	[dreg:$0x1] =	wrdreg $0xFFFFFFFF  }
0xad: {  	[dreg:$0x0] =	wrdreg $0x60  }
0xae: {  	[dreg:$0x2] =	wrdreg s2  }
0xaf: {  	[dreg:$0x3] =	wrdreg s24  }
0xb0: {  	[dreg:$0x4] =	wrdreg $0x81000  }
0xb1: {  	[dreg:$0x5] =	wrdreg $0x9  }
0xb2: {  	_ =	task.clear_ibuf [dreg:s7], $0x6FFFF;
	_ =	strace $0x9000004C  }
0xb3: {  	s29 =	simm.s32 $0x9;
	_ =	strace $0x8000004E  }
0xb4: {  	_ =	swait.ge [sflag:s29], $0x1  }
0xb5: {  	[sflag:s29] =	ssyncadd.s32 $0xFFFFFFFF  }
0xb6: {  	_ =	strace $0x9000004E  }
0xb7: {  	_ =	sfence  }
0xb8: {  	s30 =	sld [smem:$0x0];
	_ =	sdelay $0x2  }
0xb9: {  	s31 =	sshll.u32 s1, $0xD;
	s1 =	sshrl.u32 s1, $0x2  }
0xba: {  	s3 =	sand.u32 $0x4000, s31;
	s1 =	sadd.s32 s1, s30  }
0xbb: {  	s0 =	sor.u32 s3, s0;
	s1 =	sshll.u32 s1, $0x11  }
0xbc: {  	s0 =	sor.u32 s1, s0  }
0xbd: {  	s0 =	sadd.s32 $0x8F2B, s0  }
0xbe: {  	[sflag:s0] =	ssyncadd.remote.s32 $0x1  }
0xbf: {  	_ =	sfence.sel $0xFFFF  }
0xc0: {  	[dreg:$0x0] =	wrdreg $0xFFFFFFFF;
	(pc) =	sbr.abs _section_cstart, $3  }
0xc1: {  	[dreg:$0x1] =	wrdreg $0xFFFFFFFF  }
0xc2: {  	_ =	task.clear_ibuf [dreg:s7], $0x2FFFF;
	_ =	strace $0x9FFFFFFF  }
0xc3: {  	(tm) =	ssettm $0x7FFFFFFF  }
tec
execute0_lowered:
.L_overlay_start_1:
0x0: {  	(tag) =	ssettag $0x1  }
0x1: {  	s1 =	rddreg [dreg:$0x0]  }
0x2: {  	s0 =	srdreg.scid;
	s2 =	rddreg [dreg:$0x1]  }
0x3: {  	s21 =	stileid.u32;
	s3 =	rddreg [dreg:$0x2];
	s4 =	simm.s32 $0x0  }
0x4: {  	s28 =	simm.s32 $0x1;
	s29 =	simm.s32 $0x100;
	s6 =	smul.u32 $0x2780, s21  }
0x5: {  	s30 =	simm.s32 $0x0;
	s7 =	sand.u32 $0x1, s0;
	s8 =	smul.u32 $0x50000, s21  }
0x6: {  	[smem:$0x7FF] =	sst s4;
	s24 =	sadd.s32 $0x25000, s2;
	s18 =	smul.u32 $0x14000, s21  }
0x7: {  	s5 =	smul.u32 $0x27800, s7;
	_ =	strace $0x8000004D;
	s22 =	ssub.s32 $0x2, s7  }
0x8: {  	[dreg:$0x4] =	wrdreg s24;
	s19 =	smul.u32 $0x140000, s7;
	s24 =	simm.s32 $0x4100  }
0x9: {  	s9 =	sshrl.u32 s22, $0x1;
	s25 =	sshrl.u32 s8, $0x2;
	s0 =	sadd.s32 s18, s3  }
0xa: {  	s14 =	sadd.s32 $0x4000, s18;
	s16 =	sadd.s32 $0x8000, s18;
	s20 =	sadd.s32 $0xC000, s18  }
0xb: {  	s5 =	sadd.s32 s6, s5;
	s9 =	ssub.s32 s22, s9;
	s6 =	sadd.s32 s25, s3  }
0xc: {  	[dreg:$0x5] =	wrdreg s0;
	s13 =	sadd.s32 s19, s18;
	s15 =	sadd.s32 s19, s14  }
0xd: {  	s14 =	sadd.s32 s14, s3;
	s17 =	sadd.s32 s19, s16;
	s16 =	sadd.s32 s16, s3  }
0xe: {  	s21 =	sadd.s32 s19, s20;
	s22 =	sadd.s32 $0x10000, s18;
	s18 =	sadd.s32 s20, s3  }
0xf: {  	s25 =	simm.s32 $0x2;
	s5 =	sshrl.u32 s5, $0x3;
	s8 =	smax.u32 s9, $0x1  }
0x10: {  	s9 =	sadd.s32 $0x4000, s6;
	s10 =	sadd.s32 $0x8000, s6;
	s11 =	sadd.s32 $0xC000, s6  }
0x11: {  	s12 =	sadd.s32 $0x10000, s6;
	s13 =	sshrl.u32 s13, $0x3;
	s15 =	sshrl.u32 s15, $0x3  }
0x12: {  	s17 =	sshrl.u32 s17, $0x3;
	s26 =	sshrl.u32 s21, $0x3;
	s31 =	sadd.s32 s19, s22  }
0x13: {  	s20 =	sadd.s32 s22, s3;
	s23 =	sadd.s32 s5, s2;
	s2 =	sadd.s32 $0x25800, s2  }
0x14: {  	s21 =	sshrl.u32 s31, $0x3;
	s13 =	sadd.s32 s2, s13;
	s15 =	sadd.s32 s2, s15  }
0x15: {  	s17 =	sadd.s32 s2, s17;
	s19 =	sadd.s32 s2, s26;
	s21 =	sadd.s32 s2, s21  }
0x16: {  	s22 =	sadd.s32 $0x7400, s23;
	s23 =	sadd.s32 $0x1B200, s23;
	s26 =	simm.s32 $0x80  }
.LBB2_1:
0x17: {  	s0 =	rddreg [dreg:$0x4]  }
0x18: {  	[tilespmem:s24], [sflag:$0x2] =	stream.linear.gather [hbm4b:s0+s4], $0x4000, $0x38;
	[tilespmem:$0x1C100] =	vst v63  }
0x19: {  	_ =	swait.ge [sflag:s25], $0x4000  }
0x1a: {  	[sflag:s25] =	ssyncset.done $0x0  }
0x1b: {  	[sflag:s25] =	ssyncadd.s32 $0xFFFFC000  }
0x1c: {  	[spmem:s6] =	stream.linear.scatter [tilespmem:s24], [sflag:$0x2], $0x4000, $0x38;
	[tilespmem:$0x1C100] =	vst v63  }
0x1d: {  	_ =	swait.ge [sflag:s25], $0x4000  }
0x1e: {  	[sflag:s25] =	ssyncset.done $0x0  }
0x1f: {  	[sflag:s25] =	ssyncadd.s32 $0xFFFFC000  }
0x20: {  	[spmem:s9] =	stream.linear.scatter [tilespmem:s24], [sflag:$0x2], $0x4000, $0x38;
	[tilespmem:$0x1C100] =	vst v63  }
0x21: {  	_ =	swait.ge [sflag:s25], $0x4000  }
0x22: {  	[sflag:s25] =	ssyncset.done $0x0  }
0x23: {  	[sflag:s25] =	ssyncadd.s32 $0xFFFFC000  }
0x24: {  	[spmem:s10] =	stream.linear.scatter [tilespmem:s24], [sflag:$0x2], $0x4000, $0x38;
	[tilespmem:$0x1C100] =	vst v63  }
0x25: {  	_ =	swait.ge [sflag:s25], $0x4000  }
0x26: {  	[sflag:s25] =	ssyncset.done $0x0  }
0x27: {  	[sflag:s25] =	ssyncadd.s32 $0xFFFFC000  }
0x28: {  	[spmem:s11] =	stream.linear.scatter [tilespmem:s24], [sflag:$0x2], $0x4000, $0x38;
	[tilespmem:$0x1C100] =	vst v63  }
0x29: {  	_ =	swait.ge [sflag:s25], $0x4000  }
0x2a: {  	[sflag:s25] =	ssyncset.done $0x0  }
0x2b: {  	[sflag:s25] =	ssyncadd.s32 $0xFFFFC000  }
0x2c: {  	[spmem:s12] =	stream.linear.scatter [tilespmem:s24], [sflag:$0x2], $0x4000, $0x38;
	[tilespmem:$0x1C100] =	vst v63  }
0x2d: {  	_ =	swait.ge [sflag:s25], $0x4000  }
0x2e: {  	[sflag:s25] =	ssyncset.done $0x0  }
0x2f: {  	[sflag:s25] =	ssyncadd.s32 $0xFFFFC000  }
0x30: {  	s2 =	sadd.s32 $0x0, s23;
	[bflag:$0x0] =	sbarrier.arrive $0xFFFF  }
0x31: {  	[tilespmem:s4], [sflag:$0x1] =	stream.linear.gather [hbm4b:s2+s4], $0x80, $0x38;
	[tilespmem:$0x1C100] =	vst v63  }
0x32: {  	s7 =	sadd.s32 $0x0, s22  }
0x33: {  	[tilespmem:s26], [sflag:$0x1] =	stream.linear.gather [hbm4b:s7+s4], $0x80, $0x38;
	[tilespmem:$0x1C100] =	vst v63  }
0x34: {  	_ =	swait.ge [sflag:s28], $0x80  }
0x35: {  	[sflag:s28] =	ssyncset.done $0x0  }
0x36: {  	[sflag:s28] =	ssyncadd.s32 $0xFFFFFF80  }
0x37: {  	_ =	swait.ge [sflag:s28], $0x80  }
0x38: {  	[sflag:s28] =	ssyncset.done $0x0  }
0x39: {  	[sflag:s28] =	ssyncadd.s32 $0xFFFFFF80  }
0x3a: {  	[tilespmem:s29], [sflag:$0x1] =	stream.indirect.gather [hbm4b:s1+s26], $0x80, s4, s26, $0xb8;
	[tilespmem:$0x1C100] =	vst v63  }
0x3b: {  	_ =	swait.ge [sflag:s28], $0x4000  }
0x3c: {  	[sflag:s28] =	ssyncset.done $0x0  }
0x3d: {  	[sflag:s28] =	ssyncadd.s32 $0xFFFFC000  }
0x3e: {  	[spmem:s3] =	stream.indirect.scatter.add.f32 [tilespmem:s29], [sflag:$0x2], $0x80, s26, s26, $0xb8;
	[tilespmem:$0x1C100] =	vst v63  }
0x3f: {  	_ =	swait.ge [sflag:s25], $0x4000  }
0x40: {  	s31 =	simm.s32 $0x10;
	s2 =	simm.s32 $0x20;
	[sflag:s25] =	ssyncset.done $0x0  }
.LBB2_2:
0x41: {  	s0 =	sadd.s32 s31, s23  }
0x42: {  	[sflag:s25] =	ssyncadd.s32 $0xFFFFC000;
	s5 =	smov.u32 s2;
	s7 =	sadd.s32 $0x10, s2  }
0x43: {  	[tilespmem:s4], [sflag:$0x1] =	stream.linear.gather [hbm4b:s0+s4], $0x80, $0x38;
	[tilespmem:$0x1C100] =	vst v63  }
0x44: {  	p0 =	sne.s32 s2, $0x4E0;
	s0 =	sadd.s32 s31, s22;
	s31 =	smov.u32 s5  }
0x45: {  	[tilespmem:s26], [sflag:$0x1] =	stream.linear.gather [hbm4b:s0+s4], $0x80, $0x38;
	[tilespmem:$0x1C100] =	vst v63  }
0x46: {  	_ =	swait.ge [sflag:s28], $0x80  }
0x47: {  	[sflag:s28] =	ssyncset.done $0x0  }
0x48: {  	[sflag:s28] =	ssyncadd.s32 $0xFFFFFF80  }
0x49: {  	_ =	swait.ge [sflag:s28], $0x80  }
0x4a: {  	[sflag:s28] =	ssyncset.done $0x0  }
0x4b: {  	[sflag:s28] =	ssyncadd.s32 $0xFFFFFF80  }
0x4c: {  	[tilespmem:s29], [sflag:$0x1] =	stream.indirect.gather [hbm4b:s1+s26], $0x80, s4, s26, $0xb8;
	[tilespmem:$0x1C100] =	vst v63  }
0x4d: {  	_ =	swait.ge [sflag:s28], $0x4000  }
.Ltmp0:
0x4e: {  	[sflag:s28] =	ssyncset.done $0x0;
	(pc) =	sbr.rel @p0 .LBB2_2-.Ltmp0, $4  }
0x4f: {  	[sflag:s28] =	ssyncadd.s32 $0xFFFFC000  }
0x50: {  	[spmem:s3] =	stream.indirect.scatter.add.f32 [tilespmem:s29], [sflag:$0x2], $0x80, s26, s26, $0xb8;
	[tilespmem:$0x1C100] =	vst v63  }
0x51: {  	_ =	swait.ge [sflag:s25], $0x4000  }
0x52: {  	s2 =	smov.u32 s7;
	[sflag:s25] =	ssyncset.done $0x0  }
0x53: {  	s0 =	sadd.s32 s31, s23;
	[sflag:s25] =	ssyncadd.s32 $0xFFFFC000  }
0x54: {  	[tilespmem:s4], [sflag:$0x1] =	stream.linear.gather [hbm4b:s0+s4], $0x80, $0x38;
	[tilespmem:$0x1C100] =	vst v63  }
0x55: {  	s7 =	sadd.s32 s31, s22  }
0x56: {  	[tilespmem:s26], [sflag:$0x1] =	stream.linear.gather [hbm4b:s7+s4], $0x80, $0x38;
	[tilespmem:$0x1C100] =	vst v63  }
0x57: {  	_ =	swait.ge [sflag:s28], $0x80  }
0x58: {  	[sflag:s28] =	ssyncset.done $0x0  }
0x59: {  	[sflag:s28] =	ssyncadd.s32 $0xFFFFFF80  }
0x5a: {  	_ =	swait.ge [sflag:s28], $0x80  }
0x5b: {  	[sflag:s28] =	ssyncset.done $0x0  }
0x5c: {  	[sflag:s28] =	ssyncadd.s32 $0xFFFFFF80  }
0x5d: {  	[tilespmem:s29], [sflag:$0x1] =	stream.indirect.gather [hbm4b:s1+s26], $0x80, s4, s26, $0xb8;
	[tilespmem:$0x1C100] =	vst v63  }
0x5e: {  	_ =	swait.ge [sflag:s28], $0x4000  }
0x5f: {  	[sflag:s28] =	ssyncset.done $0x0  }
0x60: {  	[sflag:s28] =	ssyncadd.s32 $0xFFFFC000  }
0x61: {  	[spmem:s3] =	stream.indirect.scatter.add.f32 [tilespmem:s29], [sflag:$0x2], $0x80, s26, s26, $0xb8;
	[tilespmem:$0x1C100] =	vst v63  }
0x62: {  	_ =	swait.ge [sflag:s25], $0x4000  }
0x63: {  	[sflag:s25] =	ssyncset.done $0x0  }
0x64: {  	[sflag:s25] =	ssyncadd.s32 $0xFFFFC000  }
0x65: {  	[bflag:$0x0] =	sbarrier.arrive $0xFFFF  }
0x66: {  	s31 =	rddreg [dreg:$0x5]  }
0x67: {  	[tilespmem:s24], [sflag:$0x2] =	stream.linear.gather [spmem:s31], $0x4000, $0x38;
	[tilespmem:$0x1C100] =	vst v63  }
0x68: {  	_ =	swait.ge [sflag:s25], $0x4000  }
0x69: {  	[sflag:s25] =	ssyncset.done $0x0  }
0x6a: {  	[sflag:s25] =	ssyncadd.s32 $0xFFFFC000  }
0x6b: {  	[hbm4b:s13+s4] =	stream.linear.scatter [tilespmem:s24], [sflag:$0x2], $0x4000, $0x38;
	[tilespmem:$0x1C100] =	vst v63  }
0x6c: {  	_ =	swait.ge [sflag:s25], $0x4000  }
0x6d: {  	[sflag:s25] =	ssyncset.done $0x0  }
0x6e: {  	[sflag:s25] =	ssyncadd.s32 $0xFFFFC000  }
0x6f: {  	[tilespmem:s24], [sflag:$0x2] =	stream.linear.gather [spmem:s14], $0x4000, $0x38;
	[tilespmem:$0x1C100] =	vst v63  }
0x70: {  	_ =	swait.ge [sflag:s25], $0x4000  }
0x71: {  	[sflag:s25] =	ssyncset.done $0x0  }
0x72: {  	[sflag:s25] =	ssyncadd.s32 $0xFFFFC000  }
0x73: {  	[hbm4b:s15+s4] =	stream.linear.scatter [tilespmem:s24], [sflag:$0x2], $0x4000, $0x38;
	[tilespmem:$0x1C100] =	vst v63  }
0x74: {  	_ =	swait.ge [sflag:s25], $0x4000  }
0x75: {  	[sflag:s25] =	ssyncset.done $0x0  }
0x76: {  	[sflag:s25] =	ssyncadd.s32 $0xFFFFC000  }
0x77: {  	[tilespmem:s24], [sflag:$0x2] =	stream.linear.gather [spmem:s16], $0x4000, $0x38;
	[tilespmem:$0x1C100] =	vst v63  }
0x78: {  	_ =	swait.ge [sflag:s25], $0x4000  }
0x79: {  	[sflag:s25] =	ssyncset.done $0x0  }
0x7a: {  	[sflag:s25] =	ssyncadd.s32 $0xFFFFC000  }
0x7b: {  	[hbm4b:s17+s4] =	stream.linear.scatter [tilespmem:s24], [sflag:$0x2], $0x4000, $0x38;
	[tilespmem:$0x1C100] =	vst v63  }
0x7c: {  	_ =	swait.ge [sflag:s25], $0x4000  }
0x7d: {  	[sflag:s25] =	ssyncset.done $0x0  }
0x7e: {  	[sflag:s25] =	ssyncadd.s32 $0xFFFFC000  }
0x7f: {  	[tilespmem:s24], [sflag:$0x2] =	stream.linear.gather [spmem:s18], $0x4000, $0x38;
	[tilespmem:$0x1C100] =	vst v63  }
0x80: {  	_ =	swait.ge [sflag:s25], $0x4000  }
0x81: {  	[sflag:s25] =	ssyncset.done $0x0  }
0x82: {  	[sflag:s25] =	ssyncadd.s32 $0xFFFFC000  }
0x83: {  	[hbm4b:s19+s4] =	stream.linear.scatter [tilespmem:s24], [sflag:$0x2], $0x4000, $0x38;
	[tilespmem:$0x1C100] =	vst v63  }
0x84: {  	_ =	swait.ge [sflag:s25], $0x4000  }
0x85: {  	[sflag:s25] =	ssyncset.done $0x0  }
0x86: {  	[sflag:s25] =	ssyncadd.s32 $0xFFFFC000  }
0x87: {  	[tilespmem:s24], [sflag:$0x2] =	stream.linear.gather [spmem:s20], $0x4000, $0x38;
	[tilespmem:$0x1C100] =	vst v63  }
0x88: {  	s30 =	sadd.s32 $0x1, s30;
	_ =	swait.ge [sflag:s25], $0x4000  }
0x89: {  	p0 =	sne.s32 s30, s8;
	[sflag:s25] =	ssyncset.done $0x0  }
.Ltmp1:
0x8a: {  	[sflag:s25] =	ssyncadd.s32 $0xFFFFC000;
	(pc) =	sbr.rel @p0 .LBB2_1-.Ltmp1, $4  }
0x8b: {  	[hbm4b:s21+s4] =	stream.linear.scatter [tilespmem:s24], [sflag:$0x2], $0x4000, $0x38;
	[tilespmem:$0x1C100] =	vst v63  }
0x8c: {  	_ =	swait.ge [sflag:s25], $0x4000  }
0x8d: {  	[sflag:s25] =	ssyncset.done $0x0  }
0x8e: {  	[sflag:s25] =	ssyncadd.s32 $0xFFFFC000  }
0x8f: {  	_ =	sfence.sel $0x180000  }
0x90: {  	[bflag:$0x0] =	sbarrier.arrive $0xFFFF  }
0x91: {  	_ =	strace $0x9000004D  }
0x92: {  	s0 =	stileid.u32;
	[bflag:$0x2] =	sbarrier.arrive $0xFFFF  }
0x93: {  	p0 =	sne.s32 s0, $0x0;
	s0 =	rddreg [dreg:$0x3]  }
0x94: {  	s0 =	sadd.s32 @!p0 $0x100000, s0  }
0x95: {  	[sflag:s0] =	ssyncadd.tile.s32 @!p0 $0x1;
	_ =	shalt  }
.Lfunc_end2:
_tile_overlayer_lowered:
.L_overlay_start_2:
0x96: {  	(tag) =	ssettag $0x2  }
0x97: {  	s0 =	rddreg [dreg:$0x0];
	s2 =	stileid.u32  }
0x98: {  	s1 =	rddreg [dreg:$0x1];
	p0 =	sne.s32 s2, $0x0  }
0x99: {  	s3 =	rddreg [dreg:$0x2];
	[bflag:$0x3] =	sbarrier.arrive $0xFFFF;
	s2 =	simm.s32 @!p0 $0x1C02  }
0x9a: {  	[timem:s3], [sflag:s2] =	dma.local @!p0 [hbm:s0], s1  }
0x9b: {  	s0 =	simm.s32 @!p0 $0x2  }
0x9c: {  	_ =	swait.ge @!p0 [sflag:s0], s1  }
0x9d: {  	s1 =	ssub.s32 @!p0 $0x0, s1;
	[sflag:s0] =	ssyncset.done @!p0 $0x0  }
0x9e: {  	[sflag:s0] =	ssyncadd.s32 @!p0 s1  }
0x9f: {  	[bflag:$0x3] =	sbarrier.arrive $0xFFFF  }
0xa0: {  	_ =	shalt  }

// kernel: kernel.33.cloned.1.call-start
scs
__scs_entry_jumppad:
0x0: {  	(pc) =	sbr.rel $0x88, $3  }
0x1: {  	(tag) =	ssettag $0x0;
	lr =	simm.s32 $0x1  }
0x2: {  	[smem:$0x3F9D] =	sst lr;
	_ =	strace $0xD0000000  }
0x3: {  	_ = 	snop  }
0x4: {  	_ = 	snop  }
0x5: {  	_ = 	snop  }
0x6: {  	_ = 	snop  }
0x7: {  	_ = 	snop  }
__scs_overlays_trampoline_lowered:
0x8: {  	[smem:$0x3FAC] =	sst s0  }
0x9: {  	[smem:$0x3FAD] =	sst s1  }
0xa: {  	[smem:$0x3FAE] =	sst s2  }
0xb: {  	[smem:$0x3FAF] =	sst s3  }
0xc: {  	[smem:$0x3FB0] =	sst s4  }
0xd: {  	[smem:$0x3FB1] =	sst s5  }
0xe: {  	[smem:$0x3FB2] =	sst s6  }
0xf: {  	[smem:$0x3FB3] =	sst s7  }
0x10: {  	[smem:$0x3FB4] =	sst s8  }
0x11: {  	[smem:$0x3FB5] =	sst s9;
	s0 =	simm.s32 @!p0 $0x0  }
0x12: {  	s1 =	sld [smem:$0x3F9B];
	s0 =	simm.s32 @p0 $0x1  }
0x13: {  	[smem:$0x3FB6] =	sst s0;
	s0 =	simm.s32 @!p1 $0x0  }
0x14: {  	s2 =	sld [smem:$0x3F9A];
	s0 =	simm.s32 @p1 $0x1  }
0x15: {  	[smem:$0x3FB7] =	sst s0;
	s0 =	simm.s32 @!p2 $0x0  }
0x16: {  	s3 =	sld [smem:$0x3FDB];
	s0 =	simm.s32 @p2 $0x1  }
0x17: {  	s4 =	simm.s32 $0x1BF5;
	[smem:$0x3FB9] =	sst s0  }
0x18: {  	s0 =	sld [smem:$0x3F9C];
	_ =	swait.ge [sflag:s4], $0x0  }
0x19: {  	s7 =	sld [smem:$0x3F9D]  }
0x1a: {  	s8 =	sadd.s32 $0xFFFFE003, lr  }
0x1b: {  	s9 =	sadd.s32 $0xFFFFFEF7, lr;
	s5 =	simm.s32 $0xFFFFFFFF;
	p2 =	slt.u32 s8, $0xFFFFF086  }
0x1c: {  	p1 =	slt.u32 s9, $0xF7A;
	s5 =	simm.s32 @!p2 $0x0  }
0x1d: {  	s5 =	simm.s32 @p1 $0x1;
	p0 =	seq.s32 s7, s2  }
0x1e: {  	s7 =	smul.u32 @!p0 $0xF7A, s2;
	p2 =	seq.s32 @!p0 s5, $0x0  }
0x1f: {  	s9 =	smul.u32 $0xF7A, s1;
	s8 =	simm.s32 @!p0 $0x1BF5;
	p2 =	por !p2, p0  }
0x20: {  	[sflag:s8] =	ssyncset.s32 @!p0 $0xFFFFF086;
	s6 =	sadd.s32 @!p0 s3, s7;
	s7 =	simm.s32 @!p0 $0x108  }
0x21: {  	s3 =	sadd.s32 s3, s9;
	s6 =	sadd.s32 @!p0 $0x88, s6;
	s7 =	simm.s32 @p2 $0x1082  }
0x22: {  	[simem:s7], [sflag:s8] =	dma.local @!p0 [hbm:s6], $0xF7A  }
0x23: {  	s9 =	sor.u32 $0xD0000000, s2;
	s6 =	simm.s32 $0x108;
	_ =	swait.ge @!p0 [sflag:s8], $0x0  }
0x24: {  	s3 =	sadd.s32 $0x88, s3;
	s6 =	simm.s32 @!p1 $0x1082;
	[sflag:s4] =	ssyncset.s32 $0xFFFFF086  }
0x25: {  	[simem:s6], [sflag:s4] =	dma.local [hbm:s3], $0xF7A  }
0x26: {  	[smem:$0x3F9D] =	sst s1;
	(tag) =	ssettag s2;
	_ =	strace s9  }
0x27: {  	s1 =	sld [smem:$0x3FAD]  }
0x28: {  	s2 =	sld [smem:$0x3FAE]  }
0x29: {  	s4 =	sld [smem:$0x3FB0]  }
0x2a: {  	p0 =	seq.s32 s5, $0x0;
	s5 =	sld [smem:$0x3FB1]  }
0x2b: {  	s6 =	sld [smem:$0x3FB2]  }
0x2c: {  	s7 =	sld [smem:$0x3FB3]  }
0x2d: {  	s3 =	simm.s32 $0x108;
	s8 =	sld [smem:$0x3FB4]  }
0x2e: {  	s3 =	simm.s32 @!p0 $0x1082;
	s9 =	sld [smem:$0x3FB5]  }
0x2f: {  	lr =	sadd.s32 s0, s3;
	s0 =	sld [smem:$0x3FAC]  }
0x30: {  	s3 =	sld [smem:$0x3FAF]  }
0x31: {  	[smem:$0x3FB8] =	sst s10  }
0x32: {  	s10 =	sld [smem:$0x3FB6];
	_ =	sdelay $0x3  }
0x33: {  	p0 =	seq.s32 s10, $0x1;
	s10 =	sld [smem:$0x3FB8];
	_ =	sdelay $0x3  }
0x34: {  	[smem:$0x3FB8] =	sst s10  }
0x35: {  	s10 =	sld [smem:$0x3FB7];
	_ =	sdelay $0x3  }
0x36: {  	p1 =	seq.s32 s10, $0x1;
	s10 =	sld [smem:$0x3FB8];
	_ =	sdelay $0x3  }
0x37: {  	[smem:$0x3FB8] =	sst s10  }
0x38: {  	s10 =	sld [smem:$0x3FB9]  }
0x39: {  	_ = 	snop;
	(pc) =	sbr.ind lr, $3  }
0x3a: {  	_ = 	snop  }
0x3b: {  	_ = 	snop  }
0x3c: {  	p2 =	seq.s32 s10, $0x1;
	s10 =	sld [smem:$0x3FB8]  }
0x3d: {  	_ =	shalt  }
0x3e: {  	_ =	shalt  }
0x3f: {  	_ =	shalt  }
0x40: {  	_ =	shalt  }
0x41: {  	_ =	shalt  }
0x42: {  	_ =	shalt  }
0x43: {  	_ =	shalt  }
0x44: {  	_ =	shalt  }
0x45: {  	_ =	shalt  }
0x46: {  	_ =	shalt  }
0x47: {  	_ =	shalt  }
0x48: {  	_ =	shalt  }
0x49: {  	_ =	shalt  }
0x4a: {  	_ =	shalt  }
0x4b: {  	_ =	shalt  }
0x4c: {  	_ =	shalt  }
0x4d: {  	_ =	shalt  }
0x4e: {  	_ =	shalt  }
0x4f: {  	_ =	shalt  }
0x50: {  	_ =	shalt  }
0x51: {  	_ =	shalt  }
0x52: {  	_ =	shalt  }
0x53: {  	_ =	shalt  }
0x54: {  	_ =	shalt  }
0x55: {  	_ =	shalt  }
0x56: {  	_ =	shalt  }
0x57: {  	_ =	shalt  }
0x58: {  	_ =	shalt  }
0x59: {  	_ =	shalt  }
0x5a: {  	_ =	shalt  }
0x5b: {  	_ =	shalt  }
0x5c: {  	_ =	shalt  }
0x5d: {  	_ =	shalt  }
0x5e: {  	_ =	shalt  }
0x5f: {  	_ =	shalt  }
0x60: {  	_ =	shalt  }
0x61: {  	_ =	shalt  }
0x62: {  	_ =	shalt  }
0x63: {  	_ =	shalt  }
0x64: {  	_ =	shalt  }
0x65: {  	_ =	shalt  }
0x66: {  	_ =	shalt  }
0x67: {  	_ =	shalt  }
0x68: {  	_ =	shalt  }
0x69: {  	_ =	shalt  }
0x6a: {  	_ =	shalt  }
0x6b: {  	_ =	shalt  }
0x6c: {  	_ =	shalt  }
0x6d: {  	_ =	shalt  }
0x6e: {  	_ =	shalt  }
0x6f: {  	_ =	shalt  }
0x70: {  	_ =	shalt  }
0x71: {  	_ =	shalt  }
0x72: {  	_ =	shalt  }
0x73: {  	_ =	shalt  }
0x74: {  	_ =	shalt  }
0x75: {  	_ =	shalt  }
0x76: {  	_ =	shalt  }
0x77: {  	_ =	shalt  }
0x78: {  	_ =	shalt  }
0x79: {  	_ =	shalt  }
0x7a: {  	_ =	shalt  }
0x7b: {  	_ =	shalt  }
0x7c: {  	_ =	shalt  }
0x7d: {  	_ =	shalt  }
0x7e: {  	_ =	shalt  }
0x7f: {  	_ =	shalt  }
0x80: {  	_ =	shalt  }
0x81: {  	_ =	shalt  }
0x82: {  	_ =	shalt  }
0x83: {  	_ =	shalt  }
0x84: {  	_ =	shalt  }
0x85: {  	_ =	shalt  }
0x86: {  	_ =	shalt  }
0x87: {  	_ =	shalt  }
.Lfunc_end0:
.L_simem_size_0:
called_computation.3_lowered:
.L_overlay_start_0:
0x88: {  	s2 =	sld [smem:$0x3FD9]  }
0x89: {  	s3 =	sld [smem:$0x3FFE];
	_ =	sdelay $0x1  }
0x8a: {  	s1 =	srdreg.scid  }
0x8b: {  	s0 =	sand.u32 $0x1, s1  }
0x8c: {  	s17 =	sshll.u32 s0, $0xA;
	s2 =	sadd.s32 s3, s2  }
0x8d: {  	s2 =	sadd.s32 s2, s17  }
0x8e: {  	[smem:$0x3FC4] =	sst s2  }
0x8f: {  	_ = 	snop  }
0x90: {  	s2 =	sld [smem:$0x3FD0];
	(tm) =	ssettm $0x1  }
0x91: {  	s18 =	sld [smem:$0x3FFB];
	_ =	sdelay $0x3  }
0x92: {  	_ =	strace s18  }
0x93: {  	s3 =	sld [smem:$0x3FFC];
	_ =	sdelay $0x3  }
0x94: {  	_ =	strace s3  }
0x95: {  	s3 =	sld [smem:$0x3FFD];
	_ =	sdelay $0x3  }
0x96: {  	_ =	strace s3  }
0x97: {  	_ =	strace $0x8FFFFFFF  }
0x98: {  	s19 =	sld [smem:$0x3FDB];
	_ =	sdelay $0x1  }
0x99: {  	s4 =	simm.s32 $_scs_section_size  }
0x9a: {  	s5 =	simm.s32 $_size__tile_overlayer_lowered;
	s6 =	simm.s32 $_tile_overlayer_lowered  }
0x9b: {  	s22 =	simm.s32 $0x1BFF;
	s21 =	sshll.u32 s6, $0x1;
	s3 =	sadd.s32 s4, s19  }
0x9c: {  	s7 =	simm.s32 $0x0;
	s20 =	sshll.u32 s5, $0x1;
	s5 =	sadd.s32 s21, s3  }
0x9d: {  	[timem:s7], [sflag:s22] =	dma.local [hbm:s5], s20  }
0x9e: {  	_ =	swait.ge [sflag:s22], s20  }
0x9f: {  	s4 =	ssub.s32 $0x0, s20;
	[sflag:s22] =	ssyncset.done $0x0  }
0xa0: {  	[sflag:s22] =	ssyncadd.s32 s4;
	_ =	sdelay $0x1  }
0xa1: {  	s23 =	simm.s32 $0x1B8B  }
0xa2: {  	_ =	swait.ge [sflag:s23], $0x1  }
0xa3: {  	[sflag:s23] =	ssyncset.done $0x0  }
0xa4: {  	s25 =	simm.s32 $0x1B8E;
	s24 =	sld [smem:$0x3FFE];
	[sflag:s23] =	ssyncadd.s32 $0xFFFFFFFF  }
0xa5: {  	s26 =	simm.s32 $execute0_lowered;
	[smem:$0x3FD2] =	sst s25  }
0xa6: {  	s5 =	sshll.u32 s26, $0x1;
	_ =	strace $0x8000004F;
	[dreg:$0x1] =	wrdreg $0xFFFFFFFF  }
0xa7: {  	s28 =	simm.s32 $_size_execute0_lowered;
	s3 =	sadd.s32 s3, s5;
	[dreg:$0x0] =	wrdreg $0x0  }
0xa8: {  	s5 =	sshll.u32 s28, $0x1;
	[dreg:$0x2] =	wrdreg s3  }
0xa9: {  	[dreg:$0x3] =	wrdreg s5  }
0xaa: {  	[dreg:$0x4] =	wrdreg $0xC0  }
0xab: {  	_ =	task [dreg:s7], $0x5FFFF  }
0xac: {  	[dreg:$0x1] =	wrdreg $0xFFFFFFFF  }
0xad: {  	[dreg:$0x0] =	wrdreg $0x60  }
0xae: {  	[dreg:$0x2] =	wrdreg s2  }
0xaf: {  	[dreg:$0x3] =	wrdreg s24  }
0xb0: {  	[dreg:$0x4] =	wrdreg $0x81000  }
0xb1: {  	[dreg:$0x5] =	wrdreg $0x9  }
0xb2: {  	_ =	task.clear_ibuf [dreg:s7], $0x6FFFF;
	_ =	strace $0x9000004F  }
0xb3: {  	s29 =	simm.s32 $0x9;
	_ =	strace $0x80000051  }
0xb4: {  	_ =	swait.ge [sflag:s29], $0x1  }
0xb5: {  	[sflag:s29] =	ssyncadd.s32 $0xFFFFFFFF  }
0xb6: {  	_ =	strace $0x90000051  }
0xb7: {  	_ =	sfence  }
0xb8: {  	s30 =	sld [smem:$0x0];
	_ =	sdelay $0x2  }
0xb9: {  	s31 =	sshll.u32 s1, $0xD;
	s1 =	sshrl.u32 s1, $0x2  }
0xba: {  	s3 =	sand.u32 $0x4000, s31;
	s1 =	sadd.s32 s1, s30  }
0xbb: {  	s0 =	sor.u32 s3, s0;
	s1 =	sshll.u32 s1, $0x11  }
0xbc: {  	s0 =	sor.u32 s1, s0  }
0xbd: {  	s0 =	sadd.s32 $0x8F2B, s0  }
0xbe: {  	[sflag:s0] =	ssyncadd.remote.s32 $0x1  }
0xbf: {  	_ =	sfence.sel $0xFFFF  }
0xc0: {  	[dreg:$0x0] =	wrdreg $0xFFFFFFFF;
	(pc) =	sbr.abs _section_cstart, $3  }
0xc1: {  	[dreg:$0x1] =	wrdreg $0xFFFFFFFF  }
0xc2: {  	_ =	task.clear_ibuf [dreg:s7], $0x2FFFF;
	_ =	strace $0x9FFFFFFF  }
0xc3: {  	(tm) =	ssettm $0x7FFFFFFF  }
tec
execute0_lowered:
.L_overlay_start_1:
0x0: {  	(tag) =	ssettag $0x1  }
0x1: {  	s1 =	rddreg [dreg:$0x0]  }
0x2: {  	s0 =	srdreg.scid;
	s2 =	rddreg [dreg:$0x1]  }
0x3: {  	s21 =	stileid.u32;
	s3 =	rddreg [dreg:$0x2];
	s4 =	simm.s32 $0x0  }
0x4: {  	s28 =	simm.s32 $0x1;
	s29 =	simm.s32 $0x100;
	s6 =	smul.u32 $0x2780, s21  }
0x5: {  	s30 =	simm.s32 $0x0;
	s7 =	sand.u32 $0x1, s0;
	s8 =	smul.u32 $0x50000, s21  }
0x6: {  	[smem:$0x7FF] =	sst s4;
	s24 =	sadd.s32 $0x25000, s2;
	s18 =	smul.u32 $0x14000, s21  }
0x7: {  	s5 =	smul.u32 $0x27800, s7;
	_ =	strace $0x80000050;
	s22 =	ssub.s32 $0x2, s7  }
0x8: {  	[dreg:$0x4] =	wrdreg s24;
	s19 =	smul.u32 $0x140000, s7;
	s24 =	simm.s32 $0x4100  }
0x9: {  	s9 =	sshrl.u32 s22, $0x1;
	s25 =	sshrl.u32 s8, $0x2;
	s0 =	sadd.s32 s18, s3  }
0xa: {  	s14 =	sadd.s32 $0x4000, s18;
	s16 =	sadd.s32 $0x8000, s18;
	s20 =	sadd.s32 $0xC000, s18  }
0xb: {  	s5 =	sadd.s32 s6, s5;
	s9 =	ssub.s32 s22, s9;
	s6 =	sadd.s32 s25, s3  }
0xc: {  	[dreg:$0x5] =	wrdreg s0;
	s13 =	sadd.s32 s19, s18;
	s15 =	sadd.s32 s19, s14  }
0xd: {  	s14 =	sadd.s32 s14, s3;
	s17 =	sadd.s32 s19, s16;
	s16 =	sadd.s32 s16, s3  }
0xe: {  	s21 =	sadd.s32 s19, s20;
	s22 =	sadd.s32 $0x10000, s18;
	s18 =	sadd.s32 s20, s3  }
0xf: {  	s25 =	simm.s32 $0x2;
	s5 =	sshrl.u32 s5, $0x3;
	s8 =	smax.u32 s9, $0x1  }
0x10: {  	s9 =	sadd.s32 $0x4000, s6;
	s10 =	sadd.s32 $0x8000, s6;
	s11 =	sadd.s32 $0xC000, s6  }
0x11: {  	s12 =	sadd.s32 $0x10000, s6;
	s13 =	sshrl.u32 s13, $0x3;
	s15 =	sshrl.u32 s15, $0x3  }
0x12: {  	s17 =	sshrl.u32 s17, $0x3;
	s26 =	sshrl.u32 s21, $0x3;
	s31 =	sadd.s32 s19, s22  }
0x13: {  	s20 =	sadd.s32 s22, s3;
	s23 =	sadd.s32 s5, s2;
	s2 =	sadd.s32 $0x25800, s2  }
0x14: {  	s21 =	sshrl.u32 s31, $0x3;
	s13 =	sadd.s32 s2, s13;
	s15 =	sadd.s32 s2, s15  }
0x15: {  	s17 =	sadd.s32 s2, s17;
	s19 =	sadd.s32 s2, s26;
	s21 =	sadd.s32 s2, s21  }
0x16: {  	s22 =	sadd.s32 $0x7400, s23;
	s23 =	sadd.s32 $0x1B200, s23;
	s26 =	simm.s32 $0x80  }
.LBB2_1:
0x17: {  	s0 =	rddreg [dreg:$0x4]  }
0x18: {  	[tilespmem:s24], [sflag:$0x2] =	stream.linear.gather [hbm4b:s0+s4], $0x4000, $0x38;
	[tilespmem:$0x1C100] =	vst v63  }
0x19: {  	_ =	swait.ge [sflag:s25], $0x4000  }
0x1a: {  	[sflag:s25] =	ssyncset.done $0x0  }
0x1b: {  	[sflag:s25] =	ssyncadd.s32 $0xFFFFC000  }
0x1c: {  	[spmem:s6] =	stream.linear.scatter [tilespmem:s24], [sflag:$0x2], $0x4000, $0x38;
	[tilespmem:$0x1C100] =	vst v63  }
0x1d: {  	_ =	swait.ge [sflag:s25], $0x4000  }
0x1e: {  	[sflag:s25] =	ssyncset.done $0x0  }
0x1f: {  	[sflag:s25] =	ssyncadd.s32 $0xFFFFC000  }
0x20: {  	[spmem:s9] =	stream.linear.scatter [tilespmem:s24], [sflag:$0x2], $0x4000, $0x38;
	[tilespmem:$0x1C100] =	vst v63  }
0x21: {  	_ =	swait.ge [sflag:s25], $0x4000  }
0x22: {  	[sflag:s25] =	ssyncset.done $0x0  }
0x23: {  	[sflag:s25] =	ssyncadd.s32 $0xFFFFC000  }
0x24: {  	[spmem:s10] =	stream.linear.scatter [tilespmem:s24], [sflag:$0x2], $0x4000, $0x38;
	[tilespmem:$0x1C100] =	vst v63  }
0x25: {  	_ =	swait.ge [sflag:s25], $0x4000  }
0x26: {  	[sflag:s25] =	ssyncset.done $0x0  }
0x27: {  	[sflag:s25] =	ssyncadd.s32 $0xFFFFC000  }
0x28: {  	[spmem:s11] =	stream.linear.scatter [tilespmem:s24], [sflag:$0x2], $0x4000, $0x38;
	[tilespmem:$0x1C100] =	vst v63  }
0x29: {  	_ =	swait.ge [sflag:s25], $0x4000  }
0x2a: {  	[sflag:s25] =	ssyncset.done $0x0  }
0x2b: {  	[sflag:s25] =	ssyncadd.s32 $0xFFFFC000  }
0x2c: {  	[spmem:s12] =	stream.linear.scatter [tilespmem:s24], [sflag:$0x2], $0x4000, $0x38;
	[tilespmem:$0x1C100] =	vst v63  }
0x2d: {  	_ =	swait.ge [sflag:s25], $0x4000  }
0x2e: {  	[sflag:s25] =	ssyncset.done $0x0  }
0x2f: {  	[sflag:s25] =	ssyncadd.s32 $0xFFFFC000  }
0x30: {  	s2 =	sadd.s32 $0x0, s23;
	[bflag:$0x0] =	sbarrier.arrive $0xFFFF  }
0x31: {  	[tilespmem:s4], [sflag:$0x1] =	stream.linear.gather [hbm4b:s2+s4], $0x80, $0x38;
	[tilespmem:$0x1C100] =	vst v63  }
0x32: {  	s7 =	sadd.s32 $0x0, s22  }
0x33: {  	[tilespmem:s26], [sflag:$0x1] =	stream.linear.gather [hbm4b:s7+s4], $0x80, $0x38;
	[tilespmem:$0x1C100] =	vst v63  }
0x34: {  	_ =	swait.ge [sflag:s28], $0x80  }
0x35: {  	[sflag:s28] =	ssyncset.done $0x0  }
0x36: {  	[sflag:s28] =	ssyncadd.s32 $0xFFFFFF80  }
0x37: {  	_ =	swait.ge [sflag:s28], $0x80  }
0x38: {  	[sflag:s28] =	ssyncset.done $0x0  }
0x39: {  	[sflag:s28] =	ssyncadd.s32 $0xFFFFFF80  }
0x3a: {  	[tilespmem:s29], [sflag:$0x1] =	stream.indirect.gather [hbm4b:s1+s26], $0x80, s4, s26, $0xb8;
	[tilespmem:$0x1C100] =	vst v63  }
0x3b: {  	_ =	swait.ge [sflag:s28], $0x4000  }
0x3c: {  	[sflag:s28] =	ssyncset.done $0x0  }
0x3d: {  	[sflag:s28] =	ssyncadd.s32 $0xFFFFC000  }
0x3e: {  	[spmem:s3] =	stream.indirect.scatter.add.f32 [tilespmem:s29], [sflag:$0x2], $0x80, s26, s26, $0xb8;
	[tilespmem:$0x1C100] =	vst v63  }
0x3f: {  	_ =	swait.ge [sflag:s25], $0x4000  }
0x40: {  	s31 =	simm.s32 $0x10;
	s2 =	simm.s32 $0x20;
	[sflag:s25] =	ssyncset.done $0x0  }
.LBB2_2:
0x41: {  	s0 =	sadd.s32 s31, s23  }
0x42: {  	[sflag:s25] =	ssyncadd.s32 $0xFFFFC000;
	s5 =	smov.u32 s2;
	s7 =	sadd.s32 $0x10, s2  }
0x43: {  	[tilespmem:s4], [sflag:$0x1] =	stream.linear.gather [hbm4b:s0+s4], $0x80, $0x38;
	[tilespmem:$0x1C100] =	vst v63  }
0x44: {  	p0 =	sne.s32 s2, $0x4E0;
	s0 =	sadd.s32 s31, s22;
	s31 =	smov.u32 s5  }
0x45: {  	[tilespmem:s26], [sflag:$0x1] =	stream.linear.gather [hbm4b:s0+s4], $0x80, $0x38;
	[tilespmem:$0x1C100] =	vst v63  }
0x46: {  	_ =	swait.ge [sflag:s28], $0x80  }
0x47: {  	[sflag:s28] =	ssyncset.done $0x0  }
0x48: {  	[sflag:s28] =	ssyncadd.s32 $0xFFFFFF80  }
0x49: {  	_ =	swait.ge [sflag:s28], $0x80  }
0x4a: {  	[sflag:s28] =	ssyncset.done $0x0  }
0x4b: {  	[sflag:s28] =	ssyncadd.s32 $0xFFFFFF80  }
0x4c: {  	[tilespmem:s29], [sflag:$0x1] =	stream.indirect.gather [hbm4b:s1+s26], $0x80, s4, s26, $0xb8;
	[tilespmem:$0x1C100] =	vst v63  }
0x4d: {  	_ =	swait.ge [sflag:s28], $0x4000  }
.Ltmp0:
0x4e: {  	[sflag:s28] =	ssyncset.done $0x0;
	(pc) =	sbr.rel @p0 .LBB2_2-.Ltmp0, $4  }
0x4f: {  	[sflag:s28] =	ssyncadd.s32 $0xFFFFC000  }
0x50: {  	[spmem:s3] =	stream.indirect.scatter.add.f32 [tilespmem:s29], [sflag:$0x2], $0x80, s26, s26, $0xb8;
	[tilespmem:$0x1C100] =	vst v63  }
0x51: {  	_ =	swait.ge [sflag:s25], $0x4000  }
0x52: {  	s2 =	smov.u32 s7;
	[sflag:s25] =	ssyncset.done $0x0  }
0x53: {  	s0 =	sadd.s32 s31, s23;
	[sflag:s25] =	ssyncadd.s32 $0xFFFFC000  }
0x54: {  	[tilespmem:s4], [sflag:$0x1] =	stream.linear.gather [hbm4b:s0+s4], $0x80, $0x38;
	[tilespmem:$0x1C100] =	vst v63  }
0x55: {  	s7 =	sadd.s32 s31, s22  }
0x56: {  	[tilespmem:s26], [sflag:$0x1] =	stream.linear.gather [hbm4b:s7+s4], $0x80, $0x38;
	[tilespmem:$0x1C100] =	vst v63  }
0x57: {  	_ =	swait.ge [sflag:s28], $0x80  }
0x58: {  	[sflag:s28] =	ssyncset.done $0x0  }
0x59: {  	[sflag:s28] =	ssyncadd.s32 $0xFFFFFF80  }
0x5a: {  	_ =	swait.ge [sflag:s28], $0x80  }
0x5b: {  	[sflag:s28] =	ssyncset.done $0x0  }
0x5c: {  	[sflag:s28] =	ssyncadd.s32 $0xFFFFFF80  }
0x5d: {  	[tilespmem:s29], [sflag:$0x1] =	stream.indirect.gather [hbm4b:s1+s26], $0x80, s4, s26, $0xb8;
	[tilespmem:$0x1C100] =	vst v63  }
0x5e: {  	_ =	swait.ge [sflag:s28], $0x4000  }
0x5f: {  	[sflag:s28] =	ssyncset.done $0x0  }
0x60: {  	[sflag:s28] =	ssyncadd.s32 $0xFFFFC000  }
0x61: {  	[spmem:s3] =	stream.indirect.scatter.add.f32 [tilespmem:s29], [sflag:$0x2], $0x80, s26, s26, $0xb8;
	[tilespmem:$0x1C100] =	vst v63  }
0x62: {  	_ =	swait.ge [sflag:s25], $0x4000  }
0x63: {  	[sflag:s25] =	ssyncset.done $0x0  }
0x64: {  	[sflag:s25] =	ssyncadd.s32 $0xFFFFC000  }
0x65: {  	[bflag:$0x0] =	sbarrier.arrive $0xFFFF  }
0x66: {  	s31 =	rddreg [dreg:$0x5]  }
0x67: {  	[tilespmem:s24], [sflag:$0x2] =	stream.linear.gather [spmem:s31], $0x4000, $0x38;
	[tilespmem:$0x1C100] =	vst v63  }
0x68: {  	_ =	swait.ge [sflag:s25], $0x4000  }
0x69: {  	[sflag:s25] =	ssyncset.done $0x0  }
0x6a: {  	[sflag:s25] =	ssyncadd.s32 $0xFFFFC000  }
0x6b: {  	[hbm4b:s13+s4] =	stream.linear.scatter [tilespmem:s24], [sflag:$0x2], $0x4000, $0x38;
	[tilespmem:$0x1C100] =	vst v63  }
0x6c: {  	_ =	swait.ge [sflag:s25], $0x4000  }
0x6d: {  	[sflag:s25] =	ssyncset.done $0x0  }
0x6e: {  	[sflag:s25] =	ssyncadd.s32 $0xFFFFC000  }
0x6f: {  	[tilespmem:s24], [sflag:$0x2] =	stream.linear.gather [spmem:s14], $0x4000, $0x38;
	[tilespmem:$0x1C100] =	vst v63  }
0x70: {  	_ =	swait.ge [sflag:s25], $0x4000  }
0x71: {  	[sflag:s25] =	ssyncset.done $0x0  }
0x72: {  	[sflag:s25] =	ssyncadd.s32 $0xFFFFC000  }
0x73: {  	[hbm4b:s15+s4] =	stream.linear.scatter [tilespmem:s24], [sflag:$0x2], $0x4000, $0x38;
	[tilespmem:$0x1C100] =	vst v63  }
0x74: {  	_ =	swait.ge [sflag:s25], $0x4000  }
0x75: {  	[sflag:s25] =	ssyncset.done $0x0  }
0x76: {  	[sflag:s25] =	ssyncadd.s32 $0xFFFFC000  }
0x77: {  	[tilespmem:s24], [sflag:$0x2] =	stream.linear.gather [spmem:s16], $0x4000, $0x38;
	[tilespmem:$0x1C100] =	vst v63  }
0x78: {  	_ =	swait.ge [sflag:s25], $0x4000  }
0x79: {  	[sflag:s25] =	ssyncset.done $0x0  }
0x7a: {  	[sflag:s25] =	ssyncadd.s32 $0xFFFFC000  }
0x7b: {  	[hbm4b:s17+s4] =	stream.linear.scatter [tilespmem:s24], [sflag:$0x2], $0x4000, $0x38;
	[tilespmem:$0x1C100] =	vst v63  }
0x7c: {  	_ =	swait.ge [sflag:s25], $0x4000  }
0x7d: {  	[sflag:s25] =	ssyncset.done $0x0  }
0x7e: {  	[sflag:s25] =	ssyncadd.s32 $0xFFFFC000  }
0x7f: {  	[tilespmem:s24], [sflag:$0x2] =	stream.linear.gather [spmem:s18], $0x4000, $0x38;
	[tilespmem:$0x1C100] =	vst v63  }
0x80: {  	_ =	swait.ge [sflag:s25], $0x4000  }
0x81: {  	[sflag:s25] =	ssyncset.done $0x0  }
0x82: {  	[sflag:s25] =	ssyncadd.s32 $0xFFFFC000  }
0x83: {  	[hbm4b:s19+s4] =	stream.linear.scatter [tilespmem:s24], [sflag:$0x2], $0x4000, $0x38;
	[tilespmem:$0x1C100] =	vst v63  }
0x84: {  	_ =	swait.ge [sflag:s25], $0x4000  }
0x85: {  	[sflag:s25] =	ssyncset.done $0x0  }
0x86: {  	[sflag:s25] =	ssyncadd.s32 $0xFFFFC000  }
0x87: {  	[tilespmem:s24], [sflag:$0x2] =	stream.linear.gather [spmem:s20], $0x4000, $0x38;
	[tilespmem:$0x1C100] =	vst v63  }
0x88: {  	s30 =	sadd.s32 $0x1, s30;
	_ =	swait.ge [sflag:s25], $0x4000  }
0x89: {  	p0 =	sne.s32 s30, s8;
	[sflag:s25] =	ssyncset.done $0x0  }
.Ltmp1:
0x8a: {  	[sflag:s25] =	ssyncadd.s32 $0xFFFFC000;
	(pc) =	sbr.rel @p0 .LBB2_1-.Ltmp1, $4  }
0x8b: {  	[hbm4b:s21+s4] =	stream.linear.scatter [tilespmem:s24], [sflag:$0x2], $0x4000, $0x38;
	[tilespmem:$0x1C100] =	vst v63  }
0x8c: {  	_ =	swait.ge [sflag:s25], $0x4000  }
0x8d: {  	[sflag:s25] =	ssyncset.done $0x0  }
0x8e: {  	[sflag:s25] =	ssyncadd.s32 $0xFFFFC000  }
0x8f: {  	_ =	sfence.sel $0x180000  }
0x90: {  	[bflag:$0x0] =	sbarrier.arrive $0xFFFF  }
0x91: {  	_ =	strace $0x90000050  }
0x92: {  	s0 =	stileid.u32;
	[bflag:$0x2] =	sbarrier.arrive $0xFFFF  }
0x93: {  	p0 =	sne.s32 s0, $0x0;
	s0 =	rddreg [dreg:$0x3]  }
0x94: {  	s0 =	sadd.s32 @!p0 $0x100000, s0  }
0x95: {  	[sflag:s0] =	ssyncadd.tile.s32 @!p0 $0x1;
	_ =	shalt  }
.Lfunc_end2:
_tile_overlayer_lowered:
.L_overlay_start_2:
0x96: {  	(tag) =	ssettag $0x2  }
0x97: {  	s0 =	rddreg [dreg:$0x0];
	s2 =	stileid.u32  }
0x98: {  	s1 =	rddreg [dreg:$0x1];
	p0 =	sne.s32 s2, $0x0  }
0x99: {  	s3 =	rddreg [dreg:$0x2];
	[bflag:$0x3] =	sbarrier.arrive $0xFFFF;
	s2 =	simm.s32 @!p0 $0x1C02  }
0x9a: {  	[timem:s3], [sflag:s2] =	dma.local @!p0 [hbm:s0], s1  }
0x9b: {  	s0 =	simm.s32 @!p0 $0x2  }
0x9c: {  	_ =	swait.ge @!p0 [sflag:s0], s1  }
0x9d: {  	s1 =	ssub.s32 @!p0 $0x0, s1;
	[sflag:s0] =	ssyncset.done @!p0 $0x0  }
0x9e: {  	[sflag:s0] =	ssyncadd.s32 @!p0 s1  }
0x9f: {  	[bflag:$0x3] =	sbarrier.arrive $0xFFFF  }
0xa0: {  	_ =	shalt  }

// kernel: kernel.36.cloned.1.call-start
scs
__scs_entry_jumppad:
0x0: {  	(pc) =	sbr.rel $0x88, $3  }
0x1: {  	(tag) =	ssettag $0x0;
	lr =	simm.s32 $0x1  }
0x2: {  	[smem:$0x3F9D] =	sst lr;
	_ =	strace $0xD0000000  }
0x3: {  	_ = 	snop  }
0x4: {  	_ = 	snop  }
0x5: {  	_ = 	snop  }
0x6: {  	_ = 	snop  }
0x7: {  	_ = 	snop  }
__scs_overlays_trampoline_lowered:
0x8: {  	[smem:$0x3FAC] =	sst s0  }
0x9: {  	[smem:$0x3FAD] =	sst s1  }
0xa: {  	[smem:$0x3FAE] =	sst s2  }
0xb: {  	[smem:$0x3FAF] =	sst s3  }
0xc: {  	[smem:$0x3FB0] =	sst s4  }
0xd: {  	[smem:$0x3FB1] =	sst s5  }
0xe: {  	[smem:$0x3FB2] =	sst s6  }
0xf: {  	[smem:$0x3FB3] =	sst s7  }
0x10: {  	[smem:$0x3FB4] =	sst s8  }
0x11: {  	[smem:$0x3FB5] =	sst s9;
	s0 =	simm.s32 @!p0 $0x0  }
0x12: {  	s1 =	sld [smem:$0x3F9B];
	s0 =	simm.s32 @p0 $0x1  }
0x13: {  	[smem:$0x3FB6] =	sst s0;
	s0 =	simm.s32 @!p1 $0x0  }
0x14: {  	s2 =	sld [smem:$0x3F9A];
	s0 =	simm.s32 @p1 $0x1  }
0x15: {  	[smem:$0x3FB7] =	sst s0;
	s0 =	simm.s32 @!p2 $0x0  }
0x16: {  	s3 =	sld [smem:$0x3FDB];
	s0 =	simm.s32 @p2 $0x1  }
0x17: {  	s4 =	simm.s32 $0x1BF5;
	[smem:$0x3FB9] =	sst s0  }
0x18: {  	s0 =	sld [smem:$0x3F9C];
	_ =	swait.ge [sflag:s4], $0x0  }
0x19: {  	s7 =	sld [smem:$0x3F9D]  }
0x1a: {  	s8 =	sadd.s32 $0xFFFFE003, lr  }
0x1b: {  	s9 =	sadd.s32 $0xFFFFFEF7, lr;
	s5 =	simm.s32 $0xFFFFFFFF;
	p2 =	slt.u32 s8, $0xFFFFF086  }
0x1c: {  	p1 =	slt.u32 s9, $0xF7A;
	s5 =	simm.s32 @!p2 $0x0  }
0x1d: {  	s5 =	simm.s32 @p1 $0x1;
	p0 =	seq.s32 s7, s2  }
0x1e: {  	s7 =	smul.u32 @!p0 $0xF7A, s2;
	p2 =	seq.s32 @!p0 s5, $0x0  }
0x1f: {  	s9 =	smul.u32 $0xF7A, s1;
	s8 =	simm.s32 @!p0 $0x1BF5;
	p2 =	por !p2, p0  }
0x20: {  	[sflag:s8] =	ssyncset.s32 @!p0 $0xFFFFF086;
	s6 =	sadd.s32 @!p0 s3, s7;
	s7 =	simm.s32 @!p0 $0x108  }
0x21: {  	s3 =	sadd.s32 s3, s9;
	s6 =	sadd.s32 @!p0 $0x88, s6;
	s7 =	simm.s32 @p2 $0x1082  }
0x22: {  	[simem:s7], [sflag:s8] =	dma.local @!p0 [hbm:s6], $0xF7A  }
0x23: {  	s9 =	sor.u32 $0xD0000000, s2;
	s6 =	simm.s32 $0x108;
	_ =	swait.ge @!p0 [sflag:s8], $0x0  }
0x24: {  	s3 =	sadd.s32 $0x88, s3;
	s6 =	simm.s32 @!p1 $0x1082;
	[sflag:s4] =	ssyncset.s32 $0xFFFFF086  }
0x25: {  	[simem:s6], [sflag:s4] =	dma.local [hbm:s3], $0xF7A  }
0x26: {  	[smem:$0x3F9D] =	sst s1;
	(tag) =	ssettag s2;
	_ =	strace s9  }
0x27: {  	s1 =	sld [smem:$0x3FAD]  }
0x28: {  	s2 =	sld [smem:$0x3FAE]  }
0x29: {  	s4 =	sld [smem:$0x3FB0]  }
0x2a: {  	p0 =	seq.s32 s5, $0x0;
	s5 =	sld [smem:$0x3FB1]  }
0x2b: {  	s6 =	sld [smem:$0x3FB2]  }
0x2c: {  	s7 =	sld [smem:$0x3FB3]  }
0x2d: {  	s3 =	simm.s32 $0x108;
	s8 =	sld [smem:$0x3FB4]  }
0x2e: {  	s3 =	simm.s32 @!p0 $0x1082;
	s9 =	sld [smem:$0x3FB5]  }
0x2f: {  	lr =	sadd.s32 s0, s3;
	s0 =	sld [smem:$0x3FAC]  }
0x30: {  	s3 =	sld [smem:$0x3FAF]  }
0x31: {  	[smem:$0x3FB8] =	sst s10  }
0x32: {  	s10 =	sld [smem:$0x3FB6];
	_ =	sdelay $0x3  }
0x33: {  	p0 =	seq.s32 s10, $0x1;
	s10 =	sld [smem:$0x3FB8];
	_ =	sdelay $0x3  }
0x34: {  	[smem:$0x3FB8] =	sst s10  }
0x35: {  	s10 =	sld [smem:$0x3FB7];
	_ =	sdelay $0x3  }
0x36: {  	p1 =	seq.s32 s10, $0x1;
	s10 =	sld [smem:$0x3FB8];
	_ =	sdelay $0x3  }
0x37: {  	[smem:$0x3FB8] =	sst s10  }
0x38: {  	s10 =	sld [smem:$0x3FB9]  }
0x39: {  	_ = 	snop;
	(pc) =	sbr.ind lr, $3  }
0x3a: {  	_ = 	snop  }
0x3b: {  	_ = 	snop  }
0x3c: {  	p2 =	seq.s32 s10, $0x1;
	s10 =	sld [smem:$0x3FB8]  }
0x3d: {  	_ =	shalt  }
0x3e: {  	_ =	shalt  }
0x3f: {  	_ =	shalt  }
0x40: {  	_ =	shalt  }
0x41: {  	_ =	shalt  }
0x42: {  	_ =	shalt  }
0x43: {  	_ =	shalt  }
0x44: {  	_ =	shalt  }
0x45: {  	_ =	shalt  }
0x46: {  	_ =	shalt  }
0x47: {  	_ =	shalt  }
0x48: {  	_ =	shalt  }
0x49: {  	_ =	shalt  }
0x4a: {  	_ =	shalt  }
0x4b: {  	_ =	shalt  }
0x4c: {  	_ =	shalt  }
0x4d: {  	_ =	shalt  }
0x4e: {  	_ =	shalt  }
0x4f: {  	_ =	shalt  }
0x50: {  	_ =	shalt  }
0x51: {  	_ =	shalt  }
0x52: {  	_ =	shalt  }
0x53: {  	_ =	shalt  }
0x54: {  	_ =	shalt  }
0x55: {  	_ =	shalt  }
0x56: {  	_ =	shalt  }
0x57: {  	_ =	shalt  }
0x58: {  	_ =	shalt  }
0x59: {  	_ =	shalt  }
0x5a: {  	_ =	shalt  }
0x5b: {  	_ =	shalt  }
0x5c: {  	_ =	shalt  }
0x5d: {  	_ =	shalt  }
0x5e: {  	_ =	shalt  }
0x5f: {  	_ =	shalt  }
0x60: {  	_ =	shalt  }
0x61: {  	_ =	shalt  }
0x62: {  	_ =	shalt  }
0x63: {  	_ =	shalt  }
0x64: {  	_ =	shalt  }
0x65: {  	_ =	shalt  }
0x66: {  	_ =	shalt  }
0x67: {  	_ =	shalt  }
0x68: {  	_ =	shalt  }
0x69: {  	_ =	shalt  }
0x6a: {  	_ =	shalt  }
0x6b: {  	_ =	shalt  }
0x6c: {  	_ =	shalt  }
0x6d: {  	_ =	shalt  }
0x6e: {  	_ =	shalt  }
0x6f: {  	_ =	shalt  }
0x70: {  	_ =	shalt  }
0x71: {  	_ =	shalt  }
0x72: {  	_ =	shalt  }
0x73: {  	_ =	shalt  }
0x74: {  	_ =	shalt  }
0x75: {  	_ =	shalt  }
0x76: {  	_ =	shalt  }
0x77: {  	_ =	shalt  }
0x78: {  	_ =	shalt  }
0x79: {  	_ =	shalt  }
0x7a: {  	_ =	shalt  }
0x7b: {  	_ =	shalt  }
0x7c: {  	_ =	shalt  }
0x7d: {  	_ =	shalt  }
0x7e: {  	_ =	shalt  }
0x7f: {  	_ =	shalt  }
0x80: {  	_ =	shalt  }
0x81: {  	_ =	shalt  }
0x82: {  	_ =	shalt  }
0x83: {  	_ =	shalt  }
0x84: {  	_ =	shalt  }
0x85: {  	_ =	shalt  }
0x86: {  	_ =	shalt  }
0x87: {  	_ =	shalt  }
.Lfunc_end0:
.L_simem_size_0:
called_computation.4_lowered:
.L_overlay_start_0:
0x88: {  	s2 =	sld [smem:$0x3FD9]  }
0x89: {  	s3 =	sld [smem:$0x3FFE];
	_ =	sdelay $0x1  }
0x8a: {  	s1 =	srdreg.scid  }
0x8b: {  	s0 =	sand.u32 $0x1, s1  }
0x8c: {  	s17 =	sshll.u32 s0, $0xA;
	s2 =	sadd.s32 s3, s2  }
0x8d: {  	s2 =	sadd.s32 s2, s17  }
0x8e: {  	[smem:$0x3FC4] =	sst s2  }
0x8f: {  	_ = 	snop  }
0x90: {  	s2 =	sld [smem:$0x3FD0];
	(tm) =	ssettm $0x1  }
0x91: {  	s18 =	sld [smem:$0x3FFB];
	_ =	sdelay $0x3  }
0x92: {  	_ =	strace s18  }
0x93: {  	s3 =	sld [smem:$0x3FFC];
	_ =	sdelay $0x3  }
0x94: {  	_ =	strace s3  }
0x95: {  	s3 =	sld [smem:$0x3FFD];
	_ =	sdelay $0x3  }
0x96: {  	_ =	strace s3  }
0x97: {  	_ =	strace $0x8FFFFFFF  }
0x98: {  	s19 =	sld [smem:$0x3FDB];
	_ =	sdelay $0x1  }
0x99: {  	s4 =	simm.s32 $_scs_section_size  }
0x9a: {  	s5 =	simm.s32 $_size__tile_overlayer_lowered;
	s6 =	simm.s32 $_tile_overlayer_lowered  }
0x9b: {  	s22 =	simm.s32 $0x1BFF;
	s21 =	sshll.u32 s6, $0x1;
	s3 =	sadd.s32 s4, s19  }
0x9c: {  	s7 =	simm.s32 $0x0;
	s20 =	sshll.u32 s5, $0x1;
	s5 =	sadd.s32 s21, s3  }
0x9d: {  	[timem:s7], [sflag:s22] =	dma.local [hbm:s5], s20  }
0x9e: {  	_ =	swait.ge [sflag:s22], s20  }
0x9f: {  	s4 =	ssub.s32 $0x0, s20;
	[sflag:s22] =	ssyncset.done $0x0  }
0xa0: {  	[sflag:s22] =	ssyncadd.s32 s4;
	_ =	sdelay $0x1  }
0xa1: {  	s23 =	simm.s32 $0x1B8B  }
0xa2: {  	_ =	swait.ge [sflag:s23], $0x1  }
0xa3: {  	[sflag:s23] =	ssyncset.done $0x0  }
0xa4: {  	s25 =	simm.s32 $0x1B8E;
	s24 =	sld [smem:$0x3FFE];
	[sflag:s23] =	ssyncadd.s32 $0xFFFFFFFF  }
0xa5: {  	s26 =	simm.s32 $execute0_lowered;
	[smem:$0x3FD2] =	sst s25  }
0xa6: {  	s5 =	sshll.u32 s26, $0x1;
	_ =	strace $0x80000052;
	[dreg:$0x1] =	wrdreg $0xFFFFFFFF  }
0xa7: {  	s28 =	simm.s32 $_size_execute0_lowered;
	s3 =	sadd.s32 s3, s5;
	[dreg:$0x0] =	wrdreg $0x0  }
0xa8: {  	s5 =	sshll.u32 s28, $0x1;
	[dreg:$0x2] =	wrdreg s3  }
0xa9: {  	[dreg:$0x3] =	wrdreg s5  }
0xaa: {  	[dreg:$0x4] =	wrdreg $0xC0  }
0xab: {  	_ =	task [dreg:s7], $0x5FFFF  }
0xac: {  	[dreg:$0x1] =	wrdreg $0xFFFFFFFF  }
0xad: {  	[dreg:$0x0] =	wrdreg $0x60  }
0xae: {  	[dreg:$0x2] =	wrdreg s2  }
0xaf: {  	[dreg:$0x3] =	wrdreg s24  }
0xb0: {  	[dreg:$0x4] =	wrdreg $0x81000  }
0xb1: {  	[dreg:$0x5] =	wrdreg $0x9  }
0xb2: {  	_ =	task.clear_ibuf [dreg:s7], $0x6FFFF;
	_ =	strace $0x90000052  }
0xb3: {  	s29 =	simm.s32 $0x9;
	_ =	strace $0x80000054  }
0xb4: {  	_ =	swait.ge [sflag:s29], $0x1  }
0xb5: {  	[sflag:s29] =	ssyncadd.s32 $0xFFFFFFFF  }
0xb6: {  	_ =	strace $0x90000054  }
0xb7: {  	_ =	sfence  }
0xb8: {  	s30 =	sld [smem:$0x0];
	_ =	sdelay $0x2  }
0xb9: {  	s31 =	sshll.u32 s1, $0xD;
	s1 =	sshrl.u32 s1, $0x2  }
0xba: {  	s3 =	sand.u32 $0x4000, s31;
	s1 =	sadd.s32 s1, s30  }
0xbb: {  	s0 =	sor.u32 s3, s0;
	s1 =	sshll.u32 s1, $0x11  }
0xbc: {  	s0 =	sor.u32 s1, s0  }
0xbd: {  	s0 =	sadd.s32 $0x8F2B, s0  }
0xbe: {  	[sflag:s0] =	ssyncadd.remote.s32 $0x1  }
0xbf: {  	_ =	sfence.sel $0xFFFF  }
0xc0: {  	[dreg:$0x0] =	wrdreg $0xFFFFFFFF;
	(pc) =	sbr.abs _section_cstart, $3  }
0xc1: {  	[dreg:$0x1] =	wrdreg $0xFFFFFFFF  }
0xc2: {  	_ =	task.clear_ibuf [dreg:s7], $0x2FFFF;
	_ =	strace $0x9FFFFFFF  }
0xc3: {  	(tm) =	ssettm $0x7FFFFFFF  }
tec
execute0_lowered:
.L_overlay_start_1:
0x0: {  	(tag) =	ssettag $0x1  }
0x1: {  	s1 =	rddreg [dreg:$0x0]  }
0x2: {  	s0 =	srdreg.scid;
	s2 =	rddreg [dreg:$0x1]  }
0x3: {  	s21 =	stileid.u32;
	s3 =	rddreg [dreg:$0x2];
	s4 =	simm.s32 $0x0  }
0x4: {  	s28 =	simm.s32 $0x1;
	s29 =	simm.s32 $0x100;
	s6 =	smul.u32 $0x2780, s21  }
0x5: {  	s30 =	simm.s32 $0x0;
	s7 =	sand.u32 $0x1, s0;
	s8 =	smul.u32 $0x50000, s21  }
0x6: {  	[smem:$0x7FF] =	sst s4;
	s24 =	sadd.s32 $0x25000, s2;
	s18 =	smul.u32 $0x14000, s21  }
0x7: {  	s5 =	smul.u32 $0x27800, s7;
	_ =	strace $0x80000053;
	s22 =	ssub.s32 $0x2, s7  }
0x8: {  	[dreg:$0x4] =	wrdreg s24;
	s19 =	smul.u32 $0x140000, s7;
	s24 =	simm.s32 $0x4100  }
0x9: {  	s9 =	sshrl.u32 s22, $0x1;
	s25 =	sshrl.u32 s8, $0x2;
	s0 =	sadd.s32 s18, s3  }
0xa: {  	s14 =	sadd.s32 $0x4000, s18;
	s16 =	sadd.s32 $0x8000, s18;
	s20 =	sadd.s32 $0xC000, s18  }
0xb: {  	s5 =	sadd.s32 s6, s5;
	s9 =	ssub.s32 s22, s9;
	s6 =	sadd.s32 s25, s3  }
0xc: {  	[dreg:$0x5] =	wrdreg s0;
	s13 =	sadd.s32 s19, s18;
	s15 =	sadd.s32 s19, s14  }
0xd: {  	s14 =	sadd.s32 s14, s3;
	s17 =	sadd.s32 s19, s16;
	s16 =	sadd.s32 s16, s3  }
0xe: {  	s21 =	sadd.s32 s19, s20;
	s22 =	sadd.s32 $0x10000, s18;
	s18 =	sadd.s32 s20, s3  }
0xf: {  	s25 =	simm.s32 $0x2;
	s5 =	sshrl.u32 s5, $0x3;
	s8 =	smax.u32 s9, $0x1  }
0x10: {  	s9 =	sadd.s32 $0x4000, s6;
	s10 =	sadd.s32 $0x8000, s6;
	s11 =	sadd.s32 $0xC000, s6  }
0x11: {  	s12 =	sadd.s32 $0x10000, s6;
	s13 =	sshrl.u32 s13, $0x3;
	s15 =	sshrl.u32 s15, $0x3  }
0x12: {  	s17 =	sshrl.u32 s17, $0x3;
	s26 =	sshrl.u32 s21, $0x3;
	s31 =	sadd.s32 s19, s22  }
0x13: {  	s20 =	sadd.s32 s22, s3;
	s23 =	sadd.s32 s5, s2;
	s2 =	sadd.s32 $0x25800, s2  }
0x14: {  	s21 =	sshrl.u32 s31, $0x3;
	s13 =	sadd.s32 s2, s13;
	s15 =	sadd.s32 s2, s15  }
0x15: {  	s17 =	sadd.s32 s2, s17;
	s19 =	sadd.s32 s2, s26;
	s21 =	sadd.s32 s2, s21  }
0x16: {  	s22 =	sadd.s32 $0x7400, s23;
	s23 =	sadd.s32 $0x1B200, s23;
	s26 =	simm.s32 $0x80  }
.LBB2_1:
0x17: {  	s0 =	rddreg [dreg:$0x4]  }
0x18: {  	[tilespmem:s24], [sflag:$0x2] =	stream.linear.gather [hbm4b:s0+s4], $0x4000, $0x38;
	[tilespmem:$0x1C100] =	vst v63  }
0x19: {  	_ =	swait.ge [sflag:s25], $0x4000  }
0x1a: {  	[sflag:s25] =	ssyncset.done $0x0  }
0x1b: {  	[sflag:s25] =	ssyncadd.s32 $0xFFFFC000  }
0x1c: {  	[spmem:s6] =	stream.linear.scatter [tilespmem:s24], [sflag:$0x2], $0x4000, $0x38;
	[tilespmem:$0x1C100] =	vst v63  }
0x1d: {  	_ =	swait.ge [sflag:s25], $0x4000  }
0x1e: {  	[sflag:s25] =	ssyncset.done $0x0  }
0x1f: {  	[sflag:s25] =	ssyncadd.s32 $0xFFFFC000  }
0x20: {  	[spmem:s9] =	stream.linear.scatter [tilespmem:s24], [sflag:$0x2], $0x4000, $0x38;
	[tilespmem:$0x1C100] =	vst v63  }
0x21: {  	_ =	swait.ge [sflag:s25], $0x4000  }
0x22: {  	[sflag:s25] =	ssyncset.done $0x0  }
0x23: {  	[sflag:s25] =	ssyncadd.s32 $0xFFFFC000  }
0x24: {  	[spmem:s10] =	stream.linear.scatter [tilespmem:s24], [sflag:$0x2], $0x4000, $0x38;
	[tilespmem:$0x1C100] =	vst v63  }
0x25: {  	_ =	swait.ge [sflag:s25], $0x4000  }
0x26: {  	[sflag:s25] =	ssyncset.done $0x0  }
0x27: {  	[sflag:s25] =	ssyncadd.s32 $0xFFFFC000  }
0x28: {  	[spmem:s11] =	stream.linear.scatter [tilespmem:s24], [sflag:$0x2], $0x4000, $0x38;
	[tilespmem:$0x1C100] =	vst v63  }
0x29: {  	_ =	swait.ge [sflag:s25], $0x4000  }
0x2a: {  	[sflag:s25] =	ssyncset.done $0x0  }
0x2b: {  	[sflag:s25] =	ssyncadd.s32 $0xFFFFC000  }
0x2c: {  	[spmem:s12] =	stream.linear.scatter [tilespmem:s24], [sflag:$0x2], $0x4000, $0x38;
	[tilespmem:$0x1C100] =	vst v63  }
0x2d: {  	_ =	swait.ge [sflag:s25], $0x4000  }
0x2e: {  	[sflag:s25] =	ssyncset.done $0x0  }
0x2f: {  	[sflag:s25] =	ssyncadd.s32 $0xFFFFC000  }
0x30: {  	s2 =	sadd.s32 $0x0, s23;
	[bflag:$0x0] =	sbarrier.arrive $0xFFFF  }
0x31: {  	[tilespmem:s4], [sflag:$0x1] =	stream.linear.gather [hbm4b:s2+s4], $0x80, $0x38;
	[tilespmem:$0x1C100] =	vst v63  }
0x32: {  	s7 =	sadd.s32 $0x0, s22  }
0x33: {  	[tilespmem:s26], [sflag:$0x1] =	stream.linear.gather [hbm4b:s7+s4], $0x80, $0x38;
	[tilespmem:$0x1C100] =	vst v63  }
0x34: {  	_ =	swait.ge [sflag:s28], $0x80  }
0x35: {  	[sflag:s28] =	ssyncset.done $0x0  }
0x36: {  	[sflag:s28] =	ssyncadd.s32 $0xFFFFFF80  }
0x37: {  	_ =	swait.ge [sflag:s28], $0x80  }
0x38: {  	[sflag:s28] =	ssyncset.done $0x0  }
0x39: {  	[sflag:s28] =	ssyncadd.s32 $0xFFFFFF80  }
0x3a: {  	[tilespmem:s29], [sflag:$0x1] =	stream.indirect.gather [hbm4b:s1+s26], $0x80, s4, s26, $0xb8;
	[tilespmem:$0x1C100] =	vst v63  }
0x3b: {  	_ =	swait.ge [sflag:s28], $0x4000  }
0x3c: {  	[sflag:s28] =	ssyncset.done $0x0  }
0x3d: {  	[sflag:s28] =	ssyncadd.s32 $0xFFFFC000  }
0x3e: {  	[spmem:s3] =	stream.indirect.scatter.add.f32 [tilespmem:s29], [sflag:$0x2], $0x80, s26, s26, $0xb8;
	[tilespmem:$0x1C100] =	vst v63  }
0x3f: {  	_ =	swait.ge [sflag:s25], $0x4000  }
0x40: {  	s31 =	simm.s32 $0x10;
	s2 =	simm.s32 $0x20;
	[sflag:s25] =	ssyncset.done $0x0  }
.LBB2_2:
0x41: {  	s0 =	sadd.s32 s31, s23  }
0x42: {  	[sflag:s25] =	ssyncadd.s32 $0xFFFFC000;
	s5 =	smov.u32 s2;
	s7 =	sadd.s32 $0x10, s2  }
0x43: {  	[tilespmem:s4], [sflag:$0x1] =	stream.linear.gather [hbm4b:s0+s4], $0x80, $0x38;
	[tilespmem:$0x1C100] =	vst v63  }
0x44: {  	p0 =	sne.s32 s2, $0x4E0;
	s0 =	sadd.s32 s31, s22;
	s31 =	smov.u32 s5  }
0x45: {  	[tilespmem:s26], [sflag:$0x1] =	stream.linear.gather [hbm4b:s0+s4], $0x80, $0x38;
	[tilespmem:$0x1C100] =	vst v63  }
0x46: {  	_ =	swait.ge [sflag:s28], $0x80  }
0x47: {  	[sflag:s28] =	ssyncset.done $0x0  }
0x48: {  	[sflag:s28] =	ssyncadd.s32 $0xFFFFFF80  }
0x49: {  	_ =	swait.ge [sflag:s28], $0x80  }
0x4a: {  	[sflag:s28] =	ssyncset.done $0x0  }
0x4b: {  	[sflag:s28] =	ssyncadd.s32 $0xFFFFFF80  }
0x4c: {  	[tilespmem:s29], [sflag:$0x1] =	stream.indirect.gather [hbm4b:s1+s26], $0x80, s4, s26, $0xb8;
	[tilespmem:$0x1C100] =	vst v63  }
0x4d: {  	_ =	swait.ge [sflag:s28], $0x4000  }
.Ltmp0:
0x4e: {  	[sflag:s28] =	ssyncset.done $0x0;
	(pc) =	sbr.rel @p0 .LBB2_2-.Ltmp0, $4  }
0x4f: {  	[sflag:s28] =	ssyncadd.s32 $0xFFFFC000  }
0x50: {  	[spmem:s3] =	stream.indirect.scatter.add.f32 [tilespmem:s29], [sflag:$0x2], $0x80, s26, s26, $0xb8;
	[tilespmem:$0x1C100] =	vst v63  }
0x51: {  	_ =	swait.ge [sflag:s25], $0x4000  }
0x52: {  	s2 =	smov.u32 s7;
	[sflag:s25] =	ssyncset.done $0x0  }
0x53: {  	s0 =	sadd.s32 s31, s23;
	[sflag:s25] =	ssyncadd.s32 $0xFFFFC000  }
0x54: {  	[tilespmem:s4], [sflag:$0x1] =	stream.linear.gather [hbm4b:s0+s4], $0x80, $0x38;
	[tilespmem:$0x1C100] =	vst v63  }
0x55: {  	s7 =	sadd.s32 s31, s22  }
0x56: {  	[tilespmem:s26], [sflag:$0x1] =	stream.linear.gather [hbm4b:s7+s4], $0x80, $0x38;
	[tilespmem:$0x1C100] =	vst v63  }
0x57: {  	_ =	swait.ge [sflag:s28], $0x80  }
0x58: {  	[sflag:s28] =	ssyncset.done $0x0  }
0x59: {  	[sflag:s28] =	ssyncadd.s32 $0xFFFFFF80  }
0x5a: {  	_ =	swait.ge [sflag:s28], $0x80  }
0x5b: {  	[sflag:s28] =	ssyncset.done $0x0  }
0x5c: {  	[sflag:s28] =	ssyncadd.s32 $0xFFFFFF80  }
0x5d: {  	[tilespmem:s29], [sflag:$0x1] =	stream.indirect.gather [hbm4b:s1+s26], $0x80, s4, s26, $0xb8;
	[tilespmem:$0x1C100] =	vst v63  }
0x5e: {  	_ =	swait.ge [sflag:s28], $0x4000  }
0x5f: {  	[sflag:s28] =	ssyncset.done $0x0  }
0x60: {  	[sflag:s28] =	ssyncadd.s32 $0xFFFFC000  }
0x61: {  	[spmem:s3] =	stream.indirect.scatter.add.f32 [tilespmem:s29], [sflag:$0x2], $0x80, s26, s26, $0xb8;
	[tilespmem:$0x1C100] =	vst v63  }
0x62: {  	_ =	swait.ge [sflag:s25], $0x4000  }
0x63: {  	[sflag:s25] =	ssyncset.done $0x0  }
0x64: {  	[sflag:s25] =	ssyncadd.s32 $0xFFFFC000  }
0x65: {  	[bflag:$0x0] =	sbarrier.arrive $0xFFFF  }
0x66: {  	s31 =	rddreg [dreg:$0x5]  }
0x67: {  	[tilespmem:s24], [sflag:$0x2] =	stream.linear.gather [spmem:s31], $0x4000, $0x38;
	[tilespmem:$0x1C100] =	vst v63  }
0x68: {  	_ =	swait.ge [sflag:s25], $0x4000  }
0x69: {  	[sflag:s25] =	ssyncset.done $0x0  }
0x6a: {  	[sflag:s25] =	ssyncadd.s32 $0xFFFFC000  }
0x6b: {  	[hbm4b:s13+s4] =	stream.linear.scatter [tilespmem:s24], [sflag:$0x2], $0x4000, $0x38;
	[tilespmem:$0x1C100] =	vst v63  }
0x6c: {  	_ =	swait.ge [sflag:s25], $0x4000  }
0x6d: {  	[sflag:s25] =	ssyncset.done $0x0  }
0x6e: {  	[sflag:s25] =	ssyncadd.s32 $0xFFFFC000  }
0x6f: {  	[tilespmem:s24], [sflag:$0x2] =	stream.linear.gather [spmem:s14], $0x4000, $0x38;
	[tilespmem:$0x1C100] =	vst v63  }
0x70: {  	_ =	swait.ge [sflag:s25], $0x4000  }
0x71: {  	[sflag:s25] =	ssyncset.done $0x0  }
0x72: {  	[sflag:s25] =	ssyncadd.s32 $0xFFFFC000  }
0x73: {  	[hbm4b:s15+s4] =	stream.linear.scatter [tilespmem:s24], [sflag:$0x2], $0x4000, $0x38;
	[tilespmem:$0x1C100] =	vst v63  }
0x74: {  	_ =	swait.ge [sflag:s25], $0x4000  }
0x75: {  	[sflag:s25] =	ssyncset.done $0x0  }
0x76: {  	[sflag:s25] =	ssyncadd.s32 $0xFFFFC000  }
0x77: {  	[tilespmem:s24], [sflag:$0x2] =	stream.linear.gather [spmem:s16], $0x4000, $0x38;
	[tilespmem:$0x1C100] =	vst v63  }
0x78: {  	_ =	swait.ge [sflag:s25], $0x4000  }
0x79: {  	[sflag:s25] =	ssyncset.done $0x0  }
0x7a: {  	[sflag:s25] =	ssyncadd.s32 $0xFFFFC000  }
0x7b: {  	[hbm4b:s17+s4] =	stream.linear.scatter [tilespmem:s24], [sflag:$0x2], $0x4000, $0x38;
	[tilespmem:$0x1C100] =	vst v63  }
0x7c: {  	_ =	swait.ge [sflag:s25], $0x4000  }
0x7d: {  	[sflag:s25] =	ssyncset.done $0x0  }
0x7e: {  	[sflag:s25] =	ssyncadd.s32 $0xFFFFC000  }
0x7f: {  	[tilespmem:s24], [sflag:$0x2] =	stream.linear.gather [spmem:s18], $0x4000, $0x38;
	[tilespmem:$0x1C100] =	vst v63  }
0x80: {  	_ =	swait.ge [sflag:s25], $0x4000  }
0x81: {  	[sflag:s25] =	ssyncset.done $0x0  }
0x82: {  	[sflag:s25] =	ssyncadd.s32 $0xFFFFC000  }
0x83: {  	[hbm4b:s19+s4] =	stream.linear.scatter [tilespmem:s24], [sflag:$0x2], $0x4000, $0x38;
	[tilespmem:$0x1C100] =	vst v63  }
0x84: {  	_ =	swait.ge [sflag:s25], $0x4000  }
0x85: {  	[sflag:s25] =	ssyncset.done $0x0  }
0x86: {  	[sflag:s25] =	ssyncadd.s32 $0xFFFFC000  }
0x87: {  	[tilespmem:s24], [sflag:$0x2] =	stream.linear.gather [spmem:s20], $0x4000, $0x38;
	[tilespmem:$0x1C100] =	vst v63  }
0x88: {  	s30 =	sadd.s32 $0x1, s30;
	_ =	swait.ge [sflag:s25], $0x4000  }
0x89: {  	p0 =	sne.s32 s30, s8;
	[sflag:s25] =	ssyncset.done $0x0  }
.Ltmp1:
0x8a: {  	[sflag:s25] =	ssyncadd.s32 $0xFFFFC000;
	(pc) =	sbr.rel @p0 .LBB2_1-.Ltmp1, $4  }
0x8b: {  	[hbm4b:s21+s4] =	stream.linear.scatter [tilespmem:s24], [sflag:$0x2], $0x4000, $0x38;
	[tilespmem:$0x1C100] =	vst v63  }
0x8c: {  	_ =	swait.ge [sflag:s25], $0x4000  }
0x8d: {  	[sflag:s25] =	ssyncset.done $0x0  }
0x8e: {  	[sflag:s25] =	ssyncadd.s32 $0xFFFFC000  }
0x8f: {  	_ =	sfence.sel $0x180000  }
0x90: {  	[bflag:$0x0] =	sbarrier.arrive $0xFFFF  }
0x91: {  	_ =	strace $0x90000053  }
0x92: {  	s0 =	stileid.u32;
	[bflag:$0x2] =	sbarrier.arrive $0xFFFF  }
0x93: {  	p0 =	sne.s32 s0, $0x0;
	s0 =	rddreg [dreg:$0x3]  }
0x94: {  	s0 =	sadd.s32 @!p0 $0x100000, s0  }
0x95: {  	[sflag:s0] =	ssyncadd.tile.s32 @!p0 $0x1;
	_ =	shalt  }
.Lfunc_end2:
_tile_overlayer_lowered:
.L_overlay_start_2:
0x96: {  	(tag) =	ssettag $0x2  }
0x97: {  	s0 =	rddreg [dreg:$0x0];
	s2 =	stileid.u32  }
0x98: {  	s1 =	rddreg [dreg:$0x1];
	p0 =	sne.s32 s2, $0x0  }
0x99: {  	s3 =	rddreg [dreg:$0x2];
	[bflag:$0x3] =	sbarrier.arrive $0xFFFF;
	s2 =	simm.s32 @!p0 $0x1C02  }
0x9a: {  	[timem:s3], [sflag:s2] =	dma.local @!p0 [hbm:s0], s1  }
0x9b: {  	s0 =	simm.s32 @!p0 $0x2  }
0x9c: {  	_ =	swait.ge @!p0 [sflag:s0], s1  }
0x9d: {  	s1 =	ssub.s32 @!p0 $0x0, s1;
	[sflag:s0] =	ssyncset.done @!p0 $0x0  }
0x9e: {  	[sflag:s0] =	ssyncadd.s32 @!p0 s1  }
0x9f: {  	[bflag:$0x3] =	sbarrier.arrive $0xFFFF  }
0xa0: {  	_ =	shalt  }

// kernel: kernel.39.cloned.1.call-start
scs
__scs_entry_jumppad:
0x0: {  	(pc) =	sbr.rel $0x88, $3  }
0x1: {  	(tag) =	ssettag $0x0;
	lr =	simm.s32 $0x1  }
0x2: {  	[smem:$0x3F9D] =	sst lr;
	_ =	strace $0xD0000000  }
0x3: {  	_ = 	snop  }
0x4: {  	_ = 	snop  }
0x5: {  	_ = 	snop  }
0x6: {  	_ = 	snop  }
0x7: {  	_ = 	snop  }
__scs_overlays_trampoline_lowered:
0x8: {  	[smem:$0x3FAC] =	sst s0  }
0x9: {  	[smem:$0x3FAD] =	sst s1  }
0xa: {  	[smem:$0x3FAE] =	sst s2  }
0xb: {  	[smem:$0x3FAF] =	sst s3  }
0xc: {  	[smem:$0x3FB0] =	sst s4  }
0xd: {  	[smem:$0x3FB1] =	sst s5  }
0xe: {  	[smem:$0x3FB2] =	sst s6  }
0xf: {  	[smem:$0x3FB3] =	sst s7  }
0x10: {  	[smem:$0x3FB4] =	sst s8  }
0x11: {  	[smem:$0x3FB5] =	sst s9;
	s0 =	simm.s32 @!p0 $0x0  }
0x12: {  	s1 =	sld [smem:$0x3F9B];
	s0 =	simm.s32 @p0 $0x1  }
0x13: {  	[smem:$0x3FB6] =	sst s0;
	s0 =	simm.s32 @!p1 $0x0  }
0x14: {  	s2 =	sld [smem:$0x3F9A];
	s0 =	simm.s32 @p1 $0x1  }
0x15: {  	[smem:$0x3FB7] =	sst s0;
	s0 =	simm.s32 @!p2 $0x0  }
0x16: {  	s3 =	sld [smem:$0x3FDB];
	s0 =	simm.s32 @p2 $0x1  }
0x17: {  	s4 =	simm.s32 $0x1BF5;
	[smem:$0x3FB9] =	sst s0  }
0x18: {  	s0 =	sld [smem:$0x3F9C];
	_ =	swait.ge [sflag:s4], $0x0  }
0x19: {  	s7 =	sld [smem:$0x3F9D]  }
0x1a: {  	s8 =	sadd.s32 $0xFFFFE003, lr  }
0x1b: {  	s9 =	sadd.s32 $0xFFFFFEF7, lr;
	s5 =	simm.s32 $0xFFFFFFFF;
	p2 =	slt.u32 s8, $0xFFFFF086  }
0x1c: {  	p1 =	slt.u32 s9, $0xF7A;
	s5 =	simm.s32 @!p2 $0x0  }
0x1d: {  	s5 =	simm.s32 @p1 $0x1;
	p0 =	seq.s32 s7, s2  }
0x1e: {  	s7 =	smul.u32 @!p0 $0xF7A, s2;
	p2 =	seq.s32 @!p0 s5, $0x0  }
0x1f: {  	s9 =	smul.u32 $0xF7A, s1;
	s8 =	simm.s32 @!p0 $0x1BF5;
	p2 =	por !p2, p0  }
0x20: {  	[sflag:s8] =	ssyncset.s32 @!p0 $0xFFFFF086;
	s6 =	sadd.s32 @!p0 s3, s7;
	s7 =	simm.s32 @!p0 $0x108  }
0x21: {  	s3 =	sadd.s32 s3, s9;
	s6 =	sadd.s32 @!p0 $0x88, s6;
	s7 =	simm.s32 @p2 $0x1082  }
0x22: {  	[simem:s7], [sflag:s8] =	dma.local @!p0 [hbm:s6], $0xF7A  }
0x23: {  	s9 =	sor.u32 $0xD0000000, s2;
	s6 =	simm.s32 $0x108;
	_ =	swait.ge @!p0 [sflag:s8], $0x0  }
0x24: {  	s3 =	sadd.s32 $0x88, s3;
	s6 =	simm.s32 @!p1 $0x1082;
	[sflag:s4] =	ssyncset.s32 $0xFFFFF086  }
0x25: {  	[simem:s6], [sflag:s4] =	dma.local [hbm:s3], $0xF7A  }
0x26: {  	[smem:$0x3F9D] =	sst s1;
	(tag) =	ssettag s2;
	_ =	strace s9  }
0x27: {  	s1 =	sld [smem:$0x3FAD]  }
0x28: {  	s2 =	sld [smem:$0x3FAE]  }
0x29: {  	s4 =	sld [smem:$0x3FB0]  }
0x2a: {  	p0 =	seq.s32 s5, $0x0;
	s5 =	sld [smem:$0x3FB1]  }
0x2b: {  	s6 =	sld [smem:$0x3FB2]  }
0x2c: {  	s7 =	sld [smem:$0x3FB3]  }
0x2d: {  	s3 =	simm.s32 $0x108;
	s8 =	sld [smem:$0x3FB4]  }
0x2e: {  	s3 =	simm.s32 @!p0 $0x1082;
	s9 =	sld [smem:$0x3FB5]  }
0x2f: {  	lr =	sadd.s32 s0, s3;
	s0 =	sld [smem:$0x3FAC]  }
0x30: {  	s3 =	sld [smem:$0x3FAF]  }
0x31: {  	[smem:$0x3FB8] =	sst s10  }
0x32: {  	s10 =	sld [smem:$0x3FB6];
	_ =	sdelay $0x3  }
0x33: {  	p0 =	seq.s32 s10, $0x1;
	s10 =	sld [smem:$0x3FB8];
	_ =	sdelay $0x3  }
0x34: {  	[smem:$0x3FB8] =	sst s10  }
0x35: {  	s10 =	sld [smem:$0x3FB7];
	_ =	sdelay $0x3  }
0x36: {  	p1 =	seq.s32 s10, $0x1;
	s10 =	sld [smem:$0x3FB8];
	_ =	sdelay $0x3  }
0x37: {  	[smem:$0x3FB8] =	sst s10  }
0x38: {  	s10 =	sld [smem:$0x3FB9]  }
0x39: {  	_ = 	snop;
	(pc) =	sbr.ind lr, $3  }
0x3a: {  	_ = 	snop  }
0x3b: {  	_ = 	snop  }
0x3c: {  	p2 =	seq.s32 s10, $0x1;
	s10 =	sld [smem:$0x3FB8]  }
0x3d: {  	_ =	shalt  }
0x3e: {  	_ =	shalt  }
0x3f: {  	_ =	shalt  }
0x40: {  	_ =	shalt  }
0x41: {  	_ =	shalt  }
0x42: {  	_ =	shalt  }
0x43: {  	_ =	shalt  }
0x44: {  	_ =	shalt  }
0x45: {  	_ =	shalt  }
0x46: {  	_ =	shalt  }
0x47: {  	_ =	shalt  }
0x48: {  	_ =	shalt  }
0x49: {  	_ =	shalt  }
0x4a: {  	_ =	shalt  }
0x4b: {  	_ =	shalt  }
0x4c: {  	_ =	shalt  }
0x4d: {  	_ =	shalt  }
0x4e: {  	_ =	shalt  }
0x4f: {  	_ =	shalt  }
0x50: {  	_ =	shalt  }
0x51: {  	_ =	shalt  }
0x52: {  	_ =	shalt  }
0x53: {  	_ =	shalt  }
0x54: {  	_ =	shalt  }
0x55: {  	_ =	shalt  }
0x56: {  	_ =	shalt  }
0x57: {  	_ =	shalt  }
0x58: {  	_ =	shalt  }
0x59: {  	_ =	shalt  }
0x5a: {  	_ =	shalt  }
0x5b: {  	_ =	shalt  }
0x5c: {  	_ =	shalt  }
0x5d: {  	_ =	shalt  }
0x5e: {  	_ =	shalt  }
0x5f: {  	_ =	shalt  }
0x60: {  	_ =	shalt  }
0x61: {  	_ =	shalt  }
0x62: {  	_ =	shalt  }
0x63: {  	_ =	shalt  }
0x64: {  	_ =	shalt  }
0x65: {  	_ =	shalt  }
0x66: {  	_ =	shalt  }
0x67: {  	_ =	shalt  }
0x68: {  	_ =	shalt  }
0x69: {  	_ =	shalt  }
0x6a: {  	_ =	shalt  }
0x6b: {  	_ =	shalt  }
0x6c: {  	_ =	shalt  }
0x6d: {  	_ =	shalt  }
0x6e: {  	_ =	shalt  }
0x6f: {  	_ =	shalt  }
0x70: {  	_ =	shalt  }
0x71: {  	_ =	shalt  }
0x72: {  	_ =	shalt  }
0x73: {  	_ =	shalt  }
0x74: {  	_ =	shalt  }
0x75: {  	_ =	shalt  }
0x76: {  	_ =	shalt  }
0x77: {  	_ =	shalt  }
0x78: {  	_ =	shalt  }
0x79: {  	_ =	shalt  }
0x7a: {  	_ =	shalt  }
0x7b: {  	_ =	shalt  }
0x7c: {  	_ =	shalt  }
0x7d: {  	_ =	shalt  }
0x7e: {  	_ =	shalt  }
0x7f: {  	_ =	shalt  }
0x80: {  	_ =	shalt  }
0x81: {  	_ =	shalt  }
0x82: {  	_ =	shalt  }
0x83: {  	_ =	shalt  }
0x84: {  	_ =	shalt  }
0x85: {  	_ =	shalt  }
0x86: {  	_ =	shalt  }
0x87: {  	_ =	shalt  }
.Lfunc_end0:
.L_simem_size_0:
called_computation.5_lowered:
.L_overlay_start_0:
0x88: {  	s2 =	sld [smem:$0x3FD9]  }
0x89: {  	s3 =	sld [smem:$0x3FFE];
	_ =	sdelay $0x1  }
0x8a: {  	s1 =	srdreg.scid  }
0x8b: {  	s0 =	sand.u32 $0x1, s1  }
0x8c: {  	s17 =	sshll.u32 s0, $0xA;
	s2 =	sadd.s32 s3, s2  }
0x8d: {  	s2 =	sadd.s32 s2, s17  }
0x8e: {  	[smem:$0x3FC4] =	sst s2  }
0x8f: {  	_ = 	snop  }
0x90: {  	s2 =	sld [smem:$0x3FD0];
	(tm) =	ssettm $0x1  }
0x91: {  	s18 =	sld [smem:$0x3FFB];
	_ =	sdelay $0x3  }
0x92: {  	_ =	strace s18  }
0x93: {  	s3 =	sld [smem:$0x3FFC];
	_ =	sdelay $0x3  }
0x94: {  	_ =	strace s3  }
0x95: {  	s3 =	sld [smem:$0x3FFD];
	_ =	sdelay $0x3  }
0x96: {  	_ =	strace s3  }
0x97: {  	_ =	strace $0x8FFFFFFF  }
0x98: {  	s19 =	sld [smem:$0x3FDB];
	_ =	sdelay $0x1  }
0x99: {  	s4 =	simm.s32 $_scs_section_size  }
0x9a: {  	s5 =	simm.s32 $_size__tile_overlayer_lowered;
	s6 =	simm.s32 $_tile_overlayer_lowered  }
0x9b: {  	s22 =	simm.s32 $0x1BFF;
	s21 =	sshll.u32 s6, $0x1;
	s3 =	sadd.s32 s4, s19  }
0x9c: {  	s7 =	simm.s32 $0x0;
	s20 =	sshll.u32 s5, $0x1;
	s5 =	sadd.s32 s21, s3  }
0x9d: {  	[timem:s7], [sflag:s22] =	dma.local [hbm:s5], s20  }
0x9e: {  	_ =	swait.ge [sflag:s22], s20  }
0x9f: {  	s4 =	ssub.s32 $0x0, s20;
	[sflag:s22] =	ssyncset.done $0x0  }
0xa0: {  	[sflag:s22] =	ssyncadd.s32 s4;
	_ =	sdelay $0x1  }
0xa1: {  	s23 =	simm.s32 $0x1B8B  }
0xa2: {  	_ =	swait.ge [sflag:s23], $0x1  }
0xa3: {  	[sflag:s23] =	ssyncset.done $0x0  }
0xa4: {  	s25 =	simm.s32 $0x1B8E;
	s24 =	sld [smem:$0x3FFE];
	[sflag:s23] =	ssyncadd.s32 $0xFFFFFFFF  }
0xa5: {  	s26 =	simm.s32 $execute0_lowered;
	[smem:$0x3FD2] =	sst s25  }
0xa6: {  	s5 =	sshll.u32 s26, $0x1;
	_ =	strace $0x80000055;
	[dreg:$0x1] =	wrdreg $0xFFFFFFFF  }
0xa7: {  	s28 =	simm.s32 $_size_execute0_lowered;
	s3 =	sadd.s32 s3, s5;
	[dreg:$0x0] =	wrdreg $0x0  }
0xa8: {  	s5 =	sshll.u32 s28, $0x1;
	[dreg:$0x2] =	wrdreg s3  }
0xa9: {  	[dreg:$0x3] =	wrdreg s5  }
0xaa: {  	[dreg:$0x4] =	wrdreg $0xC0  }
0xab: {  	_ =	task [dreg:s7], $0x5FFFF  }
0xac: {  	[dreg:$0x1] =	wrdreg $0xFFFFFFFF  }
0xad: {  	[dreg:$0x0] =	wrdreg $0x60  }
0xae: {  	[dreg:$0x2] =	wrdreg s2  }
0xaf: {  	[dreg:$0x3] =	wrdreg s24  }
0xb0: {  	[dreg:$0x4] =	wrdreg $0x81000  }
0xb1: {  	[dreg:$0x5] =	wrdreg $0x9  }
0xb2: {  	_ =	task.clear_ibuf [dreg:s7], $0x6FFFF;
	_ =	strace $0x90000055  }
0xb3: {  	s29 =	simm.s32 $0x9;
	_ =	strace $0x80000057  }
0xb4: {  	_ =	swait.ge [sflag:s29], $0x1  }
0xb5: {  	[sflag:s29] =	ssyncadd.s32 $0xFFFFFFFF  }
0xb6: {  	_ =	strace $0x90000057  }
0xb7: {  	_ =	sfence  }
0xb8: {  	s30 =	sld [smem:$0x0];
	_ =	sdelay $0x2  }
0xb9: {  	s31 =	sshll.u32 s1, $0xD;
	s1 =	sshrl.u32 s1, $0x2  }
0xba: {  	s3 =	sand.u32 $0x4000, s31;
	s1 =	sadd.s32 s1, s30  }
0xbb: {  	s0 =	sor.u32 s3, s0;
	s1 =	sshll.u32 s1, $0x11  }
0xbc: {  	s0 =	sor.u32 s1, s0  }
0xbd: {  	s0 =	sadd.s32 $0x8F2B, s0  }
0xbe: {  	[sflag:s0] =	ssyncadd.remote.s32 $0x1  }
0xbf: {  	_ =	sfence.sel $0xFFFF  }
0xc0: {  	[dreg:$0x0] =	wrdreg $0xFFFFFFFF;
	(pc) =	sbr.abs _section_cstart, $3  }
0xc1: {  	[dreg:$0x1] =	wrdreg $0xFFFFFFFF  }
0xc2: {  	_ =	task.clear_ibuf [dreg:s7], $0x2FFFF;
	_ =	strace $0x9FFFFFFF  }
0xc3: {  	(tm) =	ssettm $0x7FFFFFFF  }
tec
execute0_lowered:
.L_overlay_start_1:
0x0: {  	(tag) =	ssettag $0x1  }
0x1: {  	s1 =	rddreg [dreg:$0x0]  }
0x2: {  	s0 =	srdreg.scid;
	s2 =	rddreg [dreg:$0x1]  }
0x3: {  	s21 =	stileid.u32;
	s3 =	rddreg [dreg:$0x2];
	s4 =	simm.s32 $0x0  }
0x4: {  	s28 =	simm.s32 $0x1;
	s29 =	simm.s32 $0x100;
	s6 =	smul.u32 $0x2780, s21  }
0x5: {  	s30 =	simm.s32 $0x0;
	s7 =	sand.u32 $0x1, s0;
	s8 =	smul.u32 $0x50000, s21  }
0x6: {  	[smem:$0x7FF] =	sst s4;
	s24 =	sadd.s32 $0x25000, s2;
	s18 =	smul.u32 $0x14000, s21  }
0x7: {  	s5 =	smul.u32 $0x27800, s7;
	_ =	strace $0x80000056;
	s22 =	ssub.s32 $0x2, s7  }
0x8: {  	[dreg:$0x4] =	wrdreg s24;
	s19 =	smul.u32 $0x140000, s7;
	s24 =	simm.s32 $0x4100  }
0x9: {  	s9 =	sshrl.u32 s22, $0x1;
	s25 =	sshrl.u32 s8, $0x2;
	s0 =	sadd.s32 s18, s3  }
0xa: {  	s14 =	sadd.s32 $0x4000, s18;
	s16 =	sadd.s32 $0x8000, s18;
	s20 =	sadd.s32 $0xC000, s18  }
0xb: {  	s5 =	sadd.s32 s6, s5;
	s9 =	ssub.s32 s22, s9;
	s6 =	sadd.s32 s25, s3  }
0xc: {  	[dreg:$0x5] =	wrdreg s0;
	s13 =	sadd.s32 s19, s18;
	s15 =	sadd.s32 s19, s14  }
0xd: {  	s14 =	sadd.s32 s14, s3;
	s17 =	sadd.s32 s19, s16;
	s16 =	sadd.s32 s16, s3  }
0xe: {  	s21 =	sadd.s32 s19, s20;
	s22 =	sadd.s32 $0x10000, s18;
	s18 =	sadd.s32 s20, s3  }
0xf: {  	s25 =	simm.s32 $0x2;
	s5 =	sshrl.u32 s5, $0x3;
	s8 =	smax.u32 s9, $0x1  }
0x10: {  	s9 =	sadd.s32 $0x4000, s6;
	s10 =	sadd.s32 $0x8000, s6;
	s11 =	sadd.s32 $0xC000, s6  }
0x11: {  	s12 =	sadd.s32 $0x10000, s6;
	s13 =	sshrl.u32 s13, $0x3;
	s15 =	sshrl.u32 s15, $0x3  }
0x12: {  	s17 =	sshrl.u32 s17, $0x3;
	s26 =	sshrl.u32 s21, $0x3;
	s31 =	sadd.s32 s19, s22  }
0x13: {  	s20 =	sadd.s32 s22, s3;
	s23 =	sadd.s32 s5, s2;
	s2 =	sadd.s32 $0x25800, s2  }
0x14: {  	s21 =	sshrl.u32 s31, $0x3;
	s13 =	sadd.s32 s2, s13;
	s15 =	sadd.s32 s2, s15  }
0x15: {  	s17 =	sadd.s32 s2, s17;
	s19 =	sadd.s32 s2, s26;
	s21 =	sadd.s32 s2, s21  }
0x16: {  	s22 =	sadd.s32 $0x7400, s23;
	s23 =	sadd.s32 $0x1B200, s23;
	s26 =	simm.s32 $0x80  }
.LBB2_1:
0x17: {  	s0 =	rddreg [dreg:$0x4]  }
0x18: {  	[tilespmem:s24], [sflag:$0x2] =	stream.linear.gather [hbm4b:s0+s4], $0x4000, $0x38;
	[tilespmem:$0x1C100] =	vst v63  }
0x19: {  	_ =	swait.ge [sflag:s25], $0x4000  }
0x1a: {  	[sflag:s25] =	ssyncset.done $0x0  }
0x1b: {  	[sflag:s25] =	ssyncadd.s32 $0xFFFFC000  }
0x1c: {  	[spmem:s6] =	stream.linear.scatter [tilespmem:s24], [sflag:$0x2], $0x4000, $0x38;
	[tilespmem:$0x1C100] =	vst v63  }
0x1d: {  	_ =	swait.ge [sflag:s25], $0x4000  }
0x1e: {  	[sflag:s25] =	ssyncset.done $0x0  }
0x1f: {  	[sflag:s25] =	ssyncadd.s32 $0xFFFFC000  }
0x20: {  	[spmem:s9] =	stream.linear.scatter [tilespmem:s24], [sflag:$0x2], $0x4000, $0x38;
	[tilespmem:$0x1C100] =	vst v63  }
0x21: {  	_ =	swait.ge [sflag:s25], $0x4000  }
0x22: {  	[sflag:s25] =	ssyncset.done $0x0  }
0x23: {  	[sflag:s25] =	ssyncadd.s32 $0xFFFFC000  }
0x24: {  	[spmem:s10] =	stream.linear.scatter [tilespmem:s24], [sflag:$0x2], $0x4000, $0x38;
	[tilespmem:$0x1C100] =	vst v63  }
0x25: {  	_ =	swait.ge [sflag:s25], $0x4000  }
0x26: {  	[sflag:s25] =	ssyncset.done $0x0  }
0x27: {  	[sflag:s25] =	ssyncadd.s32 $0xFFFFC000  }
0x28: {  	[spmem:s11] =	stream.linear.scatter [tilespmem:s24], [sflag:$0x2], $0x4000, $0x38;
	[tilespmem:$0x1C100] =	vst v63  }
0x29: {  	_ =	swait.ge [sflag:s25], $0x4000  }
0x2a: {  	[sflag:s25] =	ssyncset.done $0x0  }
0x2b: {  	[sflag:s25] =	ssyncadd.s32 $0xFFFFC000  }
0x2c: {  	[spmem:s12] =	stream.linear.scatter [tilespmem:s24], [sflag:$0x2], $0x4000, $0x38;
	[tilespmem:$0x1C100] =	vst v63  }
0x2d: {  	_ =	swait.ge [sflag:s25], $0x4000  }
0x2e: {  	[sflag:s25] =	ssyncset.done $0x0  }
0x2f: {  	[sflag:s25] =	ssyncadd.s32 $0xFFFFC000  }
0x30: {  	s2 =	sadd.s32 $0x0, s23;
	[bflag:$0x0] =	sbarrier.arrive $0xFFFF  }
0x31: {  	[tilespmem:s4], [sflag:$0x1] =	stream.linear.gather [hbm4b:s2+s4], $0x80, $0x38;
	[tilespmem:$0x1C100] =	vst v63  }
0x32: {  	s7 =	sadd.s32 $0x0, s22  }
0x33: {  	[tilespmem:s26], [sflag:$0x1] =	stream.linear.gather [hbm4b:s7+s4], $0x80, $0x38;
	[tilespmem:$0x1C100] =	vst v63  }
0x34: {  	_ =	swait.ge [sflag:s28], $0x80  }
0x35: {  	[sflag:s28] =	ssyncset.done $0x0  }
0x36: {  	[sflag:s28] =	ssyncadd.s32 $0xFFFFFF80  }
0x37: {  	_ =	swait.ge [sflag:s28], $0x80  }
0x38: {  	[sflag:s28] =	ssyncset.done $0x0  }
0x39: {  	[sflag:s28] =	ssyncadd.s32 $0xFFFFFF80  }
0x3a: {  	[tilespmem:s29], [sflag:$0x1] =	stream.indirect.gather [hbm4b:s1+s26], $0x80, s4, s26, $0xb8;
	[tilespmem:$0x1C100] =	vst v63  }
0x3b: {  	_ =	swait.ge [sflag:s28], $0x4000  }
0x3c: {  	[sflag:s28] =	ssyncset.done $0x0  }
0x3d: {  	[sflag:s28] =	ssyncadd.s32 $0xFFFFC000  }
0x3e: {  	[spmem:s3] =	stream.indirect.scatter.add.f32 [tilespmem:s29], [sflag:$0x2], $0x80, s26, s26, $0xb8;
	[tilespmem:$0x1C100] =	vst v63  }
0x3f: {  	_ =	swait.ge [sflag:s25], $0x4000  }
0x40: {  	s31 =	simm.s32 $0x10;
	s2 =	simm.s32 $0x20;
	[sflag:s25] =	ssyncset.done $0x0  }
.LBB2_2:
0x41: {  	s0 =	sadd.s32 s31, s23  }
0x42: {  	[sflag:s25] =	ssyncadd.s32 $0xFFFFC000;
	s5 =	smov.u32 s2;
	s7 =	sadd.s32 $0x10, s2  }
0x43: {  	[tilespmem:s4], [sflag:$0x1] =	stream.linear.gather [hbm4b:s0+s4], $0x80, $0x38;
	[tilespmem:$0x1C100] =	vst v63  }
0x44: {  	p0 =	sne.s32 s2, $0x4E0;
	s0 =	sadd.s32 s31, s22;
	s31 =	smov.u32 s5  }
0x45: {  	[tilespmem:s26], [sflag:$0x1] =	stream.linear.gather [hbm4b:s0+s4], $0x80, $0x38;
	[tilespmem:$0x1C100] =	vst v63  }
0x46: {  	_ =	swait.ge [sflag:s28], $0x80  }
0x47: {  	[sflag:s28] =	ssyncset.done $0x0  }
0x48: {  	[sflag:s28] =	ssyncadd.s32 $0xFFFFFF80  }
0x49: {  	_ =	swait.ge [sflag:s28], $0x80  }
0x4a: {  	[sflag:s28] =	ssyncset.done $0x0  }
0x4b: {  	[sflag:s28] =	ssyncadd.s32 $0xFFFFFF80  }
0x4c: {  	[tilespmem:s29], [sflag:$0x1] =	stream.indirect.gather [hbm4b:s1+s26], $0x80, s4, s26, $0xb8;
	[tilespmem:$0x1C100] =	vst v63  }
0x4d: {  	_ =	swait.ge [sflag:s28], $0x4000  }
.Ltmp0:
0x4e: {  	[sflag:s28] =	ssyncset.done $0x0;
	(pc) =	sbr.rel @p0 .LBB2_2-.Ltmp0, $4  }
0x4f: {  	[sflag:s28] =	ssyncadd.s32 $0xFFFFC000  }
0x50: {  	[spmem:s3] =	stream.indirect.scatter.add.f32 [tilespmem:s29], [sflag:$0x2], $0x80, s26, s26, $0xb8;
	[tilespmem:$0x1C100] =	vst v63  }
0x51: {  	_ =	swait.ge [sflag:s25], $0x4000  }
0x52: {  	s2 =	smov.u32 s7;
	[sflag:s25] =	ssyncset.done $0x0  }
0x53: {  	s0 =	sadd.s32 s31, s23;
	[sflag:s25] =	ssyncadd.s32 $0xFFFFC000  }
0x54: {  	[tilespmem:s4], [sflag:$0x1] =	stream.linear.gather [hbm4b:s0+s4], $0x80, $0x38;
	[tilespmem:$0x1C100] =	vst v63  }
0x55: {  	s7 =	sadd.s32 s31, s22  }
0x56: {  	[tilespmem:s26], [sflag:$0x1] =	stream.linear.gather [hbm4b:s7+s4], $0x80, $0x38;
	[tilespmem:$0x1C100] =	vst v63  }
0x57: {  	_ =	swait.ge [sflag:s28], $0x80  }
0x58: {  	[sflag:s28] =	ssyncset.done $0x0  }
0x59: {  	[sflag:s28] =	ssyncadd.s32 $0xFFFFFF80  }
0x5a: {  	_ =	swait.ge [sflag:s28], $0x80  }
0x5b: {  	[sflag:s28] =	ssyncset.done $0x0  }
0x5c: {  	[sflag:s28] =	ssyncadd.s32 $0xFFFFFF80  }
0x5d: {  	[tilespmem:s29], [sflag:$0x1] =	stream.indirect.gather [hbm4b:s1+s26], $0x80, s4, s26, $0xb8;
	[tilespmem:$0x1C100] =	vst v63  }
0x5e: {  	_ =	swait.ge [sflag:s28], $0x4000  }
0x5f: {  	[sflag:s28] =	ssyncset.done $0x0  }
0x60: {  	[sflag:s28] =	ssyncadd.s32 $0xFFFFC000  }
0x61: {  	[spmem:s3] =	stream.indirect.scatter.add.f32 [tilespmem:s29], [sflag:$0x2], $0x80, s26, s26, $0xb8;
	[tilespmem:$0x1C100] =	vst v63  }
0x62: {  	_ =	swait.ge [sflag:s25], $0x4000  }
0x63: {  	[sflag:s25] =	ssyncset.done $0x0  }
0x64: {  	[sflag:s25] =	ssyncadd.s32 $0xFFFFC000  }
0x65: {  	[bflag:$0x0] =	sbarrier.arrive $0xFFFF  }
0x66: {  	s31 =	rddreg [dreg:$0x5]  }
0x67: {  	[tilespmem:s24], [sflag:$0x2] =	stream.linear.gather [spmem:s31], $0x4000, $0x38;
	[tilespmem:$0x1C100] =	vst v63  }
0x68: {  	_ =	swait.ge [sflag:s25], $0x4000  }
0x69: {  	[sflag:s25] =	ssyncset.done $0x0  }
0x6a: {  	[sflag:s25] =	ssyncadd.s32 $0xFFFFC000  }
0x6b: {  	[hbm4b:s13+s4] =	stream.linear.scatter [tilespmem:s24], [sflag:$0x2], $0x4000, $0x38;
	[tilespmem:$0x1C100] =	vst v63  }
0x6c: {  	_ =	swait.ge [sflag:s25], $0x4000  }
0x6d: {  	[sflag:s25] =	ssyncset.done $0x0  }
0x6e: {  	[sflag:s25] =	ssyncadd.s32 $0xFFFFC000  }
0x6f: {  	[tilespmem:s24], [sflag:$0x2] =	stream.linear.gather [spmem:s14], $0x4000, $0x38;
	[tilespmem:$0x1C100] =	vst v63  }
0x70: {  	_ =	swait.ge [sflag:s25], $0x4000  }
0x71: {  	[sflag:s25] =	ssyncset.done $0x0  }
0x72: {  	[sflag:s25] =	ssyncadd.s32 $0xFFFFC000  }
0x73: {  	[hbm4b:s15+s4] =	stream.linear.scatter [tilespmem:s24], [sflag:$0x2], $0x4000, $0x38;
	[tilespmem:$0x1C100] =	vst v63  }
0x74: {  	_ =	swait.ge [sflag:s25], $0x4000  }
0x75: {  	[sflag:s25] =	ssyncset.done $0x0  }
0x76: {  	[sflag:s25] =	ssyncadd.s32 $0xFFFFC000  }
0x77: {  	[tilespmem:s24], [sflag:$0x2] =	stream.linear.gather [spmem:s16], $0x4000, $0x38;
	[tilespmem:$0x1C100] =	vst v63  }
0x78: {  	_ =	swait.ge [sflag:s25], $0x4000  }
0x79: {  	[sflag:s25] =	ssyncset.done $0x0  }
0x7a: {  	[sflag:s25] =	ssyncadd.s32 $0xFFFFC000  }
0x7b: {  	[hbm4b:s17+s4] =	stream.linear.scatter [tilespmem:s24], [sflag:$0x2], $0x4000, $0x38;
	[tilespmem:$0x1C100] =	vst v63  }
0x7c: {  	_ =	swait.ge [sflag:s25], $0x4000  }
0x7d: {  	[sflag:s25] =	ssyncset.done $0x0  }
0x7e: {  	[sflag:s25] =	ssyncadd.s32 $0xFFFFC000  }
0x7f: {  	[tilespmem:s24], [sflag:$0x2] =	stream.linear.gather [spmem:s18], $0x4000, $0x38;
	[tilespmem:$0x1C100] =	vst v63  }
0x80: {  	_ =	swait.ge [sflag:s25], $0x4000  }
0x81: {  	[sflag:s25] =	ssyncset.done $0x0  }
0x82: {  	[sflag:s25] =	ssyncadd.s32 $0xFFFFC000  }
0x83: {  	[hbm4b:s19+s4] =	stream.linear.scatter [tilespmem:s24], [sflag:$0x2], $0x4000, $0x38;
	[tilespmem:$0x1C100] =	vst v63  }
0x84: {  	_ =	swait.ge [sflag:s25], $0x4000  }
0x85: {  	[sflag:s25] =	ssyncset.done $0x0  }
0x86: {  	[sflag:s25] =	ssyncadd.s32 $0xFFFFC000  }
0x87: {  	[tilespmem:s24], [sflag:$0x2] =	stream.linear.gather [spmem:s20], $0x4000, $0x38;
	[tilespmem:$0x1C100] =	vst v63  }
0x88: {  	s30 =	sadd.s32 $0x1, s30;
	_ =	swait.ge [sflag:s25], $0x4000  }
0x89: {  	p0 =	sne.s32 s30, s8;
	[sflag:s25] =	ssyncset.done $0x0  }
.Ltmp1:
0x8a: {  	[sflag:s25] =	ssyncadd.s32 $0xFFFFC000;
	(pc) =	sbr.rel @p0 .LBB2_1-.Ltmp1, $4  }
0x8b: {  	[hbm4b:s21+s4] =	stream.linear.scatter [tilespmem:s24], [sflag:$0x2], $0x4000, $0x38;
	[tilespmem:$0x1C100] =	vst v63  }
0x8c: {  	_ =	swait.ge [sflag:s25], $0x4000  }
0x8d: {  	[sflag:s25] =	ssyncset.done $0x0  }
0x8e: {  	[sflag:s25] =	ssyncadd.s32 $0xFFFFC000  }
0x8f: {  	_ =	sfence.sel $0x180000  }
0x90: {  	[bflag:$0x0] =	sbarrier.arrive $0xFFFF  }
0x91: {  	_ =	strace $0x90000056  }
0x92: {  	s0 =	stileid.u32;
	[bflag:$0x2] =	sbarrier.arrive $0xFFFF  }
0x93: {  	p0 =	sne.s32 s0, $0x0;
	s0 =	rddreg [dreg:$0x3]  }
0x94: {  	s0 =	sadd.s32 @!p0 $0x100000, s0  }
0x95: {  	[sflag:s0] =	ssyncadd.tile.s32 @!p0 $0x1;
	_ =	shalt  }
.Lfunc_end2:
_tile_overlayer_lowered:
.L_overlay_start_2:
0x96: {  	(tag) =	ssettag $0x2  }
0x97: {  	s0 =	rddreg [dreg:$0x0];
	s2 =	stileid.u32  }
0x98: {  	s1 =	rddreg [dreg:$0x1];
	p0 =	sne.s32 s2, $0x0  }
0x99: {  	s3 =	rddreg [dreg:$0x2];
	[bflag:$0x3] =	sbarrier.arrive $0xFFFF;
	s2 =	simm.s32 @!p0 $0x1C02  }
0x9a: {  	[timem:s3], [sflag:s2] =	dma.local @!p0 [hbm:s0], s1  }
0x9b: {  	s0 =	simm.s32 @!p0 $0x2  }
0x9c: {  	_ =	swait.ge @!p0 [sflag:s0], s1  }
0x9d: {  	s1 =	ssub.s32 @!p0 $0x0, s1;
	[sflag:s0] =	ssyncset.done @!p0 $0x0  }
0x9e: {  	[sflag:s0] =	ssyncadd.s32 @!p0 s1  }
0x9f: {  	[bflag:$0x3] =	sbarrier.arrive $0xFFFF  }
0xa0: {  	_ =	shalt  }

// kernel: kernel.42.cloned.1.call-start
scs
__scs_entry_jumppad:
0x0: {  	(pc) =	sbr.rel $0x88, $3  }
0x1: {  	(tag) =	ssettag $0x0;
	lr =	simm.s32 $0x1  }
0x2: {  	[smem:$0x3F9D] =	sst lr;
	_ =	strace $0xD0000000  }
0x3: {  	_ = 	snop  }
0x4: {  	_ = 	snop  }
0x5: {  	_ = 	snop  }
0x6: {  	_ = 	snop  }
0x7: {  	_ = 	snop  }
__scs_overlays_trampoline_lowered:
0x8: {  	[smem:$0x3FAC] =	sst s0  }
0x9: {  	[smem:$0x3FAD] =	sst s1  }
0xa: {  	[smem:$0x3FAE] =	sst s2  }
0xb: {  	[smem:$0x3FAF] =	sst s3  }
0xc: {  	[smem:$0x3FB0] =	sst s4  }
0xd: {  	[smem:$0x3FB1] =	sst s5  }
0xe: {  	[smem:$0x3FB2] =	sst s6  }
0xf: {  	[smem:$0x3FB3] =	sst s7  }
0x10: {  	[smem:$0x3FB4] =	sst s8  }
0x11: {  	[smem:$0x3FB5] =	sst s9;
	s0 =	simm.s32 @!p0 $0x0  }
0x12: {  	s1 =	sld [smem:$0x3F9B];
	s0 =	simm.s32 @p0 $0x1  }
0x13: {  	[smem:$0x3FB6] =	sst s0;
	s0 =	simm.s32 @!p1 $0x0  }
0x14: {  	s2 =	sld [smem:$0x3F9A];
	s0 =	simm.s32 @p1 $0x1  }
0x15: {  	[smem:$0x3FB7] =	sst s0;
	s0 =	simm.s32 @!p2 $0x0  }
0x16: {  	s3 =	sld [smem:$0x3FDB];
	s0 =	simm.s32 @p2 $0x1  }
0x17: {  	s4 =	simm.s32 $0x1BF5;
	[smem:$0x3FB9] =	sst s0  }
0x18: {  	s0 =	sld [smem:$0x3F9C];
	_ =	swait.ge [sflag:s4], $0x0  }
0x19: {  	s7 =	sld [smem:$0x3F9D]  }
0x1a: {  	s8 =	sadd.s32 $0xFFFFE003, lr  }
0x1b: {  	s9 =	sadd.s32 $0xFFFFFEF7, lr;
	s5 =	simm.s32 $0xFFFFFFFF;
	p2 =	slt.u32 s8, $0xFFFFF086  }
0x1c: {  	p1 =	slt.u32 s9, $0xF7A;
	s5 =	simm.s32 @!p2 $0x0  }
0x1d: {  	s5 =	simm.s32 @p1 $0x1;
	p0 =	seq.s32 s7, s2  }
0x1e: {  	s7 =	smul.u32 @!p0 $0xF7A, s2;
	p2 =	seq.s32 @!p0 s5, $0x0  }
0x1f: {  	s9 =	smul.u32 $0xF7A, s1;
	s8 =	simm.s32 @!p0 $0x1BF5;
	p2 =	por !p2, p0  }
0x20: {  	[sflag:s8] =	ssyncset.s32 @!p0 $0xFFFFF086;
	s6 =	sadd.s32 @!p0 s3, s7;
	s7 =	simm.s32 @!p0 $0x108  }
0x21: {  	s3 =	sadd.s32 s3, s9;
	s6 =	sadd.s32 @!p0 $0x88, s6;
	s7 =	simm.s32 @p2 $0x1082  }
0x22: {  	[simem:s7], [sflag:s8] =	dma.local @!p0 [hbm:s6], $0xF7A  }
0x23: {  	s9 =	sor.u32 $0xD0000000, s2;
	s6 =	simm.s32 $0x108;
	_ =	swait.ge @!p0 [sflag:s8], $0x0  }
0x24: {  	s3 =	sadd.s32 $0x88, s3;
	s6 =	simm.s32 @!p1 $0x1082;
	[sflag:s4] =	ssyncset.s32 $0xFFFFF086  }
0x25: {  	[simem:s6], [sflag:s4] =	dma.local [hbm:s3], $0xF7A  }
0x26: {  	[smem:$0x3F9D] =	sst s1;
	(tag) =	ssettag s2;
	_ =	strace s9  }
0x27: {  	s1 =	sld [smem:$0x3FAD]  }
0x28: {  	s2 =	sld [smem:$0x3FAE]  }
0x29: {  	s4 =	sld [smem:$0x3FB0]  }
0x2a: {  	p0 =	seq.s32 s5, $0x0;
	s5 =	sld [smem:$0x3FB1]  }
0x2b: {  	s6 =	sld [smem:$0x3FB2]  }
0x2c: {  	s7 =	sld [smem:$0x3FB3]  }
0x2d: {  	s3 =	simm.s32 $0x108;
	s8 =	sld [smem:$0x3FB4]  }
0x2e: {  	s3 =	simm.s32 @!p0 $0x1082;
	s9 =	sld [smem:$0x3FB5]  }
0x2f: {  	lr =	sadd.s32 s0, s3;
	s0 =	sld [smem:$0x3FAC]  }
0x30: {  	s3 =	sld [smem:$0x3FAF]  }
0x31: {  	[smem:$0x3FB8] =	sst s10  }
0x32: {  	s10 =	sld [smem:$0x3FB6];
	_ =	sdelay $0x3  }
0x33: {  	p0 =	seq.s32 s10, $0x1;
	s10 =	sld [smem:$0x3FB8];
	_ =	sdelay $0x3  }
0x34: {  	[smem:$0x3FB8] =	sst s10  }
0x35: {  	s10 =	sld [smem:$0x3FB7];
	_ =	sdelay $0x3  }
0x36: {  	p1 =	seq.s32 s10, $0x1;
	s10 =	sld [smem:$0x3FB8];
	_ =	sdelay $0x3  }
0x37: {  	[smem:$0x3FB8] =	sst s10  }
0x38: {  	s10 =	sld [smem:$0x3FB9]  }
0x39: {  	_ = 	snop;
	(pc) =	sbr.ind lr, $3  }
0x3a: {  	_ = 	snop  }
0x3b: {  	_ = 	snop  }
0x3c: {  	p2 =	seq.s32 s10, $0x1;
	s10 =	sld [smem:$0x3FB8]  }
0x3d: {  	_ =	shalt  }
0x3e: {  	_ =	shalt  }
0x3f: {  	_ =	shalt  }
0x40: {  	_ =	shalt  }
0x41: {  	_ =	shalt  }
0x42: {  	_ =	shalt  }
0x43: {  	_ =	shalt  }
0x44: {  	_ =	shalt  }
0x45: {  	_ =	shalt  }
0x46: {  	_ =	shalt  }
0x47: {  	_ =	shalt  }
0x48: {  	_ =	shalt  }
0x49: {  	_ =	shalt  }
0x4a: {  	_ =	shalt  }
0x4b: {  	_ =	shalt  }
0x4c: {  	_ =	shalt  }
0x4d: {  	_ =	shalt  }
0x4e: {  	_ =	shalt  }
0x4f: {  	_ =	shalt  }
0x50: {  	_ =	shalt  }
0x51: {  	_ =	shalt  }
0x52: {  	_ =	shalt  }
0x53: {  	_ =	shalt  }
0x54: {  	_ =	shalt  }
0x55: {  	_ =	shalt  }
0x56: {  	_ =	shalt  }
0x57: {  	_ =	shalt  }
0x58: {  	_ =	shalt  }
0x59: {  	_ =	shalt  }
0x5a: {  	_ =	shalt  }
0x5b: {  	_ =	shalt  }
0x5c: {  	_ =	shalt  }
0x5d: {  	_ =	shalt  }
0x5e: {  	_ =	shalt  }
0x5f: {  	_ =	shalt  }
0x60: {  	_ =	shalt  }
0x61: {  	_ =	shalt  }
0x62: {  	_ =	shalt  }
0x63: {  	_ =	shalt  }
0x64: {  	_ =	shalt  }
0x65: {  	_ =	shalt  }
0x66: {  	_ =	shalt  }
0x67: {  	_ =	shalt  }
0x68: {  	_ =	shalt  }
0x69: {  	_ =	shalt  }
0x6a: {  	_ =	shalt  }
0x6b: {  	_ =	shalt  }
0x6c: {  	_ =	shalt  }
0x6d: {  	_ =	shalt  }
0x6e: {  	_ =	shalt  }
0x6f: {  	_ =	shalt  }
0x70: {  	_ =	shalt  }
0x71: {  	_ =	shalt  }
0x72: {  	_ =	shalt  }
0x73: {  	_ =	shalt  }
0x74: {  	_ =	shalt  }
0x75: {  	_ =	shalt  }
0x76: {  	_ =	shalt  }
0x77: {  	_ =	shalt  }
0x78: {  	_ =	shalt  }
0x79: {  	_ =	shalt  }
0x7a: {  	_ =	shalt  }
0x7b: {  	_ =	shalt  }
0x7c: {  	_ =	shalt  }
0x7d: {  	_ =	shalt  }
0x7e: {  	_ =	shalt  }
0x7f: {  	_ =	shalt  }
0x80: {  	_ =	shalt  }
0x81: {  	_ =	shalt  }
0x82: {  	_ =	shalt  }
0x83: {  	_ =	shalt  }
0x84: {  	_ =	shalt  }
0x85: {  	_ =	shalt  }
0x86: {  	_ =	shalt  }
0x87: {  	_ =	shalt  }
.Lfunc_end0:
.L_simem_size_0:
called_computation.6_lowered:
.L_overlay_start_0:
0x88: {  	s2 =	sld [smem:$0x3FD9]  }
0x89: {  	s3 =	sld [smem:$0x3FFE];
	_ =	sdelay $0x1  }
0x8a: {  	s1 =	srdreg.scid  }
0x8b: {  	s0 =	sand.u32 $0x1, s1  }
0x8c: {  	s17 =	sshll.u32 s0, $0xA;
	s2 =	sadd.s32 s3, s2  }
0x8d: {  	s2 =	sadd.s32 s2, s17  }
0x8e: {  	[smem:$0x3FC4] =	sst s2  }
0x8f: {  	_ = 	snop  }
0x90: {  	s2 =	sld [smem:$0x3FD0];
	(tm) =	ssettm $0x1  }
0x91: {  	s18 =	sld [smem:$0x3FFB];
	_ =	sdelay $0x3  }
0x92: {  	_ =	strace s18  }
0x93: {  	s3 =	sld [smem:$0x3FFC];
	_ =	sdelay $0x3  }
0x94: {  	_ =	strace s3  }
0x95: {  	s3 =	sld [smem:$0x3FFD];
	_ =	sdelay $0x3  }
0x96: {  	_ =	strace s3  }
0x97: {  	_ =	strace $0x8FFFFFFF  }
0x98: {  	s19 =	sld [smem:$0x3FDB];
	_ =	sdelay $0x1  }
0x99: {  	s4 =	simm.s32 $_scs_section_size  }
0x9a: {  	s5 =	simm.s32 $_size__tile_overlayer_lowered;
	s6 =	simm.s32 $_tile_overlayer_lowered  }
0x9b: {  	s22 =	simm.s32 $0x1BFF;
	s21 =	sshll.u32 s6, $0x1;
	s3 =	sadd.s32 s4, s19  }
0x9c: {  	s7 =	simm.s32 $0x0;
	s20 =	sshll.u32 s5, $0x1;
	s5 =	sadd.s32 s21, s3  }
0x9d: {  	[timem:s7], [sflag:s22] =	dma.local [hbm:s5], s20  }
0x9e: {  	_ =	swait.ge [sflag:s22], s20  }
0x9f: {  	s4 =	ssub.s32 $0x0, s20;
	[sflag:s22] =	ssyncset.done $0x0  }
0xa0: {  	[sflag:s22] =	ssyncadd.s32 s4;
	_ =	sdelay $0x1  }
0xa1: {  	s23 =	simm.s32 $0x1B8B  }
0xa2: {  	_ =	swait.ge [sflag:s23], $0x1  }
0xa3: {  	[sflag:s23] =	ssyncset.done $0x0  }
0xa4: {  	s25 =	simm.s32 $0x1B8E;
	s24 =	sld [smem:$0x3FFE];
	[sflag:s23] =	ssyncadd.s32 $0xFFFFFFFF  }
0xa5: {  	s26 =	simm.s32 $execute0_lowered;
	[smem:$0x3FD2] =	sst s25  }
0xa6: {  	s5 =	sshll.u32 s26, $0x1;
	_ =	strace $0x80000058;
	[dreg:$0x1] =	wrdreg $0xFFFFFFFF  }
0xa7: {  	s28 =	simm.s32 $_size_execute0_lowered;
	s3 =	sadd.s32 s3, s5;
	[dreg:$0x0] =	wrdreg $0x0  }
0xa8: {  	s5 =	sshll.u32 s28, $0x1;
	[dreg:$0x2] =	wrdreg s3  }
0xa9: {  	[dreg:$0x3] =	wrdreg s5  }
0xaa: {  	[dreg:$0x4] =	wrdreg $0xC0  }
0xab: {  	_ =	task [dreg:s7], $0x5FFFF  }
0xac: {  	[dreg:$0x1] =	wrdreg $0xFFFFFFFF  }
0xad: {  	[dreg:$0x0] =	wrdreg $0x60  }
0xae: {  	[dreg:$0x2] =	wrdreg s2  }
0xaf: {  	[dreg:$0x3] =	wrdreg s24  }
0xb0: {  	[dreg:$0x4] =	wrdreg $0x81000  }
0xb1: {  	[dreg:$0x5] =	wrdreg $0x9  }
0xb2: {  	_ =	task.clear_ibuf [dreg:s7], $0x6FFFF;
	_ =	strace $0x90000058  }
0xb3: {  	s29 =	simm.s32 $0x9;
	_ =	strace $0x8000005A  }
0xb4: {  	_ =	swait.ge [sflag:s29], $0x1  }
0xb5: {  	[sflag:s29] =	ssyncadd.s32 $0xFFFFFFFF  }
0xb6: {  	_ =	strace $0x9000005A  }
0xb7: {  	_ =	sfence  }
0xb8: {  	s30 =	sld [smem:$0x0];
	_ =	sdelay $0x2  }
0xb9: {  	s31 =	sshll.u32 s1, $0xD;
	s1 =	sshrl.u32 s1, $0x2  }
0xba: {  	s3 =	sand.u32 $0x4000, s31;
	s1 =	sadd.s32 s1, s30  }
0xbb: {  	s0 =	sor.u32 s3, s0;
	s1 =	sshll.u32 s1, $0x11  }
0xbc: {  	s0 =	sor.u32 s1, s0  }
0xbd: {  	s0 =	sadd.s32 $0x8F2B, s0  }
0xbe: {  	[sflag:s0] =	ssyncadd.remote.s32 $0x1  }
0xbf: {  	_ =	sfence.sel $0xFFFF  }
0xc0: {  	[dreg:$0x0] =	wrdreg $0xFFFFFFFF;
	(pc) =	sbr.abs _section_cstart, $3  }
0xc1: {  	[dreg:$0x1] =	wrdreg $0xFFFFFFFF  }
0xc2: {  	_ =	task.clear_ibuf [dreg:s7], $0x2FFFF;
	_ =	strace $0x9FFFFFFF  }
0xc3: {  	(tm) =	ssettm $0x7FFFFFFF  }
tec
execute0_lowered:
.L_overlay_start_1:
0x0: {  	(tag) =	ssettag $0x1  }
0x1: {  	s1 =	rddreg [dreg:$0x0]  }
0x2: {  	s0 =	srdreg.scid;
	s2 =	rddreg [dreg:$0x1]  }
0x3: {  	s21 =	stileid.u32;
	s3 =	rddreg [dreg:$0x2];
	s4 =	simm.s32 $0x0  }
0x4: {  	s28 =	simm.s32 $0x1;
	s29 =	simm.s32 $0x100;
	s6 =	smul.u32 $0x2780, s21  }
0x5: {  	s30 =	simm.s32 $0x0;
	s7 =	sand.u32 $0x1, s0;
	s8 =	smul.u32 $0x50000, s21  }
0x6: {  	[smem:$0x7FF] =	sst s4;
	s24 =	sadd.s32 $0x25000, s2;
	s18 =	smul.u32 $0x14000, s21  }
0x7: {  	s5 =	smul.u32 $0x27800, s7;
	_ =	strace $0x80000059;
	s22 =	ssub.s32 $0x2, s7  }
0x8: {  	[dreg:$0x4] =	wrdreg s24;
	s19 =	smul.u32 $0x140000, s7;
	s24 =	simm.s32 $0x4100  }
0x9: {  	s9 =	sshrl.u32 s22, $0x1;
	s25 =	sshrl.u32 s8, $0x2;
	s0 =	sadd.s32 s18, s3  }
0xa: {  	s14 =	sadd.s32 $0x4000, s18;
	s16 =	sadd.s32 $0x8000, s18;
	s20 =	sadd.s32 $0xC000, s18  }
0xb: {  	s5 =	sadd.s32 s6, s5;
	s9 =	ssub.s32 s22, s9;
	s6 =	sadd.s32 s25, s3  }
0xc: {  	[dreg:$0x5] =	wrdreg s0;
	s13 =	sadd.s32 s19, s18;
	s15 =	sadd.s32 s19, s14  }
0xd: {  	s14 =	sadd.s32 s14, s3;
	s17 =	sadd.s32 s19, s16;
	s16 =	sadd.s32 s16, s3  }
0xe: {  	s21 =	sadd.s32 s19, s20;
	s22 =	sadd.s32 $0x10000, s18;
	s18 =	sadd.s32 s20, s3  }
0xf: {  	s25 =	simm.s32 $0x2;
	s5 =	sshrl.u32 s5, $0x3;
	s8 =	smax.u32 s9, $0x1  }
0x10: {  	s9 =	sadd.s32 $0x4000, s6;
	s10 =	sadd.s32 $0x8000, s6;
	s11 =	sadd.s32 $0xC000, s6  }
0x11: {  	s12 =	sadd.s32 $0x10000, s6;
	s13 =	sshrl.u32 s13, $0x3;
	s15 =	sshrl.u32 s15, $0x3  }
0x12: {  	s17 =	sshrl.u32 s17, $0x3;
	s26 =	sshrl.u32 s21, $0x3;
	s31 =	sadd.s32 s19, s22  }
0x13: {  	s20 =	sadd.s32 s22, s3;
	s23 =	sadd.s32 s5, s2;
	s2 =	sadd.s32 $0x25800, s2  }
0x14: {  	s21 =	sshrl.u32 s31, $0x3;
	s13 =	sadd.s32 s2, s13;
	s15 =	sadd.s32 s2, s15  }
0x15: {  	s17 =	sadd.s32 s2, s17;
	s19 =	sadd.s32 s2, s26;
	s21 =	sadd.s32 s2, s21  }
0x16: {  	s22 =	sadd.s32 $0x7400, s23;
	s23 =	sadd.s32 $0x1B200, s23;
	s26 =	simm.s32 $0x80  }
.LBB2_1:
0x17: {  	s0 =	rddreg [dreg:$0x4]  }
0x18: {  	[tilespmem:s24], [sflag:$0x2] =	stream.linear.gather [hbm4b:s0+s4], $0x4000, $0x38;
	[tilespmem:$0x1C100] =	vst v63  }
0x19: {  	_ =	swait.ge [sflag:s25], $0x4000  }
0x1a: {  	[sflag:s25] =	ssyncset.done $0x0  }
0x1b: {  	[sflag:s25] =	ssyncadd.s32 $0xFFFFC000  }
0x1c: {  	[spmem:s6] =	stream.linear.scatter [tilespmem:s24], [sflag:$0x2], $0x4000, $0x38;
	[tilespmem:$0x1C100] =	vst v63  }
0x1d: {  	_ =	swait.ge [sflag:s25], $0x4000  }
0x1e: {  	[sflag:s25] =	ssyncset.done $0x0  }
0x1f: {  	[sflag:s25] =	ssyncadd.s32 $0xFFFFC000  }
0x20: {  	[spmem:s9] =	stream.linear.scatter [tilespmem:s24], [sflag:$0x2], $0x4000, $0x38;
	[tilespmem:$0x1C100] =	vst v63  }
0x21: {  	_ =	swait.ge [sflag:s25], $0x4000  }
0x22: {  	[sflag:s25] =	ssyncset.done $0x0  }
0x23: {  	[sflag:s25] =	ssyncadd.s32 $0xFFFFC000  }
0x24: {  	[spmem:s10] =	stream.linear.scatter [tilespmem:s24], [sflag:$0x2], $0x4000, $0x38;
	[tilespmem:$0x1C100] =	vst v63  }
0x25: {  	_ =	swait.ge [sflag:s25], $0x4000  }
0x26: {  	[sflag:s25] =	ssyncset.done $0x0  }
0x27: {  	[sflag:s25] =	ssyncadd.s32 $0xFFFFC000  }
0x28: {  	[spmem:s11] =	stream.linear.scatter [tilespmem:s24], [sflag:$0x2], $0x4000, $0x38;
	[tilespmem:$0x1C100] =	vst v63  }
0x29: {  	_ =	swait.ge [sflag:s25], $0x4000  }
0x2a: {  	[sflag:s25] =	ssyncset.done $0x0  }
0x2b: {  	[sflag:s25] =	ssyncadd.s32 $0xFFFFC000  }
0x2c: {  	[spmem:s12] =	stream.linear.scatter [tilespmem:s24], [sflag:$0x2], $0x4000, $0x38;
	[tilespmem:$0x1C100] =	vst v63  }
0x2d: {  	_ =	swait.ge [sflag:s25], $0x4000  }
0x2e: {  	[sflag:s25] =	ssyncset.done $0x0  }
0x2f: {  	[sflag:s25] =	ssyncadd.s32 $0xFFFFC000  }
0x30: {  	s2 =	sadd.s32 $0x0, s23;
	[bflag:$0x0] =	sbarrier.arrive $0xFFFF  }
0x31: {  	[tilespmem:s4], [sflag:$0x1] =	stream.linear.gather [hbm4b:s2+s4], $0x80, $0x38;
	[tilespmem:$0x1C100] =	vst v63  }
0x32: {  	s7 =	sadd.s32 $0x0, s22  }
0x33: {  	[tilespmem:s26], [sflag:$0x1] =	stream.linear.gather [hbm4b:s7+s4], $0x80, $0x38;
	[tilespmem:$0x1C100] =	vst v63  }
0x34: {  	_ =	swait.ge [sflag:s28], $0x80  }
0x35: {  	[sflag:s28] =	ssyncset.done $0x0  }
0x36: {  	[sflag:s28] =	ssyncadd.s32 $0xFFFFFF80  }
0x37: {  	_ =	swait.ge [sflag:s28], $0x80  }
0x38: {  	[sflag:s28] =	ssyncset.done $0x0  }
0x39: {  	[sflag:s28] =	ssyncadd.s32 $0xFFFFFF80  }
0x3a: {  	[tilespmem:s29], [sflag:$0x1] =	stream.indirect.gather [hbm4b:s1+s26], $0x80, s4, s26, $0xb8;
	[tilespmem:$0x1C100] =	vst v63  }
0x3b: {  	_ =	swait.ge [sflag:s28], $0x4000  }
0x3c: {  	[sflag:s28] =	ssyncset.done $0x0  }
0x3d: {  	[sflag:s28] =	ssyncadd.s32 $0xFFFFC000  }
0x3e: {  	[spmem:s3] =	stream.indirect.scatter.add.f32 [tilespmem:s29], [sflag:$0x2], $0x80, s26, s26, $0xb8;
	[tilespmem:$0x1C100] =	vst v63  }
0x3f: {  	_ =	swait.ge [sflag:s25], $0x4000  }
0x40: {  	s31 =	simm.s32 $0x10;
	s2 =	simm.s32 $0x20;
	[sflag:s25] =	ssyncset.done $0x0  }
.LBB2_2:
0x41: {  	s0 =	sadd.s32 s31, s23  }
0x42: {  	[sflag:s25] =	ssyncadd.s32 $0xFFFFC000;
	s5 =	smov.u32 s2;
	s7 =	sadd.s32 $0x10, s2  }
0x43: {  	[tilespmem:s4], [sflag:$0x1] =	stream.linear.gather [hbm4b:s0+s4], $0x80, $0x38;
	[tilespmem:$0x1C100] =	vst v63  }
0x44: {  	p0 =	sne.s32 s2, $0x4E0;
	s0 =	sadd.s32 s31, s22;
	s31 =	smov.u32 s5  }
0x45: {  	[tilespmem:s26], [sflag:$0x1] =	stream.linear.gather [hbm4b:s0+s4], $0x80, $0x38;
	[tilespmem:$0x1C100] =	vst v63  }
0x46: {  	_ =	swait.ge [sflag:s28], $0x80  }
0x47: {  	[sflag:s28] =	ssyncset.done $0x0  }
0x48: {  	[sflag:s28] =	ssyncadd.s32 $0xFFFFFF80  }
0x49: {  	_ =	swait.ge [sflag:s28], $0x80  }
0x4a: {  	[sflag:s28] =	ssyncset.done $0x0  }
0x4b: {  	[sflag:s28] =	ssyncadd.s32 $0xFFFFFF80  }
0x4c: {  	[tilespmem:s29], [sflag:$0x1] =	stream.indirect.gather [hbm4b:s1+s26], $0x80, s4, s26, $0xb8;
	[tilespmem:$0x1C100] =	vst v63  }
0x4d: {  	_ =	swait.ge [sflag:s28], $0x4000  }
.Ltmp0:
0x4e: {  	[sflag:s28] =	ssyncset.done $0x0;
	(pc) =	sbr.rel @p0 .LBB2_2-.Ltmp0, $4  }
0x4f: {  	[sflag:s28] =	ssyncadd.s32 $0xFFFFC000  }
0x50: {  	[spmem:s3] =	stream.indirect.scatter.add.f32 [tilespmem:s29], [sflag:$0x2], $0x80, s26, s26, $0xb8;
	[tilespmem:$0x1C100] =	vst v63  }
0x51: {  	_ =	swait.ge [sflag:s25], $0x4000  }
0x52: {  	s2 =	smov.u32 s7;
	[sflag:s25] =	ssyncset.done $0x0  }
0x53: {  	s0 =	sadd.s32 s31, s23;
	[sflag:s25] =	ssyncadd.s32 $0xFFFFC000  }
0x54: {  	[tilespmem:s4], [sflag:$0x1] =	stream.linear.gather [hbm4b:s0+s4], $0x80, $0x38;
	[tilespmem:$0x1C100] =	vst v63  }
0x55: {  	s7 =	sadd.s32 s31, s22  }
0x56: {  	[tilespmem:s26], [sflag:$0x1] =	stream.linear.gather [hbm4b:s7+s4], $0x80, $0x38;
	[tilespmem:$0x1C100] =	vst v63  }
0x57: {  	_ =	swait.ge [sflag:s28], $0x80  }
0x58: {  	[sflag:s28] =	ssyncset.done $0x0  }
0x59: {  	[sflag:s28] =	ssyncadd.s32 $0xFFFFFF80  }
0x5a: {  	_ =	swait.ge [sflag:s28], $0x80  }
0x5b: {  	[sflag:s28] =	ssyncset.done $0x0  }
0x5c: {  	[sflag:s28] =	ssyncadd.s32 $0xFFFFFF80  }
0x5d: {  	[tilespmem:s29], [sflag:$0x1] =	stream.indirect.gather [hbm4b:s1+s26], $0x80, s4, s26, $0xb8;
	[tilespmem:$0x1C100] =	vst v63  }
0x5e: {  	_ =	swait.ge [sflag:s28], $0x4000  }
0x5f: {  	[sflag:s28] =	ssyncset.done $0x0  }
0x60: {  	[sflag:s28] =	ssyncadd.s32 $0xFFFFC000  }
0x61: {  	[spmem:s3] =	stream.indirect.scatter.add.f32 [tilespmem:s29], [sflag:$0x2], $0x80, s26, s26, $0xb8;
	[tilespmem:$0x1C100] =	vst v63  }
0x62: {  	_ =	swait.ge [sflag:s25], $0x4000  }
0x63: {  	[sflag:s25] =	ssyncset.done $0x0  }
0x64: {  	[sflag:s25] =	ssyncadd.s32 $0xFFFFC000  }
0x65: {  	[bflag:$0x0] =	sbarrier.arrive $0xFFFF  }
0x66: {  	s31 =	rddreg [dreg:$0x5]  }
0x67: {  	[tilespmem:s24], [sflag:$0x2] =	stream.linear.gather [spmem:s31], $0x4000, $0x38;
	[tilespmem:$0x1C100] =	vst v63  }
0x68: {  	_ =	swait.ge [sflag:s25], $0x4000  }
0x69: {  	[sflag:s25] =	ssyncset.done $0x0  }
0x6a: {  	[sflag:s25] =	ssyncadd.s32 $0xFFFFC000  }
0x6b: {  	[hbm4b:s13+s4] =	stream.linear.scatter [tilespmem:s24], [sflag:$0x2], $0x4000, $0x38;
	[tilespmem:$0x1C100] =	vst v63  }
0x6c: {  	_ =	swait.ge [sflag:s25], $0x4000  }
0x6d: {  	[sflag:s25] =	ssyncset.done $0x0  }
0x6e: {  	[sflag:s25] =	ssyncadd.s32 $0xFFFFC000  }
0x6f: {  	[tilespmem:s24], [sflag:$0x2] =	stream.linear.gather [spmem:s14], $0x4000, $0x38;
	[tilespmem:$0x1C100] =	vst v63  }
0x70: {  	_ =	swait.ge [sflag:s25], $0x4000  }
0x71: {  	[sflag:s25] =	ssyncset.done $0x0  }
0x72: {  	[sflag:s25] =	ssyncadd.s32 $0xFFFFC000  }
0x73: {  	[hbm4b:s15+s4] =	stream.linear.scatter [tilespmem:s24], [sflag:$0x2], $0x4000, $0x38;
	[tilespmem:$0x1C100] =	vst v63  }
0x74: {  	_ =	swait.ge [sflag:s25], $0x4000  }
0x75: {  	[sflag:s25] =	ssyncset.done $0x0  }
0x76: {  	[sflag:s25] =	ssyncadd.s32 $0xFFFFC000  }
0x77: {  	[tilespmem:s24], [sflag:$0x2] =	stream.linear.gather [spmem:s16], $0x4000, $0x38;
	[tilespmem:$0x1C100] =	vst v63  }
0x78: {  	_ =	swait.ge [sflag:s25], $0x4000  }
0x79: {  	[sflag:s25] =	ssyncset.done $0x0  }
0x7a: {  	[sflag:s25] =	ssyncadd.s32 $0xFFFFC000  }
0x7b: {  	[hbm4b:s17+s4] =	stream.linear.scatter [tilespmem:s24], [sflag:$0x2], $0x4000, $0x38;
	[tilespmem:$0x1C100] =	vst v63  }
0x7c: {  	_ =	swait.ge [sflag:s25], $0x4000  }
0x7d: {  	[sflag:s25] =	ssyncset.done $0x0  }
0x7e: {  	[sflag:s25] =	ssyncadd.s32 $0xFFFFC000  }
0x7f: {  	[tilespmem:s24], [sflag:$0x2] =	stream.linear.gather [spmem:s18], $0x4000, $0x38;
	[tilespmem:$0x1C100] =	vst v63  }
0x80: {  	_ =	swait.ge [sflag:s25], $0x4000  }
0x81: {  	[sflag:s25] =	ssyncset.done $0x0  }
0x82: {  	[sflag:s25] =	ssyncadd.s32 $0xFFFFC000  }
0x83: {  	[hbm4b:s19+s4] =	stream.linear.scatter [tilespmem:s24], [sflag:$0x2], $0x4000, $0x38;
	[tilespmem:$0x1C100] =	vst v63  }
0x84: {  	_ =	swait.ge [sflag:s25], $0x4000  }
0x85: {  	[sflag:s25] =	ssyncset.done $0x0  }
0x86: {  	[sflag:s25] =	ssyncadd.s32 $0xFFFFC000  }
0x87: {  	[tilespmem:s24], [sflag:$0x2] =	stream.linear.gather [spmem:s20], $0x4000, $0x38;
	[tilespmem:$0x1C100] =	vst v63  }
0x88: {  	s30 =	sadd.s32 $0x1, s30;
	_ =	swait.ge [sflag:s25], $0x4000  }
0x89: {  	p0 =	sne.s32 s30, s8;
	[sflag:s25] =	ssyncset.done $0x0  }
.Ltmp1:
0x8a: {  	[sflag:s25] =	ssyncadd.s32 $0xFFFFC000;
	(pc) =	sbr.rel @p0 .LBB2_1-.Ltmp1, $4  }
0x8b: {  	[hbm4b:s21+s4] =	stream.linear.scatter [tilespmem:s24], [sflag:$0x2], $0x4000, $0x38;
	[tilespmem:$0x1C100] =	vst v63  }
0x8c: {  	_ =	swait.ge [sflag:s25], $0x4000  }
0x8d: {  	[sflag:s25] =	ssyncset.done $0x0  }
0x8e: {  	[sflag:s25] =	ssyncadd.s32 $0xFFFFC000  }
0x8f: {  	_ =	sfence.sel $0x180000  }
0x90: {  	[bflag:$0x0] =	sbarrier.arrive $0xFFFF  }
0x91: {  	_ =	strace $0x90000059  }
0x92: {  	s0 =	stileid.u32;
	[bflag:$0x2] =	sbarrier.arrive $0xFFFF  }
0x93: {  	p0 =	sne.s32 s0, $0x0;
	s0 =	rddreg [dreg:$0x3]  }
0x94: {  	s0 =	sadd.s32 @!p0 $0x100000, s0  }
0x95: {  	[sflag:s0] =	ssyncadd.tile.s32 @!p0 $0x1;
	_ =	shalt  }
.Lfunc_end2:
_tile_overlayer_lowered:
.L_overlay_start_2:
0x96: {  	(tag) =	ssettag $0x2  }
0x97: {  	s0 =	rddreg [dreg:$0x0];
	s2 =	stileid.u32  }
0x98: {  	s1 =	rddreg [dreg:$0x1];
	p0 =	sne.s32 s2, $0x0  }
0x99: {  	s3 =	rddreg [dreg:$0x2];
	[bflag:$0x3] =	sbarrier.arrive $0xFFFF;
	s2 =	simm.s32 @!p0 $0x1C02  }
0x9a: {  	[timem:s3], [sflag:s2] =	dma.local @!p0 [hbm:s0], s1  }
0x9b: {  	s0 =	simm.s32 @!p0 $0x2  }
0x9c: {  	_ =	swait.ge @!p0 [sflag:s0], s1  }
0x9d: {  	s1 =	ssub.s32 @!p0 $0x0, s1;
	[sflag:s0] =	ssyncset.done @!p0 $0x0  }
0x9e: {  	[sflag:s0] =	ssyncadd.s32 @!p0 s1  }
0x9f: {  	[bflag:$0x3] =	sbarrier.arrive $0xFFFF  }
0xa0: {  	_ =	shalt  }

// kernel: kernel.45.cloned.1.call-start
scs
__scs_entry_jumppad:
0x0: {  	(pc) =	sbr.rel $0x88, $3  }
0x1: {  	(tag) =	ssettag $0x0;
	lr =	simm.s32 $0x1  }
0x2: {  	[smem:$0x3F9D] =	sst lr;
	_ =	strace $0xD0000000  }
0x3: {  	_ = 	snop  }
0x4: {  	_ = 	snop  }
0x5: {  	_ = 	snop  }
0x6: {  	_ = 	snop  }
0x7: {  	_ = 	snop  }
__scs_overlays_trampoline_lowered:
0x8: {  	[smem:$0x3FAC] =	sst s0  }
0x9: {  	[smem:$0x3FAD] =	sst s1  }
0xa: {  	[smem:$0x3FAE] =	sst s2  }
0xb: {  	[smem:$0x3FAF] =	sst s3  }
0xc: {  	[smem:$0x3FB0] =	sst s4  }
0xd: {  	[smem:$0x3FB1] =	sst s5  }
0xe: {  	[smem:$0x3FB2] =	sst s6  }
0xf: {  	[smem:$0x3FB3] =	sst s7  }
0x10: {  	[smem:$0x3FB4] =	sst s8  }
0x11: {  	[smem:$0x3FB5] =	sst s9;
	s0 =	simm.s32 @!p0 $0x0  }
0x12: {  	s1 =	sld [smem:$0x3F9B];
	s0 =	simm.s32 @p0 $0x1  }
0x13: {  	[smem:$0x3FB6] =	sst s0;
	s0 =	simm.s32 @!p1 $0x0  }
0x14: {  	s2 =	sld [smem:$0x3F9A];
	s0 =	simm.s32 @p1 $0x1  }
0x15: {  	[smem:$0x3FB7] =	sst s0;
	s0 =	simm.s32 @!p2 $0x0  }
0x16: {  	s3 =	sld [smem:$0x3FDB];
	s0 =	simm.s32 @p2 $0x1  }
0x17: {  	s4 =	simm.s32 $0x1BF5;
	[smem:$0x3FB9] =	sst s0  }
0x18: {  	s0 =	sld [smem:$0x3F9C];
	_ =	swait.ge [sflag:s4], $0x0  }
0x19: {  	s7 =	sld [smem:$0x3F9D]  }
0x1a: {  	s8 =	sadd.s32 $0xFFFFE003, lr  }
0x1b: {  	s9 =	sadd.s32 $0xFFFFFEF7, lr;
	s5 =	simm.s32 $0xFFFFFFFF;
	p2 =	slt.u32 s8, $0xFFFFF086  }
0x1c: {  	p1 =	slt.u32 s9, $0xF7A;
	s5 =	simm.s32 @!p2 $0x0  }
0x1d: {  	s5 =	simm.s32 @p1 $0x1;
	p0 =	seq.s32 s7, s2  }
0x1e: {  	s7 =	smul.u32 @!p0 $0xF7A, s2;
	p2 =	seq.s32 @!p0 s5, $0x0  }
0x1f: {  	s9 =	smul.u32 $0xF7A, s1;
	s8 =	simm.s32 @!p0 $0x1BF5;
	p2 =	por !p2, p0  }
0x20: {  	[sflag:s8] =	ssyncset.s32 @!p0 $0xFFFFF086;
	s6 =	sadd.s32 @!p0 s3, s7;
	s7 =	simm.s32 @!p0 $0x108  }
0x21: {  	s3 =	sadd.s32 s3, s9;
	s6 =	sadd.s32 @!p0 $0x88, s6;
	s7 =	simm.s32 @p2 $0x1082  }
0x22: {  	[simem:s7], [sflag:s8] =	dma.local @!p0 [hbm:s6], $0xF7A  }
0x23: {  	s9 =	sor.u32 $0xD0000000, s2;
	s6 =	simm.s32 $0x108;
	_ =	swait.ge @!p0 [sflag:s8], $0x0  }
0x24: {  	s3 =	sadd.s32 $0x88, s3;
	s6 =	simm.s32 @!p1 $0x1082;
	[sflag:s4] =	ssyncset.s32 $0xFFFFF086  }
0x25: {  	[simem:s6], [sflag:s4] =	dma.local [hbm:s3], $0xF7A  }
0x26: {  	[smem:$0x3F9D] =	sst s1;
	(tag) =	ssettag s2;
	_ =	strace s9  }
0x27: {  	s1 =	sld [smem:$0x3FAD]  }
0x28: {  	s2 =	sld [smem:$0x3FAE]  }
0x29: {  	s4 =	sld [smem:$0x3FB0]  }
0x2a: {  	p0 =	seq.s32 s5, $0x0;
	s5 =	sld [smem:$0x3FB1]  }
0x2b: {  	s6 =	sld [smem:$0x3FB2]  }
0x2c: {  	s7 =	sld [smem:$0x3FB3]  }
0x2d: {  	s3 =	simm.s32 $0x108;
	s8 =	sld [smem:$0x3FB4]  }
0x2e: {  	s3 =	simm.s32 @!p0 $0x1082;
	s9 =	sld [smem:$0x3FB5]  }
0x2f: {  	lr =	sadd.s32 s0, s3;
	s0 =	sld [smem:$0x3FAC]  }
0x30: {  	s3 =	sld [smem:$0x3FAF]  }
0x31: {  	[smem:$0x3FB8] =	sst s10  }
0x32: {  	s10 =	sld [smem:$0x3FB6];
	_ =	sdelay $0x3  }
0x33: {  	p0 =	seq.s32 s10, $0x1;
	s10 =	sld [smem:$0x3FB8];
	_ =	sdelay $0x3  }
0x34: {  	[smem:$0x3FB8] =	sst s10  }
0x35: {  	s10 =	sld [smem:$0x3FB7];
	_ =	sdelay $0x3  }
0x36: {  	p1 =	seq.s32 s10, $0x1;
	s10 =	sld [smem:$0x3FB8];
	_ =	sdelay $0x3  }
0x37: {  	[smem:$0x3FB8] =	sst s10  }
0x38: {  	s10 =	sld [smem:$0x3FB9]  }
0x39: {  	_ = 	snop;
	(pc) =	sbr.ind lr, $3  }
0x3a: {  	_ = 	snop  }
0x3b: {  	_ = 	snop  }
0x3c: {  	p2 =	seq.s32 s10, $0x1;
	s10 =	sld [smem:$0x3FB8]  }
0x3d: {  	_ =	shalt  }
0x3e: {  	_ =	shalt  }
0x3f: {  	_ =	shalt  }
0x40: {  	_ =	shalt  }
0x41: {  	_ =	shalt  }
0x42: {  	_ =	shalt  }
0x43: {  	_ =	shalt  }
0x44: {  	_ =	shalt  }
0x45: {  	_ =	shalt  }
0x46: {  	_ =	shalt  }
0x47: {  	_ =	shalt  }
0x48: {  	_ =	shalt  }
0x49: {  	_ =	shalt  }
0x4a: {  	_ =	shalt  }
0x4b: {  	_ =	shalt  }
0x4c: {  	_ =	shalt  }
0x4d: {  	_ =	shalt  }
0x4e: {  	_ =	shalt  }
0x4f: {  	_ =	shalt  }
0x50: {  	_ =	shalt  }
0x51: {  	_ =	shalt  }
0x52: {  	_ =	shalt  }
0x53: {  	_ =	shalt  }
0x54: {  	_ =	shalt  }
0x55: {  	_ =	shalt  }
0x56: {  	_ =	shalt  }
0x57: {  	_ =	shalt  }
0x58: {  	_ =	shalt  }
0x59: {  	_ =	shalt  }
0x5a: {  	_ =	shalt  }
0x5b: {  	_ =	shalt  }
0x5c: {  	_ =	shalt  }
0x5d: {  	_ =	shalt  }
0x5e: {  	_ =	shalt  }
0x5f: {  	_ =	shalt  }
0x60: {  	_ =	shalt  }
0x61: {  	_ =	shalt  }
0x62: {  	_ =	shalt  }
0x63: {  	_ =	shalt  }
0x64: {  	_ =	shalt  }
0x65: {  	_ =	shalt  }
0x66: {  	_ =	shalt  }
0x67: {  	_ =	shalt  }
0x68: {  	_ =	shalt  }
0x69: {  	_ =	shalt  }
0x6a: {  	_ =	shalt  }
0x6b: {  	_ =	shalt  }
0x6c: {  	_ =	shalt  }
0x6d: {  	_ =	shalt  }
0x6e: {  	_ =	shalt  }
0x6f: {  	_ =	shalt  }
0x70: {  	_ =	shalt  }
0x71: {  	_ =	shalt  }
0x72: {  	_ =	shalt  }
0x73: {  	_ =	shalt  }
0x74: {  	_ =	shalt  }
0x75: {  	_ =	shalt  }
0x76: {  	_ =	shalt  }
0x77: {  	_ =	shalt  }
0x78: {  	_ =	shalt  }
0x79: {  	_ =	shalt  }
0x7a: {  	_ =	shalt  }
0x7b: {  	_ =	shalt  }
0x7c: {  	_ =	shalt  }
0x7d: {  	_ =	shalt  }
0x7e: {  	_ =	shalt  }
0x7f: {  	_ =	shalt  }
0x80: {  	_ =	shalt  }
0x81: {  	_ =	shalt  }
0x82: {  	_ =	shalt  }
0x83: {  	_ =	shalt  }
0x84: {  	_ =	shalt  }
0x85: {  	_ =	shalt  }
0x86: {  	_ =	shalt  }
0x87: {  	_ =	shalt  }
.Lfunc_end0:
.L_simem_size_0:
called_computation.7_lowered:
.L_overlay_start_0:
0x88: {  	s2 =	sld [smem:$0x3FD9]  }
0x89: {  	s3 =	sld [smem:$0x3FFE];
	_ =	sdelay $0x1  }
0x8a: {  	s1 =	srdreg.scid  }
0x8b: {  	s0 =	sand.u32 $0x1, s1  }
0x8c: {  	s17 =	sshll.u32 s0, $0xA;
	s2 =	sadd.s32 s3, s2  }
0x8d: {  	s2 =	sadd.s32 s2, s17  }
0x8e: {  	[smem:$0x3FC4] =	sst s2  }
0x8f: {  	_ = 	snop  }
0x90: {  	s2 =	sld [smem:$0x3FD0];
	(tm) =	ssettm $0x1  }
0x91: {  	s18 =	sld [smem:$0x3FFB];
	_ =	sdelay $0x3  }
0x92: {  	_ =	strace s18  }
0x93: {  	s3 =	sld [smem:$0x3FFC];
	_ =	sdelay $0x3  }
0x94: {  	_ =	strace s3  }
0x95: {  	s3 =	sld [smem:$0x3FFD];
	_ =	sdelay $0x3  }
0x96: {  	_ =	strace s3  }
0x97: {  	_ =	strace $0x8FFFFFFF  }
0x98: {  	s19 =	sld [smem:$0x3FDB];
	_ =	sdelay $0x1  }
0x99: {  	s4 =	simm.s32 $_scs_section_size  }
0x9a: {  	s5 =	simm.s32 $_size__tile_overlayer_lowered;
	s6 =	simm.s32 $_tile_overlayer_lowered  }
0x9b: {  	s22 =	simm.s32 $0x1BFF;
	s21 =	sshll.u32 s6, $0x1;
	s3 =	sadd.s32 s4, s19  }
0x9c: {  	s7 =	simm.s32 $0x0;
	s20 =	sshll.u32 s5, $0x1;
	s5 =	sadd.s32 s21, s3  }
0x9d: {  	[timem:s7], [sflag:s22] =	dma.local [hbm:s5], s20  }
0x9e: {  	_ =	swait.ge [sflag:s22], s20  }
0x9f: {  	s4 =	ssub.s32 $0x0, s20;
	[sflag:s22] =	ssyncset.done $0x0  }
0xa0: {  	[sflag:s22] =	ssyncadd.s32 s4;
	_ =	sdelay $0x1  }
0xa1: {  	s23 =	simm.s32 $0x1B8B  }
0xa2: {  	_ =	swait.ge [sflag:s23], $0x1  }
0xa3: {  	[sflag:s23] =	ssyncset.done $0x0  }
0xa4: {  	s25 =	simm.s32 $0x1B8E;
	s24 =	sld [smem:$0x3FFE];
	[sflag:s23] =	ssyncadd.s32 $0xFFFFFFFF  }
0xa5: {  	s26 =	simm.s32 $execute0_lowered;
	[smem:$0x3FD2] =	sst s25  }
0xa6: {  	s5 =	sshll.u32 s26, $0x1;
	_ =	strace $0x8000005B;
	[dreg:$0x1] =	wrdreg $0xFFFFFFFF  }
0xa7: {  	s28 =	simm.s32 $_size_execute0_lowered;
	s3 =	sadd.s32 s3, s5;
	[dreg:$0x0] =	wrdreg $0x0  }
0xa8: {  	s5 =	sshll.u32 s28, $0x1;
	[dreg:$0x2] =	wrdreg s3  }
0xa9: {  	[dreg:$0x3] =	wrdreg s5  }
0xaa: {  	[dreg:$0x4] =	wrdreg $0xC0  }
0xab: {  	_ =	task [dreg:s7], $0x5FFFF  }
0xac: {  	[dreg:$0x1] =	wrdreg $0xFFFFFFFF  }
0xad: {  	[dreg:$0x0] =	wrdreg $0x60  }
0xae: {  	[dreg:$0x2] =	wrdreg s2  }
0xaf: {  	[dreg:$0x3] =	wrdreg s24  }
0xb0: {  	[dreg:$0x4] =	wrdreg $0x81000  }
0xb1: {  	[dreg:$0x5] =	wrdreg $0x9  }
0xb2: {  	_ =	task.clear_ibuf [dreg:s7], $0x6FFFF;
	_ =	strace $0x9000005B  }
0xb3: {  	s29 =	simm.s32 $0x9;
	_ =	strace $0x8000005D  }
0xb4: {  	_ =	swait.ge [sflag:s29], $0x1  }
0xb5: {  	[sflag:s29] =	ssyncadd.s32 $0xFFFFFFFF  }
0xb6: {  	_ =	strace $0x9000005D  }
0xb7: {  	_ =	sfence  }
0xb8: {  	s30 =	sld [smem:$0x0];
	_ =	sdelay $0x2  }
0xb9: {  	s31 =	sshll.u32 s1, $0xD;
	s1 =	sshrl.u32 s1, $0x2  }
0xba: {  	s3 =	sand.u32 $0x4000, s31;
	s1 =	sadd.s32 s1, s30  }
0xbb: {  	s0 =	sor.u32 s3, s0;
	s1 =	sshll.u32 s1, $0x11  }
0xbc: {  	s0 =	sor.u32 s1, s0  }
0xbd: {  	s0 =	sadd.s32 $0x8F2B, s0  }
0xbe: {  	[sflag:s0] =	ssyncadd.remote.s32 $0x1  }
0xbf: {  	_ =	sfence.sel $0xFFFF  }
0xc0: {  	[dreg:$0x0] =	wrdreg $0xFFFFFFFF;
	(pc) =	sbr.abs _section_cstart, $3  }
0xc1: {  	[dreg:$0x1] =	wrdreg $0xFFFFFFFF  }
0xc2: {  	_ =	task.clear_ibuf [dreg:s7], $0x2FFFF;
	_ =	strace $0x9FFFFFFF  }
0xc3: {  	(tm) =	ssettm $0x7FFFFFFF  }
tec
execute0_lowered:
.L_overlay_start_1:
0x0: {  	(tag) =	ssettag $0x1  }
0x1: {  	s1 =	rddreg [dreg:$0x0]  }
0x2: {  	s0 =	srdreg.scid;
	s2 =	rddreg [dreg:$0x1]  }
0x3: {  	s21 =	stileid.u32;
	s3 =	rddreg [dreg:$0x2];
	s4 =	simm.s32 $0x0  }
0x4: {  	s28 =	simm.s32 $0x1;
	s29 =	simm.s32 $0x100;
	s6 =	smul.u32 $0x2780, s21  }
0x5: {  	s30 =	simm.s32 $0x0;
	s7 =	sand.u32 $0x1, s0;
	s8 =	smul.u32 $0x50000, s21  }
0x6: {  	[smem:$0x7FF] =	sst s4;
	s24 =	sadd.s32 $0x25000, s2;
	s18 =	smul.u32 $0x14000, s21  }
0x7: {  	s5 =	smul.u32 $0x27800, s7;
	_ =	strace $0x8000005C;
	s22 =	ssub.s32 $0x2, s7  }
0x8: {  	[dreg:$0x4] =	wrdreg s24;
	s19 =	smul.u32 $0x140000, s7;
	s24 =	simm.s32 $0x4100  }
0x9: {  	s9 =	sshrl.u32 s22, $0x1;
	s25 =	sshrl.u32 s8, $0x2;
	s0 =	sadd.s32 s18, s3  }
0xa: {  	s14 =	sadd.s32 $0x4000, s18;
	s16 =	sadd.s32 $0x8000, s18;
	s20 =	sadd.s32 $0xC000, s18  }
0xb: {  	s5 =	sadd.s32 s6, s5;
	s9 =	ssub.s32 s22, s9;
	s6 =	sadd.s32 s25, s3  }
0xc: {  	[dreg:$0x5] =	wrdreg s0;
	s13 =	sadd.s32 s19, s18;
	s15 =	sadd.s32 s19, s14  }
0xd: {  	s14 =	sadd.s32 s14, s3;
	s17 =	sadd.s32 s19, s16;
	s16 =	sadd.s32 s16, s3  }
0xe: {  	s21 =	sadd.s32 s19, s20;
	s22 =	sadd.s32 $0x10000, s18;
	s18 =	sadd.s32 s20, s3  }
0xf: {  	s25 =	simm.s32 $0x2;
	s5 =	sshrl.u32 s5, $0x3;
	s8 =	smax.u32 s9, $0x1  }
0x10: {  	s9 =	sadd.s32 $0x4000, s6;
	s10 =	sadd.s32 $0x8000, s6;
	s11 =	sadd.s32 $0xC000, s6  }
0x11: {  	s12 =	sadd.s32 $0x10000, s6;
	s13 =	sshrl.u32 s13, $0x3;
	s15 =	sshrl.u32 s15, $0x3  }
0x12: {  	s17 =	sshrl.u32 s17, $0x3;
	s26 =	sshrl.u32 s21, $0x3;
	s31 =	sadd.s32 s19, s22  }
0x13: {  	s20 =	sadd.s32 s22, s3;
	s23 =	sadd.s32 s5, s2;
	s2 =	sadd.s32 $0x25800, s2  }
0x14: {  	s21 =	sshrl.u32 s31, $0x3;
	s13 =	sadd.s32 s2, s13;
	s15 =	sadd.s32 s2, s15  }
0x15: {  	s17 =	sadd.s32 s2, s17;
	s19 =	sadd.s32 s2, s26;
	s21 =	sadd.s32 s2, s21  }
0x16: {  	s22 =	sadd.s32 $0x7400, s23;
	s23 =	sadd.s32 $0x1B200, s23;
	s26 =	simm.s32 $0x80  }
.LBB2_1:
0x17: {  	s0 =	rddreg [dreg:$0x4]  }
0x18: {  	[tilespmem:s24], [sflag:$0x2] =	stream.linear.gather [hbm4b:s0+s4], $0x4000, $0x38;
	[tilespmem:$0x1C100] =	vst v63  }
0x19: {  	_ =	swait.ge [sflag:s25], $0x4000  }
0x1a: {  	[sflag:s25] =	ssyncset.done $0x0  }
0x1b: {  	[sflag:s25] =	ssyncadd.s32 $0xFFFFC000  }
0x1c: {  	[spmem:s6] =	stream.linear.scatter [tilespmem:s24], [sflag:$0x2], $0x4000, $0x38;
	[tilespmem:$0x1C100] =	vst v63  }
0x1d: {  	_ =	swait.ge [sflag:s25], $0x4000  }
0x1e: {  	[sflag:s25] =	ssyncset.done $0x0  }
0x1f: {  	[sflag:s25] =	ssyncadd.s32 $0xFFFFC000  }
0x20: {  	[spmem:s9] =	stream.linear.scatter [tilespmem:s24], [sflag:$0x2], $0x4000, $0x38;
	[tilespmem:$0x1C100] =	vst v63  }
0x21: {  	_ =	swait.ge [sflag:s25], $0x4000  }
0x22: {  	[sflag:s25] =	ssyncset.done $0x0  }
0x23: {  	[sflag:s25] =	ssyncadd.s32 $0xFFFFC000  }
0x24: {  	[spmem:s10] =	stream.linear.scatter [tilespmem:s24], [sflag:$0x2], $0x4000, $0x38;
	[tilespmem:$0x1C100] =	vst v63  }
0x25: {  	_ =	swait.ge [sflag:s25], $0x4000  }
0x26: {  	[sflag:s25] =	ssyncset.done $0x0  }
0x27: {  	[sflag:s25] =	ssyncadd.s32 $0xFFFFC000  }
0x28: {  	[spmem:s11] =	stream.linear.scatter [tilespmem:s24], [sflag:$0x2], $0x4000, $0x38;
	[tilespmem:$0x1C100] =	vst v63  }
0x29: {  	_ =	swait.ge [sflag:s25], $0x4000  }
0x2a: {  	[sflag:s25] =	ssyncset.done $0x0  }
0x2b: {  	[sflag:s25] =	ssyncadd.s32 $0xFFFFC000  }
0x2c: {  	[spmem:s12] =	stream.linear.scatter [tilespmem:s24], [sflag:$0x2], $0x4000, $0x38;
	[tilespmem:$0x1C100] =	vst v63  }
0x2d: {  	_ =	swait.ge [sflag:s25], $0x4000  }
0x2e: {  	[sflag:s25] =	ssyncset.done $0x0  }
0x2f: {  	[sflag:s25] =	ssyncadd.s32 $0xFFFFC000  }
0x30: {  	s2 =	sadd.s32 $0x0, s23;
	[bflag:$0x0] =	sbarrier.arrive $0xFFFF  }
0x31: {  	[tilespmem:s4], [sflag:$0x1] =	stream.linear.gather [hbm4b:s2+s4], $0x80, $0x38;
	[tilespmem:$0x1C100] =	vst v63  }
0x32: {  	s7 =	sadd.s32 $0x0, s22  }
0x33: {  	[tilespmem:s26], [sflag:$0x1] =	stream.linear.gather [hbm4b:s7+s4], $0x80, $0x38;
	[tilespmem:$0x1C100] =	vst v63  }
0x34: {  	_ =	swait.ge [sflag:s28], $0x80  }
0x35: {  	[sflag:s28] =	ssyncset.done $0x0  }
0x36: {  	[sflag:s28] =	ssyncadd.s32 $0xFFFFFF80  }
0x37: {  	_ =	swait.ge [sflag:s28], $0x80  }
0x38: {  	[sflag:s28] =	ssyncset.done $0x0  }
0x39: {  	[sflag:s28] =	ssyncadd.s32 $0xFFFFFF80  }
0x3a: {  	[tilespmem:s29], [sflag:$0x1] =	stream.indirect.gather [hbm4b:s1+s26], $0x80, s4, s26, $0xb8;
	[tilespmem:$0x1C100] =	vst v63  }
0x3b: {  	_ =	swait.ge [sflag:s28], $0x4000  }
0x3c: {  	[sflag:s28] =	ssyncset.done $0x0  }
0x3d: {  	[sflag:s28] =	ssyncadd.s32 $0xFFFFC000  }
0x3e: {  	[spmem:s3] =	stream.indirect.scatter.add.f32 [tilespmem:s29], [sflag:$0x2], $0x80, s26, s26, $0xb8;
	[tilespmem:$0x1C100] =	vst v63  }
0x3f: {  	_ =	swait.ge [sflag:s25], $0x4000  }
0x40: {  	s31 =	simm.s32 $0x10;
	s2 =	simm.s32 $0x20;
	[sflag:s25] =	ssyncset.done $0x0  }
.LBB2_2:
0x41: {  	s0 =	sadd.s32 s31, s23  }
0x42: {  	[sflag:s25] =	ssyncadd.s32 $0xFFFFC000;
	s5 =	smov.u32 s2;
	s7 =	sadd.s32 $0x10, s2  }
0x43: {  	[tilespmem:s4], [sflag:$0x1] =	stream.linear.gather [hbm4b:s0+s4], $0x80, $0x38;
	[tilespmem:$0x1C100] =	vst v63  }
0x44: {  	p0 =	sne.s32 s2, $0x4E0;
	s0 =	sadd.s32 s31, s22;
	s31 =	smov.u32 s5  }
0x45: {  	[tilespmem:s26], [sflag:$0x1] =	stream.linear.gather [hbm4b:s0+s4], $0x80, $0x38;
	[tilespmem:$0x1C100] =	vst v63  }
0x46: {  	_ =	swait.ge [sflag:s28], $0x80  }
0x47: {  	[sflag:s28] =	ssyncset.done $0x0  }
0x48: {  	[sflag:s28] =	ssyncadd.s32 $0xFFFFFF80  }
0x49: {  	_ =	swait.ge [sflag:s28], $0x80  }
0x4a: {  	[sflag:s28] =	ssyncset.done $0x0  }
0x4b: {  	[sflag:s28] =	ssyncadd.s32 $0xFFFFFF80  }
0x4c: {  	[tilespmem:s29], [sflag:$0x1] =	stream.indirect.gather [hbm4b:s1+s26], $0x80, s4, s26, $0xb8;
	[tilespmem:$0x1C100] =	vst v63  }
0x4d: {  	_ =	swait.ge [sflag:s28], $0x4000  }
.Ltmp0:
0x4e: {  	[sflag:s28] =	ssyncset.done $0x0;
	(pc) =	sbr.rel @p0 .LBB2_2-.Ltmp0, $4  }
0x4f: {  	[sflag:s28] =	ssyncadd.s32 $0xFFFFC000  }
0x50: {  	[spmem:s3] =	stream.indirect.scatter.add.f32 [tilespmem:s29], [sflag:$0x2], $0x80, s26, s26, $0xb8;
	[tilespmem:$0x1C100] =	vst v63  }
0x51: {  	_ =	swait.ge [sflag:s25], $0x4000  }
0x52: {  	s2 =	smov.u32 s7;
	[sflag:s25] =	ssyncset.done $0x0  }
0x53: {  	s0 =	sadd.s32 s31, s23;
	[sflag:s25] =	ssyncadd.s32 $0xFFFFC000  }
0x54: {  	[tilespmem:s4], [sflag:$0x1] =	stream.linear.gather [hbm4b:s0+s4], $0x80, $0x38;
	[tilespmem:$0x1C100] =	vst v63  }
0x55: {  	s7 =	sadd.s32 s31, s22  }
0x56: {  	[tilespmem:s26], [sflag:$0x1] =	stream.linear.gather [hbm4b:s7+s4], $0x80, $0x38;
	[tilespmem:$0x1C100] =	vst v63  }
0x57: {  	_ =	swait.ge [sflag:s28], $0x80  }
0x58: {  	[sflag:s28] =	ssyncset.done $0x0  }
0x59: {  	[sflag:s28] =	ssyncadd.s32 $0xFFFFFF80  }
0x5a: {  	_ =	swait.ge [sflag:s28], $0x80  }
0x5b: {  	[sflag:s28] =	ssyncset.done $0x0  }
0x5c: {  	[sflag:s28] =	ssyncadd.s32 $0xFFFFFF80  }
0x5d: {  	[tilespmem:s29], [sflag:$0x1] =	stream.indirect.gather [hbm4b:s1+s26], $0x80, s4, s26, $0xb8;
	[tilespmem:$0x1C100] =	vst v63  }
0x5e: {  	_ =	swait.ge [sflag:s28], $0x4000  }
0x5f: {  	[sflag:s28] =	ssyncset.done $0x0  }
0x60: {  	[sflag:s28] =	ssyncadd.s32 $0xFFFFC000  }
0x61: {  	[spmem:s3] =	stream.indirect.scatter.add.f32 [tilespmem:s29], [sflag:$0x2], $0x80, s26, s26, $0xb8;
	[tilespmem:$0x1C100] =	vst v63  }
0x62: {  	_ =	swait.ge [sflag:s25], $0x4000  }
0x63: {  	[sflag:s25] =	ssyncset.done $0x0  }
0x64: {  	[sflag:s25] =	ssyncadd.s32 $0xFFFFC000  }
0x65: {  	[bflag:$0x0] =	sbarrier.arrive $0xFFFF  }
0x66: {  	s31 =	rddreg [dreg:$0x5]  }
0x67: {  	[tilespmem:s24], [sflag:$0x2] =	stream.linear.gather [spmem:s31], $0x4000, $0x38;
	[tilespmem:$0x1C100] =	vst v63  }
0x68: {  	_ =	swait.ge [sflag:s25], $0x4000  }
0x69: {  	[sflag:s25] =	ssyncset.done $0x0  }
0x6a: {  	[sflag:s25] =	ssyncadd.s32 $0xFFFFC000  }
0x6b: {  	[hbm4b:s13+s4] =	stream.linear.scatter [tilespmem:s24], [sflag:$0x2], $0x4000, $0x38;
	[tilespmem:$0x1C100] =	vst v63  }
0x6c: {  	_ =	swait.ge [sflag:s25], $0x4000  }
0x6d: {  	[sflag:s25] =	ssyncset.done $0x0  }
0x6e: {  	[sflag:s25] =	ssyncadd.s32 $0xFFFFC000  }
0x6f: {  	[tilespmem:s24], [sflag:$0x2] =	stream.linear.gather [spmem:s14], $0x4000, $0x38;
	[tilespmem:$0x1C100] =	vst v63  }
0x70: {  	_ =	swait.ge [sflag:s25], $0x4000  }
0x71: {  	[sflag:s25] =	ssyncset.done $0x0  }
0x72: {  	[sflag:s25] =	ssyncadd.s32 $0xFFFFC000  }
0x73: {  	[hbm4b:s15+s4] =	stream.linear.scatter [tilespmem:s24], [sflag:$0x2], $0x4000, $0x38;
	[tilespmem:$0x1C100] =	vst v63  }
0x74: {  	_ =	swait.ge [sflag:s25], $0x4000  }
0x75: {  	[sflag:s25] =	ssyncset.done $0x0  }
0x76: {  	[sflag:s25] =	ssyncadd.s32 $0xFFFFC000  }
0x77: {  	[tilespmem:s24], [sflag:$0x2] =	stream.linear.gather [spmem:s16], $0x4000, $0x38;
	[tilespmem:$0x1C100] =	vst v63  }
0x78: {  	_ =	swait.ge [sflag:s25], $0x4000  }
0x79: {  	[sflag:s25] =	ssyncset.done $0x0  }
0x7a: {  	[sflag:s25] =	ssyncadd.s32 $0xFFFFC000  }
0x7b: {  	[hbm4b:s17+s4] =	stream.linear.scatter [tilespmem:s24], [sflag:$0x2], $0x4000, $0x38;
	[tilespmem:$0x1C100] =	vst v63  }
0x7c: {  	_ =	swait.ge [sflag:s25], $0x4000  }
0x7d: {  	[sflag:s25] =	ssyncset.done $0x0  }
0x7e: {  	[sflag:s25] =	ssyncadd.s32 $0xFFFFC000  }
0x7f: {  	[tilespmem:s24], [sflag:$0x2] =	stream.linear.gather [spmem:s18], $0x4000, $0x38;
	[tilespmem:$0x1C100] =	vst v63  }
0x80: {  	_ =	swait.ge [sflag:s25], $0x4000  }
0x81: {  	[sflag:s25] =	ssyncset.done $0x0  }
0x82: {  	[sflag:s25] =	ssyncadd.s32 $0xFFFFC000  }
0x83: {  	[hbm4b:s19+s4] =	stream.linear.scatter [tilespmem:s24], [sflag:$0x2], $0x4000, $0x38;
	[tilespmem:$0x1C100] =	vst v63  }
0x84: {  	_ =	swait.ge [sflag:s25], $0x4000  }
0x85: {  	[sflag:s25] =	ssyncset.done $0x0  }
0x86: {  	[sflag:s25] =	ssyncadd.s32 $0xFFFFC000  }
0x87: {  	[tilespmem:s24], [sflag:$0x2] =	stream.linear.gather [spmem:s20], $0x4000, $0x38;
	[tilespmem:$0x1C100] =	vst v63  }
0x88: {  	s30 =	sadd.s32 $0x1, s30;
	_ =	swait.ge [sflag:s25], $0x4000  }
0x89: {  	p0 =	sne.s32 s30, s8;
	[sflag:s25] =	ssyncset.done $0x0  }
.Ltmp1:
0x8a: {  	[sflag:s25] =	ssyncadd.s32 $0xFFFFC000;
	(pc) =	sbr.rel @p0 .LBB2_1-.Ltmp1, $4  }
0x8b: {  	[hbm4b:s21+s4] =	stream.linear.scatter [tilespmem:s24], [sflag:$0x2], $0x4000, $0x38;
	[tilespmem:$0x1C100] =	vst v63  }
0x8c: {  	_ =	swait.ge [sflag:s25], $0x4000  }
0x8d: {  	[sflag:s25] =	ssyncset.done $0x0  }
0x8e: {  	[sflag:s25] =	ssyncadd.s32 $0xFFFFC000  }
0x8f: {  	_ =	sfence.sel $0x180000  }
0x90: {  	[bflag:$0x0] =	sbarrier.arrive $0xFFFF  }
0x91: {  	_ =	strace $0x9000005C  }
0x92: {  	s0 =	stileid.u32;
	[bflag:$0x2] =	sbarrier.arrive $0xFFFF  }
0x93: {  	p0 =	sne.s32 s0, $0x0;
	s0 =	rddreg [dreg:$0x3]  }
0x94: {  	s0 =	sadd.s32 @!p0 $0x100000, s0  }
0x95: {  	[sflag:s0] =	ssyncadd.tile.s32 @!p0 $0x1;
	_ =	shalt  }
.Lfunc_end2:
_tile_overlayer_lowered:
.L_overlay_start_2:
0x96: {  	(tag) =	ssettag $0x2  }
0x97: {  	s0 =	rddreg [dreg:$0x0];
	s2 =	stileid.u32  }
0x98: {  	s1 =	rddreg [dreg:$0x1];
	p0 =	sne.s32 s2, $0x0  }
0x99: {  	s3 =	rddreg [dreg:$0x2];
	[bflag:$0x3] =	sbarrier.arrive $0xFFFF;
	s2 =	simm.s32 @!p0 $0x1C02  }
0x9a: {  	[timem:s3], [sflag:s2] =	dma.local @!p0 [hbm:s0], s1  }
0x9b: {  	s0 =	simm.s32 @!p0 $0x2  }
0x9c: {  	_ =	swait.ge @!p0 [sflag:s0], s1  }
0x9d: {  	s1 =	ssub.s32 @!p0 $0x0, s1;
	[sflag:s0] =	ssyncset.done @!p0 $0x0  }
0x9e: {  	[sflag:s0] =	ssyncadd.s32 @!p0 s1  }
0x9f: {  	[bflag:$0x3] =	sbarrier.arrive $0xFFFF  }
0xa0: {  	_ =	shalt  }

// kernel: kernel.48.cloned.1.call-start
scs
__scs_entry_jumppad:
0x0: {  	(pc) =	sbr.rel $0x88, $3  }
0x1: {  	(tag) =	ssettag $0x0;
	lr =	simm.s32 $0x1  }
0x2: {  	[smem:$0x3F9D] =	sst lr;
	_ =	strace $0xD0000000  }
0x3: {  	_ = 	snop  }
0x4: {  	_ = 	snop  }
0x5: {  	_ = 	snop  }
0x6: {  	_ = 	snop  }
0x7: {  	_ = 	snop  }
__scs_overlays_trampoline_lowered:
0x8: {  	[smem:$0x3FAC] =	sst s0  }
0x9: {  	[smem:$0x3FAD] =	sst s1  }
0xa: {  	[smem:$0x3FAE] =	sst s2  }
0xb: {  	[smem:$0x3FAF] =	sst s3  }
0xc: {  	[smem:$0x3FB0] =	sst s4  }
0xd: {  	[smem:$0x3FB1] =	sst s5  }
0xe: {  	[smem:$0x3FB2] =	sst s6  }
0xf: {  	[smem:$0x3FB3] =	sst s7  }
0x10: {  	[smem:$0x3FB4] =	sst s8  }
0x11: {  	[smem:$0x3FB5] =	sst s9;
	s0 =	simm.s32 @!p0 $0x0  }
0x12: {  	s1 =	sld [smem:$0x3F9B];
	s0 =	simm.s32 @p0 $0x1  }
0x13: {  	[smem:$0x3FB6] =	sst s0;
	s0 =	simm.s32 @!p1 $0x0  }
0x14: {  	s2 =	sld [smem:$0x3F9A];
	s0 =	simm.s32 @p1 $0x1  }
0x15: {  	[smem:$0x3FB7] =	sst s0;
	s0 =	simm.s32 @!p2 $0x0  }
0x16: {  	s3 =	sld [smem:$0x3FDB];
	s0 =	simm.s32 @p2 $0x1  }
0x17: {  	s4 =	simm.s32 $0x1BF5;
	[smem:$0x3FB9] =	sst s0  }
0x18: {  	s0 =	sld [smem:$0x3F9C];
	_ =	swait.ge [sflag:s4], $0x0  }
0x19: {  	s7 =	sld [smem:$0x3F9D]  }
0x1a: {  	s8 =	sadd.s32 $0xFFFFE003, lr  }
0x1b: {  	s9 =	sadd.s32 $0xFFFFFEF7, lr;
	s5 =	simm.s32 $0xFFFFFFFF;
	p2 =	slt.u32 s8, $0xFFFFF086  }
0x1c: {  	p1 =	slt.u32 s9, $0xF7A;
	s5 =	simm.s32 @!p2 $0x0  }
0x1d: {  	s5 =	simm.s32 @p1 $0x1;
	p0 =	seq.s32 s7, s2  }
0x1e: {  	s7 =	smul.u32 @!p0 $0xF7A, s2;
	p2 =	seq.s32 @!p0 s5, $0x0  }
0x1f: {  	s9 =	smul.u32 $0xF7A, s1;
	s8 =	simm.s32 @!p0 $0x1BF5;
	p2 =	por !p2, p0  }
0x20: {  	[sflag:s8] =	ssyncset.s32 @!p0 $0xFFFFF086;
	s6 =	sadd.s32 @!p0 s3, s7;
	s7 =	simm.s32 @!p0 $0x108  }
0x21: {  	s3 =	sadd.s32 s3, s9;
	s6 =	sadd.s32 @!p0 $0x88, s6;
	s7 =	simm.s32 @p2 $0x1082  }
0x22: {  	[simem:s7], [sflag:s8] =	dma.local @!p0 [hbm:s6], $0xF7A  }
0x23: {  	s9 =	sor.u32 $0xD0000000, s2;
	s6 =	simm.s32 $0x108;
	_ =	swait.ge @!p0 [sflag:s8], $0x0  }
0x24: {  	s3 =	sadd.s32 $0x88, s3;
	s6 =	simm.s32 @!p1 $0x1082;
	[sflag:s4] =	ssyncset.s32 $0xFFFFF086  }
0x25: {  	[simem:s6], [sflag:s4] =	dma.local [hbm:s3], $0xF7A  }
0x26: {  	[smem:$0x3F9D] =	sst s1;
	(tag) =	ssettag s2;
	_ =	strace s9  }
0x27: {  	s1 =	sld [smem:$0x3FAD]  }
0x28: {  	s2 =	sld [smem:$0x3FAE]  }
0x29: {  	s4 =	sld [smem:$0x3FB0]  }
0x2a: {  	p0 =	seq.s32 s5, $0x0;
	s5 =	sld [smem:$0x3FB1]  }
0x2b: {  	s6 =	sld [smem:$0x3FB2]  }
0x2c: {  	s7 =	sld [smem:$0x3FB3]  }
0x2d: {  	s3 =	simm.s32 $0x108;
	s8 =	sld [smem:$0x3FB4]  }
0x2e: {  	s3 =	simm.s32 @!p0 $0x1082;
	s9 =	sld [smem:$0x3FB5]  }
0x2f: {  	lr =	sadd.s32 s0, s3;
	s0 =	sld [smem:$0x3FAC]  }
0x30: {  	s3 =	sld [smem:$0x3FAF]  }
0x31: {  	[smem:$0x3FB8] =	sst s10  }
0x32: {  	s10 =	sld [smem:$0x3FB6];
	_ =	sdelay $0x3  }
0x33: {  	p0 =	seq.s32 s10, $0x1;
	s10 =	sld [smem:$0x3FB8];
	_ =	sdelay $0x3  }
0x34: {  	[smem:$0x3FB8] =	sst s10  }
0x35: {  	s10 =	sld [smem:$0x3FB7];
	_ =	sdelay $0x3  }
0x36: {  	p1 =	seq.s32 s10, $0x1;
	s10 =	sld [smem:$0x3FB8];
	_ =	sdelay $0x3  }
0x37: {  	[smem:$0x3FB8] =	sst s10  }
0x38: {  	s10 =	sld [smem:$0x3FB9]  }
0x39: {  	_ = 	snop;
	(pc) =	sbr.ind lr, $3  }
0x3a: {  	_ = 	snop  }
0x3b: {  	_ = 	snop  }
0x3c: {  	p2 =	seq.s32 s10, $0x1;
	s10 =	sld [smem:$0x3FB8]  }
0x3d: {  	_ =	shalt  }
0x3e: {  	_ =	shalt  }
0x3f: {  	_ =	shalt  }
0x40: {  	_ =	shalt  }
0x41: {  	_ =	shalt  }
0x42: {  	_ =	shalt  }
0x43: {  	_ =	shalt  }
0x44: {  	_ =	shalt  }
0x45: {  	_ =	shalt  }
0x46: {  	_ =	shalt  }
0x47: {  	_ =	shalt  }
0x48: {  	_ =	shalt  }
0x49: {  	_ =	shalt  }
0x4a: {  	_ =	shalt  }
0x4b: {  	_ =	shalt  }
0x4c: {  	_ =	shalt  }
0x4d: {  	_ =	shalt  }
0x4e: {  	_ =	shalt  }
0x4f: {  	_ =	shalt  }
0x50: {  	_ =	shalt  }
0x51: {  	_ =	shalt  }
0x52: {  	_ =	shalt  }
0x53: {  	_ =	shalt  }
0x54: {  	_ =	shalt  }
0x55: {  	_ =	shalt  }
0x56: {  	_ =	shalt  }
0x57: {  	_ =	shalt  }
0x58: {  	_ =	shalt  }
0x59: {  	_ =	shalt  }
0x5a: {  	_ =	shalt  }
0x5b: {  	_ =	shalt  }
0x5c: {  	_ =	shalt  }
0x5d: {  	_ =	shalt  }
0x5e: {  	_ =	shalt  }
0x5f: {  	_ =	shalt  }
0x60: {  	_ =	shalt  }
0x61: {  	_ =	shalt  }
0x62: {  	_ =	shalt  }
0x63: {  	_ =	shalt  }
0x64: {  	_ =	shalt  }
0x65: {  	_ =	shalt  }
0x66: {  	_ =	shalt  }
0x67: {  	_ =	shalt  }
0x68: {  	_ =	shalt  }
0x69: {  	_ =	shalt  }
0x6a: {  	_ =	shalt  }
0x6b: {  	_ =	shalt  }
0x6c: {  	_ =	shalt  }
0x6d: {  	_ =	shalt  }
0x6e: {  	_ =	shalt  }
0x6f: {  	_ =	shalt  }
0x70: {  	_ =	shalt  }
0x71: {  	_ =	shalt  }
0x72: {  	_ =	shalt  }
0x73: {  	_ =	shalt  }
0x74: {  	_ =	shalt  }
0x75: {  	_ =	shalt  }
0x76: {  	_ =	shalt  }
0x77: {  	_ =	shalt  }
0x78: {  	_ =	shalt  }
0x79: {  	_ =	shalt  }
0x7a: {  	_ =	shalt  }
0x7b: {  	_ =	shalt  }
0x7c: {  	_ =	shalt  }
0x7d: {  	_ =	shalt  }
0x7e: {  	_ =	shalt  }
0x7f: {  	_ =	shalt  }
0x80: {  	_ =	shalt  }
0x81: {  	_ =	shalt  }
0x82: {  	_ =	shalt  }
0x83: {  	_ =	shalt  }
0x84: {  	_ =	shalt  }
0x85: {  	_ =	shalt  }
0x86: {  	_ =	shalt  }
0x87: {  	_ =	shalt  }
.Lfunc_end0:
.L_simem_size_0:
called_computation.8_lowered:
.L_overlay_start_0:
0x88: {  	s2 =	sld [smem:$0x3FD9]  }
0x89: {  	s3 =	sld [smem:$0x3FFE];
	_ =	sdelay $0x1  }
0x8a: {  	s1 =	srdreg.scid  }
0x8b: {  	s0 =	sand.u32 $0x1, s1  }
0x8c: {  	s17 =	sshll.u32 s0, $0xA;
	s2 =	sadd.s32 s3, s2  }
0x8d: {  	s2 =	sadd.s32 s2, s17  }
0x8e: {  	[smem:$0x3FC4] =	sst s2  }
0x8f: {  	_ = 	snop  }
0x90: {  	s2 =	sld [smem:$0x3FD0];
	(tm) =	ssettm $0x1  }
0x91: {  	s18 =	sld [smem:$0x3FFB];
	_ =	sdelay $0x3  }
0x92: {  	_ =	strace s18  }
0x93: {  	s3 =	sld [smem:$0x3FFC];
	_ =	sdelay $0x3  }
0x94: {  	_ =	strace s3  }
0x95: {  	s3 =	sld [smem:$0x3FFD];
	_ =	sdelay $0x3  }
0x96: {  	_ =	strace s3  }
0x97: {  	_ =	strace $0x8FFFFFFF  }
0x98: {  	s19 =	sld [smem:$0x3FDB];
	_ =	sdelay $0x1  }
0x99: {  	s4 =	simm.s32 $_scs_section_size  }
0x9a: {  	s5 =	simm.s32 $_size__tile_overlayer_lowered;
	s6 =	simm.s32 $_tile_overlayer_lowered  }
0x9b: {  	s22 =	simm.s32 $0x1BFF;
	s21 =	sshll.u32 s6, $0x1;
	s3 =	sadd.s32 s4, s19  }
0x9c: {  	s7 =	simm.s32 $0x0;
	s20 =	sshll.u32 s5, $0x1;
	s5 =	sadd.s32 s21, s3  }
0x9d: {  	[timem:s7], [sflag:s22] =	dma.local [hbm:s5], s20  }
0x9e: {  	_ =	swait.ge [sflag:s22], s20  }
0x9f: {  	s4 =	ssub.s32 $0x0, s20;
	[sflag:s22] =	ssyncset.done $0x0  }
0xa0: {  	[sflag:s22] =	ssyncadd.s32 s4;
	_ =	sdelay $0x1  }
0xa1: {  	s23 =	simm.s32 $0x1B8B  }
0xa2: {  	_ =	swait.ge [sflag:s23], $0x1  }
0xa3: {  	[sflag:s23] =	ssyncset.done $0x0  }
0xa4: {  	s25 =	simm.s32 $0x1B8E;
	s24 =	sld [smem:$0x3FFE];
	[sflag:s23] =	ssyncadd.s32 $0xFFFFFFFF  }
0xa5: {  	s26 =	simm.s32 $execute0_lowered;
	[smem:$0x3FD2] =	sst s25  }
0xa6: {  	s5 =	sshll.u32 s26, $0x1;
	_ =	strace $0x8000005E;
	[dreg:$0x1] =	wrdreg $0xFFFFFFFF  }
0xa7: {  	s28 =	simm.s32 $_size_execute0_lowered;
	s3 =	sadd.s32 s3, s5;
	[dreg:$0x0] =	wrdreg $0x0  }
0xa8: {  	s5 =	sshll.u32 s28, $0x1;
	[dreg:$0x2] =	wrdreg s3  }
0xa9: {  	[dreg:$0x3] =	wrdreg s5  }
0xaa: {  	[dreg:$0x4] =	wrdreg $0xC0  }
0xab: {  	_ =	task [dreg:s7], $0x5FFFF  }
0xac: {  	[dreg:$0x1] =	wrdreg $0xFFFFFFFF  }
0xad: {  	[dreg:$0x0] =	wrdreg $0x60  }
0xae: {  	[dreg:$0x2] =	wrdreg s2  }
0xaf: {  	[dreg:$0x3] =	wrdreg s24  }
0xb0: {  	[dreg:$0x4] =	wrdreg $0x81000  }
0xb1: {  	[dreg:$0x5] =	wrdreg $0x9  }
0xb2: {  	_ =	task.clear_ibuf [dreg:s7], $0x6FFFF;
	_ =	strace $0x9000005E  }
0xb3: {  	s29 =	simm.s32 $0x9;
	_ =	strace $0x80000060  }
0xb4: {  	_ =	swait.ge [sflag:s29], $0x1  }
0xb5: {  	[sflag:s29] =	ssyncadd.s32 $0xFFFFFFFF  }
0xb6: {  	_ =	strace $0x90000060  }
0xb7: {  	_ =	sfence  }
0xb8: {  	s30 =	sld [smem:$0x0];
	_ =	sdelay $0x2  }
0xb9: {  	s31 =	sshll.u32 s1, $0xD;
	s1 =	sshrl.u32 s1, $0x2  }
0xba: {  	s3 =	sand.u32 $0x4000, s31;
	s1 =	sadd.s32 s1, s30  }
0xbb: {  	s0 =	sor.u32 s3, s0;
	s1 =	sshll.u32 s1, $0x11  }
0xbc: {  	s0 =	sor.u32 s1, s0  }
0xbd: {  	s0 =	sadd.s32 $0x8F2B, s0  }
0xbe: {  	[sflag:s0] =	ssyncadd.remote.s32 $0x1  }
0xbf: {  	_ =	sfence.sel $0xFFFF  }
0xc0: {  	[dreg:$0x0] =	wrdreg $0xFFFFFFFF;
	(pc) =	sbr.abs _section_cstart, $3  }
0xc1: {  	[dreg:$0x1] =	wrdreg $0xFFFFFFFF  }
0xc2: {  	_ =	task.clear_ibuf [dreg:s7], $0x2FFFF;
	_ =	strace $0x9FFFFFFF  }
0xc3: {  	(tm) =	ssettm $0x7FFFFFFF  }
tec
execute0_lowered:
.L_overlay_start_1:
0x0: {  	(tag) =	ssettag $0x1  }
0x1: {  	s1 =	rddreg [dreg:$0x0]  }
0x2: {  	s0 =	srdreg.scid;
	s2 =	rddreg [dreg:$0x1]  }
0x3: {  	s21 =	stileid.u32;
	s3 =	rddreg [dreg:$0x2];
	s4 =	simm.s32 $0x0  }
0x4: {  	s28 =	simm.s32 $0x1;
	s29 =	simm.s32 $0x100;
	s6 =	smul.u32 $0x2780, s21  }
0x5: {  	s30 =	simm.s32 $0x0;
	s7 =	sand.u32 $0x1, s0;
	s8 =	smul.u32 $0x50000, s21  }
0x6: {  	[smem:$0x7FF] =	sst s4;
	s24 =	sadd.s32 $0x25000, s2;
	s18 =	smul.u32 $0x14000, s21  }
0x7: {  	s5 =	smul.u32 $0x27800, s7;
	_ =	strace $0x8000005F;
	s22 =	ssub.s32 $0x2, s7  }
0x8: {  	[dreg:$0x4] =	wrdreg s24;
	s19 =	smul.u32 $0x140000, s7;
	s24 =	simm.s32 $0x4100  }
0x9: {  	s9 =	sshrl.u32 s22, $0x1;
	s25 =	sshrl.u32 s8, $0x2;
	s0 =	sadd.s32 s18, s3  }
0xa: {  	s14 =	sadd.s32 $0x4000, s18;
	s16 =	sadd.s32 $0x8000, s18;
	s20 =	sadd.s32 $0xC000, s18  }
0xb: {  	s5 =	sadd.s32 s6, s5;
	s9 =	ssub.s32 s22, s9;
	s6 =	sadd.s32 s25, s3  }
0xc: {  	[dreg:$0x5] =	wrdreg s0;
	s13 =	sadd.s32 s19, s18;
	s15 =	sadd.s32 s19, s14  }
0xd: {  	s14 =	sadd.s32 s14, s3;
	s17 =	sadd.s32 s19, s16;
	s16 =	sadd.s32 s16, s3  }
0xe: {  	s21 =	sadd.s32 s19, s20;
	s22 =	sadd.s32 $0x10000, s18;
	s18 =	sadd.s32 s20, s3  }
0xf: {  	s25 =	simm.s32 $0x2;
	s5 =	sshrl.u32 s5, $0x3;
	s8 =	smax.u32 s9, $0x1  }
0x10: {  	s9 =	sadd.s32 $0x4000, s6;
	s10 =	sadd.s32 $0x8000, s6;
	s11 =	sadd.s32 $0xC000, s6  }
0x11: {  	s12 =	sadd.s32 $0x10000, s6;
	s13 =	sshrl.u32 s13, $0x3;
	s15 =	sshrl.u32 s15, $0x3  }
0x12: {  	s17 =	sshrl.u32 s17, $0x3;
	s26 =	sshrl.u32 s21, $0x3;
	s31 =	sadd.s32 s19, s22  }
0x13: {  	s20 =	sadd.s32 s22, s3;
	s23 =	sadd.s32 s5, s2;
	s2 =	sadd.s32 $0x25800, s2  }
0x14: {  	s21 =	sshrl.u32 s31, $0x3;
	s13 =	sadd.s32 s2, s13;
	s15 =	sadd.s32 s2, s15  }
0x15: {  	s17 =	sadd.s32 s2, s17;
	s19 =	sadd.s32 s2, s26;
	s21 =	sadd.s32 s2, s21  }
0x16: {  	s22 =	sadd.s32 $0x7400, s23;
	s23 =	sadd.s32 $0x1B200, s23;
	s26 =	simm.s32 $0x80  }
.LBB2_1:
0x17: {  	s0 =	rddreg [dreg:$0x4]  }
0x18: {  	[tilespmem:s24], [sflag:$0x2] =	stream.linear.gather [hbm4b:s0+s4], $0x4000, $0x38;
	[tilespmem:$0x1C100] =	vst v63  }
0x19: {  	_ =	swait.ge [sflag:s25], $0x4000  }
0x1a: {  	[sflag:s25] =	ssyncset.done $0x0  }
0x1b: {  	[sflag:s25] =	ssyncadd.s32 $0xFFFFC000  }
0x1c: {  	[spmem:s6] =	stream.linear.scatter [tilespmem:s24], [sflag:$0x2], $0x4000, $0x38;
	[tilespmem:$0x1C100] =	vst v63  }
0x1d: {  	_ =	swait.ge [sflag:s25], $0x4000  }
0x1e: {  	[sflag:s25] =	ssyncset.done $0x0  }
0x1f: {  	[sflag:s25] =	ssyncadd.s32 $0xFFFFC000  }
0x20: {  	[spmem:s9] =	stream.linear.scatter [tilespmem:s24], [sflag:$0x2], $0x4000, $0x38;
	[tilespmem:$0x1C100] =	vst v63  }
0x21: {  	_ =	swait.ge [sflag:s25], $0x4000  }
0x22: {  	[sflag:s25] =	ssyncset.done $0x0  }
0x23: {  	[sflag:s25] =	ssyncadd.s32 $0xFFFFC000  }
0x24: {  	[spmem:s10] =	stream.linear.scatter [tilespmem:s24], [sflag:$0x2], $0x4000, $0x38;
	[tilespmem:$0x1C100] =	vst v63  }
0x25: {  	_ =	swait.ge [sflag:s25], $0x4000  }
0x26: {  	[sflag:s25] =	ssyncset.done $0x0  }
0x27: {  	[sflag:s25] =	ssyncadd.s32 $0xFFFFC000  }
0x28: {  	[spmem:s11] =	stream.linear.scatter [tilespmem:s24], [sflag:$0x2], $0x4000, $0x38;
	[tilespmem:$0x1C100] =	vst v63  }
0x29: {  	_ =	swait.ge [sflag:s25], $0x4000  }
0x2a: {  	[sflag:s25] =	ssyncset.done $0x0  }
0x2b: {  	[sflag:s25] =	ssyncadd.s32 $0xFFFFC000  }
0x2c: {  	[spmem:s12] =	stream.linear.scatter [tilespmem:s24], [sflag:$0x2], $0x4000, $0x38;
	[tilespmem:$0x1C100] =	vst v63  }
0x2d: {  	_ =	swait.ge [sflag:s25], $0x4000  }
0x2e: {  	[sflag:s25] =	ssyncset.done $0x0  }
0x2f: {  	[sflag:s25] =	ssyncadd.s32 $0xFFFFC000  }
0x30: {  	s2 =	sadd.s32 $0x0, s23;
	[bflag:$0x0] =	sbarrier.arrive $0xFFFF  }
0x31: {  	[tilespmem:s4], [sflag:$0x1] =	stream.linear.gather [hbm4b:s2+s4], $0x80, $0x38;
	[tilespmem:$0x1C100] =	vst v63  }
0x32: {  	s7 =	sadd.s32 $0x0, s22  }
0x33: {  	[tilespmem:s26], [sflag:$0x1] =	stream.linear.gather [hbm4b:s7+s4], $0x80, $0x38;
	[tilespmem:$0x1C100] =	vst v63  }
0x34: {  	_ =	swait.ge [sflag:s28], $0x80  }
0x35: {  	[sflag:s28] =	ssyncset.done $0x0  }
0x36: {  	[sflag:s28] =	ssyncadd.s32 $0xFFFFFF80  }
0x37: {  	_ =	swait.ge [sflag:s28], $0x80  }
0x38: {  	[sflag:s28] =	ssyncset.done $0x0  }
0x39: {  	[sflag:s28] =	ssyncadd.s32 $0xFFFFFF80  }
0x3a: {  	[tilespmem:s29], [sflag:$0x1] =	stream.indirect.gather [hbm4b:s1+s26], $0x80, s4, s26, $0xb8;
	[tilespmem:$0x1C100] =	vst v63  }
0x3b: {  	_ =	swait.ge [sflag:s28], $0x4000  }
0x3c: {  	[sflag:s28] =	ssyncset.done $0x0  }
0x3d: {  	[sflag:s28] =	ssyncadd.s32 $0xFFFFC000  }
0x3e: {  	[spmem:s3] =	stream.indirect.scatter.add.f32 [tilespmem:s29], [sflag:$0x2], $0x80, s26, s26, $0xb8;
	[tilespmem:$0x1C100] =	vst v63  }
0x3f: {  	_ =	swait.ge [sflag:s25], $0x4000  }
0x40: {  	s31 =	simm.s32 $0x10;
	s2 =	simm.s32 $0x20;
	[sflag:s25] =	ssyncset.done $0x0  }
.LBB2_2:
0x41: {  	s0 =	sadd.s32 s31, s23  }
0x42: {  	[sflag:s25] =	ssyncadd.s32 $0xFFFFC000;
	s5 =	smov.u32 s2;
	s7 =	sadd.s32 $0x10, s2  }
0x43: {  	[tilespmem:s4], [sflag:$0x1] =	stream.linear.gather [hbm4b:s0+s4], $0x80, $0x38;
	[tilespmem:$0x1C100] =	vst v63  }
0x44: {  	p0 =	sne.s32 s2, $0x4E0;
	s0 =	sadd.s32 s31, s22;
	s31 =	smov.u32 s5  }
0x45: {  	[tilespmem:s26], [sflag:$0x1] =	stream.linear.gather [hbm4b:s0+s4], $0x80, $0x38;
	[tilespmem:$0x1C100] =	vst v63  }
0x46: {  	_ =	swait.ge [sflag:s28], $0x80  }
0x47: {  	[sflag:s28] =	ssyncset.done $0x0  }
0x48: {  	[sflag:s28] =	ssyncadd.s32 $0xFFFFFF80  }
0x49: {  	_ =	swait.ge [sflag:s28], $0x80  }
0x4a: {  	[sflag:s28] =	ssyncset.done $0x0  }
0x4b: {  	[sflag:s28] =	ssyncadd.s32 $0xFFFFFF80  }
0x4c: {  	[tilespmem:s29], [sflag:$0x1] =	stream.indirect.gather [hbm4b:s1+s26], $0x80, s4, s26, $0xb8;
	[tilespmem:$0x1C100] =	vst v63  }
0x4d: {  	_ =	swait.ge [sflag:s28], $0x4000  }
.Ltmp0:
0x4e: {  	[sflag:s28] =	ssyncset.done $0x0;
	(pc) =	sbr.rel @p0 .LBB2_2-.Ltmp0, $4  }
0x4f: {  	[sflag:s28] =	ssyncadd.s32 $0xFFFFC000  }
0x50: {  	[spmem:s3] =	stream.indirect.scatter.add.f32 [tilespmem:s29], [sflag:$0x2], $0x80, s26, s26, $0xb8;
	[tilespmem:$0x1C100] =	vst v63  }
0x51: {  	_ =	swait.ge [sflag:s25], $0x4000  }
0x52: {  	s2 =	smov.u32 s7;
	[sflag:s25] =	ssyncset.done $0x0  }
0x53: {  	s0 =	sadd.s32 s31, s23;
	[sflag:s25] =	ssyncadd.s32 $0xFFFFC000  }
0x54: {  	[tilespmem:s4], [sflag:$0x1] =	stream.linear.gather [hbm4b:s0+s4], $0x80, $0x38;
	[tilespmem:$0x1C100] =	vst v63  }
0x55: {  	s7 =	sadd.s32 s31, s22  }
0x56: {  	[tilespmem:s26], [sflag:$0x1] =	stream.linear.gather [hbm4b:s7+s4], $0x80, $0x38;
	[tilespmem:$0x1C100] =	vst v63  }
0x57: {  	_ =	swait.ge [sflag:s28], $0x80  }
0x58: {  	[sflag:s28] =	ssyncset.done $0x0  }
0x59: {  	[sflag:s28] =	ssyncadd.s32 $0xFFFFFF80  }
0x5a: {  	_ =	swait.ge [sflag:s28], $0x80  }
0x5b: {  	[sflag:s28] =	ssyncset.done $0x0  }
0x5c: {  	[sflag:s28] =	ssyncadd.s32 $0xFFFFFF80  }
0x5d: {  	[tilespmem:s29], [sflag:$0x1] =	stream.indirect.gather [hbm4b:s1+s26], $0x80, s4, s26, $0xb8;
	[tilespmem:$0x1C100] =	vst v63  }
0x5e: {  	_ =	swait.ge [sflag:s28], $0x4000  }
0x5f: {  	[sflag:s28] =	ssyncset.done $0x0  }
0x60: {  	[sflag:s28] =	ssyncadd.s32 $0xFFFFC000  }
0x61: {  	[spmem:s3] =	stream.indirect.scatter.add.f32 [tilespmem:s29], [sflag:$0x2], $0x80, s26, s26, $0xb8;
	[tilespmem:$0x1C100] =	vst v63  }
0x62: {  	_ =	swait.ge [sflag:s25], $0x4000  }
0x63: {  	[sflag:s25] =	ssyncset.done $0x0  }
0x64: {  	[sflag:s25] =	ssyncadd.s32 $0xFFFFC000  }
0x65: {  	[bflag:$0x0] =	sbarrier.arrive $0xFFFF  }
0x66: {  	s31 =	rddreg [dreg:$0x5]  }
0x67: {  	[tilespmem:s24], [sflag:$0x2] =	stream.linear.gather [spmem:s31], $0x4000, $0x38;
	[tilespmem:$0x1C100] =	vst v63  }
0x68: {  	_ =	swait.ge [sflag:s25], $0x4000  }
0x69: {  	[sflag:s25] =	ssyncset.done $0x0  }
0x6a: {  	[sflag:s25] =	ssyncadd.s32 $0xFFFFC000  }
0x6b: {  	[hbm4b:s13+s4] =	stream.linear.scatter [tilespmem:s24], [sflag:$0x2], $0x4000, $0x38;
	[tilespmem:$0x1C100] =	vst v63  }
0x6c: {  	_ =	swait.ge [sflag:s25], $0x4000  }
0x6d: {  	[sflag:s25] =	ssyncset.done $0x0  }
0x6e: {  	[sflag:s25] =	ssyncadd.s32 $0xFFFFC000  }
0x6f: {  	[tilespmem:s24], [sflag:$0x2] =	stream.linear.gather [spmem:s14], $0x4000, $0x38;
	[tilespmem:$0x1C100] =	vst v63  }
0x70: {  	_ =	swait.ge [sflag:s25], $0x4000  }
0x71: {  	[sflag:s25] =	ssyncset.done $0x0  }
0x72: {  	[sflag:s25] =	ssyncadd.s32 $0xFFFFC000  }
0x73: {  	[hbm4b:s15+s4] =	stream.linear.scatter [tilespmem:s24], [sflag:$0x2], $0x4000, $0x38;
	[tilespmem:$0x1C100] =	vst v63  }
0x74: {  	_ =	swait.ge [sflag:s25], $0x4000  }
0x75: {  	[sflag:s25] =	ssyncset.done $0x0  }
0x76: {  	[sflag:s25] =	ssyncadd.s32 $0xFFFFC000  }
0x77: {  	[tilespmem:s24], [sflag:$0x2] =	stream.linear.gather [spmem:s16], $0x4000, $0x38;
	[tilespmem:$0x1C100] =	vst v63  }
0x78: {  	_ =	swait.ge [sflag:s25], $0x4000  }
0x79: {  	[sflag:s25] =	ssyncset.done $0x0  }
0x7a: {  	[sflag:s25] =	ssyncadd.s32 $0xFFFFC000  }
0x7b: {  	[hbm4b:s17+s4] =	stream.linear.scatter [tilespmem:s24], [sflag:$0x2], $0x4000, $0x38;
	[tilespmem:$0x1C100] =	vst v63  }
0x7c: {  	_ =	swait.ge [sflag:s25], $0x4000  }
0x7d: {  	[sflag:s25] =	ssyncset.done $0x0  }
0x7e: {  	[sflag:s25] =	ssyncadd.s32 $0xFFFFC000  }
0x7f: {  	[tilespmem:s24], [sflag:$0x2] =	stream.linear.gather [spmem:s18], $0x4000, $0x38;
	[tilespmem:$0x1C100] =	vst v63  }
0x80: {  	_ =	swait.ge [sflag:s25], $0x4000  }
0x81: {  	[sflag:s25] =	ssyncset.done $0x0  }
0x82: {  	[sflag:s25] =	ssyncadd.s32 $0xFFFFC000  }
0x83: {  	[hbm4b:s19+s4] =	stream.linear.scatter [tilespmem:s24], [sflag:$0x2], $0x4000, $0x38;
	[tilespmem:$0x1C100] =	vst v63  }
0x84: {  	_ =	swait.ge [sflag:s25], $0x4000  }
0x85: {  	[sflag:s25] =	ssyncset.done $0x0  }
0x86: {  	[sflag:s25] =	ssyncadd.s32 $0xFFFFC000  }
0x87: {  	[tilespmem:s24], [sflag:$0x2] =	stream.linear.gather [spmem:s20], $0x4000, $0x38;
	[tilespmem:$0x1C100] =	vst v63  }
0x88: {  	s30 =	sadd.s32 $0x1, s30;
	_ =	swait.ge [sflag:s25], $0x4000  }
0x89: {  	p0 =	sne.s32 s30, s8;
	[sflag:s25] =	ssyncset.done $0x0  }
.Ltmp1:
0x8a: {  	[sflag:s25] =	ssyncadd.s32 $0xFFFFC000;
	(pc) =	sbr.rel @p0 .LBB2_1-.Ltmp1, $4  }
0x8b: {  	[hbm4b:s21+s4] =	stream.linear.scatter [tilespmem:s24], [sflag:$0x2], $0x4000, $0x38;
	[tilespmem:$0x1C100] =	vst v63  }
0x8c: {  	_ =	swait.ge [sflag:s25], $0x4000  }
0x8d: {  	[sflag:s25] =	ssyncset.done $0x0  }
0x8e: {  	[sflag:s25] =	ssyncadd.s32 $0xFFFFC000  }
0x8f: {  	_ =	sfence.sel $0x180000  }
0x90: {  	[bflag:$0x0] =	sbarrier.arrive $0xFFFF  }
0x91: {  	_ =	strace $0x9000005F  }
0x92: {  	s0 =	stileid.u32;
	[bflag:$0x2] =	sbarrier.arrive $0xFFFF  }
0x93: {  	p0 =	sne.s32 s0, $0x0;
	s0 =	rddreg [dreg:$0x3]  }
0x94: {  	s0 =	sadd.s32 @!p0 $0x100000, s0  }
0x95: {  	[sflag:s0] =	ssyncadd.tile.s32 @!p0 $0x1;
	_ =	shalt  }
.Lfunc_end2:
_tile_overlayer_lowered:
.L_overlay_start_2:
0x96: {  	(tag) =	ssettag $0x2  }
0x97: {  	s0 =	rddreg [dreg:$0x0];
	s2 =	stileid.u32  }
0x98: {  	s1 =	rddreg [dreg:$0x1];
	p0 =	sne.s32 s2, $0x0  }
0x99: {  	s3 =	rddreg [dreg:$0x2];
	[bflag:$0x3] =	sbarrier.arrive $0xFFFF;
	s2 =	simm.s32 @!p0 $0x1C02  }
0x9a: {  	[timem:s3], [sflag:s2] =	dma.local @!p0 [hbm:s0], s1  }
0x9b: {  	s0 =	simm.s32 @!p0 $0x2  }
0x9c: {  	_ =	swait.ge @!p0 [sflag:s0], s1  }
0x9d: {  	s1 =	ssub.s32 @!p0 $0x0, s1;
	[sflag:s0] =	ssyncset.done @!p0 $0x0  }
0x9e: {  	[sflag:s0] =	ssyncadd.s32 @!p0 s1  }
0x9f: {  	[bflag:$0x3] =	sbarrier.arrive $0xFFFF  }
0xa0: {  	_ =	shalt  }

// kernel: kernel.51.cloned.1.call-start
scs
__scs_entry_jumppad:
0x0: {  	(pc) =	sbr.rel $0x88, $3  }
0x1: {  	(tag) =	ssettag $0x0;
	lr =	simm.s32 $0x1  }
0x2: {  	[smem:$0x3F9D] =	sst lr;
	_ =	strace $0xD0000000  }
0x3: {  	_ = 	snop  }
0x4: {  	_ = 	snop  }
0x5: {  	_ = 	snop  }
0x6: {  	_ = 	snop  }
0x7: {  	_ = 	snop  }
__scs_overlays_trampoline_lowered:
0x8: {  	[smem:$0x3FAC] =	sst s0  }
0x9: {  	[smem:$0x3FAD] =	sst s1  }
0xa: {  	[smem:$0x3FAE] =	sst s2  }
0xb: {  	[smem:$0x3FAF] =	sst s3  }
0xc: {  	[smem:$0x3FB0] =	sst s4  }
0xd: {  	[smem:$0x3FB1] =	sst s5  }
0xe: {  	[smem:$0x3FB2] =	sst s6  }
0xf: {  	[smem:$0x3FB3] =	sst s7  }
0x10: {  	[smem:$0x3FB4] =	sst s8  }
0x11: {  	[smem:$0x3FB5] =	sst s9;
	s0 =	simm.s32 @!p0 $0x0  }
0x12: {  	s1 =	sld [smem:$0x3F9B];
	s0 =	simm.s32 @p0 $0x1  }
0x13: {  	[smem:$0x3FB6] =	sst s0;
	s0 =	simm.s32 @!p1 $0x0  }
0x14: {  	s2 =	sld [smem:$0x3F9A];
	s0 =	simm.s32 @p1 $0x1  }
0x15: {  	[smem:$0x3FB7] =	sst s0;
	s0 =	simm.s32 @!p2 $0x0  }
0x16: {  	s3 =	sld [smem:$0x3FDB];
	s0 =	simm.s32 @p2 $0x1  }
0x17: {  	s4 =	simm.s32 $0x1BF5;
	[smem:$0x3FB9] =	sst s0  }
0x18: {  	s0 =	sld [smem:$0x3F9C];
	_ =	swait.ge [sflag:s4], $0x0  }
0x19: {  	s7 =	sld [smem:$0x3F9D]  }
0x1a: {  	s8 =	sadd.s32 $0xFFFFE003, lr  }
0x1b: {  	s9 =	sadd.s32 $0xFFFFFEF7, lr;
	s5 =	simm.s32 $0xFFFFFFFF;
	p2 =	slt.u32 s8, $0xFFFFF086  }
0x1c: {  	p1 =	slt.u32 s9, $0xF7A;
	s5 =	simm.s32 @!p2 $0x0  }
0x1d: {  	s5 =	simm.s32 @p1 $0x1;
	p0 =	seq.s32 s7, s2  }
0x1e: {  	s7 =	smul.u32 @!p0 $0xF7A, s2;
	p2 =	seq.s32 @!p0 s5, $0x0  }
0x1f: {  	s9 =	smul.u32 $0xF7A, s1;
	s8 =	simm.s32 @!p0 $0x1BF5;
	p2 =	por !p2, p0  }
0x20: {  	[sflag:s8] =	ssyncset.s32 @!p0 $0xFFFFF086;
	s6 =	sadd.s32 @!p0 s3, s7;
	s7 =	simm.s32 @!p0 $0x108  }
0x21: {  	s3 =	sadd.s32 s3, s9;
	s6 =	sadd.s32 @!p0 $0x88, s6;
	s7 =	simm.s32 @p2 $0x1082  }
0x22: {  	[simem:s7], [sflag:s8] =	dma.local @!p0 [hbm:s6], $0xF7A  }
0x23: {  	s9 =	sor.u32 $0xD0000000, s2;
	s6 =	simm.s32 $0x108;
	_ =	swait.ge @!p0 [sflag:s8], $0x0  }
0x24: {  	s3 =	sadd.s32 $0x88, s3;
	s6 =	simm.s32 @!p1 $0x1082;
	[sflag:s4] =	ssyncset.s32 $0xFFFFF086  }
0x25: {  	[simem:s6], [sflag:s4] =	dma.local [hbm:s3], $0xF7A  }
0x26: {  	[smem:$0x3F9D] =	sst s1;
	(tag) =	ssettag s2;
	_ =	strace s9  }
0x27: {  	s1 =	sld [smem:$0x3FAD]  }
0x28: {  	s2 =	sld [smem:$0x3FAE]  }
0x29: {  	s4 =	sld [smem:$0x3FB0]  }
0x2a: {  	p0 =	seq.s32 s5, $0x0;
	s5 =	sld [smem:$0x3FB1]  }
0x2b: {  	s6 =	sld [smem:$0x3FB2]  }
0x2c: {  	s7 =	sld [smem:$0x3FB3]  }
0x2d: {  	s3 =	simm.s32 $0x108;
	s8 =	sld [smem:$0x3FB4]  }
0x2e: {  	s3 =	simm.s32 @!p0 $0x1082;
	s9 =	sld [smem:$0x3FB5]  }
0x2f: {  	lr =	sadd.s32 s0, s3;
	s0 =	sld [smem:$0x3FAC]  }
0x30: {  	s3 =	sld [smem:$0x3FAF]  }
0x31: {  	[smem:$0x3FB8] =	sst s10  }
0x32: {  	s10 =	sld [smem:$0x3FB6];
	_ =	sdelay $0x3  }
0x33: {  	p0 =	seq.s32 s10, $0x1;
	s10 =	sld [smem:$0x3FB8];
	_ =	sdelay $0x3  }
0x34: {  	[smem:$0x3FB8] =	sst s10  }
0x35: {  	s10 =	sld [smem:$0x3FB7];
	_ =	sdelay $0x3  }
0x36: {  	p1 =	seq.s32 s10, $0x1;
	s10 =	sld [smem:$0x3FB8];
	_ =	sdelay $0x3  }
0x37: {  	[smem:$0x3FB8] =	sst s10  }
0x38: {  	s10 =	sld [smem:$0x3FB9]  }
0x39: {  	_ = 	snop;
	(pc) =	sbr.ind lr, $3  }
0x3a: {  	_ = 	snop  }
0x3b: {  	_ = 	snop  }
0x3c: {  	p2 =	seq.s32 s10, $0x1;
	s10 =	sld [smem:$0x3FB8]  }
0x3d: {  	_ =	shalt  }
0x3e: {  	_ =	shalt  }
0x3f: {  	_ =	shalt  }
0x40: {  	_ =	shalt  }
0x41: {  	_ =	shalt  }
0x42: {  	_ =	shalt  }
0x43: {  	_ =	shalt  }
0x44: {  	_ =	shalt  }
0x45: {  	_ =	shalt  }
0x46: {  	_ =	shalt  }
0x47: {  	_ =	shalt  }
0x48: {  	_ =	shalt  }
0x49: {  	_ =	shalt  }
0x4a: {  	_ =	shalt  }
0x4b: {  	_ =	shalt  }
0x4c: {  	_ =	shalt  }
0x4d: {  	_ =	shalt  }
0x4e: {  	_ =	shalt  }
0x4f: {  	_ =	shalt  }
0x50: {  	_ =	shalt  }
0x51: {  	_ =	shalt  }
0x52: {  	_ =	shalt  }
0x53: {  	_ =	shalt  }
0x54: {  	_ =	shalt  }
0x55: {  	_ =	shalt  }
0x56: {  	_ =	shalt  }
0x57: {  	_ =	shalt  }
0x58: {  	_ =	shalt  }
0x59: {  	_ =	shalt  }
0x5a: {  	_ =	shalt  }
0x5b: {  	_ =	shalt  }
0x5c: {  	_ =	shalt  }
0x5d: {  	_ =	shalt  }
0x5e: {  	_ =	shalt  }
0x5f: {  	_ =	shalt  }
0x60: {  	_ =	shalt  }
0x61: {  	_ =	shalt  }
0x62: {  	_ =	shalt  }
0x63: {  	_ =	shalt  }
0x64: {  	_ =	shalt  }
0x65: {  	_ =	shalt  }
0x66: {  	_ =	shalt  }
0x67: {  	_ =	shalt  }
0x68: {  	_ =	shalt  }
0x69: {  	_ =	shalt  }
0x6a: {  	_ =	shalt  }
0x6b: {  	_ =	shalt  }
0x6c: {  	_ =	shalt  }
0x6d: {  	_ =	shalt  }
0x6e: {  	_ =	shalt  }
0x6f: {  	_ =	shalt  }
0x70: {  	_ =	shalt  }
0x71: {  	_ =	shalt  }
0x72: {  	_ =	shalt  }
0x73: {  	_ =	shalt  }
0x74: {  	_ =	shalt  }
0x75: {  	_ =	shalt  }
0x76: {  	_ =	shalt  }
0x77: {  	_ =	shalt  }
0x78: {  	_ =	shalt  }
0x79: {  	_ =	shalt  }
0x7a: {  	_ =	shalt  }
0x7b: {  	_ =	shalt  }
0x7c: {  	_ =	shalt  }
0x7d: {  	_ =	shalt  }
0x7e: {  	_ =	shalt  }
0x7f: {  	_ =	shalt  }
0x80: {  	_ =	shalt  }
0x81: {  	_ =	shalt  }
0x82: {  	_ =	shalt  }
0x83: {  	_ =	shalt  }
0x84: {  	_ =	shalt  }
0x85: {  	_ =	shalt  }
0x86: {  	_ =	shalt  }
0x87: {  	_ =	shalt  }
.Lfunc_end0:
.L_simem_size_0:
called_computation.9_lowered:
.L_overlay_start_0:
0x88: {  	s2 =	sld [smem:$0x3FD9]  }
0x89: {  	s3 =	sld [smem:$0x3FFE];
	_ =	sdelay $0x1  }
0x8a: {  	s1 =	srdreg.scid  }
0x8b: {  	s0 =	sand.u32 $0x1, s1  }
0x8c: {  	s17 =	sshll.u32 s0, $0xA;
	s2 =	sadd.s32 s3, s2  }
0x8d: {  	s2 =	sadd.s32 s2, s17  }
0x8e: {  	[smem:$0x3FC4] =	sst s2  }
0x8f: {  	_ = 	snop  }
0x90: {  	s2 =	sld [smem:$0x3FD0];
	(tm) =	ssettm $0x1  }
0x91: {  	s18 =	sld [smem:$0x3FFB];
	_ =	sdelay $0x3  }
0x92: {  	_ =	strace s18  }
0x93: {  	s3 =	sld [smem:$0x3FFC];
	_ =	sdelay $0x3  }
0x94: {  	_ =	strace s3  }
0x95: {  	s3 =	sld [smem:$0x3FFD];
	_ =	sdelay $0x3  }
0x96: {  	_ =	strace s3  }
0x97: {  	_ =	strace $0x8FFFFFFF  }
0x98: {  	s19 =	sld [smem:$0x3FDB];
	_ =	sdelay $0x1  }
0x99: {  	s4 =	simm.s32 $_scs_section_size  }
0x9a: {  	s5 =	simm.s32 $_size__tile_overlayer_lowered;
	s6 =	simm.s32 $_tile_overlayer_lowered  }
0x9b: {  	s22 =	simm.s32 $0x1BFF;
	s21 =	sshll.u32 s6, $0x1;
	s3 =	sadd.s32 s4, s19  }
0x9c: {  	s7 =	simm.s32 $0x0;
	s20 =	sshll.u32 s5, $0x1;
	s5 =	sadd.s32 s21, s3  }
0x9d: {  	[timem:s7], [sflag:s22] =	dma.local [hbm:s5], s20  }
0x9e: {  	_ =	swait.ge [sflag:s22], s20  }
0x9f: {  	s4 =	ssub.s32 $0x0, s20;
	[sflag:s22] =	ssyncset.done $0x0  }
0xa0: {  	[sflag:s22] =	ssyncadd.s32 s4;
	_ =	sdelay $0x1  }
0xa1: {  	s23 =	simm.s32 $0x1B8B  }
0xa2: {  	_ =	swait.ge [sflag:s23], $0x1  }
0xa3: {  	[sflag:s23] =	ssyncset.done $0x0  }
0xa4: {  	s25 =	simm.s32 $0x1B8E;
	s24 =	sld [smem:$0x3FFE];
	[sflag:s23] =	ssyncadd.s32 $0xFFFFFFFF  }
0xa5: {  	s26 =	simm.s32 $execute0_lowered;
	[smem:$0x3FD2] =	sst s25  }
0xa6: {  	s5 =	sshll.u32 s26, $0x1;
	_ =	strace $0x80000061;
	[dreg:$0x1] =	wrdreg $0xFFFFFFFF  }
0xa7: {  	s28 =	simm.s32 $_size_execute0_lowered;
	s3 =	sadd.s32 s3, s5;
	[dreg:$0x0] =	wrdreg $0x0  }
0xa8: {  	s5 =	sshll.u32 s28, $0x1;
	[dreg:$0x2] =	wrdreg s3  }
0xa9: {  	[dreg:$0x3] =	wrdreg s5  }
0xaa: {  	[dreg:$0x4] =	wrdreg $0xC0  }
0xab: {  	_ =	task [dreg:s7], $0x5FFFF  }
0xac: {  	[dreg:$0x1] =	wrdreg $0xFFFFFFFF  }
0xad: {  	[dreg:$0x0] =	wrdreg $0x60  }
0xae: {  	[dreg:$0x2] =	wrdreg s2  }
0xaf: {  	[dreg:$0x3] =	wrdreg s24  }
0xb0: {  	[dreg:$0x4] =	wrdreg $0x81000  }
0xb1: {  	[dreg:$0x5] =	wrdreg $0x9  }
0xb2: {  	_ =	task.clear_ibuf [dreg:s7], $0x6FFFF;
	_ =	strace $0x90000061  }
0xb3: {  	s29 =	simm.s32 $0x9;
	_ =	strace $0x80000063  }
0xb4: {  	_ =	swait.ge [sflag:s29], $0x1  }
0xb5: {  	[sflag:s29] =	ssyncadd.s32 $0xFFFFFFFF  }
0xb6: {  	_ =	strace $0x90000063  }
0xb7: {  	_ =	sfence  }
0xb8: {  	s30 =	sld [smem:$0x0];
	_ =	sdelay $0x2  }
0xb9: {  	s31 =	sshll.u32 s1, $0xD;
	s1 =	sshrl.u32 s1, $0x2  }
0xba: {  	s3 =	sand.u32 $0x4000, s31;
	s1 =	sadd.s32 s1, s30  }
0xbb: {  	s0 =	sor.u32 s3, s0;
	s1 =	sshll.u32 s1, $0x11  }
0xbc: {  	s0 =	sor.u32 s1, s0  }
0xbd: {  	s0 =	sadd.s32 $0x8F2B, s0  }
0xbe: {  	[sflag:s0] =	ssyncadd.remote.s32 $0x1  }
0xbf: {  	_ =	sfence.sel $0xFFFF  }
0xc0: {  	[dreg:$0x0] =	wrdreg $0xFFFFFFFF;
	(pc) =	sbr.abs _section_cstart, $3  }
0xc1: {  	[dreg:$0x1] =	wrdreg $0xFFFFFFFF  }
0xc2: {  	_ =	task.clear_ibuf [dreg:s7], $0x2FFFF;
	_ =	strace $0x9FFFFFFF  }
0xc3: {  	(tm) =	ssettm $0x7FFFFFFF  }
tec
execute0_lowered:
.L_overlay_start_1:
0x0: {  	(tag) =	ssettag $0x1  }
0x1: {  	s1 =	rddreg [dreg:$0x0]  }
0x2: {  	s0 =	srdreg.scid;
	s2 =	rddreg [dreg:$0x1]  }
0x3: {  	s21 =	stileid.u32;
	s3 =	rddreg [dreg:$0x2];
	s4 =	simm.s32 $0x0  }
0x4: {  	s28 =	simm.s32 $0x1;
	s29 =	simm.s32 $0x100;
	s6 =	smul.u32 $0x2780, s21  }
0x5: {  	s30 =	simm.s32 $0x0;
	s7 =	sand.u32 $0x1, s0;
	s8 =	smul.u32 $0x50000, s21  }
0x6: {  	[smem:$0x7FF] =	sst s4;
	s24 =	sadd.s32 $0x25000, s2;
	s18 =	smul.u32 $0x14000, s21  }
0x7: {  	s5 =	smul.u32 $0x27800, s7;
	_ =	strace $0x80000062;
	s22 =	ssub.s32 $0x2, s7  }
0x8: {  	[dreg:$0x4] =	wrdreg s24;
	s19 =	smul.u32 $0x140000, s7;
	s24 =	simm.s32 $0x4100  }
0x9: {  	s9 =	sshrl.u32 s22, $0x1;
	s25 =	sshrl.u32 s8, $0x2;
	s0 =	sadd.s32 s18, s3  }
0xa: {  	s14 =	sadd.s32 $0x4000, s18;
	s16 =	sadd.s32 $0x8000, s18;
	s20 =	sadd.s32 $0xC000, s18  }
0xb: {  	s5 =	sadd.s32 s6, s5;
	s9 =	ssub.s32 s22, s9;
	s6 =	sadd.s32 s25, s3  }
0xc: {  	[dreg:$0x5] =	wrdreg s0;
	s13 =	sadd.s32 s19, s18;
	s15 =	sadd.s32 s19, s14  }
0xd: {  	s14 =	sadd.s32 s14, s3;
	s17 =	sadd.s32 s19, s16;
	s16 =	sadd.s32 s16, s3  }
0xe: {  	s21 =	sadd.s32 s19, s20;
	s22 =	sadd.s32 $0x10000, s18;
	s18 =	sadd.s32 s20, s3  }
0xf: {  	s25 =	simm.s32 $0x2;
	s5 =	sshrl.u32 s5, $0x3;
	s8 =	smax.u32 s9, $0x1  }
0x10: {  	s9 =	sadd.s32 $0x4000, s6;
	s10 =	sadd.s32 $0x8000, s6;
	s11 =	sadd.s32 $0xC000, s6  }
0x11: {  	s12 =	sadd.s32 $0x10000, s6;
	s13 =	sshrl.u32 s13, $0x3;
	s15 =	sshrl.u32 s15, $0x3  }
0x12: {  	s17 =	sshrl.u32 s17, $0x3;
	s26 =	sshrl.u32 s21, $0x3;
	s31 =	sadd.s32 s19, s22  }
0x13: {  	s20 =	sadd.s32 s22, s3;
	s23 =	sadd.s32 s5, s2;
	s2 =	sadd.s32 $0x25800, s2  }
0x14: {  	s21 =	sshrl.u32 s31, $0x3;
	s13 =	sadd.s32 s2, s13;
	s15 =	sadd.s32 s2, s15  }
0x15: {  	s17 =	sadd.s32 s2, s17;
	s19 =	sadd.s32 s2, s26;
	s21 =	sadd.s32 s2, s21  }
0x16: {  	s22 =	sadd.s32 $0x7400, s23;
	s23 =	sadd.s32 $0x1B200, s23;
	s26 =	simm.s32 $0x80  }
.LBB2_1:
0x17: {  	s0 =	rddreg [dreg:$0x4]  }
0x18: {  	[tilespmem:s24], [sflag:$0x2] =	stream.linear.gather [hbm4b:s0+s4], $0x4000, $0x38;
	[tilespmem:$0x1C100] =	vst v63  }
0x19: {  	_ =	swait.ge [sflag:s25], $0x4000  }
0x1a: {  	[sflag:s25] =	ssyncset.done $0x0  }
0x1b: {  	[sflag:s25] =	ssyncadd.s32 $0xFFFFC000  }
0x1c: {  	[spmem:s6] =	stream.linear.scatter [tilespmem:s24], [sflag:$0x2], $0x4000, $0x38;
	[tilespmem:$0x1C100] =	vst v63  }
0x1d: {  	_ =	swait.ge [sflag:s25], $0x4000  }
0x1e: {  	[sflag:s25] =	ssyncset.done $0x0  }
0x1f: {  	[sflag:s25] =	ssyncadd.s32 $0xFFFFC000  }
0x20: {  	[spmem:s9] =	stream.linear.scatter [tilespmem:s24], [sflag:$0x2], $0x4000, $0x38;
	[tilespmem:$0x1C100] =	vst v63  }
0x21: {  	_ =	swait.ge [sflag:s25], $0x4000  }
0x22: {  	[sflag:s25] =	ssyncset.done $0x0  }
0x23: {  	[sflag:s25] =	ssyncadd.s32 $0xFFFFC000  }
0x24: {  	[spmem:s10] =	stream.linear.scatter [tilespmem:s24], [sflag:$0x2], $0x4000, $0x38;
	[tilespmem:$0x1C100] =	vst v63  }
0x25: {  	_ =	swait.ge [sflag:s25], $0x4000  }
0x26: {  	[sflag:s25] =	ssyncset.done $0x0  }
0x27: {  	[sflag:s25] =	ssyncadd.s32 $0xFFFFC000  }
0x28: {  	[spmem:s11] =	stream.linear.scatter [tilespmem:s24], [sflag:$0x2], $0x4000, $0x38;
	[tilespmem:$0x1C100] =	vst v63  }
0x29: {  	_ =	swait.ge [sflag:s25], $0x4000  }
0x2a: {  	[sflag:s25] =	ssyncset.done $0x0  }
0x2b: {  	[sflag:s25] =	ssyncadd.s32 $0xFFFFC000  }
0x2c: {  	[spmem:s12] =	stream.linear.scatter [tilespmem:s24], [sflag:$0x2], $0x4000, $0x38;
	[tilespmem:$0x1C100] =	vst v63  }
0x2d: {  	_ =	swait.ge [sflag:s25], $0x4000  }
0x2e: {  	[sflag:s25] =	ssyncset.done $0x0  }
0x2f: {  	[sflag:s25] =	ssyncadd.s32 $0xFFFFC000  }
0x30: {  	s2 =	sadd.s32 $0x0, s23;
	[bflag:$0x0] =	sbarrier.arrive $0xFFFF  }
0x31: {  	[tilespmem:s4], [sflag:$0x1] =	stream.linear.gather [hbm4b:s2+s4], $0x80, $0x38;
	[tilespmem:$0x1C100] =	vst v63  }
0x32: {  	s7 =	sadd.s32 $0x0, s22  }
0x33: {  	[tilespmem:s26], [sflag:$0x1] =	stream.linear.gather [hbm4b:s7+s4], $0x80, $0x38;
	[tilespmem:$0x1C100] =	vst v63  }
0x34: {  	_ =	swait.ge [sflag:s28], $0x80  }
0x35: {  	[sflag:s28] =	ssyncset.done $0x0  }
0x36: {  	[sflag:s28] =	ssyncadd.s32 $0xFFFFFF80  }
0x37: {  	_ =	swait.ge [sflag:s28], $0x80  }
0x38: {  	[sflag:s28] =	ssyncset.done $0x0  }
0x39: {  	[sflag:s28] =	ssyncadd.s32 $0xFFFFFF80  }
0x3a: {  	[tilespmem:s29], [sflag:$0x1] =	stream.indirect.gather [hbm4b:s1+s26], $0x80, s4, s26, $0xb8;
	[tilespmem:$0x1C100] =	vst v63  }
0x3b: {  	_ =	swait.ge [sflag:s28], $0x4000  }
0x3c: {  	[sflag:s28] =	ssyncset.done $0x0  }
0x3d: {  	[sflag:s28] =	ssyncadd.s32 $0xFFFFC000  }
0x3e: {  	[spmem:s3] =	stream.indirect.scatter.add.f32 [tilespmem:s29], [sflag:$0x2], $0x80, s26, s26, $0xb8;
	[tilespmem:$0x1C100] =	vst v63  }
0x3f: {  	_ =	swait.ge [sflag:s25], $0x4000  }
0x40: {  	s31 =	simm.s32 $0x10;
	s2 =	simm.s32 $0x20;
	[sflag:s25] =	ssyncset.done $0x0  }
.LBB2_2:
0x41: {  	s0 =	sadd.s32 s31, s23  }
0x42: {  	[sflag:s25] =	ssyncadd.s32 $0xFFFFC000;
	s5 =	smov.u32 s2;
	s7 =	sadd.s32 $0x10, s2  }
0x43: {  	[tilespmem:s4], [sflag:$0x1] =	stream.linear.gather [hbm4b:s0+s4], $0x80, $0x38;
	[tilespmem:$0x1C100] =	vst v63  }
0x44: {  	p0 =	sne.s32 s2, $0x4E0;
	s0 =	sadd.s32 s31, s22;
	s31 =	smov.u32 s5  }
0x45: {  	[tilespmem:s26], [sflag:$0x1] =	stream.linear.gather [hbm4b:s0+s4], $0x80, $0x38;
	[tilespmem:$0x1C100] =	vst v63  }
0x46: {  	_ =	swait.ge [sflag:s28], $0x80  }
0x47: {  	[sflag:s28] =	ssyncset.done $0x0  }
0x48: {  	[sflag:s28] =	ssyncadd.s32 $0xFFFFFF80  }
0x49: {  	_ =	swait.ge [sflag:s28], $0x80  }
0x4a: {  	[sflag:s28] =	ssyncset.done $0x0  }
0x4b: {  	[sflag:s28] =	ssyncadd.s32 $0xFFFFFF80  }
0x4c: {  	[tilespmem:s29], [sflag:$0x1] =	stream.indirect.gather [hbm4b:s1+s26], $0x80, s4, s26, $0xb8;
	[tilespmem:$0x1C100] =	vst v63  }
0x4d: {  	_ =	swait.ge [sflag:s28], $0x4000  }
.Ltmp0:
0x4e: {  	[sflag:s28] =	ssyncset.done $0x0;
	(pc) =	sbr.rel @p0 .LBB2_2-.Ltmp0, $4  }
0x4f: {  	[sflag:s28] =	ssyncadd.s32 $0xFFFFC000  }
0x50: {  	[spmem:s3] =	stream.indirect.scatter.add.f32 [tilespmem:s29], [sflag:$0x2], $0x80, s26, s26, $0xb8;
	[tilespmem:$0x1C100] =	vst v63  }
0x51: {  	_ =	swait.ge [sflag:s25], $0x4000  }
0x52: {  	s2 =	smov.u32 s7;
	[sflag:s25] =	ssyncset.done $0x0  }
0x53: {  	s0 =	sadd.s32 s31, s23;
	[sflag:s25] =	ssyncadd.s32 $0xFFFFC000  }
0x54: {  	[tilespmem:s4], [sflag:$0x1] =	stream.linear.gather [hbm4b:s0+s4], $0x80, $0x38;
	[tilespmem:$0x1C100] =	vst v63  }
0x55: {  	s7 =	sadd.s32 s31, s22  }
0x56: {  	[tilespmem:s26], [sflag:$0x1] =	stream.linear.gather [hbm4b:s7+s4], $0x80, $0x38;
	[tilespmem:$0x1C100] =	vst v63  }
0x57: {  	_ =	swait.ge [sflag:s28], $0x80  }
0x58: {  	[sflag:s28] =	ssyncset.done $0x0  }
0x59: {  	[sflag:s28] =	ssyncadd.s32 $0xFFFFFF80  }
0x5a: {  	_ =	swait.ge [sflag:s28], $0x80  }
0x5b: {  	[sflag:s28] =	ssyncset.done $0x0  }
0x5c: {  	[sflag:s28] =	ssyncadd.s32 $0xFFFFFF80  }
0x5d: {  	[tilespmem:s29], [sflag:$0x1] =	stream.indirect.gather [hbm4b:s1+s26], $0x80, s4, s26, $0xb8;
	[tilespmem:$0x1C100] =	vst v63  }
0x5e: {  	_ =	swait.ge [sflag:s28], $0x4000  }
0x5f: {  	[sflag:s28] =	ssyncset.done $0x0  }
0x60: {  	[sflag:s28] =	ssyncadd.s32 $0xFFFFC000  }
0x61: {  	[spmem:s3] =	stream.indirect.scatter.add.f32 [tilespmem:s29], [sflag:$0x2], $0x80, s26, s26, $0xb8;
	[tilespmem:$0x1C100] =	vst v63  }
0x62: {  	_ =	swait.ge [sflag:s25], $0x4000  }
0x63: {  	[sflag:s25] =	ssyncset.done $0x0  }
0x64: {  	[sflag:s25] =	ssyncadd.s32 $0xFFFFC000  }
0x65: {  	[bflag:$0x0] =	sbarrier.arrive $0xFFFF  }
0x66: {  	s31 =	rddreg [dreg:$0x5]  }
0x67: {  	[tilespmem:s24], [sflag:$0x2] =	stream.linear.gather [spmem:s31], $0x4000, $0x38;
	[tilespmem:$0x1C100] =	vst v63  }
0x68: {  	_ =	swait.ge [sflag:s25], $0x4000  }
0x69: {  	[sflag:s25] =	ssyncset.done $0x0  }
0x6a: {  	[sflag:s25] =	ssyncadd.s32 $0xFFFFC000  }
0x6b: {  	[hbm4b:s13+s4] =	stream.linear.scatter [tilespmem:s24], [sflag:$0x2], $0x4000, $0x38;
	[tilespmem:$0x1C100] =	vst v63  }
0x6c: {  	_ =	swait.ge [sflag:s25], $0x4000  }
0x6d: {  	[sflag:s25] =	ssyncset.done $0x0  }
0x6e: {  	[sflag:s25] =	ssyncadd.s32 $0xFFFFC000  }
0x6f: {  	[tilespmem:s24], [sflag:$0x2] =	stream.linear.gather [spmem:s14], $0x4000, $0x38;
	[tilespmem:$0x1C100] =	vst v63  }
0x70: {  	_ =	swait.ge [sflag:s25], $0x4000  }
0x71: {  	[sflag:s25] =	ssyncset.done $0x0  }
0x72: {  	[sflag:s25] =	ssyncadd.s32 $0xFFFFC000  }
0x73: {  	[hbm4b:s15+s4] =	stream.linear.scatter [tilespmem:s24], [sflag:$0x2], $0x4000, $0x38;
	[tilespmem:$0x1C100] =	vst v63  }
0x74: {  	_ =	swait.ge [sflag:s25], $0x4000  }
0x75: {  	[sflag:s25] =	ssyncset.done $0x0  }
0x76: {  	[sflag:s25] =	ssyncadd.s32 $0xFFFFC000  }
0x77: {  	[tilespmem:s24], [sflag:$0x2] =	stream.linear.gather [spmem:s16], $0x4000, $0x38;
	[tilespmem:$0x1C100] =	vst v63  }
0x78: {  	_ =	swait.ge [sflag:s25], $0x4000  }
0x79: {  	[sflag:s25] =	ssyncset.done $0x0  }
0x7a: {  	[sflag:s25] =	ssyncadd.s32 $0xFFFFC000  }
0x7b: {  	[hbm4b:s17+s4] =	stream.linear.scatter [tilespmem:s24], [sflag:$0x2], $0x4000, $0x38;
	[tilespmem:$0x1C100] =	vst v63  }
0x7c: {  	_ =	swait.ge [sflag:s25], $0x4000  }
0x7d: {  	[sflag:s25] =	ssyncset.done $0x0  }
0x7e: {  	[sflag:s25] =	ssyncadd.s32 $0xFFFFC000  }
0x7f: {  	[tilespmem:s24], [sflag:$0x2] =	stream.linear.gather [spmem:s18], $0x4000, $0x38;
	[tilespmem:$0x1C100] =	vst v63  }
0x80: {  	_ =	swait.ge [sflag:s25], $0x4000  }
0x81: {  	[sflag:s25] =	ssyncset.done $0x0  }
0x82: {  	[sflag:s25] =	ssyncadd.s32 $0xFFFFC000  }
0x83: {  	[hbm4b:s19+s4] =	stream.linear.scatter [tilespmem:s24], [sflag:$0x2], $0x4000, $0x38;
	[tilespmem:$0x1C100] =	vst v63  }
0x84: {  	_ =	swait.ge [sflag:s25], $0x4000  }
0x85: {  	[sflag:s25] =	ssyncset.done $0x0  }
0x86: {  	[sflag:s25] =	ssyncadd.s32 $0xFFFFC000  }
0x87: {  	[tilespmem:s24], [sflag:$0x2] =	stream.linear.gather [spmem:s20], $0x4000, $0x38;
	[tilespmem:$0x1C100] =	vst v63  }
0x88: {  	s30 =	sadd.s32 $0x1, s30;
	_ =	swait.ge [sflag:s25], $0x4000  }
0x89: {  	p0 =	sne.s32 s30, s8;
	[sflag:s25] =	ssyncset.done $0x0  }
.Ltmp1:
0x8a: {  	[sflag:s25] =	ssyncadd.s32 $0xFFFFC000;
	(pc) =	sbr.rel @p0 .LBB2_1-.Ltmp1, $4  }
0x8b: {  	[hbm4b:s21+s4] =	stream.linear.scatter [tilespmem:s24], [sflag:$0x2], $0x4000, $0x38;
	[tilespmem:$0x1C100] =	vst v63  }
0x8c: {  	_ =	swait.ge [sflag:s25], $0x4000  }
0x8d: {  	[sflag:s25] =	ssyncset.done $0x0  }
0x8e: {  	[sflag:s25] =	ssyncadd.s32 $0xFFFFC000  }
0x8f: {  	_ =	sfence.sel $0x180000  }
0x90: {  	[bflag:$0x0] =	sbarrier.arrive $0xFFFF  }
0x91: {  	_ =	strace $0x90000062  }
0x92: {  	s0 =	stileid.u32;
	[bflag:$0x2] =	sbarrier.arrive $0xFFFF  }
0x93: {  	p0 =	sne.s32 s0, $0x0;
	s0 =	rddreg [dreg:$0x3]  }
0x94: {  	s0 =	sadd.s32 @!p0 $0x100000, s0  }
0x95: {  	[sflag:s0] =	ssyncadd.tile.s32 @!p0 $0x1;
	_ =	shalt  }
.Lfunc_end2:
_tile_overlayer_lowered:
.L_overlay_start_2:
0x96: {  	(tag) =	ssettag $0x2  }
0x97: {  	s0 =	rddreg [dreg:$0x0];
	s2 =	stileid.u32  }
0x98: {  	s1 =	rddreg [dreg:$0x1];
	p0 =	sne.s32 s2, $0x0  }
0x99: {  	s3 =	rddreg [dreg:$0x2];
	[bflag:$0x3] =	sbarrier.arrive $0xFFFF;
	s2 =	simm.s32 @!p0 $0x1C02  }
0x9a: {  	[timem:s3], [sflag:s2] =	dma.local @!p0 [hbm:s0], s1  }
0x9b: {  	s0 =	simm.s32 @!p0 $0x2  }
0x9c: {  	_ =	swait.ge @!p0 [sflag:s0], s1  }
0x9d: {  	s1 =	ssub.s32 @!p0 $0x0, s1;
	[sflag:s0] =	ssyncset.done @!p0 $0x0  }
0x9e: {  	[sflag:s0] =	ssyncadd.s32 @!p0 s1  }
0x9f: {  	[bflag:$0x3] =	sbarrier.arrive $0xFFFF  }
0xa0: {  	_ =	shalt  }

// kernel: kernel.54.cloned.1.call-start
scs
__scs_entry_jumppad:
0x0: {  	(pc) =	sbr.rel $0x88, $3  }
0x1: {  	(tag) =	ssettag $0x0;
	lr =	simm.s32 $0x1  }
0x2: {  	[smem:$0x3F9D] =	sst lr;
	_ =	strace $0xD0000000  }
0x3: {  	_ = 	snop  }
0x4: {  	_ = 	snop  }
0x5: {  	_ = 	snop  }
0x6: {  	_ = 	snop  }
0x7: {  	_ = 	snop  }
__scs_overlays_trampoline_lowered:
0x8: {  	[smem:$0x3FAC] =	sst s0  }
0x9: {  	[smem:$0x3FAD] =	sst s1  }
0xa: {  	[smem:$0x3FAE] =	sst s2  }
0xb: {  	[smem:$0x3FAF] =	sst s3  }
0xc: {  	[smem:$0x3FB0] =	sst s4  }
0xd: {  	[smem:$0x3FB1] =	sst s5  }
0xe: {  	[smem:$0x3FB2] =	sst s6  }
0xf: {  	[smem:$0x3FB3] =	sst s7  }
0x10: {  	[smem:$0x3FB4] =	sst s8  }
0x11: {  	[smem:$0x3FB5] =	sst s9;
	s0 =	simm.s32 @!p0 $0x0  }
0x12: {  	s1 =	sld [smem:$0x3F9B];
	s0 =	simm.s32 @p0 $0x1  }
0x13: {  	[smem:$0x3FB6] =	sst s0;
	s0 =	simm.s32 @!p1 $0x0  }
0x14: {  	s2 =	sld [smem:$0x3F9A];
	s0 =	simm.s32 @p1 $0x1  }
0x15: {  	[smem:$0x3FB7] =	sst s0;
	s0 =	simm.s32 @!p2 $0x0  }
0x16: {  	s3 =	sld [smem:$0x3FDB];
	s0 =	simm.s32 @p2 $0x1  }
0x17: {  	s4 =	simm.s32 $0x1BF5;
	[smem:$0x3FB9] =	sst s0  }
0x18: {  	s0 =	sld [smem:$0x3F9C];
	_ =	swait.ge [sflag:s4], $0x0  }
0x19: {  	s7 =	sld [smem:$0x3F9D]  }
0x1a: {  	s8 =	sadd.s32 $0xFFFFE003, lr  }
0x1b: {  	s9 =	sadd.s32 $0xFFFFFEF7, lr;
	s5 =	simm.s32 $0xFFFFFFFF;
	p2 =	slt.u32 s8, $0xFFFFF086  }
0x1c: {  	p1 =	slt.u32 s9, $0xF7A;
	s5 =	simm.s32 @!p2 $0x0  }
0x1d: {  	s5 =	simm.s32 @p1 $0x1;
	p0 =	seq.s32 s7, s2  }
0x1e: {  	s7 =	smul.u32 @!p0 $0xF7A, s2;
	p2 =	seq.s32 @!p0 s5, $0x0  }
0x1f: {  	s9 =	smul.u32 $0xF7A, s1;
	s8 =	simm.s32 @!p0 $0x1BF5;
	p2 =	por !p2, p0  }
0x20: {  	[sflag:s8] =	ssyncset.s32 @!p0 $0xFFFFF086;
	s6 =	sadd.s32 @!p0 s3, s7;
	s7 =	simm.s32 @!p0 $0x108  }
0x21: {  	s3 =	sadd.s32 s3, s9;
	s6 =	sadd.s32 @!p0 $0x88, s6;
	s7 =	simm.s32 @p2 $0x1082  }
0x22: {  	[simem:s7], [sflag:s8] =	dma.local @!p0 [hbm:s6], $0xF7A  }
0x23: {  	s9 =	sor.u32 $0xD0000000, s2;
	s6 =	simm.s32 $0x108;
	_ =	swait.ge @!p0 [sflag:s8], $0x0  }
0x24: {  	s3 =	sadd.s32 $0x88, s3;
	s6 =	simm.s32 @!p1 $0x1082;
	[sflag:s4] =	ssyncset.s32 $0xFFFFF086  }
0x25: {  	[simem:s6], [sflag:s4] =	dma.local [hbm:s3], $0xF7A  }
0x26: {  	[smem:$0x3F9D] =	sst s1;
	(tag) =	ssettag s2;
	_ =	strace s9  }
0x27: {  	s1 =	sld [smem:$0x3FAD]  }
0x28: {  	s2 =	sld [smem:$0x3FAE]  }
0x29: {  	s4 =	sld [smem:$0x3FB0]  }
0x2a: {  	p0 =	seq.s32 s5, $0x0;
	s5 =	sld [smem:$0x3FB1]  }
0x2b: {  	s6 =	sld [smem:$0x3FB2]  }
0x2c: {  	s7 =	sld [smem:$0x3FB3]  }
0x2d: {  	s3 =	simm.s32 $0x108;
	s8 =	sld [smem:$0x3FB4]  }
0x2e: {  	s3 =	simm.s32 @!p0 $0x1082;
	s9 =	sld [smem:$0x3FB5]  }
0x2f: {  	lr =	sadd.s32 s0, s3;
	s0 =	sld [smem:$0x3FAC]  }
0x30: {  	s3 =	sld [smem:$0x3FAF]  }
0x31: {  	[smem:$0x3FB8] =	sst s10  }
0x32: {  	s10 =	sld [smem:$0x3FB6];
	_ =	sdelay $0x3  }
0x33: {  	p0 =	seq.s32 s10, $0x1;
	s10 =	sld [smem:$0x3FB8];
	_ =	sdelay $0x3  }
0x34: {  	[smem:$0x3FB8] =	sst s10  }
0x35: {  	s10 =	sld [smem:$0x3FB7];
	_ =	sdelay $0x3  }
0x36: {  	p1 =	seq.s32 s10, $0x1;
	s10 =	sld [smem:$0x3FB8];
	_ =	sdelay $0x3  }
0x37: {  	[smem:$0x3FB8] =	sst s10  }
0x38: {  	s10 =	sld [smem:$0x3FB9]  }
0x39: {  	_ = 	snop;
	(pc) =	sbr.ind lr, $3  }
0x3a: {  	_ = 	snop  }
0x3b: {  	_ = 	snop  }
0x3c: {  	p2 =	seq.s32 s10, $0x1;
	s10 =	sld [smem:$0x3FB8]  }
0x3d: {  	_ =	shalt  }
0x3e: {  	_ =	shalt  }
0x3f: {  	_ =	shalt  }
0x40: {  	_ =	shalt  }
0x41: {  	_ =	shalt  }
0x42: {  	_ =	shalt  }
0x43: {  	_ =	shalt  }
0x44: {  	_ =	shalt  }
0x45: {  	_ =	shalt  }
0x46: {  	_ =	shalt  }
0x47: {  	_ =	shalt  }
0x48: {  	_ =	shalt  }
0x49: {  	_ =	shalt  }
0x4a: {  	_ =	shalt  }
0x4b: {  	_ =	shalt  }
0x4c: {  	_ =	shalt  }
0x4d: {  	_ =	shalt  }
0x4e: {  	_ =	shalt  }
0x4f: {  	_ =	shalt  }
0x50: {  	_ =	shalt  }
0x51: {  	_ =	shalt  }
0x52: {  	_ =	shalt  }
0x53: {  	_ =	shalt  }
0x54: {  	_ =	shalt  }
0x55: {  	_ =	shalt  }
0x56: {  	_ =	shalt  }
0x57: {  	_ =	shalt  }
0x58: {  	_ =	shalt  }
0x59: {  	_ =	shalt  }
0x5a: {  	_ =	shalt  }
0x5b: {  	_ =	shalt  }
0x5c: {  	_ =	shalt  }
0x5d: {  	_ =	shalt  }
0x5e: {  	_ =	shalt  }
0x5f: {  	_ =	shalt  }
0x60: {  	_ =	shalt  }
0x61: {  	_ =	shalt  }
0x62: {  	_ =	shalt  }
0x63: {  	_ =	shalt  }
0x64: {  	_ =	shalt  }
0x65: {  	_ =	shalt  }
0x66: {  	_ =	shalt  }
0x67: {  	_ =	shalt  }
0x68: {  	_ =	shalt  }
0x69: {  	_ =	shalt  }
0x6a: {  	_ =	shalt  }
0x6b: {  	_ =	shalt  }
0x6c: {  	_ =	shalt  }
0x6d: {  	_ =	shalt  }
0x6e: {  	_ =	shalt  }
0x6f: {  	_ =	shalt  }
0x70: {  	_ =	shalt  }
0x71: {  	_ =	shalt  }
0x72: {  	_ =	shalt  }
0x73: {  	_ =	shalt  }
0x74: {  	_ =	shalt  }
0x75: {  	_ =	shalt  }
0x76: {  	_ =	shalt  }
0x77: {  	_ =	shalt  }
0x78: {  	_ =	shalt  }
0x79: {  	_ =	shalt  }
0x7a: {  	_ =	shalt  }
0x7b: {  	_ =	shalt  }
0x7c: {  	_ =	shalt  }
0x7d: {  	_ =	shalt  }
0x7e: {  	_ =	shalt  }
0x7f: {  	_ =	shalt  }
0x80: {  	_ =	shalt  }
0x81: {  	_ =	shalt  }
0x82: {  	_ =	shalt  }
0x83: {  	_ =	shalt  }
0x84: {  	_ =	shalt  }
0x85: {  	_ =	shalt  }
0x86: {  	_ =	shalt  }
0x87: {  	_ =	shalt  }
.Lfunc_end0:
.L_simem_size_0:
called_computation.10_lowered:
.L_overlay_start_0:
0x88: {  	s2 =	sld [smem:$0x3FD9]  }
0x89: {  	s3 =	sld [smem:$0x3FFE];
	_ =	sdelay $0x1  }
0x8a: {  	s1 =	srdreg.scid  }
0x8b: {  	s0 =	sand.u32 $0x1, s1  }
0x8c: {  	s17 =	sshll.u32 s0, $0xA;
	s2 =	sadd.s32 s3, s2  }
0x8d: {  	s2 =	sadd.s32 s2, s17  }
0x8e: {  	[smem:$0x3FC4] =	sst s2  }
0x8f: {  	_ = 	snop  }
0x90: {  	s2 =	sld [smem:$0x3FD0];
	(tm) =	ssettm $0x1  }
0x91: {  	s18 =	sld [smem:$0x3FFB];
	_ =	sdelay $0x3  }
0x92: {  	_ =	strace s18  }
0x93: {  	s3 =	sld [smem:$0x3FFC];
	_ =	sdelay $0x3  }
0x94: {  	_ =	strace s3  }
0x95: {  	s3 =	sld [smem:$0x3FFD];
	_ =	sdelay $0x3  }
0x96: {  	_ =	strace s3  }
0x97: {  	_ =	strace $0x8FFFFFFF  }
0x98: {  	s19 =	sld [smem:$0x3FDB];
	_ =	sdelay $0x1  }
0x99: {  	s4 =	simm.s32 $_scs_section_size  }
0x9a: {  	s5 =	simm.s32 $_size__tile_overlayer_lowered;
	s6 =	simm.s32 $_tile_overlayer_lowered  }
0x9b: {  	s22 =	simm.s32 $0x1BFF;
	s21 =	sshll.u32 s6, $0x1;
	s3 =	sadd.s32 s4, s19  }
0x9c: {  	s7 =	simm.s32 $0x0;
	s20 =	sshll.u32 s5, $0x1;
	s5 =	sadd.s32 s21, s3  }
0x9d: {  	[timem:s7], [sflag:s22] =	dma.local [hbm:s5], s20  }
0x9e: {  	_ =	swait.ge [sflag:s22], s20  }
0x9f: {  	s4 =	ssub.s32 $0x0, s20;
	[sflag:s22] =	ssyncset.done $0x0  }
0xa0: {  	[sflag:s22] =	ssyncadd.s32 s4;
	_ =	sdelay $0x1  }
0xa1: {  	s23 =	simm.s32 $0x1B8B  }
0xa2: {  	_ =	swait.ge [sflag:s23], $0x1  }
0xa3: {  	[sflag:s23] =	ssyncset.done $0x0  }
0xa4: {  	s25 =	simm.s32 $0x1B8E;
	s24 =	sld [smem:$0x3FFE];
	[sflag:s23] =	ssyncadd.s32 $0xFFFFFFFF  }
0xa5: {  	s26 =	simm.s32 $execute0_lowered;
	[smem:$0x3FD2] =	sst s25  }
0xa6: {  	s5 =	sshll.u32 s26, $0x1;
	_ =	strace $0x80000064;
	[dreg:$0x1] =	wrdreg $0xFFFFFFFF  }
0xa7: {  	s28 =	simm.s32 $_size_execute0_lowered;
	s3 =	sadd.s32 s3, s5;
	[dreg:$0x0] =	wrdreg $0x0  }
0xa8: {  	s5 =	sshll.u32 s28, $0x1;
	[dreg:$0x2] =	wrdreg s3  }
0xa9: {  	[dreg:$0x3] =	wrdreg s5  }
0xaa: {  	[dreg:$0x4] =	wrdreg $0xC0  }
0xab: {  	_ =	task [dreg:s7], $0x5FFFF  }
0xac: {  	[dreg:$0x1] =	wrdreg $0xFFFFFFFF  }
0xad: {  	[dreg:$0x0] =	wrdreg $0x60  }
0xae: {  	[dreg:$0x2] =	wrdreg s2  }
0xaf: {  	[dreg:$0x3] =	wrdreg s24  }
0xb0: {  	[dreg:$0x4] =	wrdreg $0x81000  }
0xb1: {  	[dreg:$0x5] =	wrdreg $0x9  }
0xb2: {  	_ =	task.clear_ibuf [dreg:s7], $0x6FFFF;
	_ =	strace $0x90000064  }
0xb3: {  	s29 =	simm.s32 $0x9;
	_ =	strace $0x80000066  }
0xb4: {  	_ =	swait.ge [sflag:s29], $0x1  }
0xb5: {  	[sflag:s29] =	ssyncadd.s32 $0xFFFFFFFF  }
0xb6: {  	_ =	strace $0x90000066  }
0xb7: {  	_ =	sfence  }
0xb8: {  	s30 =	sld [smem:$0x0];
	_ =	sdelay $0x2  }
0xb9: {  	s31 =	sshll.u32 s1, $0xD;
	s1 =	sshrl.u32 s1, $0x2  }
0xba: {  	s3 =	sand.u32 $0x4000, s31;
	s1 =	sadd.s32 s1, s30  }
0xbb: {  	s0 =	sor.u32 s3, s0;
	s1 =	sshll.u32 s1, $0x11  }
0xbc: {  	s0 =	sor.u32 s1, s0  }
0xbd: {  	s0 =	sadd.s32 $0x8F2B, s0  }
0xbe: {  	[sflag:s0] =	ssyncadd.remote.s32 $0x1  }
0xbf: {  	_ =	sfence.sel $0xFFFF  }
0xc0: {  	[dreg:$0x0] =	wrdreg $0xFFFFFFFF;
	(pc) =	sbr.abs _section_cstart, $3  }
0xc1: {  	[dreg:$0x1] =	wrdreg $0xFFFFFFFF  }
0xc2: {  	_ =	task.clear_ibuf [dreg:s7], $0x2FFFF;
	_ =	strace $0x9FFFFFFF  }
0xc3: {  	(tm) =	ssettm $0x7FFFFFFF  }
tec
execute0_lowered:
.L_overlay_start_1:
0x0: {  	(tag) =	ssettag $0x1  }
0x1: {  	s1 =	rddreg [dreg:$0x0]  }
0x2: {  	s0 =	srdreg.scid;
	s2 =	rddreg [dreg:$0x1]  }
0x3: {  	s21 =	stileid.u32;
	s3 =	rddreg [dreg:$0x2];
	s4 =	simm.s32 $0x0  }
0x4: {  	s28 =	simm.s32 $0x1;
	s29 =	simm.s32 $0x100;
	s6 =	smul.u32 $0x2780, s21  }
0x5: {  	s30 =	simm.s32 $0x0;
	s7 =	sand.u32 $0x1, s0;
	s8 =	smul.u32 $0x50000, s21  }
0x6: {  	[smem:$0x7FF] =	sst s4;
	s24 =	sadd.s32 $0x25000, s2;
	s18 =	smul.u32 $0x14000, s21  }
0x7: {  	s5 =	smul.u32 $0x27800, s7;
	_ =	strace $0x80000065;
	s22 =	ssub.s32 $0x2, s7  }
0x8: {  	[dreg:$0x4] =	wrdreg s24;
	s19 =	smul.u32 $0x140000, s7;
	s24 =	simm.s32 $0x4100  }
0x9: {  	s9 =	sshrl.u32 s22, $0x1;
	s25 =	sshrl.u32 s8, $0x2;
	s0 =	sadd.s32 s18, s3  }
0xa: {  	s14 =	sadd.s32 $0x4000, s18;
	s16 =	sadd.s32 $0x8000, s18;
	s20 =	sadd.s32 $0xC000, s18  }
0xb: {  	s5 =	sadd.s32 s6, s5;
	s9 =	ssub.s32 s22, s9;
	s6 =	sadd.s32 s25, s3  }
0xc: {  	[dreg:$0x5] =	wrdreg s0;
	s13 =	sadd.s32 s19, s18;
	s15 =	sadd.s32 s19, s14  }
0xd: {  	s14 =	sadd.s32 s14, s3;
	s17 =	sadd.s32 s19, s16;
	s16 =	sadd.s32 s16, s3  }
0xe: {  	s21 =	sadd.s32 s19, s20;
	s22 =	sadd.s32 $0x10000, s18;
	s18 =	sadd.s32 s20, s3  }
0xf: {  	s25 =	simm.s32 $0x2;
	s5 =	sshrl.u32 s5, $0x3;
	s8 =	smax.u32 s9, $0x1  }
0x10: {  	s9 =	sadd.s32 $0x4000, s6;
	s10 =	sadd.s32 $0x8000, s6;
	s11 =	sadd.s32 $0xC000, s6  }
0x11: {  	s12 =	sadd.s32 $0x10000, s6;
	s13 =	sshrl.u32 s13, $0x3;
	s15 =	sshrl.u32 s15, $0x3  }
0x12: {  	s17 =	sshrl.u32 s17, $0x3;
	s26 =	sshrl.u32 s21, $0x3;
	s31 =	sadd.s32 s19, s22  }
0x13: {  	s20 =	sadd.s32 s22, s3;
	s23 =	sadd.s32 s5, s2;
	s2 =	sadd.s32 $0x25800, s2  }
0x14: {  	s21 =	sshrl.u32 s31, $0x3;
	s13 =	sadd.s32 s2, s13;
	s15 =	sadd.s32 s2, s15  }
0x15: {  	s17 =	sadd.s32 s2, s17;
	s19 =	sadd.s32 s2, s26;
	s21 =	sadd.s32 s2, s21  }
0x16: {  	s22 =	sadd.s32 $0x7400, s23;
	s23 =	sadd.s32 $0x1B200, s23;
	s26 =	simm.s32 $0x80  }
.LBB2_1:
0x17: {  	s0 =	rddreg [dreg:$0x4]  }
0x18: {  	[tilespmem:s24], [sflag:$0x2] =	stream.linear.gather [hbm4b:s0+s4], $0x4000, $0x38;
	[tilespmem:$0x1C100] =	vst v63  }
0x19: {  	_ =	swait.ge [sflag:s25], $0x4000  }
0x1a: {  	[sflag:s25] =	ssyncset.done $0x0  }
0x1b: {  	[sflag:s25] =	ssyncadd.s32 $0xFFFFC000  }
0x1c: {  	[spmem:s6] =	stream.linear.scatter [tilespmem:s24], [sflag:$0x2], $0x4000, $0x38;
	[tilespmem:$0x1C100] =	vst v63  }
0x1d: {  	_ =	swait.ge [sflag:s25], $0x4000  }
0x1e: {  	[sflag:s25] =	ssyncset.done $0x0  }
0x1f: {  	[sflag:s25] =	ssyncadd.s32 $0xFFFFC000  }
0x20: {  	[spmem:s9] =	stream.linear.scatter [tilespmem:s24], [sflag:$0x2], $0x4000, $0x38;
	[tilespmem:$0x1C100] =	vst v63  }
0x21: {  	_ =	swait.ge [sflag:s25], $0x4000  }
0x22: {  	[sflag:s25] =	ssyncset.done $0x0  }
0x23: {  	[sflag:s25] =	ssyncadd.s32 $0xFFFFC000  }
0x24: {  	[spmem:s10] =	stream.linear.scatter [tilespmem:s24], [sflag:$0x2], $0x4000, $0x38;
	[tilespmem:$0x1C100] =	vst v63  }
0x25: {  	_ =	swait.ge [sflag:s25], $0x4000  }
0x26: {  	[sflag:s25] =	ssyncset.done $0x0  }
0x27: {  	[sflag:s25] =	ssyncadd.s32 $0xFFFFC000  }
0x28: {  	[spmem:s11] =	stream.linear.scatter [tilespmem:s24], [sflag:$0x2], $0x4000, $0x38;
	[tilespmem:$0x1C100] =	vst v63  }
0x29: {  	_ =	swait.ge [sflag:s25], $0x4000  }
0x2a: {  	[sflag:s25] =	ssyncset.done $0x0  }
0x2b: {  	[sflag:s25] =	ssyncadd.s32 $0xFFFFC000  }
0x2c: {  	[spmem:s12] =	stream.linear.scatter [tilespmem:s24], [sflag:$0x2], $0x4000, $0x38;
	[tilespmem:$0x1C100] =	vst v63  }
0x2d: {  	_ =	swait.ge [sflag:s25], $0x4000  }
0x2e: {  	[sflag:s25] =	ssyncset.done $0x0  }
0x2f: {  	[sflag:s25] =	ssyncadd.s32 $0xFFFFC000  }
0x30: {  	s2 =	sadd.s32 $0x0, s23;
	[bflag:$0x0] =	sbarrier.arrive $0xFFFF  }
0x31: {  	[tilespmem:s4], [sflag:$0x1] =	stream.linear.gather [hbm4b:s2+s4], $0x80, $0x38;
	[tilespmem:$0x1C100] =	vst v63  }
0x32: {  	s7 =	sadd.s32 $0x0, s22  }
0x33: {  	[tilespmem:s26], [sflag:$0x1] =	stream.linear.gather [hbm4b:s7+s4], $0x80, $0x38;
	[tilespmem:$0x1C100] =	vst v63  }
0x34: {  	_ =	swait.ge [sflag:s28], $0x80  }
0x35: {  	[sflag:s28] =	ssyncset.done $0x0  }
0x36: {  	[sflag:s28] =	ssyncadd.s32 $0xFFFFFF80  }
0x37: {  	_ =	swait.ge [sflag:s28], $0x80  }
0x38: {  	[sflag:s28] =	ssyncset.done $0x0  }
0x39: {  	[sflag:s28] =	ssyncadd.s32 $0xFFFFFF80  }
0x3a: {  	[tilespmem:s29], [sflag:$0x1] =	stream.indirect.gather [hbm4b:s1+s26], $0x80, s4, s26, $0xb8;
	[tilespmem:$0x1C100] =	vst v63  }
0x3b: {  	_ =	swait.ge [sflag:s28], $0x4000  }
0x3c: {  	[sflag:s28] =	ssyncset.done $0x0  }
0x3d: {  	[sflag:s28] =	ssyncadd.s32 $0xFFFFC000  }
0x3e: {  	[spmem:s3] =	stream.indirect.scatter.add.f32 [tilespmem:s29], [sflag:$0x2], $0x80, s26, s26, $0xb8;
	[tilespmem:$0x1C100] =	vst v63  }
0x3f: {  	_ =	swait.ge [sflag:s25], $0x4000  }
0x40: {  	s31 =	simm.s32 $0x10;
	s2 =	simm.s32 $0x20;
	[sflag:s25] =	ssyncset.done $0x0  }
.LBB2_2:
0x41: {  	s0 =	sadd.s32 s31, s23  }
0x42: {  	[sflag:s25] =	ssyncadd.s32 $0xFFFFC000;
	s5 =	smov.u32 s2;
	s7 =	sadd.s32 $0x10, s2  }
0x43: {  	[tilespmem:s4], [sflag:$0x1] =	stream.linear.gather [hbm4b:s0+s4], $0x80, $0x38;
	[tilespmem:$0x1C100] =	vst v63  }
0x44: {  	p0 =	sne.s32 s2, $0x4E0;
	s0 =	sadd.s32 s31, s22;
	s31 =	smov.u32 s5  }
0x45: {  	[tilespmem:s26], [sflag:$0x1] =	stream.linear.gather [hbm4b:s0+s4], $0x80, $0x38;
	[tilespmem:$0x1C100] =	vst v63  }
0x46: {  	_ =	swait.ge [sflag:s28], $0x80  }
0x47: {  	[sflag:s28] =	ssyncset.done $0x0  }
0x48: {  	[sflag:s28] =	ssyncadd.s32 $0xFFFFFF80  }
0x49: {  	_ =	swait.ge [sflag:s28], $0x80  }
0x4a: {  	[sflag:s28] =	ssyncset.done $0x0  }
0x4b: {  	[sflag:s28] =	ssyncadd.s32 $0xFFFFFF80  }
0x4c: {  	[tilespmem:s29], [sflag:$0x1] =	stream.indirect.gather [hbm4b:s1+s26], $0x80, s4, s26, $0xb8;
	[tilespmem:$0x1C100] =	vst v63  }
0x4d: {  	_ =	swait.ge [sflag:s28], $0x4000  }
.Ltmp0:
0x4e: {  	[sflag:s28] =	ssyncset.done $0x0;
	(pc) =	sbr.rel @p0 .LBB2_2-.Ltmp0, $4  }
0x4f: {  	[sflag:s28] =	ssyncadd.s32 $0xFFFFC000  }
0x50: {  	[spmem:s3] =	stream.indirect.scatter.add.f32 [tilespmem:s29], [sflag:$0x2], $0x80, s26, s26, $0xb8;
	[tilespmem:$0x1C100] =	vst v63  }
0x51: {  	_ =	swait.ge [sflag:s25], $0x4000  }
0x52: {  	s2 =	smov.u32 s7;
	[sflag:s25] =	ssyncset.done $0x0  }
0x53: {  	s0 =	sadd.s32 s31, s23;
	[sflag:s25] =	ssyncadd.s32 $0xFFFFC000  }
0x54: {  	[tilespmem:s4], [sflag:$0x1] =	stream.linear.gather [hbm4b:s0+s4], $0x80, $0x38;
	[tilespmem:$0x1C100] =	vst v63  }
0x55: {  	s7 =	sadd.s32 s31, s22  }
0x56: {  	[tilespmem:s26], [sflag:$0x1] =	stream.linear.gather [hbm4b:s7+s4], $0x80, $0x38;
	[tilespmem:$0x1C100] =	vst v63  }
0x57: {  	_ =	swait.ge [sflag:s28], $0x80  }
0x58: {  	[sflag:s28] =	ssyncset.done $0x0  }
0x59: {  	[sflag:s28] =	ssyncadd.s32 $0xFFFFFF80  }
0x5a: {  	_ =	swait.ge [sflag:s28], $0x80  }
0x5b: {  	[sflag:s28] =	ssyncset.done $0x0  }
0x5c: {  	[sflag:s28] =	ssyncadd.s32 $0xFFFFFF80  }
0x5d: {  	[tilespmem:s29], [sflag:$0x1] =	stream.indirect.gather [hbm4b:s1+s26], $0x80, s4, s26, $0xb8;
	[tilespmem:$0x1C100] =	vst v63  }
0x5e: {  	_ =	swait.ge [sflag:s28], $0x4000  }
0x5f: {  	[sflag:s28] =	ssyncset.done $0x0  }
0x60: {  	[sflag:s28] =	ssyncadd.s32 $0xFFFFC000  }
0x61: {  	[spmem:s3] =	stream.indirect.scatter.add.f32 [tilespmem:s29], [sflag:$0x2], $0x80, s26, s26, $0xb8;
	[tilespmem:$0x1C100] =	vst v63  }
0x62: {  	_ =	swait.ge [sflag:s25], $0x4000  }
0x63: {  	[sflag:s25] =	ssyncset.done $0x0  }
0x64: {  	[sflag:s25] =	ssyncadd.s32 $0xFFFFC000  }
0x65: {  	[bflag:$0x0] =	sbarrier.arrive $0xFFFF  }
0x66: {  	s31 =	rddreg [dreg:$0x5]  }
0x67: {  	[tilespmem:s24], [sflag:$0x2] =	stream.linear.gather [spmem:s31], $0x4000, $0x38;
	[tilespmem:$0x1C100] =	vst v63  }
0x68: {  	_ =	swait.ge [sflag:s25], $0x4000  }
0x69: {  	[sflag:s25] =	ssyncset.done $0x0  }
0x6a: {  	[sflag:s25] =	ssyncadd.s32 $0xFFFFC000  }
0x6b: {  	[hbm4b:s13+s4] =	stream.linear.scatter [tilespmem:s24], [sflag:$0x2], $0x4000, $0x38;
	[tilespmem:$0x1C100] =	vst v63  }
0x6c: {  	_ =	swait.ge [sflag:s25], $0x4000  }
0x6d: {  	[sflag:s25] =	ssyncset.done $0x0  }
0x6e: {  	[sflag:s25] =	ssyncadd.s32 $0xFFFFC000  }
0x6f: {  	[tilespmem:s24], [sflag:$0x2] =	stream.linear.gather [spmem:s14], $0x4000, $0x38;
	[tilespmem:$0x1C100] =	vst v63  }
0x70: {  	_ =	swait.ge [sflag:s25], $0x4000  }
0x71: {  	[sflag:s25] =	ssyncset.done $0x0  }
0x72: {  	[sflag:s25] =	ssyncadd.s32 $0xFFFFC000  }
0x73: {  	[hbm4b:s15+s4] =	stream.linear.scatter [tilespmem:s24], [sflag:$0x2], $0x4000, $0x38;
	[tilespmem:$0x1C100] =	vst v63  }
0x74: {  	_ =	swait.ge [sflag:s25], $0x4000  }
0x75: {  	[sflag:s25] =	ssyncset.done $0x0  }
0x76: {  	[sflag:s25] =	ssyncadd.s32 $0xFFFFC000  }
0x77: {  	[tilespmem:s24], [sflag:$0x2] =	stream.linear.gather [spmem:s16], $0x4000, $0x38;
	[tilespmem:$0x1C100] =	vst v63  }
0x78: {  	_ =	swait.ge [sflag:s25], $0x4000  }
0x79: {  	[sflag:s25] =	ssyncset.done $0x0  }
0x7a: {  	[sflag:s25] =	ssyncadd.s32 $0xFFFFC000  }
0x7b: {  	[hbm4b:s17+s4] =	stream.linear.scatter [tilespmem:s24], [sflag:$0x2], $0x4000, $0x38;
	[tilespmem:$0x1C100] =	vst v63  }
0x7c: {  	_ =	swait.ge [sflag:s25], $0x4000  }
0x7d: {  	[sflag:s25] =	ssyncset.done $0x0  }
0x7e: {  	[sflag:s25] =	ssyncadd.s32 $0xFFFFC000  }
0x7f: {  	[tilespmem:s24], [sflag:$0x2] =	stream.linear.gather [spmem:s18], $0x4000, $0x38;
	[tilespmem:$0x1C100] =	vst v63  }
0x80: {  	_ =	swait.ge [sflag:s25], $0x4000  }
0x81: {  	[sflag:s25] =	ssyncset.done $0x0  }
0x82: {  	[sflag:s25] =	ssyncadd.s32 $0xFFFFC000  }
0x83: {  	[hbm4b:s19+s4] =	stream.linear.scatter [tilespmem:s24], [sflag:$0x2], $0x4000, $0x38;
	[tilespmem:$0x1C100] =	vst v63  }
0x84: {  	_ =	swait.ge [sflag:s25], $0x4000  }
0x85: {  	[sflag:s25] =	ssyncset.done $0x0  }
0x86: {  	[sflag:s25] =	ssyncadd.s32 $0xFFFFC000  }
0x87: {  	[tilespmem:s24], [sflag:$0x2] =	stream.linear.gather [spmem:s20], $0x4000, $0x38;
	[tilespmem:$0x1C100] =	vst v63  }
0x88: {  	s30 =	sadd.s32 $0x1, s30;
	_ =	swait.ge [sflag:s25], $0x4000  }
0x89: {  	p0 =	sne.s32 s30, s8;
	[sflag:s25] =	ssyncset.done $0x0  }
.Ltmp1:
0x8a: {  	[sflag:s25] =	ssyncadd.s32 $0xFFFFC000;
	(pc) =	sbr.rel @p0 .LBB2_1-.Ltmp1, $4  }
0x8b: {  	[hbm4b:s21+s4] =	stream.linear.scatter [tilespmem:s24], [sflag:$0x2], $0x4000, $0x38;
	[tilespmem:$0x1C100] =	vst v63  }
0x8c: {  	_ =	swait.ge [sflag:s25], $0x4000  }
0x8d: {  	[sflag:s25] =	ssyncset.done $0x0  }
0x8e: {  	[sflag:s25] =	ssyncadd.s32 $0xFFFFC000  }
0x8f: {  	_ =	sfence.sel $0x180000  }
0x90: {  	[bflag:$0x0] =	sbarrier.arrive $0xFFFF  }
0x91: {  	_ =	strace $0x90000065  }
0x92: {  	s0 =	stileid.u32;
	[bflag:$0x2] =	sbarrier.arrive $0xFFFF  }
0x93: {  	p0 =	sne.s32 s0, $0x0;
	s0 =	rddreg [dreg:$0x3]  }
0x94: {  	s0 =	sadd.s32 @!p0 $0x100000, s0  }
0x95: {  	[sflag:s0] =	ssyncadd.tile.s32 @!p0 $0x1;
	_ =	shalt  }
.Lfunc_end2:
_tile_overlayer_lowered:
.L_overlay_start_2:
0x96: {  	(tag) =	ssettag $0x2  }
0x97: {  	s0 =	rddreg [dreg:$0x0];
	s2 =	stileid.u32  }
0x98: {  	s1 =	rddreg [dreg:$0x1];
	p0 =	sne.s32 s2, $0x0  }
0x99: {  	s3 =	rddreg [dreg:$0x2];
	[bflag:$0x3] =	sbarrier.arrive $0xFFFF;
	s2 =	simm.s32 @!p0 $0x1C02  }
0x9a: {  	[timem:s3], [sflag:s2] =	dma.local @!p0 [hbm:s0], s1  }
0x9b: {  	s0 =	simm.s32 @!p0 $0x2  }
0x9c: {  	_ =	swait.ge @!p0 [sflag:s0], s1  }
0x9d: {  	s1 =	ssub.s32 @!p0 $0x0, s1;
	[sflag:s0] =	ssyncset.done @!p0 $0x0  }
0x9e: {  	[sflag:s0] =	ssyncadd.s32 @!p0 s1  }
0x9f: {  	[bflag:$0x3] =	sbarrier.arrive $0xFFFF  }
0xa0: {  	_ =	shalt  }

</sc_bundles>
